<compile_context>
chip_gen: v7x
topology: tpu7x:2x2x1
jax: 0.10.2.dev20260603
libtpu: 0.0.44.dev20260713+nightly
codegen_flags: <defaults>
</compile_context>

<pallas_src>
import functools

import jax
import jax.numpy as jnp
from jax import lax
from jax.experimental import pallas as pl
from jax.experimental.pallas import tpu as pltpu
from jax.experimental.pallas import tpu_sc as plsc


def _pack_rows(y):
    w = lax.bitcast_convert_type(y, jnp.uint32)
    r = (w + 0x7FFF + ((w >> 16) & 1)) >> 16
    dw = y.shape[1] // 2
    packed = r[:, :dw] | (r[:, dw:] << 16)
    return lax.bitcast_convert_type(packed, jnp.int32)


def _unpack_rows(wi):
    w = lax.bitcast_convert_type(wi, jnp.uint32)
    lo = lax.bitcast_convert_type(w << 16, jnp.float32)
    hi = lax.bitcast_convert_type(w & jnp.uint32(0xFFFF0000), jnp.float32)
    return jnp.concatenate([lo, hi], axis=1)


def _proj_body(xa_ref, xb_ref, w_ref, b_ref, o_ref):
    w = w_ref[...]
    b = b_ref[...]
    ya = jnp.dot(xa_ref[...], w, preferred_element_type=jnp.float32) + b
    yb = jnp.dot(xb_ref[...], w, preferred_element_type=jnp.float32) + b
    o_ref[...] = jnp.concatenate([_pack_rows(ya), _pack_rows(yb)], axis=1)


def _project(x, w, b):
    n, fdim = x.shape
    d = w.shape[1]
    blk = 1000
    nb = n // 2 // blk
    assert (n // 2) % blk == 0
    folded = pl.pallas_call(
        _proj_body,
        grid=(nb,),
        in_specs=[
            pl.BlockSpec((blk, fdim), lambda i: (i, 0)),
            pl.BlockSpec((blk, fdim), lambda i, nb_=nb: (i + nb_, 0)),
            pl.BlockSpec((fdim, d), lambda i: (0, 0)),
            pl.BlockSpec((1, d), lambda i: (0, 0)),
        ],
        out_specs=pl.BlockSpec((blk, d), lambda i: (i, 0)),
        out_shape=jax.ShapeDtypeStruct((n // 2, d), jnp.int32),
    )(x, x, w, b.reshape(1, d))
    return folded.reshape(n, d // 2)


def _cast_body(x_ref, o_ref):
    x = x_ref[...]
    h = x.shape[0] // 2
    o_ref[...] = jnp.concatenate(
        [_pack_rows(x[:h]), _pack_rows(x[h:])], axis=1)


def _pack_table(x):
    n, d = x.shape
    folded = pl.pallas_call(
        _cast_body,
        out_shape=jax.ShapeDtypeStruct((n // 2, d), jnp.int32),
    )(x)
    return folded.reshape(n, d // 2)


def _remap_idx(idx, n):
    h = n // 2
    idx = idx.astype(jnp.int32)
    return jnp.where(idx < h, 2 * idx, 2 * idx - (n - 1))


def _make_sc_gather(Bn, d, s_per, streams):
    info = plsc.get_sparse_core_info()
    NW = info.num_cores * info.num_subcores
    CB = 16
    G = CB * s_per
    GH = G // 2
    rows_w = Bn // NW
    nchunks = rows_w // CB
    assert Bn % (NW * CB) == 0 and nchunks % 2 == 0
    mesh = plsc.VectorSubcoreMesh(core_axis_name="c", subcore_axis_name="s")
    ns = len(streams)

    dw = d // 2
    idx_scratch = [
        pltpu.VMEM((rows_w * (s_per if st["reduce"] else 1),), jnp.int32)
        for st in streams
    ]
    row_scratch = [
        pltpu.VMEM(((G if st["reduce"] else CB), dw), jnp.int32)
        for st in streams
    ] * 2
    acc_scratch = [pltpu.VMEM((CB, dw), jnp.int32)
                   for st in streams if st["reduce"]] * 2
    nred = sum(1 for st in streams if st["reduce"])

    @functools.partial(
        pl.kernel,
        mesh=mesh,
        out_type=[jax.ShapeDtypeStruct((Bn, dw), jnp.int32)] * ns,
        scratch_types=idx_scratch + row_scratch + acc_scratch
        + [pltpu.SemaphoreType.DMA] * 4,
        compiler_params=pltpu.CompilerParams(use_tc_tiling_on_sc=False,
                                             needs_layout_passes=False),
    )
    def sc_gather(*refs):
        tabs = refs[:ns]
        idxs = refs[ns:2 * ns]
        outs = refs[2 * ns:3 * ns]
        k = 3 * ns
        ix = refs[k:k + ns]
        rows = (refs[k + ns:k + 2 * ns], refs[k + 2 * ns:k + 3 * ns])
        k2 = k + 3 * ns
        accs = (refs[k2:k2 + nred], refs[k2 + nred:k2 + 2 * nred])
        sem_g = refs[k2 + 2 * nred:k2 + 2 * nred + 2]
        sem_o = refs[k2 + 2 * nred + 2:k2 + 2 * nred + 4]

        wid = lax.axis_index("s") * info.num_cores + lax.axis_index("c")
        base = wid * rows_w

        for t, st in enumerate(streams):
            rep = s_per if st["reduce"] else 1
            pltpu.sync_copy(idxs[t].at[pl.ds(base * rep, rows_w * rep)],
                            ix[t])
            half = st["half"]

            def remap_grp(g, carry, t=t, half=half, rep=rep):
                sl = pl.ds(g * 16, 16)
                v = ix[t][sl]
                ix[t][sl] = jnp.where(v < half, 2 * v,
                                      2 * v - (2 * half - 1))
                return carry
            lax.fori_loop(0, rows_w * rep // 16, remap_grp, 0)

        def fire_gathers(c, s):
            for t, st in enumerate(streams):
                if st["reduce"]:
                    o = pl.multiple_of(c * G, 8)
                    pltpu.async_copy(
                        tabs[t].at[ix[t].at[pl.ds(o, GH)]],
                        rows[s][t].at[pl.ds(0, GH)], sem_g[s])
                    pltpu.async_copy(
                        tabs[t].at[ix[t].at[pl.ds(o + GH, GH)]],
                        rows[s][t].at[pl.ds(GH, GH)], sem_g[s])
                else:
                    o = pl.multiple_of(c * CB, CB)
                    pltpu.async_copy(tabs[t].at[ix[t].at[pl.ds(o, CB)]],
                                     rows[s][t], sem_g[s])

        def wait_gathers(s):
            for t, st in enumerate(streams):
                if st["reduce"]:
                    pltpu.make_async_copy(tabs[t].at[pl.ds(0, GH)],
                                          rows[s][t].at[pl.ds(0, GH)],
                                          sem_g[s]).wait()
                    pltpu.make_async_copy(tabs[t].at[pl.ds(0, GH)],
                                          rows[s][t].at[pl.ds(GH, GH)],
                                          sem_g[s]).wait()
                else:
                    pltpu.make_async_copy(tabs[t].at[pl.ds(0, CB)],
                                          rows[s][t], sem_g[s]).wait()

        def fire_out(c, s):
            off = pl.multiple_of(base + c * CB, CB)
            r = 0
            for t, st in enumerate(streams):
                src = accs[s][r] if st["reduce"] else rows[s][t]
                if st["reduce"]:
                    r += 1
                pltpu.async_copy(src, outs[t].at[pl.ds(off, CB)], sem_o[s])

        def drain_out(s):
            r = 0
            for t, st in enumerate(streams):
                dst = accs[s][r] if st["reduce"] else rows[s][t]
                if st["reduce"]:
                    r += 1
                pltpu.make_async_copy(outs[t].at[pl.ds(0, CB)], dst,
                                      sem_o[s]).wait()

        def reduce(rows_t, acc_t):
            bf = jnp.bfloat16

            def per_center(i, carry):
                rbase = i * s_per
                for g in range(dw // 16):
                    sl = pl.ds(g * 16, 16)
                    vals = [plsc.bitcast(rows_t[rbase + j, sl], bf)
                            for j in range(s_per)]
                    while len(vals) > 1:
                        nxt = [vals[k] + vals[k + 1]
                               for k in range(0, len(vals) - 1, 2)]
                        if len(vals) % 2:
                            nxt.append(vals[-1])
                        vals = nxt
                    acc_t[i, sl] = plsc.bitcast(vals[0], jnp.int32)
                return carry
            lax.fori_loop(0, CB, per_center, 0)

        def reduce_all(s):
            r = 0
            for t, st in enumerate(streams):
                if st["reduce"]:
                    reduce(rows[s][t], accs[s][r])
                    r += 1

        fire_gathers(0, 0)

        def step(cc, carry):
            for s in (0, 1):
                c = cc * 2 + s
                if s == 0:
                    @pl.when(cc > 0)
                    def _():
                        drain_out(1)
                    fire_gathers(c + 1, 1)
                else:
                    drain_out(0)

                    @pl.when(cc < nchunks // 2 - 1)
                    def _():
                        fire_gathers(c + 1, 0)
                wait_gathers(s)
                reduce_all(s)
                fire_out(c, s)
            return carry

        lax.fori_loop(0, nchunks // 2, step, 0)
        drain_out(1)

    return sc_gather


def _unfold_two(wi):
    m, d = wi.shape
    dw = d // 2
    w = lax.bitcast_convert_type(wi, jnp.uint32)
    lo = lax.bitcast_convert_type(w << 16, jnp.float32)
    hi = lax.bitcast_convert_type(w & jnp.uint32(0xFFFF0000), jnp.float32)
    even = jnp.concatenate([lo[:, :dw], hi[:, :dw]], axis=1)
    odd = jnp.concatenate([lo[:, dw:], hi[:, dw:]], axis=1)
    return even, odd


def _att_combine(center, aggc, aggd, aggg, ws):
    x = jnp.concatenate([center, aggc, aggd, aggg], axis=1)
    s = jnp.dot(x, ws, preferred_element_type=jnp.float32)
    s = jnp.where(s >= 0, s, 0.2 * s)
    m = jnp.max(s, axis=1, keepdims=True)
    e = jnp.exp(s - m)
    a = e / jnp.sum(e, axis=1, keepdims=True)
    return (a[:, 0:1] * center + a[:, 1:2] * aggc
            + a[:, 2:3] * aggd + a[:, 3:4] * aggg)


def _combine_body(s_per, d, center_ref, sc_ref, sd_ref, sg_ref, ws_ref, o_ref):
    inv = 1.0 / s_per
    ctr_e, ctr_o = _unfold_two(center_ref[...])
    c_e, c_o = _unfold_two(sc_ref[...])
    d_e, d_o = _unfold_two(sd_ref[...])
    g_e, g_o = _unfold_two(sg_ref[...])
    ws = ws_ref[...]
    out_e = _att_combine(ctr_e, c_e * inv, d_e * inv, g_e * inv, ws)
    out_o = _att_combine(ctr_o, c_o * inv, d_o * inv, g_o * inv, ws)
    o_ref[...] = jnp.concatenate([out_e, out_o], axis=1)


def _combine(center, sum_c, sum_d, sum_g, att, s_per):
    Bn, dw = center.shape
    d = 2 * dw
    blk = 1024
    assert Bn % (2 * blk) == 0
    a1 = att[:, :d].T
    ws = jnp.zeros((4 * d, 4), jnp.float32)
    for t in range(4):
        ws = ws.at[t * d:(t + 1) * d, t].set(att[t, d:])
    ws = ws.at[:d, :].add(a1)
    fold = lambda x: x.reshape(Bn // 2, d)
    body = functools.partial(_combine_body, s_per, d)
    out = pl.pallas_call(
        body,
        grid=(Bn // (2 * blk),),
        in_specs=[pl.BlockSpec((blk, d), lambda i: (i, 0))] * 4
        + [pl.BlockSpec((4 * d, 4), lambda i: (0, 0))],
        out_specs=pl.BlockSpec((blk, 2 * d), lambda i: (i, 0)),
        out_shape=jax.ShapeDtypeStruct((Bn // 2, 2 * d), jnp.float32),
    )(fold(center), fold(sum_c), fold(sum_d), fold(sum_g), ws)
    return out.reshape(Bn, d)


def kernel(id_batch, neigh_cell, neigh_drug, neigh_gene, drug_features,
           gene_features, cell_table, W_drug, b_drug, W_gene, b_gene, att):
    Bn, s_per = neigh_cell.shape
    d = W_gene.shape[1]
    pcell = _pack_table(cell_table)
    pgene = _project(gene_features, W_gene, b_gene)
    n_gene = gene_features.shape[0]
    n_drug = drug_features.shape[0]
    sc_a = _make_sc_gather(
        Bn, d, s_per,
        [{"reduce": False, "half": n_gene // 2},
         {"reduce": True, "half": cell_table.shape[0] // 2},
         {"reduce": True, "half": n_gene // 2}])
    center, sum_c, sum_g = sc_a(
        pgene, pcell, pgene,
        id_batch.astype(jnp.int32),
        neigh_cell.reshape(-1).astype(jnp.int32),
        neigh_gene.reshape(-1).astype(jnp.int32))
    pdrug = _project(drug_features, W_drug, b_drug)
    sc_b = _make_sc_gather(Bn, d, s_per,
                           [{"reduce": True, "half": n_drug // 2}])
    (sum_d,) = sc_b(pdrug, neigh_drug.reshape(-1).astype(jnp.int32))
    return _combine(center, sum_c, sum_d, sum_g, att, s_per)

# --- scband reference (transcript-rebuilt; emitter-appended) ---
"""Pipeline reference for scband-het-agg-77043123356175 (READ-ONLY COPY).

The authoritative reference and input builder live on the scoring server;
editing this copy changes nothing except your own understanding.
"""

import jax, jax.numpy as jnp
import numpy as np


def setup_inputs(seed: int = 0) -> dict:
    key = jax.random.key(seed)
    ks = jax.random.split(key, 12)
    B = 16384
    num_cells, num_drugs, num_genes = 1000, 50000, 50000
    drug_feat_dim, gene_feat_dim, d = 256, 256, 128
    inp = {}
    inp["id_batch"] = jax.random.randint(ks[0], (B,), 0, num_genes)
    inp["neigh_cell"] = jax.random.randint(ks[1], (B, 10), 0, num_cells)
    inp["neigh_drug"] = jax.random.randint(ks[2], (B, 10), 0, num_drugs)
    inp["neigh_gene"] = jax.random.randint(ks[3], (B, 10), 0, num_genes)
    inp["drug_features"] = jax.random.normal(ks[4], (num_drugs, drug_feat_dim), dtype=jnp.float32)
    inp["gene_features"] = jax.random.normal(ks[5], (num_genes, gene_feat_dim), dtype=jnp.float32)
    # learned parameters
    inp["cell_table"] = jax.random.normal(ks[6], (num_cells, d), dtype=jnp.float32) * 0.02
    inp["W_drug"] = jax.random.normal(ks[7], (drug_feat_dim, d), dtype=jnp.float32) / np.sqrt(drug_feat_dim)
    inp["b_drug"] = jnp.zeros((d,), dtype=jnp.float32)
    inp["W_gene"] = jax.random.normal(ks[8], (gene_feat_dim, d), dtype=jnp.float32) / np.sqrt(gene_feat_dim)
    inp["b_gene"] = jnp.zeros((d,), dtype=jnp.float32)
    inp["att"] = jax.random.normal(ks[9], (4, 2 * d), dtype=jnp.float32) * 0.1
    return inp


def reference(id_batch, neigh_cell, neigh_drug, neigh_gene, drug_features, gene_features,
              cell_table, W_drug, b_drug, W_gene, b_gene, att):
    # conteng_agg: initial center-node features (center nodes are gene-type)
    center = jnp.take(gene_features, id_batch, axis=0) @ W_gene + b_gene  # [B, d]
    B, S = neigh_cell.shape
    # per-type neighbor feature projection (gather-heavy, HetGNN style)
    c_n = jnp.take(cell_table, neigh_cell.reshape(-1), axis=0).reshape(B, S, -1)
    d_raw = jnp.take(drug_features, neigh_drug.reshape(-1), axis=0)
    d_n = (d_raw @ W_drug + b_drug).reshape(B, S, -1)
    g_raw = jnp.take(gene_features, neigh_gene.reshape(-1), axis=0)
    g_n = (g_raw @ W_gene + b_gene).reshape(B, S, -1)
    # aggregate sampled neighbors per node type
    agg_c = c_n.mean(axis=1)
    agg_d = d_n.mean(axis=1)
    agg_g = g_n.mean(axis=1)
    # type-level attention combine (self + 3 neighbor-type aggregates)
    cands = jnp.stack([center, agg_c, agg_d, agg_g], axis=1)          # [B, 4, d]
    center_b = jnp.broadcast_to(center[:, None, :], cands.shape)       # [B, 4, d]
    cat = jnp.concatenate([center_b, cands], axis=-1)                  # [B, 4, 2d]
    scores = jax.nn.leaky_relu(jnp.einsum('btd,td->bt', cat, att), 0.2)
    alpha = jax.nn.softmax(scores, axis=1)
    out = jnp.sum(alpha[..., None] * cands, axis=1)                    # [B, d]
    return out

if __name__ == "__main__":
    import jax
    _d = setup_inputs()
    print(jax.jit(kernel)(*tuple(_d.values())))

</pallas_src>

<mosaic_0001>
#map = affine_map<(d0, d1) -> (0, 0)>
#map1 = affine_map<(d0, d1) -> (0)>
module attributes {stable_mosaic.version = 14 : i64} {
  func.func @sc_gather(%arg0: i32, %arg1: i32, %arg2: memref<50000x64xi32, #tpu.memory_space<hbm>>, %arg3: memref<1000x64xi32, #tpu.memory_space<hbm>>, %arg4: memref<50000x64xi32, #tpu.memory_space<hbm>>, %arg5: memref<16384xi32, #tpu.memory_space<hbm>>, %arg6: memref<163840xi32, #tpu.memory_space<hbm>>, %arg7: memref<163840xi32, #tpu.memory_space<hbm>>, %arg8: memref<16384x64xi32, #tpu.memory_space<hbm>>, %arg9: memref<16384x64xi32, #tpu.memory_space<hbm>>, %arg10: memref<16384x64xi32, #tpu.memory_space<hbm>>, %arg11: memref<512xi32, #tpu.memory_space<vmem>>, %arg12: memref<5120xi32, #tpu.memory_space<vmem>>, %arg13: memref<5120xi32, #tpu.memory_space<vmem>>, %arg14: memref<16x64xi32, #tpu.memory_space<vmem>>, %arg15: memref<160x64xi32, #tpu.memory_space<vmem>>, %arg16: memref<160x64xi32, #tpu.memory_space<vmem>>, %arg17: memref<16x64xi32, #tpu.memory_space<vmem>>, %arg18: memref<160x64xi32, #tpu.memory_space<vmem>>, %arg19: memref<160x64xi32, #tpu.memory_space<vmem>>, %arg20: memref<16x64xi32, #tpu.memory_space<vmem>>, %arg21: memref<16x64xi32, #tpu.memory_space<vmem>>, %arg22: memref<16x64xi32, #tpu.memory_space<vmem>>, %arg23: memref<16x64xi32, #tpu.memory_space<vmem>>, %arg24: memref<!tpu.dma_semaphore, #tpu.memory_space<semaphore_mem>>, %arg25: memref<!tpu.dma_semaphore, #tpu.memory_space<semaphore_mem>>, %arg26: memref<!tpu.dma_semaphore, #tpu.memory_space<semaphore_mem>>, %arg27: memref<!tpu.dma_semaphore, #tpu.memory_space<semaphore_mem>>) attributes {dimension_semantics = [#tpu.dimension_semantics<core_parallel>, #tpu.dimension_semantics<subcore_parallel>], iteration_bounds = array<i64: 2, 16>, scalar_prefetch = 0 : i64, scratch_operands = 17 : i64, tpu.core_type = #tpu.core_type<sc_vector_subcore>, window_params = [{transform_indices = #map}, {transform_indices = #map}, {transform_indices = #map}, {transform_indices = #map1}, {transform_indices = #map1}, {transform_indices = #map1}, {transform_indices = #map}, {transform_indices = #map}, {transform_indices = #map}]} {
    %mul3A = arith.constant 2 : i32
    %mul3A_0 = arith.muli %arg1, %mul3A : i32
    %add3A = arith.addi %mul3A_0, %arg0 : i32
    %mul3A_1 = arith.constant 512 : i32
    %mul3A_2 = arith.muli %add3A, %mul3A_1 : i32
    %mul3A_3 = arith.constant 1 : i32
    %mul3A_4 = arith.muli %mul3A_2, %mul3A_3 : i32
    "tpu.region"() ({
      %run_scoped3A = tpu.sem_alloc : memref<!tpu.dma_semaphore, #tpu.memory_space<semaphore_mem>>
      %dma_start3A_89 = tpu.memref_slice %arg5[%mul3A_4] : memref<16384xi32, #tpu.memory_space<hbm>> -> memref<512xi32, #tpu.memory_space<hbm>>
      %dma_start3A_90 = tpu.memref_slice %arg5[%mul3A_4] : memref<16384xi32, #tpu.memory_space<hbm>> -> memref<512xi32, #tpu.memory_space<hbm>>
      tpu.enqueue_dma source(%dma_start3A_90 : memref<512xi32, #tpu.memory_space<hbm>>) target(%arg11 : memref<512xi32, #tpu.memory_space<vmem>>) target_semaphore(%run_scoped3A : memref<!tpu.dma_semaphore, #tpu.memory_space<semaphore_mem>>)
      %dma_wait3A_91 = tpu.memref_slice %arg5[%mul3A_4] : memref<16384xi32, #tpu.memory_space<hbm>> -> memref<512xi32, #tpu.memory_space<hbm>>
      %dma_wait3A_92 = tpu.memref_slice %arg5[%mul3A_4] : memref<16384xi32, #tpu.memory_space<hbm>> -> memref<512xi32, #tpu.memory_space<hbm>>
      tpu.wait_dma2 semaphore(%run_scoped3A : memref<!tpu.dma_semaphore, #tpu.memory_space<semaphore_mem>>) src(%dma_wait3A_92 : memref<512xi32, #tpu.memory_space<hbm>>) dst(%arg11 : memref<512xi32, #tpu.memory_space<vmem>>)
      tpu.yield
    }) : () -> ()
    %scan3A = arith.constant 0 : i32
    %scan3A_5 = arith.constant 0 : i32
    %scan3A_6 = arith.constant 32 : i32
    %scan3A_7 = arith.addi %scan3A_5, %scan3A_6 : i32
    %scan3A_8 = arith.constant 1 : i32
    scf.for %scan3A_89 = %scan3A_5 to %scan3A_7 step %scan3A_8  : i32 {
      %mul3A_90 = arith.constant 16 : i32
      %mul3A_91 = arith.muli %scan3A_89, %mul3A_90 : i32
      %get3A = arith.index_cast %mul3A_91 : i32 to index
      %get3A_92 = tpu.vector_load %arg11[%get3A] {strides = array<i32>} : memref<512xi32, #tpu.memory_space<vmem>>, vector<16xi32>,
      %lt3A = arith.constant 25000 : i32
      %lt3A_93 = vector.broadcast %lt3A : i32 to vector<16xi32>
      %lt3A_94 = arith.cmpi slt, %get3A_92, %lt3A_93 : vector<16xi32>
      %mul3A_95 = arith.constant 2 : i32
      %mul3A_96 = vector.broadcast %mul3A_95 : i32 to vector<16xi32>
      %mul3A_97 = arith.muli %mul3A_96, %get3A_92 : vector<16xi32>
      %mul3A_98 = arith.constant 2 : i32
      %mul3A_99 = vector.broadcast %mul3A_98 : i32 to vector<16xi32>
      %mul3A_100 = arith.muli %mul3A_99, %get3A_92 : vector<16xi32>
      %sub3A = arith.constant 49999 : i32
      %sub3A_101 = vector.broadcast %sub3A : i32 to vector<16xi32>
      %sub3A_102 = arith.subi %mul3A_100, %sub3A_101 : vector<16xi32>
      %select_n3A = arith.select %lt3A_94, %mul3A_97, %sub3A_102 : vector<16xi1>, vector<16xi32>
      %swap3A = arith.index_cast %mul3A_91 : i32 to index
      %swap3A_103 = tpu.vector_load %arg11[%swap3A] {strides = array<i32>} : memref<512xi32, #tpu.memory_space<vmem>>, vector<16xi32>,
      tpu.vector_store %arg11[%swap3A], %select_n3A {strides = array<i32>} : memref<512xi32, #tpu.memory_space<vmem>>, vector<16xi32>,
    }
    %scan3A_9 = arith.constant 32 : i32
    %mul3A_10 = arith.constant 10 : i32
    %mul3A_11 = arith.muli %mul3A_2, %mul3A_10 : i32
    "tpu.region"() ({
      %run_scoped3A = tpu.sem_alloc : memref<!tpu.dma_semaphore, #tpu.memory_space<semaphore_mem>>
      %dma_start3A_89 = tpu.memref_slice %arg6[%mul3A_11] : memref<163840xi32, #tpu.memory_space<hbm>> -> memref<5120xi32, #tpu.memory_space<hbm>>
      %dma_start3A_90 = tpu.memref_slice %arg6[%mul3A_11] : memref<163840xi32, #tpu.memory_space<hbm>> -> memref<5120xi32, #tpu.memory_space<hbm>>
      tpu.enqueue_dma source(%dma_start3A_90 : memref<5120xi32, #tpu.memory_space<hbm>>) target(%arg12 : memref<5120xi32, #tpu.memory_space<vmem>>) target_semaphore(%run_scoped3A : memref<!tpu.dma_semaphore, #tpu.memory_space<semaphore_mem>>)
      %dma_wait3A_91 = tpu.memref_slice %arg6[%mul3A_11] : memref<163840xi32, #tpu.memory_space<hbm>> -> memref<5120xi32, #tpu.memory_space<hbm>>
      %dma_wait3A_92 = tpu.memref_slice %arg6[%mul3A_11] : memref<163840xi32, #tpu.memory_space<hbm>> -> memref<5120xi32, #tpu.memory_space<hbm>>
      tpu.wait_dma2 semaphore(%run_scoped3A : memref<!tpu.dma_semaphore, #tpu.memory_space<semaphore_mem>>) src(%dma_wait3A_92 : memref<5120xi32, #tpu.memory_space<hbm>>) dst(%arg12 : memref<5120xi32, #tpu.memory_space<vmem>>)
      tpu.yield
    }) : () -> ()
    %scan3A_12 = arith.constant 0 : i32
    %scan3A_13 = arith.constant 0 : i32
    %scan3A_14 = arith.constant 320 : i32
    %scan3A_15 = arith.addi %scan3A_13, %scan3A_14 : i32
    %scan3A_16 = arith.constant 1 : i32
    scf.for %scan3A_89 = %scan3A_13 to %scan3A_15 step %scan3A_16  : i32 {
      %mul3A_90 = arith.constant 16 : i32
      %mul3A_91 = arith.muli %scan3A_89, %mul3A_90 : i32
      %get3A = arith.index_cast %mul3A_91 : i32 to index
      %get3A_92 = tpu.vector_load %arg12[%get3A] {strides = array<i32>} : memref<5120xi32, #tpu.memory_space<vmem>>, vector<16xi32>,
      %lt3A = arith.constant 500 : i32
      %lt3A_93 = vector.broadcast %lt3A : i32 to vector<16xi32>
      %lt3A_94 = arith.cmpi slt, %get3A_92, %lt3A_93 : vector<16xi32>
      %mul3A_95 = arith.constant 2 : i32
      %mul3A_96 = vector.broadcast %mul3A_95 : i32 to vector<16xi32>
      %mul3A_97 = arith.muli %mul3A_96, %get3A_92 : vector<16xi32>
      %mul3A_98 = arith.constant 2 : i32
      %mul3A_99 = vector.broadcast %mul3A_98 : i32 to vector<16xi32>
      %mul3A_100 = arith.muli %mul3A_99, %get3A_92 : vector<16xi32>
      %sub3A = arith.constant 999 : i32
      %sub3A_101 = vector.broadcast %sub3A : i32 to vector<16xi32>
      %sub3A_102 = arith.subi %mul3A_100, %sub3A_101 : vector<16xi32>
      %select_n3A = arith.select %lt3A_94, %mul3A_97, %sub3A_102 : vector<16xi1>, vector<16xi32>
      %swap3A = arith.index_cast %mul3A_91 : i32 to index
      %swap3A_103 = tpu.vector_load %arg12[%swap3A] {strides = array<i32>} : memref<5120xi32, #tpu.memory_space<vmem>>, vector<16xi32>,
      tpu.vector_store %arg12[%swap3A], %select_n3A {strides = array<i32>} : memref<5120xi32, #tpu.memory_space<vmem>>, vector<16xi32>,
    }
    %scan3A_17 = arith.constant 320 : i32
    %mul3A_18 = arith.constant 10 : i32
    %mul3A_19 = arith.muli %mul3A_2, %mul3A_18 : i32
    "tpu.region"() ({
      %run_scoped3A = tpu.sem_alloc : memref<!tpu.dma_semaphore, #tpu.memory_space<semaphore_mem>>
      %dma_start3A_89 = tpu.memref_slice %arg7[%mul3A_19] : memref<163840xi32, #tpu.memory_space<hbm>> -> memref<5120xi32, #tpu.memory_space<hbm>>
      %dma_start3A_90 = tpu.memref_slice %arg7[%mul3A_19] : memref<163840xi32, #tpu.memory_space<hbm>> -> memref<5120xi32, #tpu.memory_space<hbm>>
      tpu.enqueue_dma source(%dma_start3A_90 : memref<5120xi32, #tpu.memory_space<hbm>>) target(%arg13 : memref<5120xi32, #tpu.memory_space<vmem>>) target_semaphore(%run_scoped3A : memref<!tpu.dma_semaphore, #tpu.memory_space<semaphore_mem>>)
      %dma_wait3A_91 = tpu.memref_slice %arg7[%mul3A_19] : memref<163840xi32, #tpu.memory_space<hbm>> -> memref<5120xi32, #tpu.memory_space<hbm>>
      %dma_wait3A_92 = tpu.memref_slice %arg7[%mul3A_19] : memref<163840xi32, #tpu.memory_space<hbm>> -> memref<5120xi32, #tpu.memory_space<hbm>>
      tpu.wait_dma2 semaphore(%run_scoped3A : memref<!tpu.dma_semaphore, #tpu.memory_space<semaphore_mem>>) src(%dma_wait3A_92 : memref<5120xi32, #tpu.memory_space<hbm>>) dst(%arg13 : memref<5120xi32, #tpu.memory_space<vmem>>)
      tpu.yield
    }) : () -> ()
    %scan3A_20 = arith.constant 0 : i32
    %scan3A_21 = arith.constant 0 : i32
    %scan3A_22 = arith.constant 320 : i32
    %scan3A_23 = arith.addi %scan3A_21, %scan3A_22 : i32
    %scan3A_24 = arith.constant 1 : i32
    scf.for %scan3A_89 = %scan3A_21 to %scan3A_23 step %scan3A_24  : i32 {
      %mul3A_90 = arith.constant 16 : i32
      %mul3A_91 = arith.muli %scan3A_89, %mul3A_90 : i32
      %get3A = arith.index_cast %mul3A_91 : i32 to index
      %get3A_92 = tpu.vector_load %arg13[%get3A] {strides = array<i32>} : memref<5120xi32, #tpu.memory_space<vmem>>, vector<16xi32>,
      %lt3A = arith.constant 25000 : i32
      %lt3A_93 = vector.broadcast %lt3A : i32 to vector<16xi32>
      %lt3A_94 = arith.cmpi slt, %get3A_92, %lt3A_93 : vector<16xi32>
      %mul3A_95 = arith.constant 2 : i32
      %mul3A_96 = vector.broadcast %mul3A_95 : i32 to vector<16xi32>
      %mul3A_97 = arith.muli %mul3A_96, %get3A_92 : vector<16xi32>
      %mul3A_98 = arith.constant 2 : i32
      %mul3A_99 = vector.broadcast %mul3A_98 : i32 to vector<16xi32>
      %mul3A_100 = arith.muli %mul3A_99, %get3A_92 : vector<16xi32>
      %sub3A = arith.constant 49999 : i32
      %sub3A_101 = vector.broadcast %sub3A : i32 to vector<16xi32>
      %sub3A_102 = arith.subi %mul3A_100, %sub3A_101 : vector<16xi32>
      %select_n3A = arith.select %lt3A_94, %mul3A_97, %sub3A_102 : vector<16xi1>, vector<16xi32>
      %swap3A = arith.index_cast %mul3A_91 : i32 to index
      %swap3A_103 = tpu.vector_load %arg13[%swap3A] {strides = array<i32>} : memref<5120xi32, #tpu.memory_space<vmem>>, vector<16xi32>,
      tpu.vector_store %arg13[%swap3A], %select_n3A {strides = array<i32>} : memref<5120xi32, #tpu.memory_space<vmem>>, vector<16xi32>,
    }
    %scan3A_25 = arith.constant 320 : i32
    %multiple_of3A = arith.constant 0 : i32
    %multiple_of3A_26 = tpu.assume_multiple %multiple_of3A, 16 : i32
    %dma_start3A = tpu.memref_slice %arg11[%multiple_of3A_26] : memref<512xi32, #tpu.memory_space<vmem>> -> memref<16xi32, #tpu.memory_space<vmem>>
    %dma_start3A_27 = arith.constant 0 : i32
    %dma_start3A_28 = arith.constant 0 : i32
    %dma_start3A_29 = tpu.memref_slice %arg2[%dma_start3A_27, %dma_start3A_28] : memref<50000x64xi32, #tpu.memory_space<hbm>> -> memref<50000x64xi32, #tpu.memory_space<hbm>>
    tpu.enqueue_indirect_dma source(%dma_start3A_29 : memref<50000x64xi32, #tpu.memory_space<hbm>>) target(%arg14 : memref<16x64xi32, #tpu.memory_space<vmem>>) offsets(%dma_start3A : memref<16xi32, #tpu.memory_space<vmem>>) semaphore(%arg24 : memref<!tpu.dma_semaphore, #tpu.memory_space<semaphore_mem>>)
    %multiple_of3A_30 = arith.constant 0 : i32
    %multiple_of3A_31 = tpu.assume_multiple %multiple_of3A_30, 8 : i32
    %dma_start3A_32 = arith.constant 0 : i32
    %dma_start3A_33 = arith.constant 0 : i32
    %dma_start3A_34 = tpu.memref_slice %arg15[%dma_start3A_32, %dma_start3A_33] : memref<160x64xi32, #tpu.memory_space<vmem>> -> memref<80x64xi32, #tpu.memory_space<vmem>>
    %dma_start3A_35 = tpu.memref_slice %arg12[%multiple_of3A_31] : memref<5120xi32, #tpu.memory_space<vmem>> -> memref<80xi32, #tpu.memory_space<vmem>>
    %dma_start3A_36 = arith.constant 0 : i32
    %dma_start3A_37 = arith.constant 0 : i32
    %dma_start3A_38 = tpu.memref_slice %arg3[%dma_start3A_36, %dma_start3A_37] : memref<1000x64xi32, #tpu.memory_space<hbm>> -> memref<1000x64xi32, #tpu.memory_space<hbm>>
    tpu.enqueue_indirect_dma source(%dma_start3A_38 : memref<1000x64xi32, #tpu.memory_space<hbm>>) target(%dma_start3A_34 : memref<80x64xi32, #tpu.memory_space<vmem>>) offsets(%dma_start3A_35 : memref<80xi32, #tpu.memory_space<vmem>>) semaphore(%arg24 : memref<!tpu.dma_semaphore, #tpu.memory_space<semaphore_mem>>)
    %add3A_39 = arith.constant 80 : i32
    %add3A_40 = arith.addi %multiple_of3A_31, %add3A_39 : i32
    %dma_start3A_41 = arith.constant 80 : i32
    %dma_start3A_42 = arith.constant 0 : i32
    %dma_start3A_43 = tpu.memref_slice %arg15[%dma_start3A_41, %dma_start3A_42] : memref<160x64xi32, #tpu.memory_space<vmem>> -> memref<80x64xi32, #tpu.memory_space<vmem>>
    %dma_start3A_44 = tpu.memref_slice %arg12[%add3A_40] : memref<5120xi32, #tpu.memory_space<vmem>> -> memref<80xi32, #tpu.memory_space<vmem>>
    %dma_start3A_45 = arith.constant 0 : i32
    %dma_start3A_46 = arith.constant 0 : i32
    %dma_start3A_47 = tpu.memref_slice %arg3[%dma_start3A_45, %dma_start3A_46] : memref<1000x64xi32, #tpu.memory_space<hbm>> -> memref<1000x64xi32, #tpu.memory_space<hbm>>
    tpu.enqueue_indirect_dma source(%dma_start3A_47 : memref<1000x64xi32, #tpu.memory_space<hbm>>) target(%dma_start3A_43 : memref<80x64xi32, #tpu.memory_space<vmem>>) offsets(%dma_start3A_44 : memref<80xi32, #tpu.memory_space<vmem>>) semaphore(%arg24 : memref<!tpu.dma_semaphore, #tpu.memory_space<semaphore_mem>>)
    %multiple_of3A_48 = arith.constant 0 : i32
    %multiple_of3A_49 = tpu.assume_multiple %multiple_of3A_48, 8 : i32
    %dma_start3A_50 = arith.constant 0 : i32
    %dma_start3A_51 = arith.constant 0 : i32
    %dma_start3A_52 = tpu.memref_slice %arg16[%dma_start3A_50, %dma_start3A_51] : memref<160x64xi32, #tpu.memory_space<vmem>> -> memref<80x64xi32, #tpu.memory_space<vmem>>
    %dma_start3A_53 = tpu.memref_slice %arg13[%multiple_of3A_49] : memref<5120xi32, #tpu.memory_space<vmem>> -> memref<80xi32, #tpu.memory_space<vmem>>
    %dma_start3A_54 = arith.constant 0 : i32
    %dma_start3A_55 = arith.constant 0 : i32
    %dma_start3A_56 = tpu.memref_slice %arg4[%dma_start3A_54, %dma_start3A_55] : memref<50000x64xi32, #tpu.memory_space<hbm>> -> memref<50000x64xi32, #tpu.memory_space<hbm>>
    tpu.enqueue_indirect_dma source(%dma_start3A_56 : memref<50000x64xi32, #tpu.memory_space<hbm>>) target(%dma_start3A_52 : memref<80x64xi32, #tpu.memory_space<vmem>>) offsets(%dma_start3A_53 : memref<80xi32, #tpu.memory_space<vmem>>) semaphore(%arg24 : memref<!tpu.dma_semaphore, #tpu.memory_space<semaphore_mem>>)
    %add3A_57 = arith.constant 80 : i32
    %add3A_58 = arith.addi %multiple_of3A_49, %add3A_57 : i32
    %dma_start3A_59 = arith.constant 80 : i32
    %dma_start3A_60 = arith.constant 0 : i32
    %dma_start3A_61 = tpu.memref_slice %arg16[%dma_start3A_59, %dma_start3A_60] : memref<160x64xi32, #tpu.memory_space<vmem>> -> memref<80x64xi32, #tpu.memory_space<vmem>>
    %dma_start3A_62 = tpu.memref_slice %arg13[%add3A_58] : memref<5120xi32, #tpu.memory_space<vmem>> -> memref<80xi32, #tpu.memory_space<vmem>>
    %dma_start3A_63 = arith.constant 0 : i32
    %dma_start3A_64 = arith.constant 0 : i32
    %dma_start3A_65 = tpu.memref_slice %arg4[%dma_start3A_63, %dma_start3A_64] : memref<50000x64xi32, #tpu.memory_space<hbm>> -> memref<50000x64xi32, #tpu.memory_space<hbm>>
    tpu.enqueue_indirect_dma source(%dma_start3A_65 : memref<50000x64xi32, #tpu.memory_space<hbm>>) target(%dma_start3A_61 : memref<80x64xi32, #tpu.memory_space<vmem>>) offsets(%dma_start3A_62 : memref<80xi32, #tpu.memory_space<vmem>>) semaphore(%arg24 : memref<!tpu.dma_semaphore, #tpu.memory_space<semaphore_mem>>)
    %scan3A_66 = arith.constant 0 : i32
    %scan3A_67 = arith.constant 0 : i32
    %scan3A_68 = arith.constant 16 : i32
    %scan3A_69 = arith.addi %scan3A_67, %scan3A_68 : i32
    %scan3A_70 = arith.constant 1 : i32
    scf.for %scan3A_89 = %scan3A_67 to %scan3A_69 step %scan3A_70  : i32 {
      %mul3A_90 = arith.constant 2 : i32
      %mul3A_91 = arith.muli %scan3A_89, %mul3A_90 : i32
      %add3A_92 = arith.constant 0 : i32
      %add3A_93 = arith.addi %mul3A_91, %add3A_92 : i32
      %gt3A = arith.constant 0 : i32
      %gt3A_94 = arith.cmpi sgt, %scan3A_89, %gt3A : i32
      %convert_element_type3A = arith.extui %gt3A_94 : i1 to i32
      %cond3A = arith.constant 0 : i32
      %cond3A_95 = arith.cmpi ne, %convert_element_type3A, %cond3A : i32
      scf.if %cond3A_95 {
        %dma_wait3A_333 = arith.constant 0 : i32
        %dma_wait3A_334 = arith.constant 0 : i32
        %dma_wait3A_335 = tpu.memref_slice %arg8[%dma_wait3A_333, %dma_wait3A_334] : memref<16384x64xi32, #tpu.memory_space<hbm>> -> memref<16x64xi32, #tpu.memory_space<hbm>>
        %dma_wait3A_336 = arith.constant 0 : i32
        %dma_wait3A_337 = arith.constant 0 : i32
        %dma_wait3A_338 = tpu.memref_slice %arg8[%dma_wait3A_336, %dma_wait3A_337] : memref<16384x64xi32, #tpu.memory_space<hbm>> -> memref<16x64xi32, #tpu.memory_space<hbm>>
        tpu.wait_dma2 semaphore(%arg27 : memref<!tpu.dma_semaphore, #tpu.memory_space<semaphore_mem>>) src(%dma_wait3A_338 : memref<16x64xi32, #tpu.memory_space<hbm>>) dst(%arg17 : memref<16x64xi32, #tpu.memory_space<vmem>>)
        %dma_wait3A_339 = arith.constant 0 : i32
        %dma_wait3A_340 = arith.constant 0 : i32
        %dma_wait3A_341 = tpu.memref_slice %arg9[%dma_wait3A_339, %dma_wait3A_340] : memref<16384x64xi32, #tpu.memory_space<hbm>> -> memref<16x64xi32, #tpu.memory_space<hbm>>
        %dma_wait3A_342 = arith.constant 0 : i32
        %dma_wait3A_343 = arith.constant 0 : i32
        %dma_wait3A_344 = tpu.memref_slice %arg9[%dma_wait3A_342, %dma_wait3A_343] : memref<16384x64xi32, #tpu.memory_space<hbm>> -> memref<16x64xi32, #tpu.memory_space<hbm>>
        tpu.wait_dma2 semaphore(%arg27 : memref<!tpu.dma_semaphore, #tpu.memory_space<semaphore_mem>>) src(%dma_wait3A_344 : memref<16x64xi32, #tpu.memory_space<hbm>>) dst(%arg22 : memref<16x64xi32, #tpu.memory_space<vmem>>)
        %dma_wait3A_345 = arith.constant 0 : i32
        %dma_wait3A_346 = arith.constant 0 : i32
        %dma_wait3A_347 = tpu.memref_slice %arg10[%dma_wait3A_345, %dma_wait3A_346] : memref<16384x64xi32, #tpu.memory_space<hbm>> -> memref<16x64xi32, #tpu.memory_space<hbm>>
        %dma_wait3A_348 = arith.constant 0 : i32
        %dma_wait3A_349 = arith.constant 0 : i32
        %dma_wait3A_350 = tpu.memref_slice %arg10[%dma_wait3A_348, %dma_wait3A_349] : memref<16384x64xi32, #tpu.memory_space<hbm>> -> memref<16x64xi32, #tpu.memory_space<hbm>>
        tpu.wait_dma2 semaphore(%arg27 : memref<!tpu.dma_semaphore, #tpu.memory_space<semaphore_mem>>) src(%dma_wait3A_350 : memref<16x64xi32, #tpu.memory_space<hbm>>) dst(%arg23 : memref<16x64xi32, #tpu.memory_space<vmem>>)
      } else {
      }
      %add3A_96 = arith.constant 1 : i32
      %add3A_97 = arith.addi %add3A_93, %add3A_96 : i32
      %mul3A_98 = arith.constant 16 : i32
      %mul3A_99 = arith.muli %add3A_97, %mul3A_98 : i32
      %multiple_of3A_100 = tpu.assume_multiple %mul3A_99, 16 : i32
      %dma_start3A_101 = tpu.memref_slice %arg11[%multiple_of3A_100] : memref<512xi32, #tpu.memory_space<vmem>> -> memref<16xi32, #tpu.memory_space<vmem>>
      %dma_start3A_102 = arith.constant 0 : i32
      %dma_start3A_103 = arith.constant 0 : i32
      %dma_start3A_104 = tpu.memref_slice %arg2[%dma_start3A_102, %dma_start3A_103] : memref<50000x64xi32, #tpu.memory_space<hbm>> -> memref<50000x64xi32, #tpu.memory_space<hbm>>
      tpu.enqueue_indirect_dma source(%dma_start3A_104 : memref<50000x64xi32, #tpu.memory_space<hbm>>) target(%arg17 : memref<16x64xi32, #tpu.memory_space<vmem>>) offsets(%dma_start3A_101 : memref<16xi32, #tpu.memory_space<vmem>>) semaphore(%arg25 : memref<!tpu.dma_semaphore, #tpu.memory_space<semaphore_mem>>)
      %mul3A_105 = arith.constant 160 : i32
      %mul3A_106 = arith.muli %add3A_97, %mul3A_105 : i32
      %multiple_of3A_107 = tpu.assume_multiple %mul3A_106, 8 : i32
      %dma_start3A_108 = arith.constant 0 : i32
      %dma_start3A_109 = arith.constant 0 : i32
      %dma_start3A_110 = tpu.memref_slice %arg18[%dma_start3A_108, %dma_start3A_109] : memref<160x64xi32, #tpu.memory_space<vmem>> -> memref<80x64xi32, #tpu.memory_space<vmem>>
      %dma_start3A_111 = tpu.memref_slice %arg12[%multiple_of3A_107] : memref<5120xi32, #tpu.memory_space<vmem>> -> memref<80xi32, #tpu.memory_space<vmem>>
      %dma_start3A_112 = arith.constant 0 : i32
      %dma_start3A_113 = arith.constant 0 : i32
      %dma_start3A_114 = tpu.memref_slice %arg3[%dma_start3A_112, %dma_start3A_113] : memref<1000x64xi32, #tpu.memory_space<hbm>> -> memref<1000x64xi32, #tpu.memory_space<hbm>>
      tpu.enqueue_indirect_dma source(%dma_start3A_114 : memref<1000x64xi32, #tpu.memory_space<hbm>>) target(%dma_start3A_110 : memref<80x64xi32, #tpu.memory_space<vmem>>) offsets(%dma_start3A_111 : memref<80xi32, #tpu.memory_space<vmem>>) semaphore(%arg25 : memref<!tpu.dma_semaphore, #tpu.memory_space<semaphore_mem>>)
      %add3A_115 = arith.constant 80 : i32
      %add3A_116 = arith.addi %multiple_of3A_107, %add3A_115 : i32
      %dma_start3A_117 = arith.constant 80 : i32
      %dma_start3A_118 = arith.constant 0 : i32
      %dma_start3A_119 = tpu.memref_slice %arg18[%dma_start3A_117, %dma_start3A_118] : memref<160x64xi32, #tpu.memory_space<vmem>> -> memref<80x64xi32, #tpu.memory_space<vmem>>
      %dma_start3A_120 = tpu.memref_slice %arg12[%add3A_116] : memref<5120xi32, #tpu.memory_space<vmem>> -> memref<80xi32, #tpu.memory_space<vmem>>
      %dma_start3A_121 = arith.constant 0 : i32
      %dma_start3A_122 = arith.constant 0 : i32
      %dma_start3A_123 = tpu.memref_slice %arg3[%dma_start3A_121, %dma_start3A_122] : memref<1000x64xi32, #tpu.memory_space<hbm>> -> memref<1000x64xi32, #tpu.memory_space<hbm>>
      tpu.enqueue_indirect_dma source(%dma_start3A_123 : memref<1000x64xi32, #tpu.memory_space<hbm>>) target(%dma_start3A_119 : memref<80x64xi32, #tpu.memory_space<vmem>>) offsets(%dma_start3A_120 : memref<80xi32, #tpu.memory_space<vmem>>) semaphore(%arg25 : memref<!tpu.dma_semaphore, #tpu.memory_space<semaphore_mem>>)
      %mul3A_124 = arith.constant 160 : i32
      %mul3A_125 = arith.muli %add3A_97, %mul3A_124 : i32
      %multiple_of3A_126 = tpu.assume_multiple %mul3A_125, 8 : i32
      %dma_start3A_127 = arith.constant 0 : i32
      %dma_start3A_128 = arith.constant 0 : i32
      %dma_start3A_129 = tpu.memref_slice %arg19[%dma_start3A_127, %dma_start3A_128] : memref<160x64xi32, #tpu.memory_space<vmem>> -> memref<80x64xi32, #tpu.memory_space<vmem>>
      %dma_start3A_130 = tpu.memref_slice %arg13[%multiple_of3A_126] : memref<5120xi32, #tpu.memory_space<vmem>> -> memref<80xi32, #tpu.memory_space<vmem>>
      %dma_start3A_131 = arith.constant 0 : i32
      %dma_start3A_132 = arith.constant 0 : i32
      %dma_start3A_133 = tpu.memref_slice %arg4[%dma_start3A_131, %dma_start3A_132] : memref<50000x64xi32, #tpu.memory_space<hbm>> -> memref<50000x64xi32, #tpu.memory_space<hbm>>
      tpu.enqueue_indirect_dma source(%dma_start3A_133 : memref<50000x64xi32, #tpu.memory_space<hbm>>) target(%dma_start3A_129 : memref<80x64xi32, #tpu.memory_space<vmem>>) offsets(%dma_start3A_130 : memref<80xi32, #tpu.memory_space<vmem>>) semaphore(%arg25 : memref<!tpu.dma_semaphore, #tpu.memory_space<semaphore_mem>>)
      %add3A_134 = arith.constant 80 : i32
      %add3A_135 = arith.addi %multiple_of3A_126, %add3A_134 : i32
      %dma_start3A_136 = arith.constant 80 : i32
      %dma_start3A_137 = arith.constant 0 : i32
      %dma_start3A_138 = tpu.memref_slice %arg19[%dma_start3A_136, %dma_start3A_137] : memref<160x64xi32, #tpu.memory_space<vmem>> -> memref<80x64xi32, #tpu.memory_space<vmem>>
      %dma_start3A_139 = tpu.memref_slice %arg13[%add3A_135] : memref<5120xi32, #tpu.memory_space<vmem>> -> memref<80xi32, #tpu.memory_space<vmem>>
      %dma_start3A_140 = arith.constant 0 : i32
      %dma_start3A_141 = arith.constant 0 : i32
      %dma_start3A_142 = tpu.memref_slice %arg4[%dma_start3A_140, %dma_start3A_141] : memref<50000x64xi32, #tpu.memory_space<hbm>> -> memref<50000x64xi32, #tpu.memory_space<hbm>>
      tpu.enqueue_indirect_dma source(%dma_start3A_142 : memref<50000x64xi32, #tpu.memory_space<hbm>>) target(%dma_start3A_138 : memref<80x64xi32, #tpu.memory_space<vmem>>) offsets(%dma_start3A_139 : memref<80xi32, #tpu.memory_space<vmem>>) semaphore(%arg25 : memref<!tpu.dma_semaphore, #tpu.memory_space<semaphore_mem>>)
      %dma_wait3A_143 = arith.constant 0 : i32
      %dma_wait3A_144 = arith.constant 0 : i32
      %dma_wait3A_145 = tpu.memref_slice %arg2[%dma_wait3A_143, %dma_wait3A_144] : memref<50000x64xi32, #tpu.memory_space<hbm>> -> memref<16x64xi32, #tpu.memory_space<hbm>>
      %dma_wait3A_146 = arith.constant 0 : i32
      %dma_wait3A_147 = arith.constant 0 : i32
      %dma_wait3A_148 = tpu.memref_slice %arg2[%dma_wait3A_146, %dma_wait3A_147] : memref<50000x64xi32, #tpu.memory_space<hbm>> -> memref<16x64xi32, #tpu.memory_space<hbm>>
      tpu.wait_dma2 semaphore(%arg24 : memref<!tpu.dma_semaphore, #tpu.memory_space<semaphore_mem>>) src(%dma_wait3A_148 : memref<16x64xi32, #tpu.memory_space<hbm>>) dst(%arg14 : memref<16x64xi32, #tpu.memory_space<vmem>>)
      %dma_wait3A_149 = arith.constant 0 : i32
      %dma_wait3A_150 = arith.constant 0 : i32
      %dma_wait3A_151 = tpu.memref_slice %arg15[%dma_wait3A_149, %dma_wait3A_150] : memref<160x64xi32, #tpu.memory_space<vmem>> -> memref<80x64xi32, #tpu.memory_space<vmem>>
      %dma_wait3A_152 = arith.constant 0 : i32
      %dma_wait3A_153 = arith.constant 0 : i32
      %dma_wait3A_154 = tpu.memref_slice %arg3[%dma_wait3A_152, %dma_wait3A_153] : memref<1000x64xi32, #tpu.memory_space<hbm>> -> memref<80x64xi32, #tpu.memory_space<hbm>>
      %dma_wait3A_155 = arith.constant 0 : i32
      %dma_wait3A_156 = arith.constant 0 : i32
      %dma_wait3A_157 = tpu.memref_slice %arg15[%dma_wait3A_155, %dma_wait3A_156] : memref<160x64xi32, #tpu.memory_space<vmem>> -> memref<80x64xi32, #tpu.memory_space<vmem>>
      %dma_wait3A_158 = arith.constant 0 : i32
      %dma_wait3A_159 = arith.constant 0 : i32
      %dma_wait3A_160 = tpu.memref_slice %arg3[%dma_wait3A_158, %dma_wait3A_159] : memref<1000x64xi32, #tpu.memory_space<hbm>> -> memref<80x64xi32, #tpu.memory_space<hbm>>
      tpu.wait_dma2 semaphore(%arg24 : memref<!tpu.dma_semaphore, #tpu.memory_space<semaphore_mem>>) src(%dma_wait3A_160 : memref<80x64xi32, #tpu.memory_space<hbm>>) dst(%dma_wait3A_157 : memref<80x64xi32, #tpu.memory_space<vmem>>)
      %dma_wait3A_161 = arith.constant 80 : i32
      %dma_wait3A_162 = arith.constant 0 : i32
      %dma_wait3A_163 = tpu.memref_slice %arg15[%dma_wait3A_161, %dma_wait3A_162] : memref<160x64xi32, #tpu.memory_space<vmem>> -> memref<80x64xi32, #tpu.memory_space<vmem>>
      %dma_wait3A_164 = arith.constant 0 : i32
      %dma_wait3A_165 = arith.constant 0 : i32
      %dma_wait3A_166 = tpu.memref_slice %arg3[%dma_wait3A_164, %dma_wait3A_165] : memref<1000x64xi32, #tpu.memory_space<hbm>> -> memref<80x64xi32, #tpu.memory_space<hbm>>
      %dma_wait3A_167 = arith.constant 80 : i32
      %dma_wait3A_168 = arith.constant 0 : i32
      %dma_wait3A_169 = tpu.memref_slice %arg15[%dma_wait3A_167, %dma_wait3A_168] : memref<160x64xi32, #tpu.memory_space<vmem>> -> memref<80x64xi32, #tpu.memory_space<vmem>>
      %dma_wait3A_170 = arith.constant 0 : i32
      %dma_wait3A_171 = arith.constant 0 : i32
      %dma_wait3A_172 = tpu.memref_slice %arg3[%dma_wait3A_170, %dma_wait3A_171] : memref<1000x64xi32, #tpu.memory_space<hbm>> -> memref<80x64xi32, #tpu.memory_space<hbm>>
      tpu.wait_dma2 semaphore(%arg24 : memref<!tpu.dma_semaphore, #tpu.memory_space<semaphore_mem>>) src(%dma_wait3A_172 : memref<80x64xi32, #tpu.memory_space<hbm>>) dst(%dma_wait3A_169 : memref<80x64xi32, #tpu.memory_space<vmem>>)
      %dma_wait3A_173 = arith.constant 0 : i32
      %dma_wait3A_174 = arith.constant 0 : i32
      %dma_wait3A_175 = tpu.memref_slice %arg16[%dma_wait3A_173, %dma_wait3A_174] : memref<160x64xi32, #tpu.memory_space<vmem>> -> memref<80x64xi32, #tpu.memory_space<vmem>>
      %dma_wait3A_176 = arith.constant 0 : i32
      %dma_wait3A_177 = arith.constant 0 : i32
      %dma_wait3A_178 = tpu.memref_slice %arg4[%dma_wait3A_176, %dma_wait3A_177] : memref<50000x64xi32, #tpu.memory_space<hbm>> -> memref<80x64xi32, #tpu.memory_space<hbm>>
      %dma_wait3A_179 = arith.constant 0 : i32
      %dma_wait3A_180 = arith.constant 0 : i32
      %dma_wait3A_181 = tpu.memref_slice %arg16[%dma_wait3A_179, %dma_wait3A_180] : memref<160x64xi32, #tpu.memory_space<vmem>> -> memref<80x64xi32, #tpu.memory_space<vmem>>
      %dma_wait3A_182 = arith.constant 0 : i32
      %dma_wait3A_183 = arith.constant 0 : i32
      %dma_wait3A_184 = tpu.memref_slice %arg4[%dma_wait3A_182, %dma_wait3A_183] : memref<50000x64xi32, #tpu.memory_space<hbm>> -> memref<80x64xi32, #tpu.memory_space<hbm>>
      tpu.wait_dma2 semaphore(%arg24 : memref<!tpu.dma_semaphore, #tpu.memory_space<semaphore_mem>>) src(%dma_wait3A_184 : memref<80x64xi32, #tpu.memory_space<hbm>>) dst(%dma_wait3A_181 : memref<80x64xi32, #tpu.memory_space<vmem>>)
      %dma_wait3A_185 = arith.constant 80 : i32
      %dma_wait3A_186 = arith.constant 0 : i32
      %dma_wait3A_187 = tpu.memref_slice %arg16[%dma_wait3A_185, %dma_wait3A_186] : memref<160x64xi32, #tpu.memory_space<vmem>> -> memref<80x64xi32, #tpu.memory_space<vmem>>
      %dma_wait3A_188 = arith.constant 0 : i32
      %dma_wait3A_189 = arith.constant 0 : i32
      %dma_wait3A_190 = tpu.memref_slice %arg4[%dma_wait3A_188, %dma_wait3A_189] : memref<50000x64xi32, #tpu.memory_space<hbm>> -> memref<80x64xi32, #tpu.memory_space<hbm>>
      %dma_wait3A_191 = arith.constant 80 : i32
      %dma_wait3A_192 = arith.constant 0 : i32
      %dma_wait3A_193 = tpu.memref_slice %arg16[%dma_wait3A_191, %dma_wait3A_192] : memref<160x64xi32, #tpu.memory_space<vmem>> -> memref<80x64xi32, #tpu.memory_space<vmem>>
      %dma_wait3A_194 = arith.constant 0 : i32
      %dma_wait3A_195 = arith.constant 0 : i32
      %dma_wait3A_196 = tpu.memref_slice %arg4[%dma_wait3A_194, %dma_wait3A_195] : memref<50000x64xi32, #tpu.memory_space<hbm>> -> memref<80x64xi32, #tpu.memory_space<hbm>>
      tpu.wait_dma2 semaphore(%arg24 : memref<!tpu.dma_semaphore, #tpu.memory_space<semaphore_mem>>) src(%dma_wait3A_196 : memref<80x64xi32, #tpu.memory_space<hbm>>) dst(%dma_wait3A_193 : memref<80x64xi32, #tpu.memory_space<vmem>>)
      %scan3A_197 = arith.constant 0 : i32
      %scan3A_198 = arith.constant 0 : i32
      %scan3A_199 = arith.constant 16 : i32
      %scan3A_200 = arith.addi %scan3A_198, %scan3A_199 : i32
      %scan3A_201 = arith.constant 1 : i32
      scf.for %scan3A_333 = %scan3A_198 to %scan3A_200 step %scan3A_201  : i32 {
        %mul3A_334 = arith.constant 10 : i32
        %mul3A_335 = arith.muli %scan3A_333, %mul3A_334 : i32
        %add3A_336 = arith.constant 0 : i32
        %add3A_337 = arith.addi %mul3A_335, %add3A_336 : i32
        %get3A = arith.index_cast %add3A_337 : i32 to index
        %get3A_338 = arith.constant 0 : index
        %get3A_339 = tpu.vector_load %arg15[%get3A, %get3A_338] {strides = array<i32>} : memref<160x64xi32, #tpu.memory_space<vmem>>, vector<16xi32>,
        %bitcast3A = vector.bitcast %get3A_339 : vector<16xi32> to vector<32xbf16>
        %add3A_340 = arith.constant 1 : i32
        %add3A_341 = arith.addi %mul3A_335, %add3A_340 : i32
        %get3A_342 = arith.index_cast %add3A_341 : i32 to index
        %get3A_343 = arith.constant 0 : index
        %get3A_344 = tpu.vector_load %arg15[%get3A_342, %get3A_343] {strides = array<i32>} : memref<160x64xi32, #tpu.memory_space<vmem>>, vector<16xi32>,
        %bitcast3A_345 = vector.bitcast %get3A_344 : vector<16xi32> to vector<32xbf16>
        %add3A_346 = arith.constant 2 : i32
        %add3A_347 = arith.addi %mul3A_335, %add3A_346 : i32
        %get3A_348 = arith.index_cast %add3A_347 : i32 to index
        %get3A_349 = arith.constant 0 : index
        %get3A_350 = tpu.vector_load %arg15[%get3A_348, %get3A_349] {strides = array<i32>} : memref<160x64xi32, #tpu.memory_space<vmem>>, vector<16xi32>,
        %bitcast3A_351 = vector.bitcast %get3A_350 : vector<16xi32> to vector<32xbf16>
        %add3A_352 = arith.constant 3 : i32
        %add3A_353 = arith.addi %mul3A_335, %add3A_352 : i32
        %get3A_354 = arith.index_cast %add3A_353 : i32 to index
        %get3A_355 = arith.constant 0 : index
        %get3A_356 = tpu.vector_load %arg15[%get3A_354, %get3A_355] {strides = array<i32>} : memref<160x64xi32, #tpu.memory_space<vmem>>, vector<16xi32>,
        %bitcast3A_357 = vector.bitcast %get3A_356 : vector<16xi32> to vector<32xbf16>
        %add3A_358 = arith.constant 4 : i32
        %add3A_359 = arith.addi %mul3A_335, %add3A_358 : i32
        %get3A_360 = arith.index_cast %add3A_359 : i32 to index
        %get3A_361 = arith.constant 0 : index
        %get3A_362 = tpu.vector_load %arg15[%get3A_360, %get3A_361] {strides = array<i32>} : memref<160x64xi32, #tpu.memory_space<vmem>>, vector<16xi32>,
        %bitcast3A_363 = vector.bitcast %get3A_362 : vector<16xi32> to vector<32xbf16>
        %add3A_364 = arith.constant 5 : i32
        %add3A_365 = arith.addi %mul3A_335, %add3A_364 : i32
        %get3A_366 = arith.index_cast %add3A_365 : i32 to index
        %get3A_367 = arith.constant 0 : index
        %get3A_368 = tpu.vector_load %arg15[%get3A_366, %get3A_367] {strides = array<i32>} : memref<160x64xi32, #tpu.memory_space<vmem>>, vector<16xi32>,
        %bitcast3A_369 = vector.bitcast %get3A_368 : vector<16xi32> to vector<32xbf16>
        %add3A_370 = arith.constant 6 : i32
        %add3A_371 = arith.addi %mul3A_335, %add3A_370 : i32
        %get3A_372 = arith.index_cast %add3A_371 : i32 to index
        %get3A_373 = arith.constant 0 : index
        %get3A_374 = tpu.vector_load %arg15[%get3A_372, %get3A_373] {strides = array<i32>} : memref<160x64xi32, #tpu.memory_space<vmem>>, vector<16xi32>,
        %bitcast3A_375 = vector.bitcast %get3A_374 : vector<16xi32> to vector<32xbf16>
        %add3A_376 = arith.constant 7 : i32
        %add3A_377 = arith.addi %mul3A_335, %add3A_376 : i32
        %get3A_378 = arith.index_cast %add3A_377 : i32 to index
        %get3A_379 = arith.constant 0 : index
        %get3A_380 = tpu.vector_load %arg15[%get3A_378, %get3A_379] {strides = array<i32>} : memref<160x64xi32, #tpu.memory_space<vmem>>, vector<16xi32>,
        %bitcast3A_381 = vector.bitcast %get3A_380 : vector<16xi32> to vector<32xbf16>
        %add3A_382 = arith.constant 8 : i32
        %add3A_383 = arith.addi %mul3A_335, %add3A_382 : i32
        %get3A_384 = arith.index_cast %add3A_383 : i32 to index
        %get3A_385 = arith.constant 0 : index
        %get3A_386 = tpu.vector_load %arg15[%get3A_384, %get3A_385] {strides = array<i32>} : memref<160x64xi32, #tpu.memory_space<vmem>>, vector<16xi32>,
        %bitcast3A_387 = vector.bitcast %get3A_386 : vector<16xi32> to vector<32xbf16>
        %add3A_388 = arith.constant 9 : i32
        %add3A_389 = arith.addi %mul3A_335, %add3A_388 : i32
        %get3A_390 = arith.index_cast %add3A_389 : i32 to index
        %get3A_391 = arith.constant 0 : index
        %get3A_392 = tpu.vector_load %arg15[%get3A_390, %get3A_391] {strides = array<i32>} : memref<160x64xi32, #tpu.memory_space<vmem>>, vector<16xi32>,
        %bitcast3A_393 = vector.bitcast %get3A_392 : vector<16xi32> to vector<32xbf16>
        %add3A_394 = arith.addf %bitcast3A, %bitcast3A_345 : vector<32xbf16>
        %add3A_395 = arith.addf %bitcast3A_351, %bitcast3A_357 : vector<32xbf16>
        %add3A_396 = arith.addf %bitcast3A_363, %bitcast3A_369 : vector<32xbf16>
        %add3A_397 = arith.addf %bitcast3A_375, %bitcast3A_381 : vector<32xbf16>
        %add3A_398 = arith.addf %bitcast3A_387, %bitcast3A_393 : vector<32xbf16>
        %add3A_399 = arith.addf %add3A_394, %add3A_395 : vector<32xbf16>
        %add3A_400 = arith.addf %add3A_396, %add3A_397 : vector<32xbf16>
        %add3A_401 = arith.addf %add3A_399, %add3A_400 : vector<32xbf16>
        %add3A_402 = arith.addf %add3A_401, %add3A_398 : vector<32xbf16>
        %bitcast3A_403 = vector.bitcast %add3A_402 : vector<32xbf16> to vector<16xi32>
        %swap3A = arith.index_cast %scan3A_333 : i32 to index
        %swap3A_404 = arith.constant 0 : index
        %swap3A_405 = tpu.vector_load %arg20[%swap3A, %swap3A_404] {strides = array<i32>} : memref<16x64xi32, #tpu.memory_space<vmem>>, vector<16xi32>,
        tpu.vector_store %arg20[%swap3A, %swap3A_404], %bitcast3A_403 {strides = array<i32>} : memref<16x64xi32, #tpu.memory_space<vmem>>, vector<16xi32>,
        %add3A_406 = arith.constant 0 : i32
        %add3A_407 = arith.addi %mul3A_335, %add3A_406 : i32
        %get3A_408 = arith.index_cast %add3A_407 : i32 to index
        %get3A_409 = arith.constant 16 : index
        %get3A_410 = tpu.vector_load %arg15[%get3A_408, %get3A_409] {strides = array<i32>} : memref<160x64xi32, #tpu.memory_space<vmem>>, vector<16xi32>,
        %bitcast3A_411 = vector.bitcast %get3A_410 : vector<16xi32> to vector<32xbf16>
        %add3A_412 = arith.constant 1 : i32
        %add3A_413 = arith.addi %mul3A_335, %add3A_412 : i32
        %get3A_414 = arith.index_cast %add3A_413 : i32 to index
        %get3A_415 = arith.constant 16 : index
        %get3A_416 = tpu.vector_load %arg15[%get3A_414, %get3A_415] {strides = array<i32>} : memref<160x64xi32, #tpu.memory_space<vmem>>, vector<16xi32>,
        %bitcast3A_417 = vector.bitcast %get3A_416 : vector<16xi32> to vector<32xbf16>
        %add3A_418 = arith.constant 2 : i32
        %add3A_419 = arith.addi %mul3A_335, %add3A_418 : i32
        %get3A_420 = arith.index_cast %add3A_419 : i32 to index
        %get3A_421 = arith.constant 16 : index
        %get3A_422 = tpu.vector_load %arg15[%get3A_420, %get3A_421] {strides = array<i32>} : memref<160x64xi32, #tpu.memory_space<vmem>>, vector<16xi32>,
        %bitcast3A_423 = vector.bitcast %get3A_422 : vector<16xi32> to vector<32xbf16>
        %add3A_424 = arith.constant 3 : i32
        %add3A_425 = arith.addi %mul3A_335, %add3A_424 : i32
        %get3A_426 = arith.index_cast %add3A_425 : i32 to index
        %get3A_427 = arith.constant 16 : index
        %get3A_428 = tpu.vector_load %arg15[%get3A_426, %get3A_427] {strides = array<i32>} : memref<160x64xi32, #tpu.memory_space<vmem>>, vector<16xi32>,
        %bitcast3A_429 = vector.bitcast %get3A_428 : vector<16xi32> to vector<32xbf16>
        %add3A_430 = arith.constant 4 : i32
        %add3A_431 = arith.addi %mul3A_335, %add3A_430 : i32
        %get3A_432 = arith.index_cast %add3A_431 : i32 to index
        %get3A_433 = arith.constant 16 : index
        %get3A_434 = tpu.vector_load %arg15[%get3A_432, %get3A_433] {strides = array<i32>} : memref<160x64xi32, #tpu.memory_space<vmem>>, vector<16xi32>,
        %bitcast3A_435 = vector.bitcast %get3A_434 : vector<16xi32> to vector<32xbf16>
        %add3A_436 = arith.constant 5 : i32
        %add3A_437 = arith.addi %mul3A_335, %add3A_436 : i32
        %get3A_438 = arith.index_cast %add3A_437 : i32 to index
        %get3A_439 = arith.constant 16 : index
        %get3A_440 = tpu.vector_load %arg15[%get3A_438, %get3A_439] {strides = array<i32>} : memref<160x64xi32, #tpu.memory_space<vmem>>, vector<16xi32>,
        %bitcast3A_441 = vector.bitcast %get3A_440 : vector<16xi32> to vector<32xbf16>
        %add3A_442 = arith.constant 6 : i32
        %add3A_443 = arith.addi %mul3A_335, %add3A_442 : i32
        %get3A_444 = arith.index_cast %add3A_443 : i32 to index
        %get3A_445 = arith.constant 16 : index
        %get3A_446 = tpu.vector_load %arg15[%get3A_444, %get3A_445] {strides = array<i32>} : memref<160x64xi32, #tpu.memory_space<vmem>>, vector<16xi32>,
        %bitcast3A_447 = vector.bitcast %get3A_446 : vector<16xi32> to vector<32xbf16>
        %add3A_448 = arith.constant 7 : i32
        %add3A_449 = arith.addi %mul3A_335, %add3A_448 : i32
        %get3A_450 = arith.index_cast %add3A_449 : i32 to index
        %get3A_451 = arith.constant 16 : index
        %get3A_452 = tpu.vector_load %arg15[%get3A_450, %get3A_451] {strides = array<i32>} : memref<160x64xi32, #tpu.memory_space<vmem>>, vector<16xi32>,
        %bitcast3A_453 = vector.bitcast %get3A_452 : vector<16xi32> to vector<32xbf16>
        %add3A_454 = arith.constant 8 : i32
        %add3A_455 = arith.addi %mul3A_335, %add3A_454 : i32
        %get3A_456 = arith.index_cast %add3A_455 : i32 to index
        %get3A_457 = arith.constant 16 : index
        %get3A_458 = tpu.vector_load %arg15[%get3A_456, %get3A_457] {strides = array<i32>} : memref<160x64xi32, #tpu.memory_space<vmem>>, vector<16xi32>,
        %bitcast3A_459 = vector.bitcast %get3A_458 : vector<16xi32> to vector<32xbf16>
        %add3A_460 = arith.constant 9 : i32
        %add3A_461 = arith.addi %mul3A_335, %add3A_460 : i32
        %get3A_462 = arith.index_cast %add3A_461 : i32 to index
        %get3A_463 = arith.constant 16 : index
        %get3A_464 = tpu.vector_load %arg15[%get3A_462, %get3A_463] {strides = array<i32>} : memref<160x64xi32, #tpu.memory_space<vmem>>, vector<16xi32>,
        %bitcast3A_465 = vector.bitcast %get3A_464 : vector<16xi32> to vector<32xbf16>
        %add3A_466 = arith.addf %bitcast3A_411, %bitcast3A_417 : vector<32xbf16>
        %add3A_467 = arith.addf %bitcast3A_423, %bitcast3A_429 : vector<32xbf16>
        %add3A_468 = arith.addf %bitcast3A_435, %bitcast3A_441 : vector<32xbf16>
        %add3A_469 = arith.addf %bitcast3A_447, %bitcast3A_453 : vector<32xbf16>
        %add3A_470 = arith.addf %bitcast3A_459, %bitcast3A_465 : vector<32xbf16>
        %add3A_471 = arith.addf %add3A_466, %add3A_467 : vector<32xbf16>
        %add3A_472 = arith.addf %add3A_468, %add3A_469 : vector<32xbf16>
        %add3A_473 = arith.addf %add3A_471, %add3A_472 : vector<32xbf16>
        %add3A_474 = arith.addf %add3A_473, %add3A_470 : vector<32xbf16>
        %bitcast3A_475 = vector.bitcast %add3A_474 : vector<32xbf16> to vector<16xi32>
        %swap3A_476 = arith.index_cast %scan3A_333 : i32 to index
        %swap3A_477 = arith.constant 16 : index
        %swap3A_478 = tpu.vector_load %arg20[%swap3A_476, %swap3A_477] {strides = array<i32>} : memref<16x64xi32, #tpu.memory_space<vmem>>, vector<16xi32>,
        tpu.vector_store %arg20[%swap3A_476, %swap3A_477], %bitcast3A_475 {strides = array<i32>} : memref<16x64xi32, #tpu.memory_space<vmem>>, vector<16xi32>,
        %add3A_479 = arith.constant 0 : i32
        %add3A_480 = arith.addi %mul3A_335, %add3A_479 : i32
        %get3A_481 = arith.index_cast %add3A_480 : i32 to index
        %get3A_482 = arith.constant 32 : index
        %get3A_483 = tpu.vector_load %arg15[%get3A_481, %get3A_482] {strides = array<i32>} : memref<160x64xi32, #tpu.memory_space<vmem>>, vector<16xi32>,
        %bitcast3A_484 = vector.bitcast %get3A_483 : vector<16xi32> to vector<32xbf16>
        %add3A_485 = arith.constant 1 : i32
        %add3A_486 = arith.addi %mul3A_335, %add3A_485 : i32
        %get3A_487 = arith.index_cast %add3A_486 : i32 to index
        %get3A_488 = arith.constant 32 : index
        %get3A_489 = tpu.vector_load %arg15[%get3A_487, %get3A_488] {strides = array<i32>} : memref<160x64xi32, #tpu.memory_space<vmem>>, vector<16xi32>,
        %bitcast3A_490 = vector.bitcast %get3A_489 : vector<16xi32> to vector<32xbf16>
        %add3A_491 = arith.constant 2 : i32
        %add3A_492 = arith.addi %mul3A_335, %add3A_491 : i32
        %get3A_493 = arith.index_cast %add3A_492 : i32 to index
        %get3A_494 = arith.constant 32 : index
        %get3A_495 = tpu.vector_load %arg15[%get3A_493, %get3A_494] {strides = array<i32>} : memref<160x64xi32, #tpu.memory_space<vmem>>, vector<16xi32>,
        %bitcast3A_496 = vector.bitcast %get3A_495 : vector<16xi32> to vector<32xbf16>
        %add3A_497 = arith.constant 3 : i32
        %add3A_498 = arith.addi %mul3A_335, %add3A_497 : i32
        %get3A_499 = arith.index_cast %add3A_498 : i32 to index
        %get3A_500 = arith.constant 32 : index
        %get3A_501 = tpu.vector_load %arg15[%get3A_499, %get3A_500] {strides = array<i32>} : memref<160x64xi32, #tpu.memory_space<vmem>>, vector<16xi32>,
        %bitcast3A_502 = vector.bitcast %get3A_501 : vector<16xi32> to vector<32xbf16>
        %add3A_503 = arith.constant 4 : i32
        %add3A_504 = arith.addi %mul3A_335, %add3A_503 : i32
        %get3A_505 = arith.index_cast %add3A_504 : i32 to index
        %get3A_506 = arith.constant 32 : index
        %get3A_507 = tpu.vector_load %arg15[%get3A_505, %get3A_506] {strides = array<i32>} : memref<160x64xi32, #tpu.memory_space<vmem>>, vector<16xi32>,
        %bitcast3A_508 = vector.bitcast %get3A_507 : vector<16xi32> to vector<32xbf16>
        %add3A_509 = arith.constant 5 : i32
        %add3A_510 = arith.addi %mul3A_335, %add3A_509 : i32
        %get3A_511 = arith.index_cast %add3A_510 : i32 to index
        %get3A_512 = arith.constant 32 : index
        %get3A_513 = tpu.vector_load %arg15[%get3A_511, %get3A_512] {strides = array<i32>} : memref<160x64xi32, #tpu.memory_space<vmem>>, vector<16xi32>,
        %bitcast3A_514 = vector.bitcast %get3A_513 : vector<16xi32> to vector<32xbf16>
        %add3A_515 = arith.constant 6 : i32
        %add3A_516 = arith.addi %mul3A_335, %add3A_515 : i32
        %get3A_517 = arith.index_cast %add3A_516 : i32 to index
        %get3A_518 = arith.constant 32 : index
        %get3A_519 = tpu.vector_load %arg15[%get3A_517, %get3A_518] {strides = array<i32>} : memref<160x64xi32, #tpu.memory_space<vmem>>, vector<16xi32>,
        %bitcast3A_520 = vector.bitcast %get3A_519 : vector<16xi32> to vector<32xbf16>
        %add3A_521 = arith.constant 7 : i32
        %add3A_522 = arith.addi %mul3A_335, %add3A_521 : i32
        %get3A_523 = arith.index_cast %add3A_522 : i32 to index
        %get3A_524 = arith.constant 32 : index
        %get3A_525 = tpu.vector_load %arg15[%get3A_523, %get3A_524] {strides = array<i32>} : memref<160x64xi32, #tpu.memory_space<vmem>>, vector<16xi32>,
        %bitcast3A_526 = vector.bitcast %get3A_525 : vector<16xi32> to vector<32xbf16>
        %add3A_527 = arith.constant 8 : i32
        %add3A_528 = arith.addi %mul3A_335, %add3A_527 : i32
        %get3A_529 = arith.index_cast %add3A_528 : i32 to index
        %get3A_530 = arith.constant 32 : index
        %get3A_531 = tpu.vector_load %arg15[%get3A_529, %get3A_530] {strides = array<i32>} : memref<160x64xi32, #tpu.memory_space<vmem>>, vector<16xi32>,
        %bitcast3A_532 = vector.bitcast %get3A_531 : vector<16xi32> to vector<32xbf16>
        %add3A_533 = arith.constant 9 : i32
        %add3A_534 = arith.addi %mul3A_335, %add3A_533 : i32
        %get3A_535 = arith.index_cast %add3A_534 : i32 to index
        %get3A_536 = arith.constant 32 : index
        %get3A_537 = tpu.vector_load %arg15[%get3A_535, %get3A_536] {strides = array<i32>} : memref<160x64xi32, #tpu.memory_space<vmem>>, vector<16xi32>,
        %bitcast3A_538 = vector.bitcast %get3A_537 : vector<16xi32> to vector<32xbf16>
        %add3A_539 = arith.addf %bitcast3A_484, %bitcast3A_490 : vector<32xbf16>
        %add3A_540 = arith.addf %bitcast3A_496, %bitcast3A_502 : vector<32xbf16>
        %add3A_541 = arith.addf %bitcast3A_508, %bitcast3A_514 : vector<32xbf16>
        %add3A_542 = arith.addf %bitcast3A_520, %bitcast3A_526 : vector<32xbf16>
        %add3A_543 = arith.addf %bitcast3A_532, %bitcast3A_538 : vector<32xbf16>
        %add3A_544 = arith.addf %add3A_539, %add3A_540 : vector<32xbf16>
        %add3A_545 = arith.addf %add3A_541, %add3A_542 : vector<32xbf16>
        %add3A_546 = arith.addf %add3A_544, %add3A_545 : vector<32xbf16>
        %add3A_547 = arith.addf %add3A_546, %add3A_543 : vector<32xbf16>
        %bitcast3A_548 = vector.bitcast %add3A_547 : vector<32xbf16> to vector<16xi32>
        %swap3A_549 = arith.index_cast %scan3A_333 : i32 to index
        %swap3A_550 = arith.constant 32 : index
        %swap3A_551 = tpu.vector_load %arg20[%swap3A_549, %swap3A_550] {strides = array<i32>} : memref<16x64xi32, #tpu.memory_space<vmem>>, vector<16xi32>,
        tpu.vector_store %arg20[%swap3A_549, %swap3A_550], %bitcast3A_548 {strides = array<i32>} : memref<16x64xi32, #tpu.memory_space<vmem>>, vector<16xi32>,
        %add3A_552 = arith.constant 0 : i32
        %add3A_553 = arith.addi %mul3A_335, %add3A_552 : i32
        %get3A_554 = arith.index_cast %add3A_553 : i32 to index
        %get3A_555 = arith.constant 48 : index
        %get3A_556 = tpu.vector_load %arg15[%get3A_554, %get3A_555] {strides = array<i32>} : memref<160x64xi32, #tpu.memory_space<vmem>>, vector<16xi32>,
        %bitcast3A_557 = vector.bitcast %get3A_556 : vector<16xi32> to vector<32xbf16>
        %add3A_558 = arith.constant 1 : i32
        %add3A_559 = arith.addi %mul3A_335, %add3A_558 : i32
        %get3A_560 = arith.index_cast %add3A_559 : i32 to index
        %get3A_561 = arith.constant 48 : index
        %get3A_562 = tpu.vector_load %arg15[%get3A_560, %get3A_561] {strides = array<i32>} : memref<160x64xi32, #tpu.memory_space<vmem>>, vector<16xi32>,
        %bitcast3A_563 = vector.bitcast %get3A_562 : vector<16xi32> to vector<32xbf16>
        %add3A_564 = arith.constant 2 : i32
        %add3A_565 = arith.addi %mul3A_335, %add3A_564 : i32
        %get3A_566 = arith.index_cast %add3A_565 : i32 to index
        %get3A_567 = arith.constant 48 : index
        %get3A_568 = tpu.vector_load %arg15[%get3A_566, %get3A_567] {strides = array<i32>} : memref<160x64xi32, #tpu.memory_space<vmem>>, vector<16xi32>,
        %bitcast3A_569 = vector.bitcast %get3A_568 : vector<16xi32> to vector<32xbf16>
        %add3A_570 = arith.constant 3 : i32
        %add3A_571 = arith.addi %mul3A_335, %add3A_570 : i32
        %get3A_572 = arith.index_cast %add3A_571 : i32 to index
        %get3A_573 = arith.constant 48 : index
        %get3A_574 = tpu.vector_load %arg15[%get3A_572, %get3A_573] {strides = array<i32>} : memref<160x64xi32, #tpu.memory_space<vmem>>, vector<16xi32>,
        %bitcast3A_575 = vector.bitcast %get3A_574 : vector<16xi32> to vector<32xbf16>
        %add3A_576 = arith.constant 4 : i32
        %add3A_577 = arith.addi %mul3A_335, %add3A_576 : i32
        %get3A_578 = arith.index_cast %add3A_577 : i32 to index
        %get3A_579 = arith.constant 48 : index
        %get3A_580 = tpu.vector_load %arg15[%get3A_578, %get3A_579] {strides = array<i32>} : memref<160x64xi32, #tpu.memory_space<vmem>>, vector<16xi32>,
        %bitcast3A_581 = vector.bitcast %get3A_580 : vector<16xi32> to vector<32xbf16>
        %add3A_582 = arith.constant 5 : i32
        %add3A_583 = arith.addi %mul3A_335, %add3A_582 : i32
        %get3A_584 = arith.index_cast %add3A_583 : i32 to index
        %get3A_585 = arith.constant 48 : index
        %get3A_586 = tpu.vector_load %arg15[%get3A_584, %get3A_585] {strides = array<i32>} : memref<160x64xi32, #tpu.memory_space<vmem>>, vector<16xi32>,
        %bitcast3A_587 = vector.bitcast %get3A_586 : vector<16xi32> to vector<32xbf16>
        %add3A_588 = arith.constant 6 : i32
        %add3A_589 = arith.addi %mul3A_335, %add3A_588 : i32
        %get3A_590 = arith.index_cast %add3A_589 : i32 to index
        %get3A_591 = arith.constant 48 : index
        %get3A_592 = tpu.vector_load %arg15[%get3A_590, %get3A_591] {strides = array<i32>} : memref<160x64xi32, #tpu.memory_space<vmem>>, vector<16xi32>,
        %bitcast3A_593 = vector.bitcast %get3A_592 : vector<16xi32> to vector<32xbf16>
        %add3A_594 = arith.constant 7 : i32
        %add3A_595 = arith.addi %mul3A_335, %add3A_594 : i32
        %get3A_596 = arith.index_cast %add3A_595 : i32 to index
        %get3A_597 = arith.constant 48 : index
        %get3A_598 = tpu.vector_load %arg15[%get3A_596, %get3A_597] {strides = array<i32>} : memref<160x64xi32, #tpu.memory_space<vmem>>, vector<16xi32>,
        %bitcast3A_599 = vector.bitcast %get3A_598 : vector<16xi32> to vector<32xbf16>
        %add3A_600 = arith.constant 8 : i32
        %add3A_601 = arith.addi %mul3A_335, %add3A_600 : i32
        %get3A_602 = arith.index_cast %add3A_601 : i32 to index
        %get3A_603 = arith.constant 48 : index
        %get3A_604 = tpu.vector_load %arg15[%get3A_602, %get3A_603] {strides = array<i32>} : memref<160x64xi32, #tpu.memory_space<vmem>>, vector<16xi32>,
        %bitcast3A_605 = vector.bitcast %get3A_604 : vector<16xi32> to vector<32xbf16>
        %add3A_606 = arith.constant 9 : i32
        %add3A_607 = arith.addi %mul3A_335, %add3A_606 : i32
        %get3A_608 = arith.index_cast %add3A_607 : i32 to index
        %get3A_609 = arith.constant 48 : index
        %get3A_610 = tpu.vector_load %arg15[%get3A_608, %get3A_609] {strides = array<i32>} : memref<160x64xi32, #tpu.memory_space<vmem>>, vector<16xi32>,
        %bitcast3A_611 = vector.bitcast %get3A_610 : vector<16xi32> to vector<32xbf16>
        %add3A_612 = arith.addf %bitcast3A_557, %bitcast3A_563 : vector<32xbf16>
        %add3A_613 = arith.addf %bitcast3A_569, %bitcast3A_575 : vector<32xbf16>
        %add3A_614 = arith.addf %bitcast3A_581, %bitcast3A_587 : vector<32xbf16>
        %add3A_615 = arith.addf %bitcast3A_593, %bitcast3A_599 : vector<32xbf16>
        %add3A_616 = arith.addf %bitcast3A_605, %bitcast3A_611 : vector<32xbf16>
        %add3A_617 = arith.addf %add3A_612, %add3A_613 : vector<32xbf16>
        %add3A_618 = arith.addf %add3A_614, %add3A_615 : vector<32xbf16>
        %add3A_619 = arith.addf %add3A_617, %add3A_618 : vector<32xbf16>
        %add3A_620 = arith.addf %add3A_619, %add3A_616 : vector<32xbf16>
        %bitcast3A_621 = vector.bitcast %add3A_620 : vector<32xbf16> to vector<16xi32>
        %swap3A_622 = arith.index_cast %scan3A_333 : i32 to index
        %swap3A_623 = arith.constant 48 : index
        %swap3A_624 = tpu.vector_load %arg20[%swap3A_622, %swap3A_623] {strides = array<i32>} : memref<16x64xi32, #tpu.memory_space<vmem>>, vector<16xi32>,
        tpu.vector_store %arg20[%swap3A_622, %swap3A_623], %bitcast3A_621 {strides = array<i32>} : memref<16x64xi32, #tpu.memory_space<vmem>>, vector<16xi32>,
      }
      %scan3A_202 = arith.constant 16 : i32
      %scan3A_203 = arith.constant 0 : i32
      %scan3A_204 = arith.constant 0 : i32
      %scan3A_205 = arith.constant 16 : i32
      %scan3A_206 = arith.addi %scan3A_204, %scan3A_205 : i32
      %scan3A_207 = arith.constant 1 : i32
      scf.for %scan3A_333 = %scan3A_204 to %scan3A_206 step %scan3A_207  : i32 {
        %mul3A_334 = arith.constant 10 : i32
        %mul3A_335 = arith.muli %scan3A_333, %mul3A_334 : i32
        %add3A_336 = arith.constant 0 : i32
        %add3A_337 = arith.addi %mul3A_335, %add3A_336 : i32
        %get3A = arith.index_cast %add3A_337 : i32 to index
        %get3A_338 = arith.constant 0 : index
        %get3A_339 = tpu.vector_load %arg16[%get3A, %get3A_338] {strides = array<i32>} : memref<160x64xi32, #tpu.memory_space<vmem>>, vector<16xi32>,
        %bitcast3A = vector.bitcast %get3A_339 : vector<16xi32> to vector<32xbf16>
        %add3A_340 = arith.constant 1 : i32
        %add3A_341 = arith.addi %mul3A_335, %add3A_340 : i32
        %get3A_342 = arith.index_cast %add3A_341 : i32 to index
        %get3A_343 = arith.constant 0 : index
        %get3A_344 = tpu.vector_load %arg16[%get3A_342, %get3A_343] {strides = array<i32>} : memref<160x64xi32, #tpu.memory_space<vmem>>, vector<16xi32>,
        %bitcast3A_345 = vector.bitcast %get3A_344 : vector<16xi32> to vector<32xbf16>
        %add3A_346 = arith.constant 2 : i32
        %add3A_347 = arith.addi %mul3A_335, %add3A_346 : i32
        %get3A_348 = arith.index_cast %add3A_347 : i32 to index
        %get3A_349 = arith.constant 0 : index
        %get3A_350 = tpu.vector_load %arg16[%get3A_348, %get3A_349] {strides = array<i32>} : memref<160x64xi32, #tpu.memory_space<vmem>>, vector<16xi32>,
        %bitcast3A_351 = vector.bitcast %get3A_350 : vector<16xi32> to vector<32xbf16>
        %add3A_352 = arith.constant 3 : i32
        %add3A_353 = arith.addi %mul3A_335, %add3A_352 : i32
        %get3A_354 = arith.index_cast %add3A_353 : i32 to index
        %get3A_355 = arith.constant 0 : index
        %get3A_356 = tpu.vector_load %arg16[%get3A_354, %get3A_355] {strides = array<i32>} : memref<160x64xi32, #tpu.memory_space<vmem>>, vector<16xi32>,
        %bitcast3A_357 = vector.bitcast %get3A_356 : vector<16xi32> to vector<32xbf16>
        %add3A_358 = arith.constant 4 : i32
        %add3A_359 = arith.addi %mul3A_335, %add3A_358 : i32
        %get3A_360 = arith.index_cast %add3A_359 : i32 to index
        %get3A_361 = arith.constant 0 : index
        %get3A_362 = tpu.vector_load %arg16[%get3A_360, %get3A_361] {strides = array<i32>} : memref<160x64xi32, #tpu.memory_space<vmem>>, vector<16xi32>,
        %bitcast3A_363 = vector.bitcast %get3A_362 : vector<16xi32> to vector<32xbf16>
        %add3A_364 = arith.constant 5 : i32
        %add3A_365 = arith.addi %mul3A_335, %add3A_364 : i32
        %get3A_366 = arith.index_cast %add3A_365 : i32 to index
        %get3A_367 = arith.constant 0 : index
        %get3A_368 = tpu.vector_load %arg16[%get3A_366, %get3A_367] {strides = array<i32>} : memref<160x64xi32, #tpu.memory_space<vmem>>, vector<16xi32>,
        %bitcast3A_369 = vector.bitcast %get3A_368 : vector<16xi32> to vector<32xbf16>
        %add3A_370 = arith.constant 6 : i32
        %add3A_371 = arith.addi %mul3A_335, %add3A_370 : i32
        %get3A_372 = arith.index_cast %add3A_371 : i32 to index
        %get3A_373 = arith.constant 0 : index
        %get3A_374 = tpu.vector_load %arg16[%get3A_372, %get3A_373] {strides = array<i32>} : memref<160x64xi32, #tpu.memory_space<vmem>>, vector<16xi32>,
        %bitcast3A_375 = vector.bitcast %get3A_374 : vector<16xi32> to vector<32xbf16>
        %add3A_376 = arith.constant 7 : i32
        %add3A_377 = arith.addi %mul3A_335, %add3A_376 : i32
        %get3A_378 = arith.index_cast %add3A_377 : i32 to index
        %get3A_379 = arith.constant 0 : index
        %get3A_380 = tpu.vector_load %arg16[%get3A_378, %get3A_379] {strides = array<i32>} : memref<160x64xi32, #tpu.memory_space<vmem>>, vector<16xi32>,
        %bitcast3A_381 = vector.bitcast %get3A_380 : vector<16xi32> to vector<32xbf16>
        %add3A_382 = arith.constant 8 : i32
        %add3A_383 = arith.addi %mul3A_335, %add3A_382 : i32
        %get3A_384 = arith.index_cast %add3A_383 : i32 to index
        %get3A_385 = arith.constant 0 : index
        %get3A_386 = tpu.vector_load %arg16[%get3A_384, %get3A_385] {strides = array<i32>} : memref<160x64xi32, #tpu.memory_space<vmem>>, vector<16xi32>,
        %bitcast3A_387 = vector.bitcast %get3A_386 : vector<16xi32> to vector<32xbf16>
        %add3A_388 = arith.constant 9 : i32
        %add3A_389 = arith.addi %mul3A_335, %add3A_388 : i32
        %get3A_390 = arith.index_cast %add3A_389 : i32 to index
        %get3A_391 = arith.constant 0 : index
        %get3A_392 = tpu.vector_load %arg16[%get3A_390, %get3A_391] {strides = array<i32>} : memref<160x64xi32, #tpu.memory_space<vmem>>, vector<16xi32>,
        %bitcast3A_393 = vector.bitcast %get3A_392 : vector<16xi32> to vector<32xbf16>
        %add3A_394 = arith.addf %bitcast3A, %bitcast3A_345 : vector<32xbf16>
        %add3A_395 = arith.addf %bitcast3A_351, %bitcast3A_357 : vector<32xbf16>
        %add3A_396 = arith.addf %bitcast3A_363, %bitcast3A_369 : vector<32xbf16>
        %add3A_397 = arith.addf %bitcast3A_375, %bitcast3A_381 : vector<32xbf16>
        %add3A_398 = arith.addf %bitcast3A_387, %bitcast3A_393 : vector<32xbf16>
        %add3A_399 = arith.addf %add3A_394, %add3A_395 : vector<32xbf16>
        %add3A_400 = arith.addf %add3A_396, %add3A_397 : vector<32xbf16>
        %add3A_401 = arith.addf %add3A_399, %add3A_400 : vector<32xbf16>
        %add3A_402 = arith.addf %add3A_401, %add3A_398 : vector<32xbf16>
        %bitcast3A_403 = vector.bitcast %add3A_402 : vector<32xbf16> to vector<16xi32>
        %swap3A = arith.index_cast %scan3A_333 : i32 to index
        %swap3A_404 = arith.constant 0 : index
        %swap3A_405 = tpu.vector_load %arg21[%swap3A, %swap3A_404] {strides = array<i32>} : memref<16x64xi32, #tpu.memory_space<vmem>>, vector<16xi32>,
        tpu.vector_store %arg21[%swap3A, %swap3A_404], %bitcast3A_403 {strides = array<i32>} : memref<16x64xi32, #tpu.memory_space<vmem>>, vector<16xi32>,
        %add3A_406 = arith.constant 0 : i32
        %add3A_407 = arith.addi %mul3A_335, %add3A_406 : i32
        %get3A_408 = arith.index_cast %add3A_407 : i32 to index
        %get3A_409 = arith.constant 16 : index
        %get3A_410 = tpu.vector_load %arg16[%get3A_408, %get3A_409] {strides = array<i32>} : memref<160x64xi32, #tpu.memory_space<vmem>>, vector<16xi32>,
        %bitcast3A_411 = vector.bitcast %get3A_410 : vector<16xi32> to vector<32xbf16>
        %add3A_412 = arith.constant 1 : i32
        %add3A_413 = arith.addi %mul3A_335, %add3A_412 : i32
        %get3A_414 = arith.index_cast %add3A_413 : i32 to index
        %get3A_415 = arith.constant 16 : index
        %get3A_416 = tpu.vector_load %arg16[%get3A_414, %get3A_415] {strides = array<i32>} : memref<160x64xi32, #tpu.memory_space<vmem>>, vector<16xi32>,
        %bitcast3A_417 = vector.bitcast %get3A_416 : vector<16xi32> to vector<32xbf16>
        %add3A_418 = arith.constant 2 : i32
        %add3A_419 = arith.addi %mul3A_335, %add3A_418 : i32
        %get3A_420 = arith.index_cast %add3A_419 : i32 to index
        %get3A_421 = arith.constant 16 : index
        %get3A_422 = tpu.vector_load %arg16[%get3A_420, %get3A_421] {strides = array<i32>} : memref<160x64xi32, #tpu.memory_space<vmem>>, vector<16xi32>,
        %bitcast3A_423 = vector.bitcast %get3A_422 : vector<16xi32> to vector<32xbf16>
        %add3A_424 = arith.constant 3 : i32
        %add3A_425 = arith.addi %mul3A_335, %add3A_424 : i32
        %get3A_426 = arith.index_cast %add3A_425 : i32 to index
        %get3A_427 = arith.constant 16 : index
        %get3A_428 = tpu.vector_load %arg16[%get3A_426, %get3A_427] {strides = array<i32>} : memref<160x64xi32, #tpu.memory_space<vmem>>, vector<16xi32>,
        %bitcast3A_429 = vector.bitcast %get3A_428 : vector<16xi32> to vector<32xbf16>
        %add3A_430 = arith.constant 4 : i32
        %add3A_431 = arith.addi %mul3A_335, %add3A_430 : i32
        %get3A_432 = arith.index_cast %add3A_431 : i32 to index
        %get3A_433 = arith.constant 16 : index
        %get3A_434 = tpu.vector_load %arg16[%get3A_432, %get3A_433] {strides = array<i32>} : memref<160x64xi32, #tpu.memory_space<vmem>>, vector<16xi32>,
        %bitcast3A_435 = vector.bitcast %get3A_434 : vector<16xi32> to vector<32xbf16>
        %add3A_436 = arith.constant 5 : i32
        %add3A_437 = arith.addi %mul3A_335, %add3A_436 : i32
        %get3A_438 = arith.index_cast %add3A_437 : i32 to index
        %get3A_439 = arith.constant 16 : index
        %get3A_440 = tpu.vector_load %arg16[%get3A_438, %get3A_439] {strides = array<i32>} : memref<160x64xi32, #tpu.memory_space<vmem>>, vector<16xi32>,
        %bitcast3A_441 = vector.bitcast %get3A_440 : vector<16xi32> to vector<32xbf16>
        %add3A_442 = arith.constant 6 : i32
        %add3A_443 = arith.addi %mul3A_335, %add3A_442 : i32
        %get3A_444 = arith.index_cast %add3A_443 : i32 to index
        %get3A_445 = arith.constant 16 : index
        %get3A_446 = tpu.vector_load %arg16[%get3A_444, %get3A_445] {strides = array<i32>} : memref<160x64xi32, #tpu.memory_space<vmem>>, vector<16xi32>,
        %bitcast3A_447 = vector.bitcast %get3A_446 : vector<16xi32> to vector<32xbf16>
        %add3A_448 = arith.constant 7 : i32
        %add3A_449 = arith.addi %mul3A_335, %add3A_448 : i32
        %get3A_450 = arith.index_cast %add3A_449 : i32 to index
        %get3A_451 = arith.constant 16 : index
        %get3A_452 = tpu.vector_load %arg16[%get3A_450, %get3A_451] {strides = array<i32>} : memref<160x64xi32, #tpu.memory_space<vmem>>, vector<16xi32>,
        %bitcast3A_453 = vector.bitcast %get3A_452 : vector<16xi32> to vector<32xbf16>
        %add3A_454 = arith.constant 8 : i32
        %add3A_455 = arith.addi %mul3A_335, %add3A_454 : i32
        %get3A_456 = arith.index_cast %add3A_455 : i32 to index
        %get3A_457 = arith.constant 16 : index
        %get3A_458 = tpu.vector_load %arg16[%get3A_456, %get3A_457] {strides = array<i32>} : memref<160x64xi32, #tpu.memory_space<vmem>>, vector<16xi32>,
        %bitcast3A_459 = vector.bitcast %get3A_458 : vector<16xi32> to vector<32xbf16>
        %add3A_460 = arith.constant 9 : i32
        %add3A_461 = arith.addi %mul3A_335, %add3A_460 : i32
        %get3A_462 = arith.index_cast %add3A_461 : i32 to index
        %get3A_463 = arith.constant 16 : index
        %get3A_464 = tpu.vector_load %arg16[%get3A_462, %get3A_463] {strides = array<i32>} : memref<160x64xi32, #tpu.memory_space<vmem>>, vector<16xi32>,
        %bitcast3A_465 = vector.bitcast %get3A_464 : vector<16xi32> to vector<32xbf16>
        %add3A_466 = arith.addf %bitcast3A_411, %bitcast3A_417 : vector<32xbf16>
        %add3A_467 = arith.addf %bitcast3A_423, %bitcast3A_429 : vector<32xbf16>
        %add3A_468 = arith.addf %bitcast3A_435, %bitcast3A_441 : vector<32xbf16>
        %add3A_469 = arith.addf %bitcast3A_447, %bitcast3A_453 : vector<32xbf16>
        %add3A_470 = arith.addf %bitcast3A_459, %bitcast3A_465 : vector<32xbf16>
        %add3A_471 = arith.addf %add3A_466, %add3A_467 : vector<32xbf16>
        %add3A_472 = arith.addf %add3A_468, %add3A_469 : vector<32xbf16>
        %add3A_473 = arith.addf %add3A_471, %add3A_472 : vector<32xbf16>
        %add3A_474 = arith.addf %add3A_473, %add3A_470 : vector<32xbf16>
        %bitcast3A_475 = vector.bitcast %add3A_474 : vector<32xbf16> to vector<16xi32>
        %swap3A_476 = arith.index_cast %scan3A_333 : i32 to index
        %swap3A_477 = arith.constant 16 : index
        %swap3A_478 = tpu.vector_load %arg21[%swap3A_476, %swap3A_477] {strides = array<i32>} : memref<16x64xi32, #tpu.memory_space<vmem>>, vector<16xi32>,
        tpu.vector_store %arg21[%swap3A_476, %swap3A_477], %bitcast3A_475 {strides = array<i32>} : memref<16x64xi32, #tpu.memory_space<vmem>>, vector<16xi32>,
        %add3A_479 = arith.constant 0 : i32
        %add3A_480 = arith.addi %mul3A_335, %add3A_479 : i32
        %get3A_481 = arith.index_cast %add3A_480 : i32 to index
        %get3A_482 = arith.constant 32 : index
        %get3A_483 = tpu.vector_load %arg16[%get3A_481, %get3A_482] {strides = array<i32>} : memref<160x64xi32, #tpu.memory_space<vmem>>, vector<16xi32>,
        %bitcast3A_484 = vector.bitcast %get3A_483 : vector<16xi32> to vector<32xbf16>
        %add3A_485 = arith.constant 1 : i32
        %add3A_486 = arith.addi %mul3A_335, %add3A_485 : i32
        %get3A_487 = arith.index_cast %add3A_486 : i32 to index
        %get3A_488 = arith.constant 32 : index
        %get3A_489 = tpu.vector_load %arg16[%get3A_487, %get3A_488] {strides = array<i32>} : memref<160x64xi32, #tpu.memory_space<vmem>>, vector<16xi32>,
        %bitcast3A_490 = vector.bitcast %get3A_489 : vector<16xi32> to vector<32xbf16>
        %add3A_491 = arith.constant 2 : i32
        %add3A_492 = arith.addi %mul3A_335, %add3A_491 : i32
        %get3A_493 = arith.index_cast %add3A_492 : i32 to index
        %get3A_494 = arith.constant 32 : index
        %get3A_495 = tpu.vector_load %arg16[%get3A_493, %get3A_494] {strides = array<i32>} : memref<160x64xi32, #tpu.memory_space<vmem>>, vector<16xi32>,
        %bitcast3A_496 = vector.bitcast %get3A_495 : vector<16xi32> to vector<32xbf16>
        %add3A_497 = arith.constant 3 : i32
        %add3A_498 = arith.addi %mul3A_335, %add3A_497 : i32
        %get3A_499 = arith.index_cast %add3A_498 : i32 to index
        %get3A_500 = arith.constant 32 : index
        %get3A_501 = tpu.vector_load %arg16[%get3A_499, %get3A_500] {strides = array<i32>} : memref<160x64xi32, #tpu.memory_space<vmem>>, vector<16xi32>,
        %bitcast3A_502 = vector.bitcast %get3A_501 : vector<16xi32> to vector<32xbf16>
        %add3A_503 = arith.constant 4 : i32
        %add3A_504 = arith.addi %mul3A_335, %add3A_503 : i32
        %get3A_505 = arith.index_cast %add3A_504 : i32 to index
        %get3A_506 = arith.constant 32 : index
        %get3A_507 = tpu.vector_load %arg16[%get3A_505, %get3A_506] {strides = array<i32>} : memref<160x64xi32, #tpu.memory_space<vmem>>, vector<16xi32>,
        %bitcast3A_508 = vector.bitcast %get3A_507 : vector<16xi32> to vector<32xbf16>
        %add3A_509 = arith.constant 5 : i32
        %add3A_510 = arith.addi %mul3A_335, %add3A_509 : i32
        %get3A_511 = arith.index_cast %add3A_510 : i32 to index
        %get3A_512 = arith.constant 32 : index
        %get3A_513 = tpu.vector_load %arg16[%get3A_511, %get3A_512] {strides = array<i32>} : memref<160x64xi32, #tpu.memory_space<vmem>>, vector<16xi32>,
        %bitcast3A_514 = vector.bitcast %get3A_513 : vector<16xi32> to vector<32xbf16>
        %add3A_515 = arith.constant 6 : i32
        %add3A_516 = arith.addi %mul3A_335, %add3A_515 : i32
        %get3A_517 = arith.index_cast %add3A_516 : i32 to index
        %get3A_518 = arith.constant 32 : index
        %get3A_519 = tpu.vector_load %arg16[%get3A_517, %get3A_518] {strides = array<i32>} : memref<160x64xi32, #tpu.memory_space<vmem>>, vector<16xi32>,
        %bitcast3A_520 = vector.bitcast %get3A_519 : vector<16xi32> to vector<32xbf16>
        %add3A_521 = arith.constant 7 : i32
        %add3A_522 = arith.addi %mul3A_335, %add3A_521 : i32
        %get3A_523 = arith.index_cast %add3A_522 : i32 to index
        %get3A_524 = arith.constant 32 : index
        %get3A_525 = tpu.vector_load %arg16[%get3A_523, %get3A_524] {strides = array<i32>} : memref<160x64xi32, #tpu.memory_space<vmem>>, vector<16xi32>,
        %bitcast3A_526 = vector.bitcast %get3A_525 : vector<16xi32> to vector<32xbf16>
        %add3A_527 = arith.constant 8 : i32
        %add3A_528 = arith.addi %mul3A_335, %add3A_527 : i32
        %get3A_529 = arith.index_cast %add3A_528 : i32 to index
        %get3A_530 = arith.constant 32 : index
        %get3A_531 = tpu.vector_load %arg16[%get3A_529, %get3A_530] {strides = array<i32>} : memref<160x64xi32, #tpu.memory_space<vmem>>, vector<16xi32>,
        %bitcast3A_532 = vector.bitcast %get3A_531 : vector<16xi32> to vector<32xbf16>
        %add3A_533 = arith.constant 9 : i32
        %add3A_534 = arith.addi %mul3A_335, %add3A_533 : i32
        %get3A_535 = arith.index_cast %add3A_534 : i32 to index
        %get3A_536 = arith.constant 32 : index
        %get3A_537 = tpu.vector_load %arg16[%get3A_535, %get3A_536] {strides = array<i32>} : memref<160x64xi32, #tpu.memory_space<vmem>>, vector<16xi32>,
        %bitcast3A_538 = vector.bitcast %get3A_537 : vector<16xi32> to vector<32xbf16>
        %add3A_539 = arith.addf %bitcast3A_484, %bitcast3A_490 : vector<32xbf16>
        %add3A_540 = arith.addf %bitcast3A_496, %bitcast3A_502 : vector<32xbf16>
        %add3A_541 = arith.addf %bitcast3A_508, %bitcast3A_514 : vector<32xbf16>
        %add3A_542 = arith.addf %bitcast3A_520, %bitcast3A_526 : vector<32xbf16>
        %add3A_543 = arith.addf %bitcast3A_532, %bitcast3A_538 : vector<32xbf16>
        %add3A_544 = arith.addf %add3A_539, %add3A_540 : vector<32xbf16>
        %add3A_545 = arith.addf %add3A_541, %add3A_542 : vector<32xbf16>
        %add3A_546 = arith.addf %add3A_544, %add3A_545 : vector<32xbf16>
        %add3A_547 = arith.addf %add3A_546, %add3A_543 : vector<32xbf16>
        %bitcast3A_548 = vector.bitcast %add3A_547 : vector<32xbf16> to vector<16xi32>
        %swap3A_549 = arith.index_cast %scan3A_333 : i32 to index
        %swap3A_550 = arith.constant 32 : index
        %swap3A_551 = tpu.vector_load %arg21[%swap3A_549, %swap3A_550] {strides = array<i32>} : memref<16x64xi32, #tpu.memory_space<vmem>>, vector<16xi32>,
        tpu.vector_store %arg21[%swap3A_549, %swap3A_550], %bitcast3A_548 {strides = array<i32>} : memref<16x64xi32, #tpu.memory_space<vmem>>, vector<16xi32>,
        %add3A_552 = arith.constant 0 : i32
        %add3A_553 = arith.addi %mul3A_335, %add3A_552 : i32
        %get3A_554 = arith.index_cast %add3A_553 : i32 to index
        %get3A_555 = arith.constant 48 : index
        %get3A_556 = tpu.vector_load %arg16[%get3A_554, %get3A_555] {strides = array<i32>} : memref<160x64xi32, #tpu.memory_space<vmem>>, vector<16xi32>,
        %bitcast3A_557 = vector.bitcast %get3A_556 : vector<16xi32> to vector<32xbf16>
        %add3A_558 = arith.constant 1 : i32
        %add3A_559 = arith.addi %mul3A_335, %add3A_558 : i32
        %get3A_560 = arith.index_cast %add3A_559 : i32 to index
        %get3A_561 = arith.constant 48 : index
        %get3A_562 = tpu.vector_load %arg16[%get3A_560, %get3A_561] {strides = array<i32>} : memref<160x64xi32, #tpu.memory_space<vmem>>, vector<16xi32>,
        %bitcast3A_563 = vector.bitcast %get3A_562 : vector<16xi32> to vector<32xbf16>
        %add3A_564 = arith.constant 2 : i32
        %add3A_565 = arith.addi %mul3A_335, %add3A_564 : i32
        %get3A_566 = arith.index_cast %add3A_565 : i32 to index
        %get3A_567 = arith.constant 48 : index
        %get3A_568 = tpu.vector_load %arg16[%get3A_566, %get3A_567] {strides = array<i32>} : memref<160x64xi32, #tpu.memory_space<vmem>>, vector<16xi32>,
        %bitcast3A_569 = vector.bitcast %get3A_568 : vector<16xi32> to vector<32xbf16>
        %add3A_570 = arith.constant 3 : i32
        %add3A_571 = arith.addi %mul3A_335, %add3A_570 : i32
        %get3A_572 = arith.index_cast %add3A_571 : i32 to index
        %get3A_573 = arith.constant 48 : index
        %get3A_574 = tpu.vector_load %arg16[%get3A_572, %get3A_573] {strides = array<i32>} : memref<160x64xi32, #tpu.memory_space<vmem>>, vector<16xi32>,
        %bitcast3A_575 = vector.bitcast %get3A_574 : vector<16xi32> to vector<32xbf16>
        %add3A_576 = arith.constant 4 : i32
        %add3A_577 = arith.addi %mul3A_335, %add3A_576 : i32
        %get3A_578 = arith.index_cast %add3A_577 : i32 to index
        %get3A_579 = arith.constant 48 : index
        %get3A_580 = tpu.vector_load %arg16[%get3A_578, %get3A_579] {strides = array<i32>} : memref<160x64xi32, #tpu.memory_space<vmem>>, vector<16xi32>,
        %bitcast3A_581 = vector.bitcast %get3A_580 : vector<16xi32> to vector<32xbf16>
        %add3A_582 = arith.constant 5 : i32
        %add3A_583 = arith.addi %mul3A_335, %add3A_582 : i32
        %get3A_584 = arith.index_cast %add3A_583 : i32 to index
        %get3A_585 = arith.constant 48 : index
        %get3A_586 = tpu.vector_load %arg16[%get3A_584, %get3A_585] {strides = array<i32>} : memref<160x64xi32, #tpu.memory_space<vmem>>, vector<16xi32>,
        %bitcast3A_587 = vector.bitcast %get3A_586 : vector<16xi32> to vector<32xbf16>
        %add3A_588 = arith.constant 6 : i32
        %add3A_589 = arith.addi %mul3A_335, %add3A_588 : i32
        %get3A_590 = arith.index_cast %add3A_589 : i32 to index
        %get3A_591 = arith.constant 48 : index
        %get3A_592 = tpu.vector_load %arg16[%get3A_590, %get3A_591] {strides = array<i32>} : memref<160x64xi32, #tpu.memory_space<vmem>>, vector<16xi32>,
        %bitcast3A_593 = vector.bitcast %get3A_592 : vector<16xi32> to vector<32xbf16>
        %add3A_594 = arith.constant 7 : i32
        %add3A_595 = arith.addi %mul3A_335, %add3A_594 : i32
        %get3A_596 = arith.index_cast %add3A_595 : i32 to index
        %get3A_597 = arith.constant 48 : index
        %get3A_598 = tpu.vector_load %arg16[%get3A_596, %get3A_597] {strides = array<i32>} : memref<160x64xi32, #tpu.memory_space<vmem>>, vector<16xi32>,
        %bitcast3A_599 = vector.bitcast %get3A_598 : vector<16xi32> to vector<32xbf16>
        %add3A_600 = arith.constant 8 : i32
        %add3A_601 = arith.addi %mul3A_335, %add3A_600 : i32
        %get3A_602 = arith.index_cast %add3A_601 : i32 to index
        %get3A_603 = arith.constant 48 : index
        %get3A_604 = tpu.vector_load %arg16[%get3A_602, %get3A_603] {strides = array<i32>} : memref<160x64xi32, #tpu.memory_space<vmem>>, vector<16xi32>,
        %bitcast3A_605 = vector.bitcast %get3A_604 : vector<16xi32> to vector<32xbf16>
        %add3A_606 = arith.constant 9 : i32
        %add3A_607 = arith.addi %mul3A_335, %add3A_606 : i32
        %get3A_608 = arith.index_cast %add3A_607 : i32 to index
        %get3A_609 = arith.constant 48 : index
        %get3A_610 = tpu.vector_load %arg16[%get3A_608, %get3A_609] {strides = array<i32>} : memref<160x64xi32, #tpu.memory_space<vmem>>, vector<16xi32>,
        %bitcast3A_611 = vector.bitcast %get3A_610 : vector<16xi32> to vector<32xbf16>
        %add3A_612 = arith.addf %bitcast3A_557, %bitcast3A_563 : vector<32xbf16>
        %add3A_613 = arith.addf %bitcast3A_569, %bitcast3A_575 : vector<32xbf16>
        %add3A_614 = arith.addf %bitcast3A_581, %bitcast3A_587 : vector<32xbf16>
        %add3A_615 = arith.addf %bitcast3A_593, %bitcast3A_599 : vector<32xbf16>
        %add3A_616 = arith.addf %bitcast3A_605, %bitcast3A_611 : vector<32xbf16>
        %add3A_617 = arith.addf %add3A_612, %add3A_613 : vector<32xbf16>
        %add3A_618 = arith.addf %add3A_614, %add3A_615 : vector<32xbf16>
        %add3A_619 = arith.addf %add3A_617, %add3A_618 : vector<32xbf16>
        %add3A_620 = arith.addf %add3A_619, %add3A_616 : vector<32xbf16>
        %bitcast3A_621 = vector.bitcast %add3A_620 : vector<32xbf16> to vector<16xi32>
        %swap3A_622 = arith.index_cast %scan3A_333 : i32 to index
        %swap3A_623 = arith.constant 48 : index
        %swap3A_624 = tpu.vector_load %arg21[%swap3A_622, %swap3A_623] {strides = array<i32>} : memref<16x64xi32, #tpu.memory_space<vmem>>, vector<16xi32>,
        tpu.vector_store %arg21[%swap3A_622, %swap3A_623], %bitcast3A_621 {strides = array<i32>} : memref<16x64xi32, #tpu.memory_space<vmem>>, vector<16xi32>,
      }
      %scan3A_208 = arith.constant 16 : i32
      %mul3A_209 = arith.constant 16 : i32
      %mul3A_210 = arith.muli %add3A_93, %mul3A_209 : i32
      %add3A_211 = arith.addi %mul3A_2, %mul3A_210 : i32
      %multiple_of3A_212 = tpu.assume_multiple %add3A_211, 16 : i32
      %dma_start3A_213 = arith.constant 0 : i32
      %dma_start3A_214 = tpu.memref_slice %arg8[%multiple_of3A_212, %dma_start3A_213] : memref<16384x64xi32, #tpu.memory_space<hbm>> -> memref<16x64xi32, #tpu.memory_space<hbm>>
      %dma_start3A_215 = arith.constant 0 : i32
      %dma_start3A_216 = tpu.memref_slice %arg8[%multiple_of3A_212, %dma_start3A_215] : memref<16384x64xi32, #tpu.memory_space<hbm>> -> memref<16x64xi32, #tpu.memory_space<hbm>>
      tpu.enqueue_dma source(%arg14 : memref<16x64xi32, #tpu.memory_space<vmem>>) target(%dma_start3A_216 : memref<16x64xi32, #tpu.memory_space<hbm>>) target_semaphore(%arg26 : memref<!tpu.dma_semaphore, #tpu.memory_space<semaphore_mem>>)
      %dma_start3A_217 = arith.constant 0 : i32
      %dma_start3A_218 = tpu.memref_slice %arg9[%multiple_of3A_212, %dma_start3A_217] : memref<16384x64xi32, #tpu.memory_space<hbm>> -> memref<16x64xi32, #tpu.memory_space<hbm>>
      %dma_start3A_219 = arith.constant 0 : i32
      %dma_start3A_220 = tpu.memref_slice %arg9[%multiple_of3A_212, %dma_start3A_219] : memref<16384x64xi32, #tpu.memory_space<hbm>> -> memref<16x64xi32, #tpu.memory_space<hbm>>
      tpu.enqueue_dma source(%arg20 : memref<16x64xi32, #tpu.memory_space<vmem>>) target(%dma_start3A_220 : memref<16x64xi32, #tpu.memory_space<hbm>>) target_semaphore(%arg26 : memref<!tpu.dma_semaphore, #tpu.memory_space<semaphore_mem>>)
      %dma_start3A_221 = arith.constant 0 : i32
      %dma_start3A_222 = tpu.memref_slice %arg10[%multiple_of3A_212, %dma_start3A_221] : memref<16384x64xi32, #tpu.memory_space<hbm>> -> memref<16x64xi32, #tpu.memory_space<hbm>>
      %dma_start3A_223 = arith.constant 0 : i32
      %dma_start3A_224 = tpu.memref_slice %arg10[%multiple_of3A_212, %dma_start3A_223] : memref<16384x64xi32, #tpu.memory_space<hbm>> -> memref<16x64xi32, #tpu.memory_space<hbm>>
      tpu.enqueue_dma source(%arg21 : memref<16x64xi32, #tpu.memory_space<vmem>>) target(%dma_start3A_224 : memref<16x64xi32, #tpu.memory_space<hbm>>) target_semaphore(%arg26 : memref<!tpu.dma_semaphore, #tpu.memory_space<semaphore_mem>>)
      %mul3A_225 = arith.constant 2 : i32
      %mul3A_226 = arith.muli %scan3A_89, %mul3A_225 : i32
      %add3A_227 = arith.constant 1 : i32
      %add3A_228 = arith.addi %mul3A_226, %add3A_227 : i32
      %dma_wait3A_229 = arith.constant 0 : i32
      %dma_wait3A_230 = arith.constant 0 : i32
      %dma_wait3A_231 = tpu.memref_slice %arg8[%dma_wait3A_229, %dma_wait3A_230] : memref<16384x64xi32, #tpu.memory_space<hbm>> -> memref<16x64xi32, #tpu.memory_space<hbm>>
      %dma_wait3A_232 = arith.constant 0 : i32
      %dma_wait3A_233 = arith.constant 0 : i32
      %dma_wait3A_234 = tpu.memref_slice %arg8[%dma_wait3A_232, %dma_wait3A_233] : memref<16384x64xi32, #tpu.memory_space<hbm>> -> memref<16x64xi32, #tpu.memory_space<hbm>>
      tpu.wait_dma2 semaphore(%arg26 : memref<!tpu.dma_semaphore, #tpu.memory_space<semaphore_mem>>) src(%dma_wait3A_234 : memref<16x64xi32, #tpu.memory_space<hbm>>) dst(%arg14 : memref<16x64xi32, #tpu.memory_space<vmem>>)
      %dma_wait3A_235 = arith.constant 0 : i32
      %dma_wait3A_236 = arith.constant 0 : i32
      %dma_wait3A_237 = tpu.memref_slice %arg9[%dma_wait3A_235, %dma_wait3A_236] : memref<16384x64xi32, #tpu.memory_space<hbm>> -> memref<16x64xi32, #tpu.memory_space<hbm>>
      %dma_wait3A_238 = arith.constant 0 : i32
      %dma_wait3A_239 = arith.constant 0 : i32
      %dma_wait3A_240 = tpu.memref_slice %arg9[%dma_wait3A_238, %dma_wait3A_239] : memref<16384x64xi32, #tpu.memory_space<hbm>> -> memref<16x64xi32, #tpu.memory_space<hbm>>
      tpu.wait_dma2 semaphore(%arg26 : memref<!tpu.dma_semaphore, #tpu.memory_space<semaphore_mem>>) src(%dma_wait3A_240 : memref<16x64xi32, #tpu.memory_space<hbm>>) dst(%arg20 : memref<16x64xi32, #tpu.memory_space<vmem>>)
      %dma_wait3A_241 = arith.constant 0 : i32
      %dma_wait3A_242 = arith.constant 0 : i32
      %dma_wait3A_243 = tpu.memref_slice %arg10[%dma_wait3A_241, %dma_wait3A_242] : memref<16384x64xi32, #tpu.memory_space<hbm>> -> memref<16x64xi32, #tpu.memory_space<hbm>>
      %dma_wait3A_244 = arith.constant 0 : i32
      %dma_wait3A_245 = arith.constant 0 : i32
      %dma_wait3A_246 = tpu.memref_slice %arg10[%dma_wait3A_244, %dma_wait3A_245] : memref<16384x64xi32, #tpu.memory_space<hbm>> -> memref<16x64xi32, #tpu.memory_space<hbm>>
      tpu.wait_dma2 semaphore(%arg26 : memref<!tpu.dma_semaphore, #tpu.memory_space<semaphore_mem>>) src(%dma_wait3A_246 : memref<16x64xi32, #tpu.memory_space<hbm>>) dst(%arg21 : memref<16x64xi32, #tpu.memory_space<vmem>>)
      %lt3A = arith.constant 15 : i32
      %lt3A_247 = arith.cmpi slt, %scan3A_89, %lt3A : i32
      %convert_element_type3A_248 = arith.extui %lt3A_247 : i1 to i32
      %cond3A_249 = arith.constant 0 : i32
      %cond3A_250 = arith.cmpi ne, %convert_element_type3A_248, %cond3A_249 : i32
      scf.if %cond3A_250 {
        %add3A_333 = arith.constant 1 : i32
        %add3A_334 = arith.addi %add3A_228, %add3A_333 : i32
        %mul3A_335 = arith.constant 16 : i32
        %mul3A_336 = arith.muli %add3A_334, %mul3A_335 : i32
        %multiple_of3A_337 = tpu.assume_multiple %mul3A_336, 16 : i32
        %dma_start3A_338 = tpu.memref_slice %arg11[%multiple_of3A_337] : memref<512xi32, #tpu.memory_space<vmem>> -> memref<16xi32, #tpu.memory_space<vmem>>
        %dma_start3A_339 = arith.constant 0 : i32
        %dma_start3A_340 = arith.constant 0 : i32
        %dma_start3A_341 = tpu.memref_slice %arg2[%dma_start3A_339, %dma_start3A_340] : memref<50000x64xi32, #tpu.memory_space<hbm>> -> memref<50000x64xi32, #tpu.memory_space<hbm>>
        tpu.enqueue_indirect_dma source(%dma_start3A_341 : memref<50000x64xi32, #tpu.memory_space<hbm>>) target(%arg14 : memref<16x64xi32, #tpu.memory_space<vmem>>) offsets(%dma_start3A_338 : memref<16xi32, #tpu.memory_space<vmem>>) semaphore(%arg24 : memref<!tpu.dma_semaphore, #tpu.memory_space<semaphore_mem>>)
        %mul3A_342 = arith.constant 160 : i32
        %mul3A_343 = arith.muli %add3A_334, %mul3A_342 : i32
        %multiple_of3A_344 = tpu.assume_multiple %mul3A_343, 8 : i32
        %dma_start3A_345 = arith.constant 0 : i32
        %dma_start3A_346 = arith.constant 0 : i32
        %dma_start3A_347 = tpu.memref_slice %arg15[%dma_start3A_345, %dma_start3A_346] : memref<160x64xi32, #tpu.memory_space<vmem>> -> memref<80x64xi32, #tpu.memory_space<vmem>>
        %dma_start3A_348 = tpu.memref_slice %arg12[%multiple_of3A_344] : memref<5120xi32, #tpu.memory_space<vmem>> -> memref<80xi32, #tpu.memory_space<vmem>>
        %dma_start3A_349 = arith.constant 0 : i32
        %dma_start3A_350 = arith.constant 0 : i32
        %dma_start3A_351 = tpu.memref_slice %arg3[%dma_start3A_349, %dma_start3A_350] : memref<1000x64xi32, #tpu.memory_space<hbm>> -> memref<1000x64xi32, #tpu.memory_space<hbm>>
        tpu.enqueue_indirect_dma source(%dma_start3A_351 : memref<1000x64xi32, #tpu.memory_space<hbm>>) target(%dma_start3A_347 : memref<80x64xi32, #tpu.memory_space<vmem>>) offsets(%dma_start3A_348 : memref<80xi32, #tpu.memory_space<vmem>>) semaphore(%arg24 : memref<!tpu.dma_semaphore, #tpu.memory_space<semaphore_mem>>)
        %add3A_352 = arith.constant 80 : i32
        %add3A_353 = arith.addi %multiple_of3A_344, %add3A_352 : i32
        %dma_start3A_354 = arith.constant 80 : i32
        %dma_start3A_355 = arith.constant 0 : i32
        %dma_start3A_356 = tpu.memref_slice %arg15[%dma_start3A_354, %dma_start3A_355] : memref<160x64xi32, #tpu.memory_space<vmem>> -> memref<80x64xi32, #tpu.memory_space<vmem>>
        %dma_start3A_357 = tpu.memref_slice %arg12[%add3A_353] : memref<5120xi32, #tpu.memory_space<vmem>> -> memref<80xi32, #tpu.memory_space<vmem>>
        %dma_start3A_358 = arith.constant 0 : i32
        %dma_start3A_359 = arith.constant 0 : i32
        %dma_start3A_360 = tpu.memref_slice %arg3[%dma_start3A_358, %dma_start3A_359] : memref<1000x64xi32, #tpu.memory_space<hbm>> -> memref<1000x64xi32, #tpu.memory_space<hbm>>
        tpu.enqueue_indirect_dma source(%dma_start3A_360 : memref<1000x64xi32, #tpu.memory_space<hbm>>) target(%dma_start3A_356 : memref<80x64xi32, #tpu.memory_space<vmem>>) offsets(%dma_start3A_357 : memref<80xi32, #tpu.memory_space<vmem>>) semaphore(%arg24 : memref<!tpu.dma_semaphore, #tpu.memory_space<semaphore_mem>>)
        %mul3A_361 = arith.constant 160 : i32
        %mul3A_362 = arith.muli %add3A_334, %mul3A_361 : i32
        %multiple_of3A_363 = tpu.assume_multiple %mul3A_362, 8 : i32
        %dma_start3A_364 = arith.constant 0 : i32
        %dma_start3A_365 = arith.constant 0 : i32
        %dma_start3A_366 = tpu.memref_slice %arg16[%dma_start3A_364, %dma_start3A_365] : memref<160x64xi32, #tpu.memory_space<vmem>> -> memref<80x64xi32, #tpu.memory_space<vmem>>
        %dma_start3A_367 = tpu.memref_slice %arg13[%multiple_of3A_363] : memref<5120xi32, #tpu.memory_space<vmem>> -> memref<80xi32, #tpu.memory_space<vmem>>
        %dma_start3A_368 = arith.constant 0 : i32
        %dma_start3A_369 = arith.constant 0 : i32
        %dma_start3A_370 = tpu.memref_slice %arg4[%dma_start3A_368, %dma_start3A_369] : memref<50000x64xi32, #tpu.memory_space<hbm>> -> memref<50000x64xi32, #tpu.memory_space<hbm>>
        tpu.enqueue_indirect_dma source(%dma_start3A_370 : memref<50000x64xi32, #tpu.memory_space<hbm>>) target(%dma_start3A_366 : memref<80x64xi32, #tpu.memory_space<vmem>>) offsets(%dma_start3A_367 : memref<80xi32, #tpu.memory_space<vmem>>) semaphore(%arg24 : memref<!tpu.dma_semaphore, #tpu.memory_space<semaphore_mem>>)
        %add3A_371 = arith.constant 80 : i32
        %add3A_372 = arith.addi %multiple_of3A_363, %add3A_371 : i32
        %dma_start3A_373 = arith.constant 80 : i32
        %dma_start3A_374 = arith.constant 0 : i32
        %dma_start3A_375 = tpu.memref_slice %arg16[%dma_start3A_373, %dma_start3A_374] : memref<160x64xi32, #tpu.memory_space<vmem>> -> memref<80x64xi32, #tpu.memory_space<vmem>>
        %dma_start3A_376 = tpu.memref_slice %arg13[%add3A_372] : memref<5120xi32, #tpu.memory_space<vmem>> -> memref<80xi32, #tpu.memory_space<vmem>>
        %dma_start3A_377 = arith.constant 0 : i32
        %dma_start3A_378 = arith.constant 0 : i32
        %dma_start3A_379 = tpu.memref_slice %arg4[%dma_start3A_377, %dma_start3A_378] : memref<50000x64xi32, #tpu.memory_space<hbm>> -> memref<50000x64xi32, #tpu.memory_space<hbm>>
        tpu.enqueue_indirect_dma source(%dma_start3A_379 : memref<50000x64xi32, #tpu.memory_space<hbm>>) target(%dma_start3A_375 : memref<80x64xi32, #tpu.memory_space<vmem>>) offsets(%dma_start3A_376 : memref<80xi32, #tpu.memory_space<vmem>>) semaphore(%arg24 : memref<!tpu.dma_semaphore, #tpu.memory_space<semaphore_mem>>)
      } else {
      }
      %dma_wait3A_251 = arith.constant 0 : i32
      %dma_wait3A_252 = arith.constant 0 : i32
      %dma_wait3A_253 = tpu.memref_slice %arg2[%dma_wait3A_251, %dma_wait3A_252] : memref<50000x64xi32, #tpu.memory_space<hbm>> -> memref<16x64xi32, #tpu.memory_space<hbm>>
      %dma_wait3A_254 = arith.constant 0 : i32
      %dma_wait3A_255 = arith.constant 0 : i32
      %dma_wait3A_256 = tpu.memref_slice %arg2[%dma_wait3A_254, %dma_wait3A_255] : memref<50000x64xi32, #tpu.memory_space<hbm>> -> memref<16x64xi32, #tpu.memory_space<hbm>>
      tpu.wait_dma2 semaphore(%arg25 : memref<!tpu.dma_semaphore, #tpu.memory_space<semaphore_mem>>) src(%dma_wait3A_256 : memref<16x64xi32, #tpu.memory_space<hbm>>) dst(%arg17 : memref<16x64xi32, #tpu.memory_space<vmem>>)
      %dma_wait3A_257 = arith.constant 0 : i32
      %dma_wait3A_258 = arith.constant 0 : i32
      %dma_wait3A_259 = tpu.memref_slice %arg18[%dma_wait3A_257, %dma_wait3A_258] : memref<160x64xi32, #tpu.memory_space<vmem>> -> memref<80x64xi32, #tpu.memory_space<vmem>>
      %dma_wait3A_260 = arith.constant 0 : i32
      %dma_wait3A_261 = arith.constant 0 : i32
      %dma_wait3A_262 = tpu.memref_slice %arg3[%dma_wait3A_260, %dma_wait3A_261] : memref<1000x64xi32, #tpu.memory_space<hbm>> -> memref<80x64xi32, #tpu.memory_space<hbm>>
      %dma_wait3A_263 = arith.constant 0 : i32
      %dma_wait3A_264 = arith.constant 0 : i32
      %dma_wait3A_265 = tpu.memref_slice %arg18[%dma_wait3A_263, %dma_wait3A_264] : memref<160x64xi32, #tpu.memory_space<vmem>> -> memref<80x64xi32, #tpu.memory_space<vmem>>
      %dma_wait3A_266 = arith.constant 0 : i32
      %dma_wait3A_267 = arith.constant 0 : i32
      %dma_wait3A_268 = tpu.memref_slice %arg3[%dma_wait3A_266, %dma_wait3A_267] : memref<1000x64xi32, #tpu.memory_space<hbm>> -> memref<80x64xi32, #tpu.memory_space<hbm>>
      tpu.wait_dma2 semaphore(%arg25 : memref<!tpu.dma_semaphore, #tpu.memory_space<semaphore_mem>>) src(%dma_wait3A_268 : memref<80x64xi32, #tpu.memory_space<hbm>>) dst(%dma_wait3A_265 : memref<80x64xi32, #tpu.memory_space<vmem>>)
      %dma_wait3A_269 = arith.constant 80 : i32
      %dma_wait3A_270 = arith.constant 0 : i32
      %dma_wait3A_271 = tpu.memref_slice %arg18[%dma_wait3A_269, %dma_wait3A_270] : memref<160x64xi32, #tpu.memory_space<vmem>> -> memref<80x64xi32, #tpu.memory_space<vmem>>
      %dma_wait3A_272 = arith.constant 0 : i32
      %dma_wait3A_273 = arith.constant 0 : i32
      %dma_wait3A_274 = tpu.memref_slice %arg3[%dma_wait3A_272, %dma_wait3A_273] : memref<1000x64xi32, #tpu.memory_space<hbm>> -> memref<80x64xi32, #tpu.memory_space<hbm>>
      %dma_wait3A_275 = arith.constant 80 : i32
      %dma_wait3A_276 = arith.constant 0 : i32
      %dma_wait3A_277 = tpu.memref_slice %arg18[%dma_wait3A_275, %dma_wait3A_276] : memref<160x64xi32, #tpu.memory_space<vmem>> -> memref<80x64xi32, #tpu.memory_space<vmem>>
      %dma_wait3A_278 = arith.constant 0 : i32
      %dma_wait3A_279 = arith.constant 0 : i32
      %dma_wait3A_280 = tpu.memref_slice %arg3[%dma_wait3A_278, %dma_wait3A_279] : memref<1000x64xi32, #tpu.memory_space<hbm>> -> memref<80x64xi32, #tpu.memory_space<hbm>>
      tpu.wait_dma2 semaphore(%arg25 : memref<!tpu.dma_semaphore, #tpu.memory_space<semaphore_mem>>) src(%dma_wait3A_280 : memref<80x64xi32, #tpu.memory_space<hbm>>) dst(%dma_wait3A_277 : memref<80x64xi32, #tpu.memory_space<vmem>>)
      %dma_wait3A_281 = arith.constant 0 : i32
      %dma_wait3A_282 = arith.constant 0 : i32
      %dma_wait3A_283 = tpu.memref_slice %arg19[%dma_wait3A_281, %dma_wait3A_282] : memref<160x64xi32, #tpu.memory_space<vmem>> -> memref<80x64xi32, #tpu.memory_space<vmem>>
      %dma_wait3A_284 = arith.constant 0 : i32
      %dma_wait3A_285 = arith.constant 0 : i32
      %dma_wait3A_286 = tpu.memref_slice %arg4[%dma_wait3A_284, %dma_wait3A_285] : memref<50000x64xi32, #tpu.memory_space<hbm>> -> memref<80x64xi32, #tpu.memory_space<hbm>>
      %dma_wait3A_287 = arith.constant 0 : i32
      %dma_wait3A_288 = arith.constant 0 : i32
      %dma_wait3A_289 = tpu.memref_slice %arg19[%dma_wait3A_287, %dma_wait3A_288] : memref<160x64xi32, #tpu.memory_space<vmem>> -> memref<80x64xi32, #tpu.memory_space<vmem>>
      %dma_wait3A_290 = arith.constant 0 : i32
      %dma_wait3A_291 = arith.constant 0 : i32
      %dma_wait3A_292 = tpu.memref_slice %arg4[%dma_wait3A_290, %dma_wait3A_291] : memref<50000x64xi32, #tpu.memory_space<hbm>> -> memref<80x64xi32, #tpu.memory_space<hbm>>
      tpu.wait_dma2 semaphore(%arg25 : memref<!tpu.dma_semaphore, #tpu.memory_space<semaphore_mem>>) src(%dma_wait3A_292 : memref<80x64xi32, #tpu.memory_space<hbm>>) dst(%dma_wait3A_289 : memref<80x64xi32, #tpu.memory_space<vmem>>)
      %dma_wait3A_293 = arith.constant 80 : i32
      %dma_wait3A_294 = arith.constant 0 : i32
      %dma_wait3A_295 = tpu.memref_slice %arg19[%dma_wait3A_293, %dma_wait3A_294] : memref<160x64xi32, #tpu.memory_space<vmem>> -> memref<80x64xi32, #tpu.memory_space<vmem>>
      %dma_wait3A_296 = arith.constant 0 : i32
      %dma_wait3A_297 = arith.constant 0 : i32
      %dma_wait3A_298 = tpu.memref_slice %arg4[%dma_wait3A_296, %dma_wait3A_297] : memref<50000x64xi32, #tpu.memory_space<hbm>> -> memref<80x64xi32, #tpu.memory_space<hbm>>
      %dma_wait3A_299 = arith.constant 80 : i32
      %dma_wait3A_300 = arith.constant 0 : i32
      %dma_wait3A_301 = tpu.memref_slice %arg19[%dma_wait3A_299, %dma_wait3A_300] : memref<160x64xi32, #tpu.memory_space<vmem>> -> memref<80x64xi32, #tpu.memory_space<vmem>>
      %dma_wait3A_302 = arith.constant 0 : i32
      %dma_wait3A_303 = arith.constant 0 : i32
      %dma_wait3A_304 = tpu.memref_slice %arg4[%dma_wait3A_302, %dma_wait3A_303] : memref<50000x64xi32, #tpu.memory_space<hbm>> -> memref<80x64xi32, #tpu.memory_space<hbm>>
      tpu.wait_dma2 semaphore(%arg25 : memref<!tpu.dma_semaphore, #tpu.memory_space<semaphore_mem>>) src(%dma_wait3A_304 : memref<80x64xi32, #tpu.memory_space<hbm>>) dst(%dma_wait3A_301 : memref<80x64xi32, #tpu.memory_space<vmem>>)
      %scan3A_305 = arith.constant 0 : i32
      %scan3A_306 = arith.constant 0 : i32
      %scan3A_307 = arith.constant 16 : i32
      %scan3A_308 = arith.addi %scan3A_306, %scan3A_307 : i32
      %scan3A_309 = arith.constant 1 : i32
      scf.for %scan3A_333 = %scan3A_306 to %scan3A_308 step %scan3A_309  : i32 {
        %mul3A_334 = arith.constant 10 : i32
        %mul3A_335 = arith.muli %scan3A_333, %mul3A_334 : i32
        %add3A_336 = arith.constant 0 : i32
        %add3A_337 = arith.addi %mul3A_335, %add3A_336 : i32
        %get3A = arith.index_cast %add3A_337 : i32 to index
        %get3A_338 = arith.constant 0 : index
        %get3A_339 = tpu.vector_load %arg18[%get3A, %get3A_338] {strides = array<i32>} : memref<160x64xi32, #tpu.memory_space<vmem>>, vector<16xi32>,
        %bitcast3A = vector.bitcast %get3A_339 : vector<16xi32> to vector<32xbf16>
        %add3A_340 = arith.constant 1 : i32
        %add3A_341 = arith.addi %mul3A_335, %add3A_340 : i32
        %get3A_342 = arith.index_cast %add3A_341 : i32 to index
        %get3A_343 = arith.constant 0 : index
        %get3A_344 = tpu.vector_load %arg18[%get3A_342, %get3A_343] {strides = array<i32>} : memref<160x64xi32, #tpu.memory_space<vmem>>, vector<16xi32>,
        %bitcast3A_345 = vector.bitcast %get3A_344 : vector<16xi32> to vector<32xbf16>
        %add3A_346 = arith.constant 2 : i32
        %add3A_347 = arith.addi %mul3A_335, %add3A_346 : i32
        %get3A_348 = arith.index_cast %add3A_347 : i32 to index
        %get3A_349 = arith.constant 0 : index
        %get3A_350 = tpu.vector_load %arg18[%get3A_348, %get3A_349] {strides = array<i32>} : memref<160x64xi32, #tpu.memory_space<vmem>>, vector<16xi32>,
        %bitcast3A_351 = vector.bitcast %get3A_350 : vector<16xi32> to vector<32xbf16>
        %add3A_352 = arith.constant 3 : i32
        %add3A_353 = arith.addi %mul3A_335, %add3A_352 : i32
        %get3A_354 = arith.index_cast %add3A_353 : i32 to index
        %get3A_355 = arith.constant 0 : index
        %get3A_356 = tpu.vector_load %arg18[%get3A_354, %get3A_355] {strides = array<i32>} : memref<160x64xi32, #tpu.memory_space<vmem>>, vector<16xi32>,
        %bitcast3A_357 = vector.bitcast %get3A_356 : vector<16xi32> to vector<32xbf16>
        %add3A_358 = arith.constant 4 : i32
        %add3A_359 = arith.addi %mul3A_335, %add3A_358 : i32
        %get3A_360 = arith.index_cast %add3A_359 : i32 to index
        %get3A_361 = arith.constant 0 : index
        %get3A_362 = tpu.vector_load %arg18[%get3A_360, %get3A_361] {strides = array<i32>} : memref<160x64xi32, #tpu.memory_space<vmem>>, vector<16xi32>,
        %bitcast3A_363 = vector.bitcast %get3A_362 : vector<16xi32> to vector<32xbf16>
        %add3A_364 = arith.constant 5 : i32
        %add3A_365 = arith.addi %mul3A_335, %add3A_364 : i32
        %get3A_366 = arith.index_cast %add3A_365 : i32 to index
        %get3A_367 = arith.constant 0 : index
        %get3A_368 = tpu.vector_load %arg18[%get3A_366, %get3A_367] {strides = array<i32>} : memref<160x64xi32, #tpu.memory_space<vmem>>, vector<16xi32>,
        %bitcast3A_369 = vector.bitcast %get3A_368 : vector<16xi32> to vector<32xbf16>
        %add3A_370 = arith.constant 6 : i32
        %add3A_371 = arith.addi %mul3A_335, %add3A_370 : i32
        %get3A_372 = arith.index_cast %add3A_371 : i32 to index
        %get3A_373 = arith.constant 0 : index
        %get3A_374 = tpu.vector_load %arg18[%get3A_372, %get3A_373] {strides = array<i32>} : memref<160x64xi32, #tpu.memory_space<vmem>>, vector<16xi32>,
        %bitcast3A_375 = vector.bitcast %get3A_374 : vector<16xi32> to vector<32xbf16>
        %add3A_376 = arith.constant 7 : i32
        %add3A_377 = arith.addi %mul3A_335, %add3A_376 : i32
        %get3A_378 = arith.index_cast %add3A_377 : i32 to index
        %get3A_379 = arith.constant 0 : index
        %get3A_380 = tpu.vector_load %arg18[%get3A_378, %get3A_379] {strides = array<i32>} : memref<160x64xi32, #tpu.memory_space<vmem>>, vector<16xi32>,
        %bitcast3A_381 = vector.bitcast %get3A_380 : vector<16xi32> to vector<32xbf16>
        %add3A_382 = arith.constant 8 : i32
        %add3A_383 = arith.addi %mul3A_335, %add3A_382 : i32
        %get3A_384 = arith.index_cast %add3A_383 : i32 to index
        %get3A_385 = arith.constant 0 : index
        %get3A_386 = tpu.vector_load %arg18[%get3A_384, %get3A_385] {strides = array<i32>} : memref<160x64xi32, #tpu.memory_space<vmem>>, vector<16xi32>,
        %bitcast3A_387 = vector.bitcast %get3A_386 : vector<16xi32> to vector<32xbf16>
        %add3A_388 = arith.constant 9 : i32
        %add3A_389 = arith.addi %mul3A_335, %add3A_388 : i32
        %get3A_390 = arith.index_cast %add3A_389 : i32 to index
        %get3A_391 = arith.constant 0 : index
        %get3A_392 = tpu.vector_load %arg18[%get3A_390, %get3A_391] {strides = array<i32>} : memref<160x64xi32, #tpu.memory_space<vmem>>, vector<16xi32>,
        %bitcast3A_393 = vector.bitcast %get3A_392 : vector<16xi32> to vector<32xbf16>
        %add3A_394 = arith.addf %bitcast3A, %bitcast3A_345 : vector<32xbf16>
        %add3A_395 = arith.addf %bitcast3A_351, %bitcast3A_357 : vector<32xbf16>
        %add3A_396 = arith.addf %bitcast3A_363, %bitcast3A_369 : vector<32xbf16>
        %add3A_397 = arith.addf %bitcast3A_375, %bitcast3A_381 : vector<32xbf16>
        %add3A_398 = arith.addf %bitcast3A_387, %bitcast3A_393 : vector<32xbf16>
        %add3A_399 = arith.addf %add3A_394, %add3A_395 : vector<32xbf16>
        %add3A_400 = arith.addf %add3A_396, %add3A_397 : vector<32xbf16>
        %add3A_401 = arith.addf %add3A_399, %add3A_400 : vector<32xbf16>
        %add3A_402 = arith.addf %add3A_401, %add3A_398 : vector<32xbf16>
        %bitcast3A_403 = vector.bitcast %add3A_402 : vector<32xbf16> to vector<16xi32>
        %swap3A = arith.index_cast %scan3A_333 : i32 to index
        %swap3A_404 = arith.constant 0 : index
        %swap3A_405 = tpu.vector_load %arg22[%swap3A, %swap3A_404] {strides = array<i32>} : memref<16x64xi32, #tpu.memory_space<vmem>>, vector<16xi32>,
        tpu.vector_store %arg22[%swap3A, %swap3A_404], %bitcast3A_403 {strides = array<i32>} : memref<16x64xi32, #tpu.memory_space<vmem>>, vector<16xi32>,
        %add3A_406 = arith.constant 0 : i32
        %add3A_407 = arith.addi %mul3A_335, %add3A_406 : i32
        %get3A_408 = arith.index_cast %add3A_407 : i32 to index
        %get3A_409 = arith.constant 16 : index
        %get3A_410 = tpu.vector_load %arg18[%get3A_408, %get3A_409] {strides = array<i32>} : memref<160x64xi32, #tpu.memory_space<vmem>>, vector<16xi32>,
        %bitcast3A_411 = vector.bitcast %get3A_410 : vector<16xi32> to vector<32xbf16>
        %add3A_412 = arith.constant 1 : i32
        %add3A_413 = arith.addi %mul3A_335, %add3A_412 : i32
        %get3A_414 = arith.index_cast %add3A_413 : i32 to index
        %get3A_415 = arith.constant 16 : index
        %get3A_416 = tpu.vector_load %arg18[%get3A_414, %get3A_415] {strides = array<i32>} : memref<160x64xi32, #tpu.memory_space<vmem>>, vector<16xi32>,
        %bitcast3A_417 = vector.bitcast %get3A_416 : vector<16xi32> to vector<32xbf16>
        %add3A_418 = arith.constant 2 : i32
        %add3A_419 = arith.addi %mul3A_335, %add3A_418 : i32
        %get3A_420 = arith.index_cast %add3A_419 : i32 to index
        %get3A_421 = arith.constant 16 : index
        %get3A_422 = tpu.vector_load %arg18[%get3A_420, %get3A_421] {strides = array<i32>} : memref<160x64xi32, #tpu.memory_space<vmem>>, vector<16xi32>,
        %bitcast3A_423 = vector.bitcast %get3A_422 : vector<16xi32> to vector<32xbf16>
        %add3A_424 = arith.constant 3 : i32
        %add3A_425 = arith.addi %mul3A_335, %add3A_424 : i32
        %get3A_426 = arith.index_cast %add3A_425 : i32 to index
        %get3A_427 = arith.constant 16 : index
        %get3A_428 = tpu.vector_load %arg18[%get3A_426, %get3A_427] {strides = array<i32>} : memref<160x64xi32, #tpu.memory_space<vmem>>, vector<16xi32>,
        %bitcast3A_429 = vector.bitcast %get3A_428 : vector<16xi32> to vector<32xbf16>
        %add3A_430 = arith.constant 4 : i32
        %add3A_431 = arith.addi %mul3A_335, %add3A_430 : i32
        %get3A_432 = arith.index_cast %add3A_431 : i32 to index
        %get3A_433 = arith.constant 16 : index
        %get3A_434 = tpu.vector_load %arg18[%get3A_432, %get3A_433] {strides = array<i32>} : memref<160x64xi32, #tpu.memory_space<vmem>>, vector<16xi32>,
        %bitcast3A_435 = vector.bitcast %get3A_434 : vector<16xi32> to vector<32xbf16>
        %add3A_436 = arith.constant 5 : i32
        %add3A_437 = arith.addi %mul3A_335, %add3A_436 : i32
        %get3A_438 = arith.index_cast %add3A_437 : i32 to index
        %get3A_439 = arith.constant 16 : index
        %get3A_440 = tpu.vector_load %arg18[%get3A_438, %get3A_439] {strides = array<i32>} : memref<160x64xi32, #tpu.memory_space<vmem>>, vector<16xi32>,
        %bitcast3A_441 = vector.bitcast %get3A_440 : vector<16xi32> to vector<32xbf16>
        %add3A_442 = arith.constant 6 : i32
        %add3A_443 = arith.addi %mul3A_335, %add3A_442 : i32
        %get3A_444 = arith.index_cast %add3A_443 : i32 to index
        %get3A_445 = arith.constant 16 : index
        %get3A_446 = tpu.vector_load %arg18[%get3A_444, %get3A_445] {strides = array<i32>} : memref<160x64xi32, #tpu.memory_space<vmem>>, vector<16xi32>,
        %bitcast3A_447 = vector.bitcast %get3A_446 : vector<16xi32> to vector<32xbf16>
        %add3A_448 = arith.constant 7 : i32
        %add3A_449 = arith.addi %mul3A_335, %add3A_448 : i32
        %get3A_450 = arith.index_cast %add3A_449 : i32 to index
        %get3A_451 = arith.constant 16 : index
        %get3A_452 = tpu.vector_load %arg18[%get3A_450, %get3A_451] {strides = array<i32>} : memref<160x64xi32, #tpu.memory_space<vmem>>, vector<16xi32>,
        %bitcast3A_453 = vector.bitcast %get3A_452 : vector<16xi32> to vector<32xbf16>
        %add3A_454 = arith.constant 8 : i32
        %add3A_455 = arith.addi %mul3A_335, %add3A_454 : i32
        %get3A_456 = arith.index_cast %add3A_455 : i32 to index
        %get3A_457 = arith.constant 16 : index
        %get3A_458 = tpu.vector_load %arg18[%get3A_456, %get3A_457] {strides = array<i32>} : memref<160x64xi32, #tpu.memory_space<vmem>>, vector<16xi32>,
        %bitcast3A_459 = vector.bitcast %get3A_458 : vector<16xi32> to vector<32xbf16>
        %add3A_460 = arith.constant 9 : i32
        %add3A_461 = arith.addi %mul3A_335, %add3A_460 : i32
        %get3A_462 = arith.index_cast %add3A_461 : i32 to index
        %get3A_463 = arith.constant 16 : index
        %get3A_464 = tpu.vector_load %arg18[%get3A_462, %get3A_463] {strides = array<i32>} : memref<160x64xi32, #tpu.memory_space<vmem>>, vector<16xi32>,
        %bitcast3A_465 = vector.bitcast %get3A_464 : vector<16xi32> to vector<32xbf16>
        %add3A_466 = arith.addf %bitcast3A_411, %bitcast3A_417 : vector<32xbf16>
        %add3A_467 = arith.addf %bitcast3A_423, %bitcast3A_429 : vector<32xbf16>
        %add3A_468 = arith.addf %bitcast3A_435, %bitcast3A_441 : vector<32xbf16>
        %add3A_469 = arith.addf %bitcast3A_447, %bitcast3A_453 : vector<32xbf16>
        %add3A_470 = arith.addf %bitcast3A_459, %bitcast3A_465 : vector<32xbf16>
        %add3A_471 = arith.addf %add3A_466, %add3A_467 : vector<32xbf16>
        %add3A_472 = arith.addf %add3A_468, %add3A_469 : vector<32xbf16>
        %add3A_473 = arith.addf %add3A_471, %add3A_472 : vector<32xbf16>
        %add3A_474 = arith.addf %add3A_473, %add3A_470 : vector<32xbf16>
        %bitcast3A_475 = vector.bitcast %add3A_474 : vector<32xbf16> to vector<16xi32>
        %swap3A_476 = arith.index_cast %scan3A_333 : i32 to index
        %swap3A_477 = arith.constant 16 : index
        %swap3A_478 = tpu.vector_load %arg22[%swap3A_476, %swap3A_477] {strides = array<i32>} : memref<16x64xi32, #tpu.memory_space<vmem>>, vector<16xi32>,
        tpu.vector_store %arg22[%swap3A_476, %swap3A_477], %bitcast3A_475 {strides = array<i32>} : memref<16x64xi32, #tpu.memory_space<vmem>>, vector<16xi32>,
        %add3A_479 = arith.constant 0 : i32
        %add3A_480 = arith.addi %mul3A_335, %add3A_479 : i32
        %get3A_481 = arith.index_cast %add3A_480 : i32 to index
        %get3A_482 = arith.constant 32 : index
        %get3A_483 = tpu.vector_load %arg18[%get3A_481, %get3A_482] {strides = array<i32>} : memref<160x64xi32, #tpu.memory_space<vmem>>, vector<16xi32>,
        %bitcast3A_484 = vector.bitcast %get3A_483 : vector<16xi32> to vector<32xbf16>
        %add3A_485 = arith.constant 1 : i32
        %add3A_486 = arith.addi %mul3A_335, %add3A_485 : i32
        %get3A_487 = arith.index_cast %add3A_486 : i32 to index
        %get3A_488 = arith.constant 32 : index
        %get3A_489 = tpu.vector_load %arg18[%get3A_487, %get3A_488] {strides = array<i32>} : memref<160x64xi32, #tpu.memory_space<vmem>>, vector<16xi32>,
        %bitcast3A_490 = vector.bitcast %get3A_489 : vector<16xi32> to vector<32xbf16>
        %add3A_491 = arith.constant 2 : i32
        %add3A_492 = arith.addi %mul3A_335, %add3A_491 : i32
        %get3A_493 = arith.index_cast %add3A_492 : i32 to index
        %get3A_494 = arith.constant 32 : index
        %get3A_495 = tpu.vector_load %arg18[%get3A_493, %get3A_494] {strides = array<i32>} : memref<160x64xi32, #tpu.memory_space<vmem>>, vector<16xi32>,
        %bitcast3A_496 = vector.bitcast %get3A_495 : vector<16xi32> to vector<32xbf16>
        %add3A_497 = arith.constant 3 : i32
        %add3A_498 = arith.addi %mul3A_335, %add3A_497 : i32
        %get3A_499 = arith.index_cast %add3A_498 : i32 to index
        %get3A_500 = arith.constant 32 : index
        %get3A_501 = tpu.vector_load %arg18[%get3A_499, %get3A_500] {strides = array<i32>} : memref<160x64xi32, #tpu.memory_space<vmem>>, vector<16xi32>,
        %bitcast3A_502 = vector.bitcast %get3A_501 : vector<16xi32> to vector<32xbf16>
        %add3A_503 = arith.constant 4 : i32
        %add3A_504 = arith.addi %mul3A_335, %add3A_503 : i32
        %get3A_505 = arith.index_cast %add3A_504 : i32 to index
        %get3A_506 = arith.constant 32 : index
        %get3A_507 = tpu.vector_load %arg18[%get3A_505, %get3A_506] {strides = array<i32>} : memref<160x64xi32, #tpu.memory_space<vmem>>, vector<16xi32>,
        %bitcast3A_508 = vector.bitcast %get3A_507 : vector<16xi32> to vector<32xbf16>
        %add3A_509 = arith.constant 5 : i32
        %add3A_510 = arith.addi %mul3A_335, %add3A_509 : i32
        %get3A_511 = arith.index_cast %add3A_510 : i32 to index
        %get3A_512 = arith.constant 32 : index
        %get3A_513 = tpu.vector_load %arg18[%get3A_511, %get3A_512] {strides = array<i32>} : memref<160x64xi32, #tpu.memory_space<vmem>>, vector<16xi32>,
        %bitcast3A_514 = vector.bitcast %get3A_513 : vector<16xi32> to vector<32xbf16>
        %add3A_515 = arith.constant 6 : i32
        %add3A_516 = arith.addi %mul3A_335, %add3A_515 : i32
        %get3A_517 = arith.index_cast %add3A_516 : i32 to index
        %get3A_518 = arith.constant 32 : index
        %get3A_519 = tpu.vector_load %arg18[%get3A_517, %get3A_518] {strides = array<i32>} : memref<160x64xi32, #tpu.memory_space<vmem>>, vector<16xi32>,
        %bitcast3A_520 = vector.bitcast %get3A_519 : vector<16xi32> to vector<32xbf16>
        %add3A_521 = arith.constant 7 : i32
        %add3A_522 = arith.addi %mul3A_335, %add3A_521 : i32
        %get3A_523 = arith.index_cast %add3A_522 : i32 to index
        %get3A_524 = arith.constant 32 : index
        %get3A_525 = tpu.vector_load %arg18[%get3A_523, %get3A_524] {strides = array<i32>} : memref<160x64xi32, #tpu.memory_space<vmem>>, vector<16xi32>,
        %bitcast3A_526 = vector.bitcast %get3A_525 : vector<16xi32> to vector<32xbf16>
        %add3A_527 = arith.constant 8 : i32
        %add3A_528 = arith.addi %mul3A_335, %add3A_527 : i32
        %get3A_529 = arith.index_cast %add3A_528 : i32 to index
        %get3A_530 = arith.constant 32 : index
        %get3A_531 = tpu.vector_load %arg18[%get3A_529, %get3A_530] {strides = array<i32>} : memref<160x64xi32, #tpu.memory_space<vmem>>, vector<16xi32>,
        %bitcast3A_532 = vector.bitcast %get3A_531 : vector<16xi32> to vector<32xbf16>
        %add3A_533 = arith.constant 9 : i32
        %add3A_534 = arith.addi %mul3A_335, %add3A_533 : i32
        %get3A_535 = arith.index_cast %add3A_534 : i32 to index
        %get3A_536 = arith.constant 32 : index
        %get3A_537 = tpu.vector_load %arg18[%get3A_535, %get3A_536] {strides = array<i32>} : memref<160x64xi32, #tpu.memory_space<vmem>>, vector<16xi32>,
        %bitcast3A_538 = vector.bitcast %get3A_537 : vector<16xi32> to vector<32xbf16>
        %add3A_539 = arith.addf %bitcast3A_484, %bitcast3A_490 : vector<32xbf16>
        %add3A_540 = arith.addf %bitcast3A_496, %bitcast3A_502 : vector<32xbf16>
        %add3A_541 = arith.addf %bitcast3A_508, %bitcast3A_514 : vector<32xbf16>
        %add3A_542 = arith.addf %bitcast3A_520, %bitcast3A_526 : vector<32xbf16>
        %add3A_543 = arith.addf %bitcast3A_532, %bitcast3A_538 : vector<32xbf16>
        %add3A_544 = arith.addf %add3A_539, %add3A_540 : vector<32xbf16>
        %add3A_545 = arith.addf %add3A_541, %add3A_542 : vector<32xbf16>
        %add3A_546 = arith.addf %add3A_544, %add3A_545 : vector<32xbf16>
        %add3A_547 = arith.addf %add3A_546, %add3A_543 : vector<32xbf16>
        %bitcast3A_548 = vector.bitcast %add3A_547 : vector<32xbf16> to vector<16xi32>
        %swap3A_549 = arith.index_cast %scan3A_333 : i32 to index
        %swap3A_550 = arith.constant 32 : index
        %swap3A_551 = tpu.vector_load %arg22[%swap3A_549, %swap3A_550] {strides = array<i32>} : memref<16x64xi32, #tpu.memory_space<vmem>>, vector<16xi32>,
        tpu.vector_store %arg22[%swap3A_549, %swap3A_550], %bitcast3A_548 {strides = array<i32>} : memref<16x64xi32, #tpu.memory_space<vmem>>, vector<16xi32>,
        %add3A_552 = arith.constant 0 : i32
        %add3A_553 = arith.addi %mul3A_335, %add3A_552 : i32
        %get3A_554 = arith.index_cast %add3A_553 : i32 to index
        %get3A_555 = arith.constant 48 : index
        %get3A_556 = tpu.vector_load %arg18[%get3A_554, %get3A_555] {strides = array<i32>} : memref<160x64xi32, #tpu.memory_space<vmem>>, vector<16xi32>,
        %bitcast3A_557 = vector.bitcast %get3A_556 : vector<16xi32> to vector<32xbf16>
        %add3A_558 = arith.constant 1 : i32
        %add3A_559 = arith.addi %mul3A_335, %add3A_558 : i32
        %get3A_560 = arith.index_cast %add3A_559 : i32 to index
        %get3A_561 = arith.constant 48 : index
        %get3A_562 = tpu.vector_load %arg18[%get3A_560, %get3A_561] {strides = array<i32>} : memref<160x64xi32, #tpu.memory_space<vmem>>, vector<16xi32>,
        %bitcast3A_563 = vector.bitcast %get3A_562 : vector<16xi32> to vector<32xbf16>
        %add3A_564 = arith.constant 2 : i32
        %add3A_565 = arith.addi %mul3A_335, %add3A_564 : i32
        %get3A_566 = arith.index_cast %add3A_565 : i32 to index
        %get3A_567 = arith.constant 48 : index
        %get3A_568 = tpu.vector_load %arg18[%get3A_566, %get3A_567] {strides = array<i32>} : memref<160x64xi32, #tpu.memory_space<vmem>>, vector<16xi32>,
        %bitcast3A_569 = vector.bitcast %get3A_568 : vector<16xi32> to vector<32xbf16>
        %add3A_570 = arith.constant 3 : i32
        %add3A_571 = arith.addi %mul3A_335, %add3A_570 : i32
        %get3A_572 = arith.index_cast %add3A_571 : i32 to index
        %get3A_573 = arith.constant 48 : index
        %get3A_574 = tpu.vector_load %arg18[%get3A_572, %get3A_573] {strides = array<i32>} : memref<160x64xi32, #tpu.memory_space<vmem>>, vector<16xi32>,
        %bitcast3A_575 = vector.bitcast %get3A_574 : vector<16xi32> to vector<32xbf16>
        %add3A_576 = arith.constant 4 : i32
        %add3A_577 = arith.addi %mul3A_335, %add3A_576 : i32
        %get3A_578 = arith.index_cast %add3A_577 : i32 to index
        %get3A_579 = arith.constant 48 : index
        %get3A_580 = tpu.vector_load %arg18[%get3A_578, %get3A_579] {strides = array<i32>} : memref<160x64xi32, #tpu.memory_space<vmem>>, vector<16xi32>,
        %bitcast3A_581 = vector.bitcast %get3A_580 : vector<16xi32> to vector<32xbf16>
        %add3A_582 = arith.constant 5 : i32
        %add3A_583 = arith.addi %mul3A_335, %add3A_582 : i32
        %get3A_584 = arith.index_cast %add3A_583 : i32 to index
        %get3A_585 = arith.constant 48 : index
        %get3A_586 = tpu.vector_load %arg18[%get3A_584, %get3A_585] {strides = array<i32>} : memref<160x64xi32, #tpu.memory_space<vmem>>, vector<16xi32>,
        %bitcast3A_587 = vector.bitcast %get3A_586 : vector<16xi32> to vector<32xbf16>
        %add3A_588 = arith.constant 6 : i32
        %add3A_589 = arith.addi %mul3A_335, %add3A_588 : i32
        %get3A_590 = arith.index_cast %add3A_589 : i32 to index
        %get3A_591 = arith.constant 48 : index
        %get3A_592 = tpu.vector_load %arg18[%get3A_590, %get3A_591] {strides = array<i32>} : memref<160x64xi32, #tpu.memory_space<vmem>>, vector<16xi32>,
        %bitcast3A_593 = vector.bitcast %get3A_592 : vector<16xi32> to vector<32xbf16>
        %add3A_594 = arith.constant 7 : i32
        %add3A_595 = arith.addi %mul3A_335, %add3A_594 : i32
        %get3A_596 = arith.index_cast %add3A_595 : i32 to index
        %get3A_597 = arith.constant 48 : index
        %get3A_598 = tpu.vector_load %arg18[%get3A_596, %get3A_597] {strides = array<i32>} : memref<160x64xi32, #tpu.memory_space<vmem>>, vector<16xi32>,
        %bitcast3A_599 = vector.bitcast %get3A_598 : vector<16xi32> to vector<32xbf16>
        %add3A_600 = arith.constant 8 : i32
        %add3A_601 = arith.addi %mul3A_335, %add3A_600 : i32
        %get3A_602 = arith.index_cast %add3A_601 : i32 to index
        %get3A_603 = arith.constant 48 : index
        %get3A_604 = tpu.vector_load %arg18[%get3A_602, %get3A_603] {strides = array<i32>} : memref<160x64xi32, #tpu.memory_space<vmem>>, vector<16xi32>,
        %bitcast3A_605 = vector.bitcast %get3A_604 : vector<16xi32> to vector<32xbf16>
        %add3A_606 = arith.constant 9 : i32
        %add3A_607 = arith.addi %mul3A_335, %add3A_606 : i32
        %get3A_608 = arith.index_cast %add3A_607 : i32 to index
        %get3A_609 = arith.constant 48 : index
        %get3A_610 = tpu.vector_load %arg18[%get3A_608, %get3A_609] {strides = array<i32>} : memref<160x64xi32, #tpu.memory_space<vmem>>, vector<16xi32>,
        %bitcast3A_611 = vector.bitcast %get3A_610 : vector<16xi32> to vector<32xbf16>
        %add3A_612 = arith.addf %bitcast3A_557, %bitcast3A_563 : vector<32xbf16>
        %add3A_613 = arith.addf %bitcast3A_569, %bitcast3A_575 : vector<32xbf16>
        %add3A_614 = arith.addf %bitcast3A_581, %bitcast3A_587 : vector<32xbf16>
        %add3A_615 = arith.addf %bitcast3A_593, %bitcast3A_599 : vector<32xbf16>
        %add3A_616 = arith.addf %bitcast3A_605, %bitcast3A_611 : vector<32xbf16>
        %add3A_617 = arith.addf %add3A_612, %add3A_613 : vector<32xbf16>
        %add3A_618 = arith.addf %add3A_614, %add3A_615 : vector<32xbf16>
        %add3A_619 = arith.addf %add3A_617, %add3A_618 : vector<32xbf16>
        %add3A_620 = arith.addf %add3A_619, %add3A_616 : vector<32xbf16>
        %bitcast3A_621 = vector.bitcast %add3A_620 : vector<32xbf16> to vector<16xi32>
        %swap3A_622 = arith.index_cast %scan3A_333 : i32 to index
        %swap3A_623 = arith.constant 48 : index
        %swap3A_624 = tpu.vector_load %arg22[%swap3A_622, %swap3A_623] {strides = array<i32>} : memref<16x64xi32, #tpu.memory_space<vmem>>, vector<16xi32>,
        tpu.vector_store %arg22[%swap3A_622, %swap3A_623], %bitcast3A_621 {strides = array<i32>} : memref<16x64xi32, #tpu.memory_space<vmem>>, vector<16xi32>,
      }
      %scan3A_310 = arith.constant 16 : i32
      %scan3A_311 = arith.constant 0 : i32
      %scan3A_312 = arith.constant 0 : i32
      %scan3A_313 = arith.constant 16 : i32
      %scan3A_314 = arith.addi %scan3A_312, %scan3A_313 : i32
      %scan3A_315 = arith.constant 1 : i32
      scf.for %scan3A_333 = %scan3A_312 to %scan3A_314 step %scan3A_315  : i32 {
        %mul3A_334 = arith.constant 10 : i32
        %mul3A_335 = arith.muli %scan3A_333, %mul3A_334 : i32
        %add3A_336 = arith.constant 0 : i32
        %add3A_337 = arith.addi %mul3A_335, %add3A_336 : i32
        %get3A = arith.index_cast %add3A_337 : i32 to index
        %get3A_338 = arith.constant 0 : index
        %get3A_339 = tpu.vector_load %arg19[%get3A, %get3A_338] {strides = array<i32>} : memref<160x64xi32, #tpu.memory_space<vmem>>, vector<16xi32>,
        %bitcast3A = vector.bitcast %get3A_339 : vector<16xi32> to vector<32xbf16>
        %add3A_340 = arith.constant 1 : i32
        %add3A_341 = arith.addi %mul3A_335, %add3A_340 : i32
        %get3A_342 = arith.index_cast %add3A_341 : i32 to index
        %get3A_343 = arith.constant 0 : index
        %get3A_344 = tpu.vector_load %arg19[%get3A_342, %get3A_343] {strides = array<i32>} : memref<160x64xi32, #tpu.memory_space<vmem>>, vector<16xi32>,
        %bitcast3A_345 = vector.bitcast %get3A_344 : vector<16xi32> to vector<32xbf16>
        %add3A_346 = arith.constant 2 : i32
        %add3A_347 = arith.addi %mul3A_335, %add3A_346 : i32
        %get3A_348 = arith.index_cast %add3A_347 : i32 to index
        %get3A_349 = arith.constant 0 : index
        %get3A_350 = tpu.vector_load %arg19[%get3A_348, %get3A_349] {strides = array<i32>} : memref<160x64xi32, #tpu.memory_space<vmem>>, vector<16xi32>,
        %bitcast3A_351 = vector.bitcast %get3A_350 : vector<16xi32> to vector<32xbf16>
        %add3A_352 = arith.constant 3 : i32
        %add3A_353 = arith.addi %mul3A_335, %add3A_352 : i32
        %get3A_354 = arith.index_cast %add3A_353 : i32 to index
        %get3A_355 = arith.constant 0 : index
        %get3A_356 = tpu.vector_load %arg19[%get3A_354, %get3A_355] {strides = array<i32>} : memref<160x64xi32, #tpu.memory_space<vmem>>, vector<16xi32>,
        %bitcast3A_357 = vector.bitcast %get3A_356 : vector<16xi32> to vector<32xbf16>
        %add3A_358 = arith.constant 4 : i32
        %add3A_359 = arith.addi %mul3A_335, %add3A_358 : i32
        %get3A_360 = arith.index_cast %add3A_359 : i32 to index
        %get3A_361 = arith.constant 0 : index
        %get3A_362 = tpu.vector_load %arg19[%get3A_360, %get3A_361] {strides = array<i32>} : memref<160x64xi32, #tpu.memory_space<vmem>>, vector<16xi32>,
        %bitcast3A_363 = vector.bitcast %get3A_362 : vector<16xi32> to vector<32xbf16>
        %add3A_364 = arith.constant 5 : i32
        %add3A_365 = arith.addi %mul3A_335, %add3A_364 : i32
        %get3A_366 = arith.index_cast %add3A_365 : i32 to index
        %get3A_367 = arith.constant 0 : index
        %get3A_368 = tpu.vector_load %arg19[%get3A_366, %get3A_367] {strides = array<i32>} : memref<160x64xi32, #tpu.memory_space<vmem>>, vector<16xi32>,
        %bitcast3A_369 = vector.bitcast %get3A_368 : vector<16xi32> to vector<32xbf16>
        %add3A_370 = arith.constant 6 : i32
        %add3A_371 = arith.addi %mul3A_335, %add3A_370 : i32
        %get3A_372 = arith.index_cast %add3A_371 : i32 to index
        %get3A_373 = arith.constant 0 : index
        %get3A_374 = tpu.vector_load %arg19[%get3A_372, %get3A_373] {strides = array<i32>} : memref<160x64xi32, #tpu.memory_space<vmem>>, vector<16xi32>,
        %bitcast3A_375 = vector.bitcast %get3A_374 : vector<16xi32> to vector<32xbf16>
        %add3A_376 = arith.constant 7 : i32
        %add3A_377 = arith.addi %mul3A_335, %add3A_376 : i32
        %get3A_378 = arith.index_cast %add3A_377 : i32 to index
        %get3A_379 = arith.constant 0 : index
        %get3A_380 = tpu.vector_load %arg19[%get3A_378, %get3A_379] {strides = array<i32>} : memref<160x64xi32, #tpu.memory_space<vmem>>, vector<16xi32>,
        %bitcast3A_381 = vector.bitcast %get3A_380 : vector<16xi32> to vector<32xbf16>
        %add3A_382 = arith.constant 8 : i32
        %add3A_383 = arith.addi %mul3A_335, %add3A_382 : i32
        %get3A_384 = arith.index_cast %add3A_383 : i32 to index
        %get3A_385 = arith.constant 0 : index
        %get3A_386 = tpu.vector_load %arg19[%get3A_384, %get3A_385] {strides = array<i32>} : memref<160x64xi32, #tpu.memory_space<vmem>>, vector<16xi32>,
        %bitcast3A_387 = vector.bitcast %get3A_386 : vector<16xi32> to vector<32xbf16>
        %add3A_388 = arith.constant 9 : i32
        %add3A_389 = arith.addi %mul3A_335, %add3A_388 : i32
        %get3A_390 = arith.index_cast %add3A_389 : i32 to index
        %get3A_391 = arith.constant 0 : index
        %get3A_392 = tpu.vector_load %arg19[%get3A_390, %get3A_391] {strides = array<i32>} : memref<160x64xi32, #tpu.memory_space<vmem>>, vector<16xi32>,
        %bitcast3A_393 = vector.bitcast %get3A_392 : vector<16xi32> to vector<32xbf16>
        %add3A_394 = arith.addf %bitcast3A, %bitcast3A_345 : vector<32xbf16>
        %add3A_395 = arith.addf %bitcast3A_351, %bitcast3A_357 : vector<32xbf16>
        %add3A_396 = arith.addf %bitcast3A_363, %bitcast3A_369 : vector<32xbf16>
        %add3A_397 = arith.addf %bitcast3A_375, %bitcast3A_381 : vector<32xbf16>
        %add3A_398 = arith.addf %bitcast3A_387, %bitcast3A_393 : vector<32xbf16>
        %add3A_399 = arith.addf %add3A_394, %add3A_395 : vector<32xbf16>
        %add3A_400 = arith.addf %add3A_396, %add3A_397 : vector<32xbf16>
        %add3A_401 = arith.addf %add3A_399, %add3A_400 : vector<32xbf16>
        %add3A_402 = arith.addf %add3A_401, %add3A_398 : vector<32xbf16>
        %bitcast3A_403 = vector.bitcast %add3A_402 : vector<32xbf16> to vector<16xi32>
        %swap3A = arith.index_cast %scan3A_333 : i32 to index
        %swap3A_404 = arith.constant 0 : index
        %swap3A_405 = tpu.vector_load %arg23[%swap3A, %swap3A_404] {strides = array<i32>} : memref<16x64xi32, #tpu.memory_space<vmem>>, vector<16xi32>,
        tpu.vector_store %arg23[%swap3A, %swap3A_404], %bitcast3A_403 {strides = array<i32>} : memref<16x64xi32, #tpu.memory_space<vmem>>, vector<16xi32>,
        %add3A_406 = arith.constant 0 : i32
        %add3A_407 = arith.addi %mul3A_335, %add3A_406 : i32
        %get3A_408 = arith.index_cast %add3A_407 : i32 to index
        %get3A_409 = arith.constant 16 : index
        %get3A_410 = tpu.vector_load %arg19[%get3A_408, %get3A_409] {strides = array<i32>} : memref<160x64xi32, #tpu.memory_space<vmem>>, vector<16xi32>,
        %bitcast3A_411 = vector.bitcast %get3A_410 : vector<16xi32> to vector<32xbf16>
        %add3A_412 = arith.constant 1 : i32
        %add3A_413 = arith.addi %mul3A_335, %add3A_412 : i32
        %get3A_414 = arith.index_cast %add3A_413 : i32 to index
        %get3A_415 = arith.constant 16 : index
        %get3A_416 = tpu.vector_load %arg19[%get3A_414, %get3A_415] {strides = array<i32>} : memref<160x64xi32, #tpu.memory_space<vmem>>, vector<16xi32>,
        %bitcast3A_417 = vector.bitcast %get3A_416 : vector<16xi32> to vector<32xbf16>
        %add3A_418 = arith.constant 2 : i32
        %add3A_419 = arith.addi %mul3A_335, %add3A_418 : i32
        %get3A_420 = arith.index_cast %add3A_419 : i32 to index
        %get3A_421 = arith.constant 16 : index
        %get3A_422 = tpu.vector_load %arg19[%get3A_420, %get3A_421] {strides = array<i32>} : memref<160x64xi32, #tpu.memory_space<vmem>>, vector<16xi32>,
        %bitcast3A_423 = vector.bitcast %get3A_422 : vector<16xi32> to vector<32xbf16>
        %add3A_424 = arith.constant 3 : i32
        %add3A_425 = arith.addi %mul3A_335, %add3A_424 : i32
        %get3A_426 = arith.index_cast %add3A_425 : i32 to index
        %get3A_427 = arith.constant 16 : index
        %get3A_428 = tpu.vector_load %arg19[%get3A_426, %get3A_427] {strides = array<i32>} : memref<160x64xi32, #tpu.memory_space<vmem>>, vector<16xi32>,
        %bitcast3A_429 = vector.bitcast %get3A_428 : vector<16xi32> to vector<32xbf16>
        %add3A_430 = arith.constant 4 : i32
        %add3A_431 = arith.addi %mul3A_335, %add3A_430 : i32
        %get3A_432 = arith.index_cast %add3A_431 : i32 to index
        %get3A_433 = arith.constant 16 : index
        %get3A_434 = tpu.vector_load %arg19[%get3A_432, %get3A_433] {strides = array<i32>} : memref<160x64xi32, #tpu.memory_space<vmem>>, vector<16xi32>,
        %bitcast3A_435 = vector.bitcast %get3A_434 : vector<16xi32> to vector<32xbf16>
        %add3A_436 = arith.constant 5 : i32
        %add3A_437 = arith.addi %mul3A_335, %add3A_436 : i32
        %get3A_438 = arith.index_cast %add3A_437 : i32 to index
        %get3A_439 = arith.constant 16 : index
        %get3A_440 = tpu.vector_load %arg19[%get3A_438, %get3A_439] {strides = array<i32>} : memref<160x64xi32, #tpu.memory_space<vmem>>, vector<16xi32>,
        %bitcast3A_441 = vector.bitcast %get3A_440 : vector<16xi32> to vector<32xbf16>
        %add3A_442 = arith.constant 6 : i32
        %add3A_443 = arith.addi %mul3A_335, %add3A_442 : i32
        %get3A_444 = arith.index_cast %add3A_443 : i32 to index
        %get3A_445 = arith.constant 16 : index
        %get3A_446 = tpu.vector_load %arg19[%get3A_444, %get3A_445] {strides = array<i32>} : memref<160x64xi32, #tpu.memory_space<vmem>>, vector<16xi32>,
        %bitcast3A_447 = vector.bitcast %get3A_446 : vector<16xi32> to vector<32xbf16>
        %add3A_448 = arith.constant 7 : i32
        %add3A_449 = arith.addi %mul3A_335, %add3A_448 : i32
        %get3A_450 = arith.index_cast %add3A_449 : i32 to index
        %get3A_451 = arith.constant 16 : index
        %get3A_452 = tpu.vector_load %arg19[%get3A_450, %get3A_451] {strides = array<i32>} : memref<160x64xi32, #tpu.memory_space<vmem>>, vector<16xi32>,
        %bitcast3A_453 = vector.bitcast %get3A_452 : vector<16xi32> to vector<32xbf16>
        %add3A_454 = arith.constant 8 : i32
        %add3A_455 = arith.addi %mul3A_335, %add3A_454 : i32
        %get3A_456 = arith.index_cast %add3A_455 : i32 to index
        %get3A_457 = arith.constant 16 : index
        %get3A_458 = tpu.vector_load %arg19[%get3A_456, %get3A_457] {strides = array<i32>} : memref<160x64xi32, #tpu.memory_space<vmem>>, vector<16xi32>,
        %bitcast3A_459 = vector.bitcast %get3A_458 : vector<16xi32> to vector<32xbf16>
        %add3A_460 = arith.constant 9 : i32
        %add3A_461 = arith.addi %mul3A_335, %add3A_460 : i32
        %get3A_462 = arith.index_cast %add3A_461 : i32 to index
        %get3A_463 = arith.constant 16 : index
        %get3A_464 = tpu.vector_load %arg19[%get3A_462, %get3A_463] {strides = array<i32>} : memref<160x64xi32, #tpu.memory_space<vmem>>, vector<16xi32>,
        %bitcast3A_465 = vector.bitcast %get3A_464 : vector<16xi32> to vector<32xbf16>
        %add3A_466 = arith.addf %bitcast3A_411, %bitcast3A_417 : vector<32xbf16>
        %add3A_467 = arith.addf %bitcast3A_423, %bitcast3A_429 : vector<32xbf16>
        %add3A_468 = arith.addf %bitcast3A_435, %bitcast3A_441 : vector<32xbf16>
        %add3A_469 = arith.addf %bitcast3A_447, %bitcast3A_453 : vector<32xbf16>
        %add3A_470 = arith.addf %bitcast3A_459, %bitcast3A_465 : vector<32xbf16>
        %add3A_471 = arith.addf %add3A_466, %add3A_467 : vector<32xbf16>
        %add3A_472 = arith.addf %add3A_468, %add3A_469 : vector<32xbf16>
        %add3A_473 = arith.addf %add3A_471, %add3A_472 : vector<32xbf16>
        %add3A_474 = arith.addf %add3A_473, %add3A_470 : vector<32xbf16>
        %bitcast3A_475 = vector.bitcast %add3A_474 : vector<32xbf16> to vector<16xi32>
        %swap3A_476 = arith.index_cast %scan3A_333 : i32 to index
        %swap3A_477 = arith.constant 16 : index
        %swap3A_478 = tpu.vector_load %arg23[%swap3A_476, %swap3A_477] {strides = array<i32>} : memref<16x64xi32, #tpu.memory_space<vmem>>, vector<16xi32>,
        tpu.vector_store %arg23[%swap3A_476, %swap3A_477], %bitcast3A_475 {strides = array<i32>} : memref<16x64xi32, #tpu.memory_space<vmem>>, vector<16xi32>,
        %add3A_479 = arith.constant 0 : i32
        %add3A_480 = arith.addi %mul3A_335, %add3A_479 : i32
        %get3A_481 = arith.index_cast %add3A_480 : i32 to index
        %get3A_482 = arith.constant 32 : index
        %get3A_483 = tpu.vector_load %arg19[%get3A_481, %get3A_482] {strides = array<i32>} : memref<160x64xi32, #tpu.memory_space<vmem>>, vector<16xi32>,
        %bitcast3A_484 = vector.bitcast %get3A_483 : vector<16xi32> to vector<32xbf16>
        %add3A_485 = arith.constant 1 : i32
        %add3A_486 = arith.addi %mul3A_335, %add3A_485 : i32
        %get3A_487 = arith.index_cast %add3A_486 : i32 to index
        %get3A_488 = arith.constant 32 : index
        %get3A_489 = tpu.vector_load %arg19[%get3A_487, %get3A_488] {strides = array<i32>} : memref<160x64xi32, #tpu.memory_space<vmem>>, vector<16xi32>,
        %bitcast3A_490 = vector.bitcast %get3A_489 : vector<16xi32> to vector<32xbf16>
        %add3A_491 = arith.constant 2 : i32
        %add3A_492 = arith.addi %mul3A_335, %add3A_491 : i32
        %get3A_493 = arith.index_cast %add3A_492 : i32 to index
        %get3A_494 = arith.constant 32 : index
        %get3A_495 = tpu.vector_load %arg19[%get3A_493, %get3A_494] {strides = array<i32>} : memref<160x64xi32, #tpu.memory_space<vmem>>, vector<16xi32>,
        %bitcast3A_496 = vector.bitcast %get3A_495 : vector<16xi32> to vector<32xbf16>
        %add3A_497 = arith.constant 3 : i32
        %add3A_498 = arith.addi %mul3A_335, %add3A_497 : i32
        %get3A_499 = arith.index_cast %add3A_498 : i32 to index
        %get3A_500 = arith.constant 32 : index
        %get3A_501 = tpu.vector_load %arg19[%get3A_499, %get3A_500] {strides = array<i32>} : memref<160x64xi32, #tpu.memory_space<vmem>>, vector<16xi32>,
        %bitcast3A_502 = vector.bitcast %get3A_501 : vector<16xi32> to vector<32xbf16>
        %add3A_503 = arith.constant 4 : i32
        %add3A_504 = arith.addi %mul3A_335, %add3A_503 : i32
        %get3A_505 = arith.index_cast %add3A_504 : i32 to index
        %get3A_506 = arith.constant 32 : index
        %get3A_507 = tpu.vector_load %arg19[%get3A_505, %get3A_506] {strides = array<i32>} : memref<160x64xi32, #tpu.memory_space<vmem>>, vector<16xi32>,
        %bitcast3A_508 = vector.bitcast %get3A_507 : vector<16xi32> to vector<32xbf16>
        %add3A_509 = arith.constant 5 : i32
        %add3A_510 = arith.addi %mul3A_335, %add3A_509 : i32
        %get3A_511 = arith.index_cast %add3A_510 : i32 to index
        %get3A_512 = arith.constant 32 : index
        %get3A_513 = tpu.vector_load %arg19[%get3A_511, %get3A_512] {strides = array<i32>} : memref<160x64xi32, #tpu.memory_space<vmem>>, vector<16xi32>,
        %bitcast3A_514 = vector.bitcast %get3A_513 : vector<16xi32> to vector<32xbf16>
        %add3A_515 = arith.constant 6 : i32
        %add3A_516 = arith.addi %mul3A_335, %add3A_515 : i32
        %get3A_517 = arith.index_cast %add3A_516 : i32 to index
        %get3A_518 = arith.constant 32 : index
        %get3A_519 = tpu.vector_load %arg19[%get3A_517, %get3A_518] {strides = array<i32>} : memref<160x64xi32, #tpu.memory_space<vmem>>, vector<16xi32>,
        %bitcast3A_520 = vector.bitcast %get3A_519 : vector<16xi32> to vector<32xbf16>
        %add3A_521 = arith.constant 7 : i32
        %add3A_522 = arith.addi %mul3A_335, %add3A_521 : i32
        %get3A_523 = arith.index_cast %add3A_522 : i32 to index
        %get3A_524 = arith.constant 32 : index
        %get3A_525 = tpu.vector_load %arg19[%get3A_523, %get3A_524] {strides = array<i32>} : memref<160x64xi32, #tpu.memory_space<vmem>>, vector<16xi32>,
        %bitcast3A_526 = vector.bitcast %get3A_525 : vector<16xi32> to vector<32xbf16>
        %add3A_527 = arith.constant 8 : i32
        %add3A_528 = arith.addi %mul3A_335, %add3A_527 : i32
        %get3A_529 = arith.index_cast %add3A_528 : i32 to index
        %get3A_530 = arith.constant 32 : index
        %get3A_531 = tpu.vector_load %arg19[%get3A_529, %get3A_530] {strides = array<i32>} : memref<160x64xi32, #tpu.memory_space<vmem>>, vector<16xi32>,
        %bitcast3A_532 = vector.bitcast %get3A_531 : vector<16xi32> to vector<32xbf16>
        %add3A_533 = arith.constant 9 : i32
        %add3A_534 = arith.addi %mul3A_335, %add3A_533 : i32
        %get3A_535 = arith.index_cast %add3A_534 : i32 to index
        %get3A_536 = arith.constant 32 : index
        %get3A_537 = tpu.vector_load %arg19[%get3A_535, %get3A_536] {strides = array<i32>} : memref<160x64xi32, #tpu.memory_space<vmem>>, vector<16xi32>,
        %bitcast3A_538 = vector.bitcast %get3A_537 : vector<16xi32> to vector<32xbf16>
        %add3A_539 = arith.addf %bitcast3A_484, %bitcast3A_490 : vector<32xbf16>
        %add3A_540 = arith.addf %bitcast3A_496, %bitcast3A_502 : vector<32xbf16>
        %add3A_541 = arith.addf %bitcast3A_508, %bitcast3A_514 : vector<32xbf16>
        %add3A_542 = arith.addf %bitcast3A_520, %bitcast3A_526 : vector<32xbf16>
        %add3A_543 = arith.addf %bitcast3A_532, %bitcast3A_538 : vector<32xbf16>
        %add3A_544 = arith.addf %add3A_539, %add3A_540 : vector<32xbf16>
        %add3A_545 = arith.addf %add3A_541, %add3A_542 : vector<32xbf16>
        %add3A_546 = arith.addf %add3A_544, %add3A_545 : vector<32xbf16>
        %add3A_547 = arith.addf %add3A_546, %add3A_543 : vector<32xbf16>
        %bitcast3A_548 = vector.bitcast %add3A_547 : vector<32xbf16> to vector<16xi32>
        %swap3A_549 = arith.index_cast %scan3A_333 : i32 to index
        %swap3A_550 = arith.constant 32 : index
        %swap3A_551 = tpu.vector_load %arg23[%swap3A_549, %swap3A_550] {strides = array<i32>} : memref<16x64xi32, #tpu.memory_space<vmem>>, vector<16xi32>,
        tpu.vector_store %arg23[%swap3A_549, %swap3A_550], %bitcast3A_548 {strides = array<i32>} : memref<16x64xi32, #tpu.memory_space<vmem>>, vector<16xi32>,
        %add3A_552 = arith.constant 0 : i32
        %add3A_553 = arith.addi %mul3A_335, %add3A_552 : i32
        %get3A_554 = arith.index_cast %add3A_553 : i32 to index
        %get3A_555 = arith.constant 48 : index
        %get3A_556 = tpu.vector_load %arg19[%get3A_554, %get3A_555] {strides = array<i32>} : memref<160x64xi32, #tpu.memory_space<vmem>>, vector<16xi32>,
        %bitcast3A_557 = vector.bitcast %get3A_556 : vector<16xi32> to vector<32xbf16>
        %add3A_558 = arith.constant 1 : i32
        %add3A_559 = arith.addi %mul3A_335, %add3A_558 : i32
        %get3A_560 = arith.index_cast %add3A_559 : i32 to index
        %get3A_561 = arith.constant 48 : index
        %get3A_562 = tpu.vector_load %arg19[%get3A_560, %get3A_561] {strides = array<i32>} : memref<160x64xi32, #tpu.memory_space<vmem>>, vector<16xi32>,
        %bitcast3A_563 = vector.bitcast %get3A_562 : vector<16xi32> to vector<32xbf16>
        %add3A_564 = arith.constant 2 : i32
        %add3A_565 = arith.addi %mul3A_335, %add3A_564 : i32
        %get3A_566 = arith.index_cast %add3A_565 : i32 to index
        %get3A_567 = arith.constant 48 : index
        %get3A_568 = tpu.vector_load %arg19[%get3A_566, %get3A_567] {strides = array<i32>} : memref<160x64xi32, #tpu.memory_space<vmem>>, vector<16xi32>,
        %bitcast3A_569 = vector.bitcast %get3A_568 : vector<16xi32> to vector<32xbf16>
        %add3A_570 = arith.constant 3 : i32
        %add3A_571 = arith.addi %mul3A_335, %add3A_570 : i32
        %get3A_572 = arith.index_cast %add3A_571 : i32 to index
        %get3A_573 = arith.constant 48 : index
        %get3A_574 = tpu.vector_load %arg19[%get3A_572, %get3A_573] {strides = array<i32>} : memref<160x64xi32, #tpu.memory_space<vmem>>, vector<16xi32>,
        %bitcast3A_575 = vector.bitcast %get3A_574 : vector<16xi32> to vector<32xbf16>
        %add3A_576 = arith.constant 4 : i32
        %add3A_577 = arith.addi %mul3A_335, %add3A_576 : i32
        %get3A_578 = arith.index_cast %add3A_577 : i32 to index
        %get3A_579 = arith.constant 48 : index
        %get3A_580 = tpu.vector_load %arg19[%get3A_578, %get3A_579] {strides = array<i32>} : memref<160x64xi32, #tpu.memory_space<vmem>>, vector<16xi32>,
        %bitcast3A_581 = vector.bitcast %get3A_580 : vector<16xi32> to vector<32xbf16>
        %add3A_582 = arith.constant 5 : i32
        %add3A_583 = arith.addi %mul3A_335, %add3A_582 : i32
        %get3A_584 = arith.index_cast %add3A_583 : i32 to index
        %get3A_585 = arith.constant 48 : index
        %get3A_586 = tpu.vector_load %arg19[%get3A_584, %get3A_585] {strides = array<i32>} : memref<160x64xi32, #tpu.memory_space<vmem>>, vector<16xi32>,
        %bitcast3A_587 = vector.bitcast %get3A_586 : vector<16xi32> to vector<32xbf16>
        %add3A_588 = arith.constant 6 : i32
        %add3A_589 = arith.addi %mul3A_335, %add3A_588 : i32
        %get3A_590 = arith.index_cast %add3A_589 : i32 to index
        %get3A_591 = arith.constant 48 : index
        %get3A_592 = tpu.vector_load %arg19[%get3A_590, %get3A_591] {strides = array<i32>} : memref<160x64xi32, #tpu.memory_space<vmem>>, vector<16xi32>,
        %bitcast3A_593 = vector.bitcast %get3A_592 : vector<16xi32> to vector<32xbf16>
        %add3A_594 = arith.constant 7 : i32
        %add3A_595 = arith.addi %mul3A_335, %add3A_594 : i32
        %get3A_596 = arith.index_cast %add3A_595 : i32 to index
        %get3A_597 = arith.constant 48 : index
        %get3A_598 = tpu.vector_load %arg19[%get3A_596, %get3A_597] {strides = array<i32>} : memref<160x64xi32, #tpu.memory_space<vmem>>, vector<16xi32>,
        %bitcast3A_599 = vector.bitcast %get3A_598 : vector<16xi32> to vector<32xbf16>
        %add3A_600 = arith.constant 8 : i32
        %add3A_601 = arith.addi %mul3A_335, %add3A_600 : i32
        %get3A_602 = arith.index_cast %add3A_601 : i32 to index
        %get3A_603 = arith.constant 48 : index
        %get3A_604 = tpu.vector_load %arg19[%get3A_602, %get3A_603] {strides = array<i32>} : memref<160x64xi32, #tpu.memory_space<vmem>>, vector<16xi32>,
        %bitcast3A_605 = vector.bitcast %get3A_604 : vector<16xi32> to vector<32xbf16>
        %add3A_606 = arith.constant 9 : i32
        %add3A_607 = arith.addi %mul3A_335, %add3A_606 : i32
        %get3A_608 = arith.index_cast %add3A_607 : i32 to index
        %get3A_609 = arith.constant 48 : index
        %get3A_610 = tpu.vector_load %arg19[%get3A_608, %get3A_609] {strides = array<i32>} : memref<160x64xi32, #tpu.memory_space<vmem>>, vector<16xi32>,
        %bitcast3A_611 = vector.bitcast %get3A_610 : vector<16xi32> to vector<32xbf16>
        %add3A_612 = arith.addf %bitcast3A_557, %bitcast3A_563 : vector<32xbf16>
        %add3A_613 = arith.addf %bitcast3A_569, %bitcast3A_575 : vector<32xbf16>
        %add3A_614 = arith.addf %bitcast3A_581, %bitcast3A_587 : vector<32xbf16>
        %add3A_615 = arith.addf %bitcast3A_593, %bitcast3A_599 : vector<32xbf16>
        %add3A_616 = arith.addf %bitcast3A_605, %bitcast3A_611 : vector<32xbf16>
        %add3A_617 = arith.addf %add3A_612, %add3A_613 : vector<32xbf16>
        %add3A_618 = arith.addf %add3A_614, %add3A_615 : vector<32xbf16>
        %add3A_619 = arith.addf %add3A_617, %add3A_618 : vector<32xbf16>
        %add3A_620 = arith.addf %add3A_619, %add3A_616 : vector<32xbf16>
        %bitcast3A_621 = vector.bitcast %add3A_620 : vector<32xbf16> to vector<16xi32>
        %swap3A_622 = arith.index_cast %scan3A_333 : i32 to index
        %swap3A_623 = arith.constant 48 : index
        %swap3A_624 = tpu.vector_load %arg23[%swap3A_622, %swap3A_623] {strides = array<i32>} : memref<16x64xi32, #tpu.memory_space<vmem>>, vector<16xi32>,
        tpu.vector_store %arg23[%swap3A_622, %swap3A_623], %bitcast3A_621 {strides = array<i32>} : memref<16x64xi32, #tpu.memory_space<vmem>>, vector<16xi32>,
      }
      %scan3A_316 = arith.constant 16 : i32
      %mul3A_317 = arith.constant 16 : i32
      %mul3A_318 = arith.muli %add3A_228, %mul3A_317 : i32
      %add3A_319 = arith.addi %mul3A_2, %mul3A_318 : i32
      %multiple_of3A_320 = tpu.assume_multiple %add3A_319, 16 : i32
      %dma_start3A_321 = arith.constant 0 : i32
      %dma_start3A_322 = tpu.memref_slice %arg8[%multiple_of3A_320, %dma_start3A_321] : memref<16384x64xi32, #tpu.memory_space<hbm>> -> memref<16x64xi32, #tpu.memory_space<hbm>>
      %dma_start3A_323 = arith.constant 0 : i32
      %dma_start3A_324 = tpu.memref_slice %arg8[%multiple_of3A_320, %dma_start3A_323] : memref<16384x64xi32, #tpu.memory_space<hbm>> -> memref<16x64xi32, #tpu.memory_space<hbm>>
      tpu.enqueue_dma source(%arg17 : memref<16x64xi32, #tpu.memory_space<vmem>>) target(%dma_start3A_324 : memref<16x64xi32, #tpu.memory_space<hbm>>) target_semaphore(%arg27 : memref<!tpu.dma_semaphore, #tpu.memory_space<semaphore_mem>>)
      %dma_start3A_325 = arith.constant 0 : i32
      %dma_start3A_326 = tpu.memref_slice %arg9[%multiple_of3A_320, %dma_start3A_325] : memref<16384x64xi32, #tpu.memory_space<hbm>> -> memref<16x64xi32, #tpu.memory_space<hbm>>
      %dma_start3A_327 = arith.constant 0 : i32
      %dma_start3A_328 = tpu.memref_slice %arg9[%multiple_of3A_320, %dma_start3A_327] : memref<16384x64xi32, #tpu.memory_space<hbm>> -> memref<16x64xi32, #tpu.memory_space<hbm>>
      tpu.enqueue_dma source(%arg22 : memref<16x64xi32, #tpu.memory_space<vmem>>) target(%dma_start3A_328 : memref<16x64xi32, #tpu.memory_space<hbm>>) target_semaphore(%arg27 : memref<!tpu.dma_semaphore, #tpu.memory_space<semaphore_mem>>)
      %dma_start3A_329 = arith.constant 0 : i32
      %dma_start3A_330 = tpu.memref_slice %arg10[%multiple_of3A_320, %dma_start3A_329] : memref<16384x64xi32, #tpu.memory_space<hbm>> -> memref<16x64xi32, #tpu.memory_space<hbm>>
      %dma_start3A_331 = arith.constant 0 : i32
      %dma_start3A_332 = tpu.memref_slice %arg10[%multiple_of3A_320, %dma_start3A_331] : memref<16384x64xi32, #tpu.memory_space<hbm>> -> memref<16x64xi32, #tpu.memory_space<hbm>>
      tpu.enqueue_dma source(%arg23 : memref<16x64xi32, #tpu.memory_space<vmem>>) target(%dma_start3A_332 : memref<16x64xi32, #tpu.memory_space<hbm>>) target_semaphore(%arg27 : memref<!tpu.dma_semaphore, #tpu.memory_space<semaphore_mem>>)
    }
    %scan3A_71 = arith.constant 16 : i32
    %dma_wait3A = arith.constant 0 : i32
    %dma_wait3A_72 = arith.constant 0 : i32
    %dma_wait3A_73 = tpu.memref_slice %arg8[%dma_wait3A, %dma_wait3A_72] : memref<16384x64xi32, #tpu.memory_space<hbm>> -> memref<16x64xi32, #tpu.memory_space<hbm>>
    %dma_wait3A_74 = arith.constant 0 : i32
    %dma_wait3A_75 = arith.constant 0 : i32
    %dma_wait3A_76 = tpu.memref_slice %arg8[%dma_wait3A_74, %dma_wait3A_75] : memref<16384x64xi32, #tpu.memory_space<hbm>> -> memref<16x64xi32, #tpu.memory_space<hbm>>
    tpu.wait_dma2 semaphore(%arg27 : memref<!tpu.dma_semaphore, #tpu.memory_space<semaphore_mem>>) src(%dma_wait3A_76 : memref<16x64xi32, #tpu.memory_space<hbm>>) dst(%arg17 : memref<16x64xi32, #tpu.memory_space<vmem>>)
    %dma_wait3A_77 = arith.constant 0 : i32
    %dma_wait3A_78 = arith.constant 0 : i32
    %dma_wait3A_79 = tpu.memref_slice %arg9[%dma_wait3A_77, %dma_wait3A_78] : memref<16384x64xi32, #tpu.memory_space<hbm>> -> memref<16x64xi32, #tpu.memory_space<hbm>>
    %dma_wait3A_80 = arith.constant 0 : i32
    %dma_wait3A_81 = arith.constant 0 : i32
    %dma_wait3A_82 = tpu.memref_slice %arg9[%dma_wait3A_80, %dma_wait3A_81] : memref<16384x64xi32, #tpu.memory_space<hbm>> -> memref<16x64xi32, #tpu.memory_space<hbm>>
    tpu.wait_dma2 semaphore(%arg27 : memref<!tpu.dma_semaphore, #tpu.memory_space<semaphore_mem>>) src(%dma_wait3A_82 : memref<16x64xi32, #tpu.memory_space<hbm>>) dst(%arg22 : memref<16x64xi32, #tpu.memory_space<vmem>>)
    %dma_wait3A_83 = arith.constant 0 : i32
    %dma_wait3A_84 = arith.constant 0 : i32
    %dma_wait3A_85 = tpu.memref_slice %arg10[%dma_wait3A_83, %dma_wait3A_84] : memref<16384x64xi32, #tpu.memory_space<hbm>> -> memref<16x64xi32, #tpu.memory_space<hbm>>
    %dma_wait3A_86 = arith.constant 0 : i32
    %dma_wait3A_87 = arith.constant 0 : i32
    %dma_wait3A_88 = tpu.memref_slice %arg10[%dma_wait3A_86, %dma_wait3A_87] : memref<16384x64xi32, #tpu.memory_space<hbm>> -> memref<16x64xi32, #tpu.memory_space<hbm>>
    tpu.wait_dma2 semaphore(%arg27 : memref<!tpu.dma_semaphore, #tpu.memory_space<semaphore_mem>>) src(%dma_wait3A_88 : memref<16x64xi32, #tpu.memory_space<hbm>>) dst(%arg23 : memref<16x64xi32, #tpu.memory_space<vmem>>)
    return
  }
}

#map = affine_map<(d0, d1) -> (0, 0)>
#map1 = affine_map<(d0, d1) -> (0)>
module attributes {stable_mosaic.version = 14 : i64} {
  func.func @sc_gather(%arg0: i32, %arg1: i32, %arg2: memref<50000x64xi32, #tpu.memory_space<hbm>>, %arg3: memref<163840xi32, #tpu.memory_space<hbm>>, %arg4: memref<16384x64xi32, #tpu.memory_space<hbm>>, %arg5: memref<5120xi32, #tpu.memory_space<vmem>>, %arg6: memref<160x64xi32, #tpu.memory_space<vmem>>, %arg7: memref<160x64xi32, #tpu.memory_space<vmem>>, %arg8: memref<16x64xi32, #tpu.memory_space<vmem>>, %arg9: memref<16x64xi32, #tpu.memory_space<vmem>>, %arg10: memref<!tpu.dma_semaphore, #tpu.memory_space<semaphore_mem>>, %arg11: memref<!tpu.dma_semaphore, #tpu.memory_space<semaphore_mem>>, %arg12: memref<!tpu.dma_semaphore, #tpu.memory_space<semaphore_mem>>, %arg13: memref<!tpu.dma_semaphore, #tpu.memory_space<semaphore_mem>>) attributes {dimension_semantics = [#tpu.dimension_semantics<core_parallel>, #tpu.dimension_semantics<subcore_parallel>], iteration_bounds = array<i64: 2, 16>, scalar_prefetch = 0 : i64, scratch_operands = 9 : i64, tpu.core_type = #tpu.core_type<sc_vector_subcore>, window_params = [{transform_indices = #map}, {transform_indices = #map1}, {transform_indices = #map}]} {
    %mul3A = arith.constant 2 : i32
    %mul3A_0 = arith.muli %arg1, %mul3A : i32
    %add3A = arith.addi %mul3A_0, %arg0 : i32
    %mul3A_1 = arith.constant 512 : i32
    %mul3A_2 = arith.muli %add3A, %mul3A_1 : i32
    %mul3A_3 = arith.constant 10 : i32
    %mul3A_4 = arith.muli %mul3A_2, %mul3A_3 : i32
    "tpu.region"() ({
      %run_scoped3A = tpu.sem_alloc : memref<!tpu.dma_semaphore, #tpu.memory_space<semaphore_mem>>
      %dma_start3A_37 = tpu.memref_slice %arg3[%mul3A_4] : memref<163840xi32, #tpu.memory_space<hbm>> -> memref<5120xi32, #tpu.memory_space<hbm>>
      %dma_start3A_38 = tpu.memref_slice %arg3[%mul3A_4] : memref<163840xi32, #tpu.memory_space<hbm>> -> memref<5120xi32, #tpu.memory_space<hbm>>
      tpu.enqueue_dma source(%dma_start3A_38 : memref<5120xi32, #tpu.memory_space<hbm>>) target(%arg5 : memref<5120xi32, #tpu.memory_space<vmem>>) target_semaphore(%run_scoped3A : memref<!tpu.dma_semaphore, #tpu.memory_space<semaphore_mem>>)
      %dma_wait3A_39 = tpu.memref_slice %arg3[%mul3A_4] : memref<163840xi32, #tpu.memory_space<hbm>> -> memref<5120xi32, #tpu.memory_space<hbm>>
      %dma_wait3A_40 = tpu.memref_slice %arg3[%mul3A_4] : memref<163840xi32, #tpu.memory_space<hbm>> -> memref<5120xi32, #tpu.memory_space<hbm>>
      tpu.wait_dma2 semaphore(%run_scoped3A : memref<!tpu.dma_semaphore, #tpu.memory_space<semaphore_mem>>) src(%dma_wait3A_40 : memref<5120xi32, #tpu.memory_space<hbm>>) dst(%arg5 : memref<5120xi32, #tpu.memory_space<vmem>>)
      tpu.yield
    }) : () -> ()
    %scan3A = arith.constant 0 : i32
    %scan3A_5 = arith.constant 0 : i32
    %scan3A_6 = arith.constant 320 : i32
    %scan3A_7 = arith.addi %scan3A_5, %scan3A_6 : i32
    %scan3A_8 = arith.constant 1 : i32
    scf.for %scan3A_37 = %scan3A_5 to %scan3A_7 step %scan3A_8  : i32 {
      %mul3A_38 = arith.constant 16 : i32
      %mul3A_39 = arith.muli %scan3A_37, %mul3A_38 : i32
      %get3A = arith.index_cast %mul3A_39 : i32 to index
      %get3A_40 = tpu.vector_load %arg5[%get3A] {strides = array<i32>} : memref<5120xi32, #tpu.memory_space<vmem>>, vector<16xi32>,
      %lt3A = arith.constant 25000 : i32
      %lt3A_41 = vector.broadcast %lt3A : i32 to vector<16xi32>
      %lt3A_42 = arith.cmpi slt, %get3A_40, %lt3A_41 : vector<16xi32>
      %mul3A_43 = arith.constant 2 : i32
      %mul3A_44 = vector.broadcast %mul3A_43 : i32 to vector<16xi32>
      %mul3A_45 = arith.muli %mul3A_44, %get3A_40 : vector<16xi32>
      %mul3A_46 = arith.constant 2 : i32
      %mul3A_47 = vector.broadcast %mul3A_46 : i32 to vector<16xi32>
      %mul3A_48 = arith.muli %mul3A_47, %get3A_40 : vector<16xi32>
      %sub3A = arith.constant 49999 : i32
      %sub3A_49 = vector.broadcast %sub3A : i32 to vector<16xi32>
      %sub3A_50 = arith.subi %mul3A_48, %sub3A_49 : vector<16xi32>
      %select_n3A = arith.select %lt3A_42, %mul3A_45, %sub3A_50 : vector<16xi1>, vector<16xi32>
      %swap3A = arith.index_cast %mul3A_39 : i32 to index
      %swap3A_51 = tpu.vector_load %arg5[%swap3A] {strides = array<i32>} : memref<5120xi32, #tpu.memory_space<vmem>>, vector<16xi32>,
      tpu.vector_store %arg5[%swap3A], %select_n3A {strides = array<i32>} : memref<5120xi32, #tpu.memory_space<vmem>>, vector<16xi32>,
    }
    %scan3A_9 = arith.constant 320 : i32
    %multiple_of3A = arith.constant 0 : i32
    %multiple_of3A_10 = tpu.assume_multiple %multiple_of3A, 8 : i32
    %dma_start3A = arith.constant 0 : i32
    %dma_start3A_11 = arith.constant 0 : i32
    %dma_start3A_12 = tpu.memref_slice %arg6[%dma_start3A, %dma_start3A_11] : memref<160x64xi32, #tpu.memory_space<vmem>> -> memref<80x64xi32, #tpu.memory_space<vmem>>
    %dma_start3A_13 = tpu.memref_slice %arg5[%multiple_of3A_10] : memref<5120xi32, #tpu.memory_space<vmem>> -> memref<80xi32, #tpu.memory_space<vmem>>
    %dma_start3A_14 = arith.constant 0 : i32
    %dma_start3A_15 = arith.constant 0 : i32
    %dma_start3A_16 = tpu.memref_slice %arg2[%dma_start3A_14, %dma_start3A_15] : memref<50000x64xi32, #tpu.memory_space<hbm>> -> memref<50000x64xi32, #tpu.memory_space<hbm>>
    tpu.enqueue_indirect_dma source(%dma_start3A_16 : memref<50000x64xi32, #tpu.memory_space<hbm>>) target(%dma_start3A_12 : memref<80x64xi32, #tpu.memory_space<vmem>>) offsets(%dma_start3A_13 : memref<80xi32, #tpu.memory_space<vmem>>) semaphore(%arg10 : memref<!tpu.dma_semaphore, #tpu.memory_space<semaphore_mem>>)
    %add3A_17 = arith.constant 80 : i32
    %add3A_18 = arith.addi %multiple_of3A_10, %add3A_17 : i32
    %dma_start3A_19 = arith.constant 80 : i32
    %dma_start3A_20 = arith.constant 0 : i32
    %dma_start3A_21 = tpu.memref_slice %arg6[%dma_start3A_19, %dma_start3A_20] : memref<160x64xi32, #tpu.memory_space<vmem>> -> memref<80x64xi32, #tpu.memory_space<vmem>>
    %dma_start3A_22 = tpu.memref_slice %arg5[%add3A_18] : memref<5120xi32, #tpu.memory_space<vmem>> -> memref<80xi32, #tpu.memory_space<vmem>>
    %dma_start3A_23 = arith.constant 0 : i32
    %dma_start3A_24 = arith.constant 0 : i32
    %dma_start3A_25 = tpu.memref_slice %arg2[%dma_start3A_23, %dma_start3A_24] : memref<50000x64xi32, #tpu.memory_space<hbm>> -> memref<50000x64xi32, #tpu.memory_space<hbm>>
    tpu.enqueue_indirect_dma source(%dma_start3A_25 : memref<50000x64xi32, #tpu.memory_space<hbm>>) target(%dma_start3A_21 : memref<80x64xi32, #tpu.memory_space<vmem>>) offsets(%dma_start3A_22 : memref<80xi32, #tpu.memory_space<vmem>>) semaphore(%arg10 : memref<!tpu.dma_semaphore, #tpu.memory_space<semaphore_mem>>)
    %scan3A_26 = arith.constant 0 : i32
    %scan3A_27 = arith.constant 0 : i32
    %scan3A_28 = arith.constant 16 : i32
    %scan3A_29 = arith.addi %scan3A_27, %scan3A_28 : i32
    %scan3A_30 = arith.constant 1 : i32
    scf.for %scan3A_37 = %scan3A_27 to %scan3A_29 step %scan3A_30  : i32 {
      %mul3A_38 = arith.constant 2 : i32
      %mul3A_39 = arith.muli %scan3A_37, %mul3A_38 : i32
      %add3A_40 = arith.constant 0 : i32
      %add3A_41 = arith.addi %mul3A_39, %add3A_40 : i32
      %gt3A = arith.constant 0 : i32
      %gt3A_42 = arith.cmpi sgt, %scan3A_37, %gt3A : i32
      %convert_element_type3A = arith.extui %gt3A_42 : i1 to i32
      %cond3A = arith.constant 0 : i32
      %cond3A_43 = arith.cmpi ne, %convert_element_type3A, %cond3A : i32
      scf.if %cond3A_43 {
        %dma_wait3A_155 = arith.constant 0 : i32
        %dma_wait3A_156 = arith.constant 0 : i32
        %dma_wait3A_157 = tpu.memref_slice %arg4[%dma_wait3A_155, %dma_wait3A_156] : memref<16384x64xi32, #tpu.memory_space<hbm>> -> memref<16x64xi32, #tpu.memory_space<hbm>>
        %dma_wait3A_158 = arith.constant 0 : i32
        %dma_wait3A_159 = arith.constant 0 : i32
        %dma_wait3A_160 = tpu.memref_slice %arg4[%dma_wait3A_158, %dma_wait3A_159] : memref<16384x64xi32, #tpu.memory_space<hbm>> -> memref<16x64xi32, #tpu.memory_space<hbm>>
        tpu.wait_dma2 semaphore(%arg13 : memref<!tpu.dma_semaphore, #tpu.memory_space<semaphore_mem>>) src(%dma_wait3A_160 : memref<16x64xi32, #tpu.memory_space<hbm>>) dst(%arg9 : memref<16x64xi32, #tpu.memory_space<vmem>>)
      } else {
      }
      %add3A_44 = arith.constant 1 : i32
      %add3A_45 = arith.addi %add3A_41, %add3A_44 : i32
      %mul3A_46 = arith.constant 160 : i32
      %mul3A_47 = arith.muli %add3A_45, %mul3A_46 : i32
      %multiple_of3A_48 = tpu.assume_multiple %mul3A_47, 8 : i32
      %dma_start3A_49 = arith.constant 0 : i32
      %dma_start3A_50 = arith.constant 0 : i32
      %dma_start3A_51 = tpu.memref_slice %arg7[%dma_start3A_49, %dma_start3A_50] : memref<160x64xi32, #tpu.memory_space<vmem>> -> memref<80x64xi32, #tpu.memory_space<vmem>>
      %dma_start3A_52 = tpu.memref_slice %arg5[%multiple_of3A_48] : memref<5120xi32, #tpu.memory_space<vmem>> -> memref<80xi32, #tpu.memory_space<vmem>>
      %dma_start3A_53 = arith.constant 0 : i32
      %dma_start3A_54 = arith.constant 0 : i32
      %dma_start3A_55 = tpu.memref_slice %arg2[%dma_start3A_53, %dma_start3A_54] : memref<50000x64xi32, #tpu.memory_space<hbm>> -> memref<50000x64xi32, #tpu.memory_space<hbm>>
      tpu.enqueue_indirect_dma source(%dma_start3A_55 : memref<50000x64xi32, #tpu.memory_space<hbm>>) target(%dma_start3A_51 : memref<80x64xi32, #tpu.memory_space<vmem>>) offsets(%dma_start3A_52 : memref<80xi32, #tpu.memory_space<vmem>>) semaphore(%arg11 : memref<!tpu.dma_semaphore, #tpu.memory_space<semaphore_mem>>)
      %add3A_56 = arith.constant 80 : i32
      %add3A_57 = arith.addi %multiple_of3A_48, %add3A_56 : i32
      %dma_start3A_58 = arith.constant 80 : i32
      %dma_start3A_59 = arith.constant 0 : i32
      %dma_start3A_60 = tpu.memref_slice %arg7[%dma_start3A_58, %dma_start3A_59] : memref<160x64xi32, #tpu.memory_space<vmem>> -> memref<80x64xi32, #tpu.memory_space<vmem>>
      %dma_start3A_61 = tpu.memref_slice %arg5[%add3A_57] : memref<5120xi32, #tpu.memory_space<vmem>> -> memref<80xi32, #tpu.memory_space<vmem>>
      %dma_start3A_62 = arith.constant 0 : i32
      %dma_start3A_63 = arith.constant 0 : i32
      %dma_start3A_64 = tpu.memref_slice %arg2[%dma_start3A_62, %dma_start3A_63] : memref<50000x64xi32, #tpu.memory_space<hbm>> -> memref<50000x64xi32, #tpu.memory_space<hbm>>
      tpu.enqueue_indirect_dma source(%dma_start3A_64 : memref<50000x64xi32, #tpu.memory_space<hbm>>) target(%dma_start3A_60 : memref<80x64xi32, #tpu.memory_space<vmem>>) offsets(%dma_start3A_61 : memref<80xi32, #tpu.memory_space<vmem>>) semaphore(%arg11 : memref<!tpu.dma_semaphore, #tpu.memory_space<semaphore_mem>>)
      %dma_wait3A_65 = arith.constant 0 : i32
      %dma_wait3A_66 = arith.constant 0 : i32
      %dma_wait3A_67 = tpu.memref_slice %arg6[%dma_wait3A_65, %dma_wait3A_66] : memref<160x64xi32, #tpu.memory_space<vmem>> -> memref<80x64xi32, #tpu.memory_space<vmem>>
      %dma_wait3A_68 = arith.constant 0 : i32
      %dma_wait3A_69 = arith.constant 0 : i32
      %dma_wait3A_70 = tpu.memref_slice %arg2[%dma_wait3A_68, %dma_wait3A_69] : memref<50000x64xi32, #tpu.memory_space<hbm>> -> memref<80x64xi32, #tpu.memory_space<hbm>>
      %dma_wait3A_71 = arith.constant 0 : i32
      %dma_wait3A_72 = arith.constant 0 : i32
      %dma_wait3A_73 = tpu.memref_slice %arg6[%dma_wait3A_71, %dma_wait3A_72] : memref<160x64xi32, #tpu.memory_space<vmem>> -> memref<80x64xi32, #tpu.memory_space<vmem>>
      %dma_wait3A_74 = arith.constant 0 : i32
      %dma_wait3A_75 = arith.constant 0 : i32
      %dma_wait3A_76 = tpu.memref_slice %arg2[%dma_wait3A_74, %dma_wait3A_75] : memref<50000x64xi32, #tpu.memory_space<hbm>> -> memref<80x64xi32, #tpu.memory_space<hbm>>
      tpu.wait_dma2 semaphore(%arg10 : memref<!tpu.dma_semaphore, #tpu.memory_space<semaphore_mem>>) src(%dma_wait3A_76 : memref<80x64xi32, #tpu.memory_space<hbm>>) dst(%dma_wait3A_73 : memref<80x64xi32, #tpu.memory_space<vmem>>)
      %dma_wait3A_77 = arith.constant 80 : i32
      %dma_wait3A_78 = arith.constant 0 : i32
      %dma_wait3A_79 = tpu.memref_slice %arg6[%dma_wait3A_77, %dma_wait3A_78] : memref<160x64xi32, #tpu.memory_space<vmem>> -> memref<80x64xi32, #tpu.memory_space<vmem>>
      %dma_wait3A_80 = arith.constant 0 : i32
      %dma_wait3A_81 = arith.constant 0 : i32
      %dma_wait3A_82 = tpu.memref_slice %arg2[%dma_wait3A_80, %dma_wait3A_81] : memref<50000x64xi32, #tpu.memory_space<hbm>> -> memref<80x64xi32, #tpu.memory_space<hbm>>
      %dma_wait3A_83 = arith.constant 80 : i32
      %dma_wait3A_84 = arith.constant 0 : i32
      %dma_wait3A_85 = tpu.memref_slice %arg6[%dma_wait3A_83, %dma_wait3A_84] : memref<160x64xi32, #tpu.memory_space<vmem>> -> memref<80x64xi32, #tpu.memory_space<vmem>>
      %dma_wait3A_86 = arith.constant 0 : i32
      %dma_wait3A_87 = arith.constant 0 : i32
      %dma_wait3A_88 = tpu.memref_slice %arg2[%dma_wait3A_86, %dma_wait3A_87] : memref<50000x64xi32, #tpu.memory_space<hbm>> -> memref<80x64xi32, #tpu.memory_space<hbm>>
      tpu.wait_dma2 semaphore(%arg10 : memref<!tpu.dma_semaphore, #tpu.memory_space<semaphore_mem>>) src(%dma_wait3A_88 : memref<80x64xi32, #tpu.memory_space<hbm>>) dst(%dma_wait3A_85 : memref<80x64xi32, #tpu.memory_space<vmem>>)
      %scan3A_89 = arith.constant 0 : i32
      %scan3A_90 = arith.constant 0 : i32
      %scan3A_91 = arith.constant 16 : i32
      %scan3A_92 = arith.addi %scan3A_90, %scan3A_91 : i32
      %scan3A_93 = arith.constant 1 : i32
      scf.for %scan3A_155 = %scan3A_90 to %scan3A_92 step %scan3A_93  : i32 {
        %mul3A_156 = arith.constant 10 : i32
        %mul3A_157 = arith.muli %scan3A_155, %mul3A_156 : i32
        %add3A_158 = arith.constant 0 : i32
        %add3A_159 = arith.addi %mul3A_157, %add3A_158 : i32
        %get3A = arith.index_cast %add3A_159 : i32 to index
        %get3A_160 = arith.constant 0 : index
        %get3A_161 = tpu.vector_load %arg6[%get3A, %get3A_160] {strides = array<i32>} : memref<160x64xi32, #tpu.memory_space<vmem>>, vector<16xi32>,
        %bitcast3A = vector.bitcast %get3A_161 : vector<16xi32> to vector<32xbf16>
        %add3A_162 = arith.constant 1 : i32
        %add3A_163 = arith.addi %mul3A_157, %add3A_162 : i32
        %get3A_164 = arith.index_cast %add3A_163 : i32 to index
        %get3A_165 = arith.constant 0 : index
        %get3A_166 = tpu.vector_load %arg6[%get3A_164, %get3A_165] {strides = array<i32>} : memref<160x64xi32, #tpu.memory_space<vmem>>, vector<16xi32>,
        %bitcast3A_167 = vector.bitcast %get3A_166 : vector<16xi32> to vector<32xbf16>
        %add3A_168 = arith.constant 2 : i32
        %add3A_169 = arith.addi %mul3A_157, %add3A_168 : i32
        %get3A_170 = arith.index_cast %add3A_169 : i32 to index
        %get3A_171 = arith.constant 0 : index
        %get3A_172 = tpu.vector_load %arg6[%get3A_170, %get3A_171] {strides = array<i32>} : memref<160x64xi32, #tpu.memory_space<vmem>>, vector<16xi32>,
        %bitcast3A_173 = vector.bitcast %get3A_172 : vector<16xi32> to vector<32xbf16>
        %add3A_174 = arith.constant 3 : i32
        %add3A_175 = arith.addi %mul3A_157, %add3A_174 : i32
        %get3A_176 = arith.index_cast %add3A_175 : i32 to index
        %get3A_177 = arith.constant 0 : index
        %get3A_178 = tpu.vector_load %arg6[%get3A_176, %get3A_177] {strides = array<i32>} : memref<160x64xi32, #tpu.memory_space<vmem>>, vector<16xi32>,
        %bitcast3A_179 = vector.bitcast %get3A_178 : vector<16xi32> to vector<32xbf16>
        %add3A_180 = arith.constant 4 : i32
        %add3A_181 = arith.addi %mul3A_157, %add3A_180 : i32
        %get3A_182 = arith.index_cast %add3A_181 : i32 to index
        %get3A_183 = arith.constant 0 : index
        %get3A_184 = tpu.vector_load %arg6[%get3A_182, %get3A_183] {strides = array<i32>} : memref<160x64xi32, #tpu.memory_space<vmem>>, vector<16xi32>,
        %bitcast3A_185 = vector.bitcast %get3A_184 : vector<16xi32> to vector<32xbf16>
        %add3A_186 = arith.constant 5 : i32
        %add3A_187 = arith.addi %mul3A_157, %add3A_186 : i32
        %get3A_188 = arith.index_cast %add3A_187 : i32 to index
        %get3A_189 = arith.constant 0 : index
        %get3A_190 = tpu.vector_load %arg6[%get3A_188, %get3A_189] {strides = array<i32>} : memref<160x64xi32, #tpu.memory_space<vmem>>, vector<16xi32>,
        %bitcast3A_191 = vector.bitcast %get3A_190 : vector<16xi32> to vector<32xbf16>
        %add3A_192 = arith.constant 6 : i32
        %add3A_193 = arith.addi %mul3A_157, %add3A_192 : i32
        %get3A_194 = arith.index_cast %add3A_193 : i32 to index
        %get3A_195 = arith.constant 0 : index
        %get3A_196 = tpu.vector_load %arg6[%get3A_194, %get3A_195] {strides = array<i32>} : memref<160x64xi32, #tpu.memory_space<vmem>>, vector<16xi32>,
        %bitcast3A_197 = vector.bitcast %get3A_196 : vector<16xi32> to vector<32xbf16>
        %add3A_198 = arith.constant 7 : i32
        %add3A_199 = arith.addi %mul3A_157, %add3A_198 : i32
        %get3A_200 = arith.index_cast %add3A_199 : i32 to index
        %get3A_201 = arith.constant 0 : index
        %get3A_202 = tpu.vector_load %arg6[%get3A_200, %get3A_201] {strides = array<i32>} : memref<160x64xi32, #tpu.memory_space<vmem>>, vector<16xi32>,
        %bitcast3A_203 = vector.bitcast %get3A_202 : vector<16xi32> to vector<32xbf16>
        %add3A_204 = arith.constant 8 : i32
        %add3A_205 = arith.addi %mul3A_157, %add3A_204 : i32
        %get3A_206 = arith.index_cast %add3A_205 : i32 to index
        %get3A_207 = arith.constant 0 : index
        %get3A_208 = tpu.vector_load %arg6[%get3A_206, %get3A_207] {strides = array<i32>} : memref<160x64xi32, #tpu.memory_space<vmem>>, vector<16xi32>,
        %bitcast3A_209 = vector.bitcast %get3A_208 : vector<16xi32> to vector<32xbf16>
        %add3A_210 = arith.constant 9 : i32
        %add3A_211 = arith.addi %mul3A_157, %add3A_210 : i32
        %get3A_212 = arith.index_cast %add3A_211 : i32 to index
        %get3A_213 = arith.constant 0 : index
        %get3A_214 = tpu.vector_load %arg6[%get3A_212, %get3A_213] {strides = array<i32>} : memref<160x64xi32, #tpu.memory_space<vmem>>, vector<16xi32>,
        %bitcast3A_215 = vector.bitcast %get3A_214 : vector<16xi32> to vector<32xbf16>
        %add3A_216 = arith.addf %bitcast3A, %bitcast3A_167 : vector<32xbf16>
        %add3A_217 = arith.addf %bitcast3A_173, %bitcast3A_179 : vector<32xbf16>
        %add3A_218 = arith.addf %bitcast3A_185, %bitcast3A_191 : vector<32xbf16>
        %add3A_219 = arith.addf %bitcast3A_197, %bitcast3A_203 : vector<32xbf16>
        %add3A_220 = arith.addf %bitcast3A_209, %bitcast3A_215 : vector<32xbf16>
        %add3A_221 = arith.addf %add3A_216, %add3A_217 : vector<32xbf16>
        %add3A_222 = arith.addf %add3A_218, %add3A_219 : vector<32xbf16>
        %add3A_223 = arith.addf %add3A_221, %add3A_222 : vector<32xbf16>
        %add3A_224 = arith.addf %add3A_223, %add3A_220 : vector<32xbf16>
        %bitcast3A_225 = vector.bitcast %add3A_224 : vector<32xbf16> to vector<16xi32>
        %swap3A = arith.index_cast %scan3A_155 : i32 to index
        %swap3A_226 = arith.constant 0 : index
        %swap3A_227 = tpu.vector_load %arg8[%swap3A, %swap3A_226] {strides = array<i32>} : memref<16x64xi32, #tpu.memory_space<vmem>>, vector<16xi32>,
        tpu.vector_store %arg8[%swap3A, %swap3A_226], %bitcast3A_225 {strides = array<i32>} : memref<16x64xi32, #tpu.memory_space<vmem>>, vector<16xi32>,
        %add3A_228 = arith.constant 0 : i32
        %add3A_229 = arith.addi %mul3A_157, %add3A_228 : i32
        %get3A_230 = arith.index_cast %add3A_229 : i32 to index
        %get3A_231 = arith.constant 16 : index
        %get3A_232 = tpu.vector_load %arg6[%get3A_230, %get3A_231] {strides = array<i32>} : memref<160x64xi32, #tpu.memory_space<vmem>>, vector<16xi32>,
        %bitcast3A_233 = vector.bitcast %get3A_232 : vector<16xi32> to vector<32xbf16>
        %add3A_234 = arith.constant 1 : i32
        %add3A_235 = arith.addi %mul3A_157, %add3A_234 : i32
        %get3A_236 = arith.index_cast %add3A_235 : i32 to index
        %get3A_237 = arith.constant 16 : index
        %get3A_238 = tpu.vector_load %arg6[%get3A_236, %get3A_237] {strides = array<i32>} : memref<160x64xi32, #tpu.memory_space<vmem>>, vector<16xi32>,
        %bitcast3A_239 = vector.bitcast %get3A_238 : vector<16xi32> to vector<32xbf16>
        %add3A_240 = arith.constant 2 : i32
        %add3A_241 = arith.addi %mul3A_157, %add3A_240 : i32
        %get3A_242 = arith.index_cast %add3A_241 : i32 to index
        %get3A_243 = arith.constant 16 : index
        %get3A_244 = tpu.vector_load %arg6[%get3A_242, %get3A_243] {strides = array<i32>} : memref<160x64xi32, #tpu.memory_space<vmem>>, vector<16xi32>,
        %bitcast3A_245 = vector.bitcast %get3A_244 : vector<16xi32> to vector<32xbf16>
        %add3A_246 = arith.constant 3 : i32
        %add3A_247 = arith.addi %mul3A_157, %add3A_246 : i32
        %get3A_248 = arith.index_cast %add3A_247 : i32 to index
        %get3A_249 = arith.constant 16 : index
        %get3A_250 = tpu.vector_load %arg6[%get3A_248, %get3A_249] {strides = array<i32>} : memref<160x64xi32, #tpu.memory_space<vmem>>, vector<16xi32>,
        %bitcast3A_251 = vector.bitcast %get3A_250 : vector<16xi32> to vector<32xbf16>
        %add3A_252 = arith.constant 4 : i32
        %add3A_253 = arith.addi %mul3A_157, %add3A_252 : i32
        %get3A_254 = arith.index_cast %add3A_253 : i32 to index
        %get3A_255 = arith.constant 16 : index
        %get3A_256 = tpu.vector_load %arg6[%get3A_254, %get3A_255] {strides = array<i32>} : memref<160x64xi32, #tpu.memory_space<vmem>>, vector<16xi32>,
        %bitcast3A_257 = vector.bitcast %get3A_256 : vector<16xi32> to vector<32xbf16>
        %add3A_258 = arith.constant 5 : i32
        %add3A_259 = arith.addi %mul3A_157, %add3A_258 : i32
        %get3A_260 = arith.index_cast %add3A_259 : i32 to index
        %get3A_261 = arith.constant 16 : index
        %get3A_262 = tpu.vector_load %arg6[%get3A_260, %get3A_261] {strides = array<i32>} : memref<160x64xi32, #tpu.memory_space<vmem>>, vector<16xi32>,
        %bitcast3A_263 = vector.bitcast %get3A_262 : vector<16xi32> to vector<32xbf16>
        %add3A_264 = arith.constant 6 : i32
        %add3A_265 = arith.addi %mul3A_157, %add3A_264 : i32
        %get3A_266 = arith.index_cast %add3A_265 : i32 to index
        %get3A_267 = arith.constant 16 : index
        %get3A_268 = tpu.vector_load %arg6[%get3A_266, %get3A_267] {strides = array<i32>} : memref<160x64xi32, #tpu.memory_space<vmem>>, vector<16xi32>,
        %bitcast3A_269 = vector.bitcast %get3A_268 : vector<16xi32> to vector<32xbf16>
        %add3A_270 = arith.constant 7 : i32
        %add3A_271 = arith.addi %mul3A_157, %add3A_270 : i32
        %get3A_272 = arith.index_cast %add3A_271 : i32 to index
        %get3A_273 = arith.constant 16 : index
        %get3A_274 = tpu.vector_load %arg6[%get3A_272, %get3A_273] {strides = array<i32>} : memref<160x64xi32, #tpu.memory_space<vmem>>, vector<16xi32>,
        %bitcast3A_275 = vector.bitcast %get3A_274 : vector<16xi32> to vector<32xbf16>
        %add3A_276 = arith.constant 8 : i32
        %add3A_277 = arith.addi %mul3A_157, %add3A_276 : i32
        %get3A_278 = arith.index_cast %add3A_277 : i32 to index
        %get3A_279 = arith.constant 16 : index
        %get3A_280 = tpu.vector_load %arg6[%get3A_278, %get3A_279] {strides = array<i32>} : memref<160x64xi32, #tpu.memory_space<vmem>>, vector<16xi32>,
        %bitcast3A_281 = vector.bitcast %get3A_280 : vector<16xi32> to vector<32xbf16>
        %add3A_282 = arith.constant 9 : i32
        %add3A_283 = arith.addi %mul3A_157, %add3A_282 : i32
        %get3A_284 = arith.index_cast %add3A_283 : i32 to index
        %get3A_285 = arith.constant 16 : index
        %get3A_286 = tpu.vector_load %arg6[%get3A_284, %get3A_285] {strides = array<i32>} : memref<160x64xi32, #tpu.memory_space<vmem>>, vector<16xi32>,
        %bitcast3A_287 = vector.bitcast %get3A_286 : vector<16xi32> to vector<32xbf16>
        %add3A_288 = arith.addf %bitcast3A_233, %bitcast3A_239 : vector<32xbf16>
        %add3A_289 = arith.addf %bitcast3A_245, %bitcast3A_251 : vector<32xbf16>
        %add3A_290 = arith.addf %bitcast3A_257, %bitcast3A_263 : vector<32xbf16>
        %add3A_291 = arith.addf %bitcast3A_269, %bitcast3A_275 : vector<32xbf16>
        %add3A_292 = arith.addf %bitcast3A_281, %bitcast3A_287 : vector<32xbf16>
        %add3A_293 = arith.addf %add3A_288, %add3A_289 : vector<32xbf16>
        %add3A_294 = arith.addf %add3A_290, %add3A_291 : vector<32xbf16>
        %add3A_295 = arith.addf %add3A_293, %add3A_294 : vector<32xbf16>
        %add3A_296 = arith.addf %add3A_295, %add3A_292 : vector<32xbf16>
        %bitcast3A_297 = vector.bitcast %add3A_296 : vector<32xbf16> to vector<16xi32>
        %swap3A_298 = arith.index_cast %scan3A_155 : i32 to index
        %swap3A_299 = arith.constant 16 : index
        %swap3A_300 = tpu.vector_load %arg8[%swap3A_298, %swap3A_299] {strides = array<i32>} : memref<16x64xi32, #tpu.memory_space<vmem>>, vector<16xi32>,
        tpu.vector_store %arg8[%swap3A_298, %swap3A_299], %bitcast3A_297 {strides = array<i32>} : memref<16x64xi32, #tpu.memory_space<vmem>>, vector<16xi32>,
        %add3A_301 = arith.constant 0 : i32
        %add3A_302 = arith.addi %mul3A_157, %add3A_301 : i32
        %get3A_303 = arith.index_cast %add3A_302 : i32 to index
        %get3A_304 = arith.constant 32 : index
        %get3A_305 = tpu.vector_load %arg6[%get3A_303, %get3A_304] {strides = array<i32>} : memref<160x64xi32, #tpu.memory_space<vmem>>, vector<16xi32>,
        %bitcast3A_306 = vector.bitcast %get3A_305 : vector<16xi32> to vector<32xbf16>
        %add3A_307 = arith.constant 1 : i32
        %add3A_308 = arith.addi %mul3A_157, %add3A_307 : i32
        %get3A_309 = arith.index_cast %add3A_308 : i32 to index
        %get3A_310 = arith.constant 32 : index
        %get3A_311 = tpu.vector_load %arg6[%get3A_309, %get3A_310] {strides = array<i32>} : memref<160x64xi32, #tpu.memory_space<vmem>>, vector<16xi32>,
        %bitcast3A_312 = vector.bitcast %get3A_311 : vector<16xi32> to vector<32xbf16>
        %add3A_313 = arith.constant 2 : i32
        %add3A_314 = arith.addi %mul3A_157, %add3A_313 : i32
        %get3A_315 = arith.index_cast %add3A_314 : i32 to index
        %get3A_316 = arith.constant 32 : index
        %get3A_317 = tpu.vector_load %arg6[%get3A_315, %get3A_316] {strides = array<i32>} : memref<160x64xi32, #tpu.memory_space<vmem>>, vector<16xi32>,
        %bitcast3A_318 = vector.bitcast %get3A_317 : vector<16xi32> to vector<32xbf16>
        %add3A_319 = arith.constant 3 : i32
        %add3A_320 = arith.addi %mul3A_157, %add3A_319 : i32
        %get3A_321 = arith.index_cast %add3A_320 : i32 to index
        %get3A_322 = arith.constant 32 : index
        %get3A_323 = tpu.vector_load %arg6[%get3A_321, %get3A_322] {strides = array<i32>} : memref<160x64xi32, #tpu.memory_space<vmem>>, vector<16xi32>,
        %bitcast3A_324 = vector.bitcast %get3A_323 : vector<16xi32> to vector<32xbf16>
        %add3A_325 = arith.constant 4 : i32
        %add3A_326 = arith.addi %mul3A_157, %add3A_325 : i32
        %get3A_327 = arith.index_cast %add3A_326 : i32 to index
        %get3A_328 = arith.constant 32 : index
        %get3A_329 = tpu.vector_load %arg6[%get3A_327, %get3A_328] {strides = array<i32>} : memref<160x64xi32, #tpu.memory_space<vmem>>, vector<16xi32>,
        %bitcast3A_330 = vector.bitcast %get3A_329 : vector<16xi32> to vector<32xbf16>
        %add3A_331 = arith.constant 5 : i32
        %add3A_332 = arith.addi %mul3A_157, %add3A_331 : i32
        %get3A_333 = arith.index_cast %add3A_332 : i32 to index
        %get3A_334 = arith.constant 32 : index
        %get3A_335 = tpu.vector_load %arg6[%get3A_333, %get3A_334] {strides = array<i32>} : memref<160x64xi32, #tpu.memory_space<vmem>>, vector<16xi32>,
        %bitcast3A_336 = vector.bitcast %get3A_335 : vector<16xi32> to vector<32xbf16>
        %add3A_337 = arith.constant 6 : i32
        %add3A_338 = arith.addi %mul3A_157, %add3A_337 : i32
        %get3A_339 = arith.index_cast %add3A_338 : i32 to index
        %get3A_340 = arith.constant 32 : index
        %get3A_341 = tpu.vector_load %arg6[%get3A_339, %get3A_340] {strides = array<i32>} : memref<160x64xi32, #tpu.memory_space<vmem>>, vector<16xi32>,
        %bitcast3A_342 = vector.bitcast %get3A_341 : vector<16xi32> to vector<32xbf16>
        %add3A_343 = arith.constant 7 : i32
        %add3A_344 = arith.addi %mul3A_157, %add3A_343 : i32
        %get3A_345 = arith.index_cast %add3A_344 : i32 to index
        %get3A_346 = arith.constant 32 : index
        %get3A_347 = tpu.vector_load %arg6[%get3A_345, %get3A_346] {strides = array<i32>} : memref<160x64xi32, #tpu.memory_space<vmem>>, vector<16xi32>,
        %bitcast3A_348 = vector.bitcast %get3A_347 : vector<16xi32> to vector<32xbf16>
        %add3A_349 = arith.constant 8 : i32
        %add3A_350 = arith.addi %mul3A_157, %add3A_349 : i32
        %get3A_351 = arith.index_cast %add3A_350 : i32 to index
        %get3A_352 = arith.constant 32 : index
        %get3A_353 = tpu.vector_load %arg6[%get3A_351, %get3A_352] {strides = array<i32>} : memref<160x64xi32, #tpu.memory_space<vmem>>, vector<16xi32>,
        %bitcast3A_354 = vector.bitcast %get3A_353 : vector<16xi32> to vector<32xbf16>
        %add3A_355 = arith.constant 9 : i32
        %add3A_356 = arith.addi %mul3A_157, %add3A_355 : i32
        %get3A_357 = arith.index_cast %add3A_356 : i32 to index
        %get3A_358 = arith.constant 32 : index
        %get3A_359 = tpu.vector_load %arg6[%get3A_357, %get3A_358] {strides = array<i32>} : memref<160x64xi32, #tpu.memory_space<vmem>>, vector<16xi32>,
        %bitcast3A_360 = vector.bitcast %get3A_359 : vector<16xi32> to vector<32xbf16>
        %add3A_361 = arith.addf %bitcast3A_306, %bitcast3A_312 : vector<32xbf16>
        %add3A_362 = arith.addf %bitcast3A_318, %bitcast3A_324 : vector<32xbf16>
        %add3A_363 = arith.addf %bitcast3A_330, %bitcast3A_336 : vector<32xbf16>
        %add3A_364 = arith.addf %bitcast3A_342, %bitcast3A_348 : vector<32xbf16>
        %add3A_365 = arith.addf %bitcast3A_354, %bitcast3A_360 : vector<32xbf16>
        %add3A_366 = arith.addf %add3A_361, %add3A_362 : vector<32xbf16>
        %add3A_367 = arith.addf %add3A_363, %add3A_364 : vector<32xbf16>
        %add3A_368 = arith.addf %add3A_366, %add3A_367 : vector<32xbf16>
        %add3A_369 = arith.addf %add3A_368, %add3A_365 : vector<32xbf16>
        %bitcast3A_370 = vector.bitcast %add3A_369 : vector<32xbf16> to vector<16xi32>
        %swap3A_371 = arith.index_cast %scan3A_155 : i32 to index
        %swap3A_372 = arith.constant 32 : index
        %swap3A_373 = tpu.vector_load %arg8[%swap3A_371, %swap3A_372] {strides = array<i32>} : memref<16x64xi32, #tpu.memory_space<vmem>>, vector<16xi32>,
        tpu.vector_store %arg8[%swap3A_371, %swap3A_372], %bitcast3A_370 {strides = array<i32>} : memref<16x64xi32, #tpu.memory_space<vmem>>, vector<16xi32>,
        %add3A_374 = arith.constant 0 : i32
        %add3A_375 = arith.addi %mul3A_157, %add3A_374 : i32
        %get3A_376 = arith.index_cast %add3A_375 : i32 to index
        %get3A_377 = arith.constant 48 : index
        %get3A_378 = tpu.vector_load %arg6[%get3A_376, %get3A_377] {strides = array<i32>} : memref<160x64xi32, #tpu.memory_space<vmem>>, vector<16xi32>,
        %bitcast3A_379 = vector.bitcast %get3A_378 : vector<16xi32> to vector<32xbf16>
        %add3A_380 = arith.constant 1 : i32
        %add3A_381 = arith.addi %mul3A_157, %add3A_380 : i32
        %get3A_382 = arith.index_cast %add3A_381 : i32 to index
        %get3A_383 = arith.constant 48 : index
        %get3A_384 = tpu.vector_load %arg6[%get3A_382, %get3A_383] {strides = array<i32>} : memref<160x64xi32, #tpu.memory_space<vmem>>, vector<16xi32>,
        %bitcast3A_385 = vector.bitcast %get3A_384 : vector<16xi32> to vector<32xbf16>
        %add3A_386 = arith.constant 2 : i32
        %add3A_387 = arith.addi %mul3A_157, %add3A_386 : i32
        %get3A_388 = arith.index_cast %add3A_387 : i32 to index
        %get3A_389 = arith.constant 48 : index
        %get3A_390 = tpu.vector_load %arg6[%get3A_388, %get3A_389] {strides = array<i32>} : memref<160x64xi32, #tpu.memory_space<vmem>>, vector<16xi32>,
        %bitcast3A_391 = vector.bitcast %get3A_390 : vector<16xi32> to vector<32xbf16>
        %add3A_392 = arith.constant 3 : i32
        %add3A_393 = arith.addi %mul3A_157, %add3A_392 : i32
        %get3A_394 = arith.index_cast %add3A_393 : i32 to index
        %get3A_395 = arith.constant 48 : index
        %get3A_396 = tpu.vector_load %arg6[%get3A_394, %get3A_395] {strides = array<i32>} : memref<160x64xi32, #tpu.memory_space<vmem>>, vector<16xi32>,
        %bitcast3A_397 = vector.bitcast %get3A_396 : vector<16xi32> to vector<32xbf16>
        %add3A_398 = arith.constant 4 : i32
        %add3A_399 = arith.addi %mul3A_157, %add3A_398 : i32
        %get3A_400 = arith.index_cast %add3A_399 : i32 to index
        %get3A_401 = arith.constant 48 : index
        %get3A_402 = tpu.vector_load %arg6[%get3A_400, %get3A_401] {strides = array<i32>} : memref<160x64xi32, #tpu.memory_space<vmem>>, vector<16xi32>,
        %bitcast3A_403 = vector.bitcast %get3A_402 : vector<16xi32> to vector<32xbf16>
        %add3A_404 = arith.constant 5 : i32
        %add3A_405 = arith.addi %mul3A_157, %add3A_404 : i32
        %get3A_406 = arith.index_cast %add3A_405 : i32 to index
        %get3A_407 = arith.constant 48 : index
        %get3A_408 = tpu.vector_load %arg6[%get3A_406, %get3A_407] {strides = array<i32>} : memref<160x64xi32, #tpu.memory_space<vmem>>, vector<16xi32>,
        %bitcast3A_409 = vector.bitcast %get3A_408 : vector<16xi32> to vector<32xbf16>
        %add3A_410 = arith.constant 6 : i32
        %add3A_411 = arith.addi %mul3A_157, %add3A_410 : i32
        %get3A_412 = arith.index_cast %add3A_411 : i32 to index
        %get3A_413 = arith.constant 48 : index
        %get3A_414 = tpu.vector_load %arg6[%get3A_412, %get3A_413] {strides = array<i32>} : memref<160x64xi32, #tpu.memory_space<vmem>>, vector<16xi32>,
        %bitcast3A_415 = vector.bitcast %get3A_414 : vector<16xi32> to vector<32xbf16>
        %add3A_416 = arith.constant 7 : i32
        %add3A_417 = arith.addi %mul3A_157, %add3A_416 : i32
        %get3A_418 = arith.index_cast %add3A_417 : i32 to index
        %get3A_419 = arith.constant 48 : index
        %get3A_420 = tpu.vector_load %arg6[%get3A_418, %get3A_419] {strides = array<i32>} : memref<160x64xi32, #tpu.memory_space<vmem>>, vector<16xi32>,
        %bitcast3A_421 = vector.bitcast %get3A_420 : vector<16xi32> to vector<32xbf16>
        %add3A_422 = arith.constant 8 : i32
        %add3A_423 = arith.addi %mul3A_157, %add3A_422 : i32
        %get3A_424 = arith.index_cast %add3A_423 : i32 to index
        %get3A_425 = arith.constant 48 : index
        %get3A_426 = tpu.vector_load %arg6[%get3A_424, %get3A_425] {strides = array<i32>} : memref<160x64xi32, #tpu.memory_space<vmem>>, vector<16xi32>,
        %bitcast3A_427 = vector.bitcast %get3A_426 : vector<16xi32> to vector<32xbf16>
        %add3A_428 = arith.constant 9 : i32
        %add3A_429 = arith.addi %mul3A_157, %add3A_428 : i32
        %get3A_430 = arith.index_cast %add3A_429 : i32 to index
        %get3A_431 = arith.constant 48 : index
        %get3A_432 = tpu.vector_load %arg6[%get3A_430, %get3A_431] {strides = array<i32>} : memref<160x64xi32, #tpu.memory_space<vmem>>, vector<16xi32>,
        %bitcast3A_433 = vector.bitcast %get3A_432 : vector<16xi32> to vector<32xbf16>
        %add3A_434 = arith.addf %bitcast3A_379, %bitcast3A_385 : vector<32xbf16>
        %add3A_435 = arith.addf %bitcast3A_391, %bitcast3A_397 : vector<32xbf16>
        %add3A_436 = arith.addf %bitcast3A_403, %bitcast3A_409 : vector<32xbf16>
        %add3A_437 = arith.addf %bitcast3A_415, %bitcast3A_421 : vector<32xbf16>
        %add3A_438 = arith.addf %bitcast3A_427, %bitcast3A_433 : vector<32xbf16>
        %add3A_439 = arith.addf %add3A_434, %add3A_435 : vector<32xbf16>
        %add3A_440 = arith.addf %add3A_436, %add3A_437 : vector<32xbf16>
        %add3A_441 = arith.addf %add3A_439, %add3A_440 : vector<32xbf16>
        %add3A_442 = arith.addf %add3A_441, %add3A_438 : vector<32xbf16>
        %bitcast3A_443 = vector.bitcast %add3A_442 : vector<32xbf16> to vector<16xi32>
        %swap3A_444 = arith.index_cast %scan3A_155 : i32 to index
        %swap3A_445 = arith.constant 48 : index
        %swap3A_446 = tpu.vector_load %arg8[%swap3A_444, %swap3A_445] {strides = array<i32>} : memref<16x64xi32, #tpu.memory_space<vmem>>, vector<16xi32>,
        tpu.vector_store %arg8[%swap3A_444, %swap3A_445], %bitcast3A_443 {strides = array<i32>} : memref<16x64xi32, #tpu.memory_space<vmem>>, vector<16xi32>,
      }
      %scan3A_94 = arith.constant 16 : i32
      %mul3A_95 = arith.constant 16 : i32
      %mul3A_96 = arith.muli %add3A_41, %mul3A_95 : i32
      %add3A_97 = arith.addi %mul3A_2, %mul3A_96 : i32
      %multiple_of3A_98 = tpu.assume_multiple %add3A_97, 16 : i32
      %dma_start3A_99 = arith.constant 0 : i32
      %dma_start3A_100 = tpu.memref_slice %arg4[%multiple_of3A_98, %dma_start3A_99] : memref<16384x64xi32, #tpu.memory_space<hbm>> -> memref<16x64xi32, #tpu.memory_space<hbm>>
      %dma_start3A_101 = arith.constant 0 : i32
      %dma_start3A_102 = tpu.memref_slice %arg4[%multiple_of3A_98, %dma_start3A_101] : memref<16384x64xi32, #tpu.memory_space<hbm>> -> memref<16x64xi32, #tpu.memory_space<hbm>>
      tpu.enqueue_dma source(%arg8 : memref<16x64xi32, #tpu.memory_space<vmem>>) target(%dma_start3A_102 : memref<16x64xi32, #tpu.memory_space<hbm>>) target_semaphore(%arg12 : memref<!tpu.dma_semaphore, #tpu.memory_space<semaphore_mem>>)
      %mul3A_103 = arith.constant 2 : i32
      %mul3A_104 = arith.muli %scan3A_37, %mul3A_103 : i32
      %add3A_105 = arith.constant 1 : i32
      %add3A_106 = arith.addi %mul3A_104, %add3A_105 : i32
      %dma_wait3A_107 = arith.constant 0 : i32
      %dma_wait3A_108 = arith.constant 0 : i32
      %dma_wait3A_109 = tpu.memref_slice %arg4[%dma_wait3A_107, %dma_wait3A_108] : memref<16384x64xi32, #tpu.memory_space<hbm>> -> memref<16x64xi32, #tpu.memory_space<hbm>>
      %dma_wait3A_110 = arith.constant 0 : i32
      %dma_wait3A_111 = arith.constant 0 : i32
      %dma_wait3A_112 = tpu.memref_slice %arg4[%dma_wait3A_110, %dma_wait3A_111] : memref<16384x64xi32, #tpu.memory_space<hbm>> -> memref<16x64xi32, #tpu.memory_space<hbm>>
      tpu.wait_dma2 semaphore(%arg12 : memref<!tpu.dma_semaphore, #tpu.memory_space<semaphore_mem>>) src(%dma_wait3A_112 : memref<16x64xi32, #tpu.memory_space<hbm>>) dst(%arg8 : memref<16x64xi32, #tpu.memory_space<vmem>>)
      %lt3A = arith.constant 15 : i32
      %lt3A_113 = arith.cmpi slt, %scan3A_37, %lt3A : i32
      %convert_element_type3A_114 = arith.extui %lt3A_113 : i1 to i32
      %cond3A_115 = arith.constant 0 : i32
      %cond3A_116 = arith.cmpi ne, %convert_element_type3A_114, %cond3A_115 : i32
      scf.if %cond3A_116 {
        %add3A_155 = arith.constant 1 : i32
        %add3A_156 = arith.addi %add3A_106, %add3A_155 : i32
        %mul3A_157 = arith.constant 160 : i32
        %mul3A_158 = arith.muli %add3A_156, %mul3A_157 : i32
        %multiple_of3A_159 = tpu.assume_multiple %mul3A_158, 8 : i32
        %dma_start3A_160 = arith.constant 0 : i32
        %dma_start3A_161 = arith.constant 0 : i32
        %dma_start3A_162 = tpu.memref_slice %arg6[%dma_start3A_160, %dma_start3A_161] : memref<160x64xi32, #tpu.memory_space<vmem>> -> memref<80x64xi32, #tpu.memory_space<vmem>>
        %dma_start3A_163 = tpu.memref_slice %arg5[%multiple_of3A_159] : memref<5120xi32, #tpu.memory_space<vmem>> -> memref<80xi32, #tpu.memory_space<vmem>>
        %dma_start3A_164 = arith.constant 0 : i32
        %dma_start3A_165 = arith.constant 0 : i32
        %dma_start3A_166 = tpu.memref_slice %arg2[%dma_start3A_164, %dma_start3A_165] : memref<50000x64xi32, #tpu.memory_space<hbm>> -> memref<50000x64xi32, #tpu.memory_space<hbm>>
        tpu.enqueue_indirect_dma source(%dma_start3A_166 : memref<50000x64xi32, #tpu.memory_space<hbm>>) target(%dma_start3A_162 : memref<80x64xi32, #tpu.memory_space<vmem>>) offsets(%dma_start3A_163 : memref<80xi32, #tpu.memory_space<vmem>>) semaphore(%arg10 : memref<!tpu.dma_semaphore, #tpu.memory_space<semaphore_mem>>)
        %add3A_167 = arith.constant 80 : i32
        %add3A_168 = arith.addi %multiple_of3A_159, %add3A_167 : i32
        %dma_start3A_169 = arith.constant 80 : i32
        %dma_start3A_170 = arith.constant 0 : i32
        %dma_start3A_171 = tpu.memref_slice %arg6[%dma_start3A_169, %dma_start3A_170] : memref<160x64xi32, #tpu.memory_space<vmem>> -> memref<80x64xi32, #tpu.memory_space<vmem>>
        %dma_start3A_172 = tpu.memref_slice %arg5[%add3A_168] : memref<5120xi32, #tpu.memory_space<vmem>> -> memref<80xi32, #tpu.memory_space<vmem>>
        %dma_start3A_173 = arith.constant 0 : i32
        %dma_start3A_174 = arith.constant 0 : i32
        %dma_start3A_175 = tpu.memref_slice %arg2[%dma_start3A_173, %dma_start3A_174] : memref<50000x64xi32, #tpu.memory_space<hbm>> -> memref<50000x64xi32, #tpu.memory_space<hbm>>
        tpu.enqueue_indirect_dma source(%dma_start3A_175 : memref<50000x64xi32, #tpu.memory_space<hbm>>) target(%dma_start3A_171 : memref<80x64xi32, #tpu.memory_space<vmem>>) offsets(%dma_start3A_172 : memref<80xi32, #tpu.memory_space<vmem>>) semaphore(%arg10 : memref<!tpu.dma_semaphore, #tpu.memory_space<semaphore_mem>>)
      } else {
      }
      %dma_wait3A_117 = arith.constant 0 : i32
      %dma_wait3A_118 = arith.constant 0 : i32
      %dma_wait3A_119 = tpu.memref_slice %arg7[%dma_wait3A_117, %dma_wait3A_118] : memref<160x64xi32, #tpu.memory_space<vmem>> -> memref<80x64xi32, #tpu.memory_space<vmem>>
      %dma_wait3A_120 = arith.constant 0 : i32
      %dma_wait3A_121 = arith.constant 0 : i32
      %dma_wait3A_122 = tpu.memref_slice %arg2[%dma_wait3A_120, %dma_wait3A_121] : memref<50000x64xi32, #tpu.memory_space<hbm>> -> memref<80x64xi32, #tpu.memory_space<hbm>>
      %dma_wait3A_123 = arith.constant 0 : i32
      %dma_wait3A_124 = arith.constant 0 : i32
      %dma_wait3A_125 = tpu.memref_slice %arg7[%dma_wait3A_123, %dma_wait3A_124] : memref<160x64xi32, #tpu.memory_space<vmem>> -> memref<80x64xi32, #tpu.memory_space<vmem>>
      %dma_wait3A_126 = arith.constant 0 : i32
      %dma_wait3A_127 = arith.constant 0 : i32
      %dma_wait3A_128 = tpu.memref_slice %arg2[%dma_wait3A_126, %dma_wait3A_127] : memref<50000x64xi32, #tpu.memory_space<hbm>> -> memref<80x64xi32, #tpu.memory_space<hbm>>
      tpu.wait_dma2 semaphore(%arg11 : memref<!tpu.dma_semaphore, #tpu.memory_space<semaphore_mem>>) src(%dma_wait3A_128 : memref<80x64xi32, #tpu.memory_space<hbm>>) dst(%dma_wait3A_125 : memref<80x64xi32, #tpu.memory_space<vmem>>)
      %dma_wait3A_129 = arith.constant 80 : i32
      %dma_wait3A_130 = arith.constant 0 : i32
      %dma_wait3A_131 = tpu.memref_slice %arg7[%dma_wait3A_129, %dma_wait3A_130] : memref<160x64xi32, #tpu.memory_space<vmem>> -> memref<80x64xi32, #tpu.memory_space<vmem>>
      %dma_wait3A_132 = arith.constant 0 : i32
      %dma_wait3A_133 = arith.constant 0 : i32
      %dma_wait3A_134 = tpu.memref_slice %arg2[%dma_wait3A_132, %dma_wait3A_133] : memref<50000x64xi32, #tpu.memory_space<hbm>> -> memref<80x64xi32, #tpu.memory_space<hbm>>
      %dma_wait3A_135 = arith.constant 80 : i32
      %dma_wait3A_136 = arith.constant 0 : i32
      %dma_wait3A_137 = tpu.memref_slice %arg7[%dma_wait3A_135, %dma_wait3A_136] : memref<160x64xi32, #tpu.memory_space<vmem>> -> memref<80x64xi32, #tpu.memory_space<vmem>>
      %dma_wait3A_138 = arith.constant 0 : i32
      %dma_wait3A_139 = arith.constant 0 : i32
      %dma_wait3A_140 = tpu.memref_slice %arg2[%dma_wait3A_138, %dma_wait3A_139] : memref<50000x64xi32, #tpu.memory_space<hbm>> -> memref<80x64xi32, #tpu.memory_space<hbm>>
      tpu.wait_dma2 semaphore(%arg11 : memref<!tpu.dma_semaphore, #tpu.memory_space<semaphore_mem>>) src(%dma_wait3A_140 : memref<80x64xi32, #tpu.memory_space<hbm>>) dst(%dma_wait3A_137 : memref<80x64xi32, #tpu.memory_space<vmem>>)
      %scan3A_141 = arith.constant 0 : i32
      %scan3A_142 = arith.constant 0 : i32
      %scan3A_143 = arith.constant 16 : i32
      %scan3A_144 = arith.addi %scan3A_142, %scan3A_143 : i32
      %scan3A_145 = arith.constant 1 : i32
      scf.for %scan3A_155 = %scan3A_142 to %scan3A_144 step %scan3A_145  : i32 {
        %mul3A_156 = arith.constant 10 : i32
        %mul3A_157 = arith.muli %scan3A_155, %mul3A_156 : i32
        %add3A_158 = arith.constant 0 : i32
        %add3A_159 = arith.addi %mul3A_157, %add3A_158 : i32
        %get3A = arith.index_cast %add3A_159 : i32 to index
        %get3A_160 = arith.constant 0 : index
        %get3A_161 = tpu.vector_load %arg7[%get3A, %get3A_160] {strides = array<i32>} : memref<160x64xi32, #tpu.memory_space<vmem>>, vector<16xi32>,
        %bitcast3A = vector.bitcast %get3A_161 : vector<16xi32> to vector<32xbf16>
        %add3A_162 = arith.constant 1 : i32
        %add3A_163 = arith.addi %mul3A_157, %add3A_162 : i32
        %get3A_164 = arith.index_cast %add3A_163 : i32 to index
        %get3A_165 = arith.constant 0 : index
        %get3A_166 = tpu.vector_load %arg7[%get3A_164, %get3A_165] {strides = array<i32>} : memref<160x64xi32, #tpu.memory_space<vmem>>, vector<16xi32>,
        %bitcast3A_167 = vector.bitcast %get3A_166 : vector<16xi32> to vector<32xbf16>
        %add3A_168 = arith.constant 2 : i32
        %add3A_169 = arith.addi %mul3A_157, %add3A_168 : i32
        %get3A_170 = arith.index_cast %add3A_169 : i32 to index
        %get3A_171 = arith.constant 0 : index
        %get3A_172 = tpu.vector_load %arg7[%get3A_170, %get3A_171] {strides = array<i32>} : memref<160x64xi32, #tpu.memory_space<vmem>>, vector<16xi32>,
        %bitcast3A_173 = vector.bitcast %get3A_172 : vector<16xi32> to vector<32xbf16>
        %add3A_174 = arith.constant 3 : i32
        %add3A_175 = arith.addi %mul3A_157, %add3A_174 : i32
        %get3A_176 = arith.index_cast %add3A_175 : i32 to index
        %get3A_177 = arith.constant 0 : index
        %get3A_178 = tpu.vector_load %arg7[%get3A_176, %get3A_177] {strides = array<i32>} : memref<160x64xi32, #tpu.memory_space<vmem>>, vector<16xi32>,
        %bitcast3A_179 = vector.bitcast %get3A_178 : vector<16xi32> to vector<32xbf16>
        %add3A_180 = arith.constant 4 : i32
        %add3A_181 = arith.addi %mul3A_157, %add3A_180 : i32
        %get3A_182 = arith.index_cast %add3A_181 : i32 to index
        %get3A_183 = arith.constant 0 : index
        %get3A_184 = tpu.vector_load %arg7[%get3A_182, %get3A_183] {strides = array<i32>} : memref<160x64xi32, #tpu.memory_space<vmem>>, vector<16xi32>,
        %bitcast3A_185 = vector.bitcast %get3A_184 : vector<16xi32> to vector<32xbf16>
        %add3A_186 = arith.constant 5 : i32
        %add3A_187 = arith.addi %mul3A_157, %add3A_186 : i32
        %get3A_188 = arith.index_cast %add3A_187 : i32 to index
        %get3A_189 = arith.constant 0 : index
        %get3A_190 = tpu.vector_load %arg7[%get3A_188, %get3A_189] {strides = array<i32>} : memref<160x64xi32, #tpu.memory_space<vmem>>, vector<16xi32>,
        %bitcast3A_191 = vector.bitcast %get3A_190 : vector<16xi32> to vector<32xbf16>
        %add3A_192 = arith.constant 6 : i32
        %add3A_193 = arith.addi %mul3A_157, %add3A_192 : i32
        %get3A_194 = arith.index_cast %add3A_193 : i32 to index
        %get3A_195 = arith.constant 0 : index
        %get3A_196 = tpu.vector_load %arg7[%get3A_194, %get3A_195] {strides = array<i32>} : memref<160x64xi32, #tpu.memory_space<vmem>>, vector<16xi32>,
        %bitcast3A_197 = vector.bitcast %get3A_196 : vector<16xi32> to vector<32xbf16>
        %add3A_198 = arith.constant 7 : i32
        %add3A_199 = arith.addi %mul3A_157, %add3A_198 : i32
        %get3A_200 = arith.index_cast %add3A_199 : i32 to index
        %get3A_201 = arith.constant 0 : index
        %get3A_202 = tpu.vector_load %arg7[%get3A_200, %get3A_201] {strides = array<i32>} : memref<160x64xi32, #tpu.memory_space<vmem>>, vector<16xi32>,
        %bitcast3A_203 = vector.bitcast %get3A_202 : vector<16xi32> to vector<32xbf16>
        %add3A_204 = arith.constant 8 : i32
        %add3A_205 = arith.addi %mul3A_157, %add3A_204 : i32
        %get3A_206 = arith.index_cast %add3A_205 : i32 to index
        %get3A_207 = arith.constant 0 : index
        %get3A_208 = tpu.vector_load %arg7[%get3A_206, %get3A_207] {strides = array<i32>} : memref<160x64xi32, #tpu.memory_space<vmem>>, vector<16xi32>,
        %bitcast3A_209 = vector.bitcast %get3A_208 : vector<16xi32> to vector<32xbf16>
        %add3A_210 = arith.constant 9 : i32
        %add3A_211 = arith.addi %mul3A_157, %add3A_210 : i32
        %get3A_212 = arith.index_cast %add3A_211 : i32 to index
        %get3A_213 = arith.constant 0 : index
        %get3A_214 = tpu.vector_load %arg7[%get3A_212, %get3A_213] {strides = array<i32>} : memref<160x64xi32, #tpu.memory_space<vmem>>, vector<16xi32>,
        %bitcast3A_215 = vector.bitcast %get3A_214 : vector<16xi32> to vector<32xbf16>
        %add3A_216 = arith.addf %bitcast3A, %bitcast3A_167 : vector<32xbf16>
        %add3A_217 = arith.addf %bitcast3A_173, %bitcast3A_179 : vector<32xbf16>
        %add3A_218 = arith.addf %bitcast3A_185, %bitcast3A_191 : vector<32xbf16>
        %add3A_219 = arith.addf %bitcast3A_197, %bitcast3A_203 : vector<32xbf16>
        %add3A_220 = arith.addf %bitcast3A_209, %bitcast3A_215 : vector<32xbf16>
        %add3A_221 = arith.addf %add3A_216, %add3A_217 : vector<32xbf16>
        %add3A_222 = arith.addf %add3A_218, %add3A_219 : vector<32xbf16>
        %add3A_223 = arith.addf %add3A_221, %add3A_222 : vector<32xbf16>
        %add3A_224 = arith.addf %add3A_223, %add3A_220 : vector<32xbf16>
        %bitcast3A_225 = vector.bitcast %add3A_224 : vector<32xbf16> to vector<16xi32>
        %swap3A = arith.index_cast %scan3A_155 : i32 to index
        %swap3A_226 = arith.constant 0 : index
        %swap3A_227 = tpu.vector_load %arg9[%swap3A, %swap3A_226] {strides = array<i32>} : memref<16x64xi32, #tpu.memory_space<vmem>>, vector<16xi32>,
        tpu.vector_store %arg9[%swap3A, %swap3A_226], %bitcast3A_225 {strides = array<i32>} : memref<16x64xi32, #tpu.memory_space<vmem>>, vector<16xi32>,
        %add3A_228 = arith.constant 0 : i32
        %add3A_229 = arith.addi %mul3A_157, %add3A_228 : i32
        %get3A_230 = arith.index_cast %add3A_229 : i32 to index
        %get3A_231 = arith.constant 16 : index
        %get3A_232 = tpu.vector_load %arg7[%get3A_230, %get3A_231] {strides = array<i32>} : memref<160x64xi32, #tpu.memory_space<vmem>>, vector<16xi32>,
        %bitcast3A_233 = vector.bitcast %get3A_232 : vector<16xi32> to vector<32xbf16>
        %add3A_234 = arith.constant 1 : i32
        %add3A_235 = arith.addi %mul3A_157, %add3A_234 : i32
        %get3A_236 = arith.index_cast %add3A_235 : i32 to index
        %get3A_237 = arith.constant 16 : index
        %get3A_238 = tpu.vector_load %arg7[%get3A_236, %get3A_237] {strides = array<i32>} : memref<160x64xi32, #tpu.memory_space<vmem>>, vector<16xi32>,
        %bitcast3A_239 = vector.bitcast %get3A_238 : vector<16xi32> to vector<32xbf16>
        %add3A_240 = arith.constant 2 : i32
        %add3A_241 = arith.addi %mul3A_157, %add3A_240 : i32
        %get3A_242 = arith.index_cast %add3A_241 : i32 to index
        %get3A_243 = arith.constant 16 : index
        %get3A_244 = tpu.vector_load %arg7[%get3A_242, %get3A_243] {strides = array<i32>} : memref<160x64xi32, #tpu.memory_space<vmem>>, vector<16xi32>,
        %bitcast3A_245 = vector.bitcast %get3A_244 : vector<16xi32> to vector<32xbf16>
        %add3A_246 = arith.constant 3 : i32
        %add3A_247 = arith.addi %mul3A_157, %add3A_246 : i32
        %get3A_248 = arith.index_cast %add3A_247 : i32 to index
        %get3A_249 = arith.constant 16 : index
        %get3A_250 = tpu.vector_load %arg7[%get3A_248, %get3A_249] {strides = array<i32>} : memref<160x64xi32, #tpu.memory_space<vmem>>, vector<16xi32>,
        %bitcast3A_251 = vector.bitcast %get3A_250 : vector<16xi32> to vector<32xbf16>
        %add3A_252 = arith.constant 4 : i32
        %add3A_253 = arith.addi %mul3A_157, %add3A_252 : i32
        %get3A_254 = arith.index_cast %add3A_253 : i32 to index
        %get3A_255 = arith.constant 16 : index
        %get3A_256 = tpu.vector_load %arg7[%get3A_254, %get3A_255] {strides = array<i32>} : memref<160x64xi32, #tpu.memory_space<vmem>>, vector<16xi32>,
        %bitcast3A_257 = vector.bitcast %get3A_256 : vector<16xi32> to vector<32xbf16>
        %add3A_258 = arith.constant 5 : i32
        %add3A_259 = arith.addi %mul3A_157, %add3A_258 : i32
        %get3A_260 = arith.index_cast %add3A_259 : i32 to index
        %get3A_261 = arith.constant 16 : index
        %get3A_262 = tpu.vector_load %arg7[%get3A_260, %get3A_261] {strides = array<i32>} : memref<160x64xi32, #tpu.memory_space<vmem>>, vector<16xi32>,
        %bitcast3A_263 = vector.bitcast %get3A_262 : vector<16xi32> to vector<32xbf16>
        %add3A_264 = arith.constant 6 : i32
        %add3A_265 = arith.addi %mul3A_157, %add3A_264 : i32
        %get3A_266 = arith.index_cast %add3A_265 : i32 to index
        %get3A_267 = arith.constant 16 : index
        %get3A_268 = tpu.vector_load %arg7[%get3A_266, %get3A_267] {strides = array<i32>} : memref<160x64xi32, #tpu.memory_space<vmem>>, vector<16xi32>,
        %bitcast3A_269 = vector.bitcast %get3A_268 : vector<16xi32> to vector<32xbf16>
        %add3A_270 = arith.constant 7 : i32
        %add3A_271 = arith.addi %mul3A_157, %add3A_270 : i32
        %get3A_272 = arith.index_cast %add3A_271 : i32 to index
        %get3A_273 = arith.constant 16 : index
        %get3A_274 = tpu.vector_load %arg7[%get3A_272, %get3A_273] {strides = array<i32>} : memref<160x64xi32, #tpu.memory_space<vmem>>, vector<16xi32>,
        %bitcast3A_275 = vector.bitcast %get3A_274 : vector<16xi32> to vector<32xbf16>
        %add3A_276 = arith.constant 8 : i32
        %add3A_277 = arith.addi %mul3A_157, %add3A_276 : i32
        %get3A_278 = arith.index_cast %add3A_277 : i32 to index
        %get3A_279 = arith.constant 16 : index
        %get3A_280 = tpu.vector_load %arg7[%get3A_278, %get3A_279] {strides = array<i32>} : memref<160x64xi32, #tpu.memory_space<vmem>>, vector<16xi32>,
        %bitcast3A_281 = vector.bitcast %get3A_280 : vector<16xi32> to vector<32xbf16>
        %add3A_282 = arith.constant 9 : i32
        %add3A_283 = arith.addi %mul3A_157, %add3A_282 : i32
        %get3A_284 = arith.index_cast %add3A_283 : i32 to index
        %get3A_285 = arith.constant 16 : index
        %get3A_286 = tpu.vector_load %arg7[%get3A_284, %get3A_285] {strides = array<i32>} : memref<160x64xi32, #tpu.memory_space<vmem>>, vector<16xi32>,
        %bitcast3A_287 = vector.bitcast %get3A_286 : vector<16xi32> to vector<32xbf16>
        %add3A_288 = arith.addf %bitcast3A_233, %bitcast3A_239 : vector<32xbf16>
        %add3A_289 = arith.addf %bitcast3A_245, %bitcast3A_251 : vector<32xbf16>
        %add3A_290 = arith.addf %bitcast3A_257, %bitcast3A_263 : vector<32xbf16>
        %add3A_291 = arith.addf %bitcast3A_269, %bitcast3A_275 : vector<32xbf16>
        %add3A_292 = arith.addf %bitcast3A_281, %bitcast3A_287 : vector<32xbf16>
        %add3A_293 = arith.addf %add3A_288, %add3A_289 : vector<32xbf16>
        %add3A_294 = arith.addf %add3A_290, %add3A_291 : vector<32xbf16>
        %add3A_295 = arith.addf %add3A_293, %add3A_294 : vector<32xbf16>
        %add3A_296 = arith.addf %add3A_295, %add3A_292 : vector<32xbf16>
        %bitcast3A_297 = vector.bitcast %add3A_296 : vector<32xbf16> to vector<16xi32>
        %swap3A_298 = arith.index_cast %scan3A_155 : i32 to index
        %swap3A_299 = arith.constant 16 : index
        %swap3A_300 = tpu.vector_load %arg9[%swap3A_298, %swap3A_299] {strides = array<i32>} : memref<16x64xi32, #tpu.memory_space<vmem>>, vector<16xi32>,
        tpu.vector_store %arg9[%swap3A_298, %swap3A_299], %bitcast3A_297 {strides = array<i32>} : memref<16x64xi32, #tpu.memory_space<vmem>>, vector<16xi32>,
        %add3A_301 = arith.constant 0 : i32
        %add3A_302 = arith.addi %mul3A_157, %add3A_301 : i32
        %get3A_303 = arith.index_cast %add3A_302 : i32 to index
        %get3A_304 = arith.constant 32 : index
        %get3A_305 = tpu.vector_load %arg7[%get3A_303, %get3A_304] {strides = array<i32>} : memref<160x64xi32, #tpu.memory_space<vmem>>, vector<16xi32>,
        %bitcast3A_306 = vector.bitcast %get3A_305 : vector<16xi32> to vector<32xbf16>
        %add3A_307 = arith.constant 1 : i32
        %add3A_308 = arith.addi %mul3A_157, %add3A_307 : i32
        %get3A_309 = arith.index_cast %add3A_308 : i32 to index
        %get3A_310 = arith.constant 32 : index
        %get3A_311 = tpu.vector_load %arg7[%get3A_309, %get3A_310] {strides = array<i32>} : memref<160x64xi32, #tpu.memory_space<vmem>>, vector<16xi32>,
        %bitcast3A_312 = vector.bitcast %get3A_311 : vector<16xi32> to vector<32xbf16>
        %add3A_313 = arith.constant 2 : i32
        %add3A_314 = arith.addi %mul3A_157, %add3A_313 : i32
        %get3A_315 = arith.index_cast %add3A_314 : i32 to index
        %get3A_316 = arith.constant 32 : index
        %get3A_317 = tpu.vector_load %arg7[%get3A_315, %get3A_316] {strides = array<i32>} : memref<160x64xi32, #tpu.memory_space<vmem>>, vector<16xi32>,
        %bitcast3A_318 = vector.bitcast %get3A_317 : vector<16xi32> to vector<32xbf16>
        %add3A_319 = arith.constant 3 : i32
        %add3A_320 = arith.addi %mul3A_157, %add3A_319 : i32
        %get3A_321 = arith.index_cast %add3A_320 : i32 to index
        %get3A_322 = arith.constant 32 : index
        %get3A_323 = tpu.vector_load %arg7[%get3A_321, %get3A_322] {strides = array<i32>} : memref<160x64xi32, #tpu.memory_space<vmem>>, vector<16xi32>,
        %bitcast3A_324 = vector.bitcast %get3A_323 : vector<16xi32> to vector<32xbf16>
        %add3A_325 = arith.constant 4 : i32
        %add3A_326 = arith.addi %mul3A_157, %add3A_325 : i32
        %get3A_327 = arith.index_cast %add3A_326 : i32 to index
        %get3A_328 = arith.constant 32 : index
        %get3A_329 = tpu.vector_load %arg7[%get3A_327, %get3A_328] {strides = array<i32>} : memref<160x64xi32, #tpu.memory_space<vmem>>, vector<16xi32>,
        %bitcast3A_330 = vector.bitcast %get3A_329 : vector<16xi32> to vector<32xbf16>
        %add3A_331 = arith.constant 5 : i32
        %add3A_332 = arith.addi %mul3A_157, %add3A_331 : i32
        %get3A_333 = arith.index_cast %add3A_332 : i32 to index
        %get3A_334 = arith.constant 32 : index
        %get3A_335 = tpu.vector_load %arg7[%get3A_333, %get3A_334] {strides = array<i32>} : memref<160x64xi32, #tpu.memory_space<vmem>>, vector<16xi32>,
        %bitcast3A_336 = vector.bitcast %get3A_335 : vector<16xi32> to vector<32xbf16>
        %add3A_337 = arith.constant 6 : i32
        %add3A_338 = arith.addi %mul3A_157, %add3A_337 : i32
        %get3A_339 = arith.index_cast %add3A_338 : i32 to index
        %get3A_340 = arith.constant 32 : index
        %get3A_341 = tpu.vector_load %arg7[%get3A_339, %get3A_340] {strides = array<i32>} : memref<160x64xi32, #tpu.memory_space<vmem>>, vector<16xi32>,
        %bitcast3A_342 = vector.bitcast %get3A_341 : vector<16xi32> to vector<32xbf16>
        %add3A_343 = arith.constant 7 : i32
        %add3A_344 = arith.addi %mul3A_157, %add3A_343 : i32
        %get3A_345 = arith.index_cast %add3A_344 : i32 to index
        %get3A_346 = arith.constant 32 : index
        %get3A_347 = tpu.vector_load %arg7[%get3A_345, %get3A_346] {strides = array<i32>} : memref<160x64xi32, #tpu.memory_space<vmem>>, vector<16xi32>,
        %bitcast3A_348 = vector.bitcast %get3A_347 : vector<16xi32> to vector<32xbf16>
        %add3A_349 = arith.constant 8 : i32
        %add3A_350 = arith.addi %mul3A_157, %add3A_349 : i32
        %get3A_351 = arith.index_cast %add3A_350 : i32 to index
        %get3A_352 = arith.constant 32 : index
        %get3A_353 = tpu.vector_load %arg7[%get3A_351, %get3A_352] {strides = array<i32>} : memref<160x64xi32, #tpu.memory_space<vmem>>, vector<16xi32>,
        %bitcast3A_354 = vector.bitcast %get3A_353 : vector<16xi32> to vector<32xbf16>
        %add3A_355 = arith.constant 9 : i32
        %add3A_356 = arith.addi %mul3A_157, %add3A_355 : i32
        %get3A_357 = arith.index_cast %add3A_356 : i32 to index
        %get3A_358 = arith.constant 32 : index
        %get3A_359 = tpu.vector_load %arg7[%get3A_357, %get3A_358] {strides = array<i32>} : memref<160x64xi32, #tpu.memory_space<vmem>>, vector<16xi32>,
        %bitcast3A_360 = vector.bitcast %get3A_359 : vector<16xi32> to vector<32xbf16>
        %add3A_361 = arith.addf %bitcast3A_306, %bitcast3A_312 : vector<32xbf16>
        %add3A_362 = arith.addf %bitcast3A_318, %bitcast3A_324 : vector<32xbf16>
        %add3A_363 = arith.addf %bitcast3A_330, %bitcast3A_336 : vector<32xbf16>
        %add3A_364 = arith.addf %bitcast3A_342, %bitcast3A_348 : vector<32xbf16>
        %add3A_365 = arith.addf %bitcast3A_354, %bitcast3A_360 : vector<32xbf16>
        %add3A_366 = arith.addf %add3A_361, %add3A_362 : vector<32xbf16>
        %add3A_367 = arith.addf %add3A_363, %add3A_364 : vector<32xbf16>
        %add3A_368 = arith.addf %add3A_366, %add3A_367 : vector<32xbf16>
        %add3A_369 = arith.addf %add3A_368, %add3A_365 : vector<32xbf16>
        %bitcast3A_370 = vector.bitcast %add3A_369 : vector<32xbf16> to vector<16xi32>
        %swap3A_371 = arith.index_cast %scan3A_155 : i32 to index
        %swap3A_372 = arith.constant 32 : index
        %swap3A_373 = tpu.vector_load %arg9[%swap3A_371, %swap3A_372] {strides = array<i32>} : memref<16x64xi32, #tpu.memory_space<vmem>>, vector<16xi32>,
        tpu.vector_store %arg9[%swap3A_371, %swap3A_372], %bitcast3A_370 {strides = array<i32>} : memref<16x64xi32, #tpu.memory_space<vmem>>, vector<16xi32>,
        %add3A_374 = arith.constant 0 : i32
        %add3A_375 = arith.addi %mul3A_157, %add3A_374 : i32
        %get3A_376 = arith.index_cast %add3A_375 : i32 to index
        %get3A_377 = arith.constant 48 : index
        %get3A_378 = tpu.vector_load %arg7[%get3A_376, %get3A_377] {strides = array<i32>} : memref<160x64xi32, #tpu.memory_space<vmem>>, vector<16xi32>,
        %bitcast3A_379 = vector.bitcast %get3A_378 : vector<16xi32> to vector<32xbf16>
        %add3A_380 = arith.constant 1 : i32
        %add3A_381 = arith.addi %mul3A_157, %add3A_380 : i32
        %get3A_382 = arith.index_cast %add3A_381 : i32 to index
        %get3A_383 = arith.constant 48 : index
        %get3A_384 = tpu.vector_load %arg7[%get3A_382, %get3A_383] {strides = array<i32>} : memref<160x64xi32, #tpu.memory_space<vmem>>, vector<16xi32>,
        %bitcast3A_385 = vector.bitcast %get3A_384 : vector<16xi32> to vector<32xbf16>
        %add3A_386 = arith.constant 2 : i32
        %add3A_387 = arith.addi %mul3A_157, %add3A_386 : i32
        %get3A_388 = arith.index_cast %add3A_387 : i32 to index
        %get3A_389 = arith.constant 48 : index
        %get3A_390 = tpu.vector_load %arg7[%get3A_388, %get3A_389] {strides = array<i32>} : memref<160x64xi32, #tpu.memory_space<vmem>>, vector<16xi32>,
        %bitcast3A_391 = vector.bitcast %get3A_390 : vector<16xi32> to vector<32xbf16>
        %add3A_392 = arith.constant 3 : i32
        %add3A_393 = arith.addi %mul3A_157, %add3A_392 : i32
        %get3A_394 = arith.index_cast %add3A_393 : i32 to index
        %get3A_395 = arith.constant 48 : index
        %get3A_396 = tpu.vector_load %arg7[%get3A_394, %get3A_395] {strides = array<i32>} : memref<160x64xi32, #tpu.memory_space<vmem>>, vector<16xi32>,
        %bitcast3A_397 = vector.bitcast %get3A_396 : vector<16xi32> to vector<32xbf16>
        %add3A_398 = arith.constant 4 : i32
        %add3A_399 = arith.addi %mul3A_157, %add3A_398 : i32
        %get3A_400 = arith.index_cast %add3A_399 : i32 to index
        %get3A_401 = arith.constant 48 : index
        %get3A_402 = tpu.vector_load %arg7[%get3A_400, %get3A_401] {strides = array<i32>} : memref<160x64xi32, #tpu.memory_space<vmem>>, vector<16xi32>,
        %bitcast3A_403 = vector.bitcast %get3A_402 : vector<16xi32> to vector<32xbf16>
        %add3A_404 = arith.constant 5 : i32
        %add3A_405 = arith.addi %mul3A_157, %add3A_404 : i32
        %get3A_406 = arith.index_cast %add3A_405 : i32 to index
        %get3A_407 = arith.constant 48 : index
        %get3A_408 = tpu.vector_load %arg7[%get3A_406, %get3A_407] {strides = array<i32>} : memref<160x64xi32, #tpu.memory_space<vmem>>, vector<16xi32>,
        %bitcast3A_409 = vector.bitcast %get3A_408 : vector<16xi32> to vector<32xbf16>
        %add3A_410 = arith.constant 6 : i32
        %add3A_411 = arith.addi %mul3A_157, %add3A_410 : i32
        %get3A_412 = arith.index_cast %add3A_411 : i32 to index
        %get3A_413 = arith.constant 48 : index
        %get3A_414 = tpu.vector_load %arg7[%get3A_412, %get3A_413] {strides = array<i32>} : memref<160x64xi32, #tpu.memory_space<vmem>>, vector<16xi32>,
        %bitcast3A_415 = vector.bitcast %get3A_414 : vector<16xi32> to vector<32xbf16>
        %add3A_416 = arith.constant 7 : i32
        %add3A_417 = arith.addi %mul3A_157, %add3A_416 : i32
        %get3A_418 = arith.index_cast %add3A_417 : i32 to index
        %get3A_419 = arith.constant 48 : index
        %get3A_420 = tpu.vector_load %arg7[%get3A_418, %get3A_419] {strides = array<i32>} : memref<160x64xi32, #tpu.memory_space<vmem>>, vector<16xi32>,
        %bitcast3A_421 = vector.bitcast %get3A_420 : vector<16xi32> to vector<32xbf16>
        %add3A_422 = arith.constant 8 : i32
        %add3A_423 = arith.addi %mul3A_157, %add3A_422 : i32
        %get3A_424 = arith.index_cast %add3A_423 : i32 to index
        %get3A_425 = arith.constant 48 : index
        %get3A_426 = tpu.vector_load %arg7[%get3A_424, %get3A_425] {strides = array<i32>} : memref<160x64xi32, #tpu.memory_space<vmem>>, vector<16xi32>,
        %bitcast3A_427 = vector.bitcast %get3A_426 : vector<16xi32> to vector<32xbf16>
        %add3A_428 = arith.constant 9 : i32
        %add3A_429 = arith.addi %mul3A_157, %add3A_428 : i32
        %get3A_430 = arith.index_cast %add3A_429 : i32 to index
        %get3A_431 = arith.constant 48 : index
        %get3A_432 = tpu.vector_load %arg7[%get3A_430, %get3A_431] {strides = array<i32>} : memref<160x64xi32, #tpu.memory_space<vmem>>, vector<16xi32>,
        %bitcast3A_433 = vector.bitcast %get3A_432 : vector<16xi32> to vector<32xbf16>
        %add3A_434 = arith.addf %bitcast3A_379, %bitcast3A_385 : vector<32xbf16>
        %add3A_435 = arith.addf %bitcast3A_391, %bitcast3A_397 : vector<32xbf16>
        %add3A_436 = arith.addf %bitcast3A_403, %bitcast3A_409 : vector<32xbf16>
        %add3A_437 = arith.addf %bitcast3A_415, %bitcast3A_421 : vector<32xbf16>
        %add3A_438 = arith.addf %bitcast3A_427, %bitcast3A_433 : vector<32xbf16>
        %add3A_439 = arith.addf %add3A_434, %add3A_435 : vector<32xbf16>
        %add3A_440 = arith.addf %add3A_436, %add3A_437 : vector<32xbf16>
        %add3A_441 = arith.addf %add3A_439, %add3A_440 : vector<32xbf16>
        %add3A_442 = arith.addf %add3A_441, %add3A_438 : vector<32xbf16>
        %bitcast3A_443 = vector.bitcast %add3A_442 : vector<32xbf16> to vector<16xi32>
        %swap3A_444 = arith.index_cast %scan3A_155 : i32 to index
        %swap3A_445 = arith.constant 48 : index
        %swap3A_446 = tpu.vector_load %arg9[%swap3A_444, %swap3A_445] {strides = array<i32>} : memref<16x64xi32, #tpu.memory_space<vmem>>, vector<16xi32>,
        tpu.vector_store %arg9[%swap3A_444, %swap3A_445], %bitcast3A_443 {strides = array<i32>} : memref<16x64xi32, #tpu.memory_space<vmem>>, vector<16xi32>,
      }
      %scan3A_146 = arith.constant 16 : i32
      %mul3A_147 = arith.constant 16 : i32
      %mul3A_148 = arith.muli %add3A_106, %mul3A_147 : i32
      %add3A_149 = arith.addi %mul3A_2, %mul3A_148 : i32
      %multiple_of3A_150 = tpu.assume_multiple %add3A_149, 16 : i32
      %dma_start3A_151 = arith.constant 0 : i32
      %dma_start3A_152 = tpu.memref_slice %arg4[%multiple_of3A_150, %dma_start3A_151] : memref<16384x64xi32, #tpu.memory_space<hbm>> -> memref<16x64xi32, #tpu.memory_space<hbm>>
      %dma_start3A_153 = arith.constant 0 : i32
      %dma_start3A_154 = tpu.memref_slice %arg4[%multiple_of3A_150, %dma_start3A_153] : memref<16384x64xi32, #tpu.memory_space<hbm>> -> memref<16x64xi32, #tpu.memory_space<hbm>>
      tpu.enqueue_dma source(%arg9 : memref<16x64xi32, #tpu.memory_space<vmem>>) target(%dma_start3A_154 : memref<16x64xi32, #tpu.memory_space<hbm>>) target_semaphore(%arg13 : memref<!tpu.dma_semaphore, #tpu.memory_space<semaphore_mem>>)
    }
    %scan3A_31 = arith.constant 16 : i32
    %dma_wait3A = arith.constant 0 : i32
    %dma_wait3A_32 = arith.constant 0 : i32
    %dma_wait3A_33 = tpu.memref_slice %arg4[%dma_wait3A, %dma_wait3A_32] : memref<16384x64xi32, #tpu.memory_space<hbm>> -> memref<16x64xi32, #tpu.memory_space<hbm>>
    %dma_wait3A_34 = arith.constant 0 : i32
    %dma_wait3A_35 = arith.constant 0 : i32
    %dma_wait3A_36 = tpu.memref_slice %arg4[%dma_wait3A_34, %dma_wait3A_35] : memref<16384x64xi32, #tpu.memory_space<hbm>> -> memref<16x64xi32, #tpu.memory_space<hbm>>
    tpu.wait_dma2 semaphore(%arg13 : memref<!tpu.dma_semaphore, #tpu.memory_space<semaphore_mem>>) src(%dma_wait3A_36 : memref<16x64xi32, #tpu.memory_space<hbm>>) dst(%arg9 : memref<16x64xi32, #tpu.memory_space<vmem>>)
    return
  }
}

module attributes {stable_mosaic.version = 14 : i64} {
  func.func @_proj_body(%arg0: i32, %arg1: memref<1000x256xf32, #tpu.memory_space<vmem>>, %arg2: memref<1000x256xf32, #tpu.memory_space<vmem>>, %arg3: memref<256x128xf32, #tpu.memory_space<vmem>>, %arg4: memref<1x128xf32, #tpu.memory_space<vmem>>, %arg5: memref<1000x128xi32, #tpu.memory_space<vmem>>) attributes {dimension_semantics = [#tpu.dimension_semantics<arbitrary>], iteration_bounds = array<i64: 25>, scalar_prefetch = 0 : i64, scratch_operands = 0 : i64, tpu.core_type = #tpu.core_type<tc>, window_params = [{transform_indices = @transform_0, window_bounds = array<i64: 1000, 256>}, {transform_indices = @transform_1, window_bounds = array<i64: 1000, 256>}, {pipeline_mode = #tpu.pipeline_mode<synchronous>, transform_indices = @transform_2, window_bounds = array<i64: 256, 128>}, {pipeline_mode = #tpu.pipeline_mode<synchronous>, transform_indices = @transform_3, window_bounds = array<i64: 1, 128>}, {transform_indices = @transform_4, window_bounds = array<i64: 1000, 128>}]} {
    %get3A = arith.constant 0 : index
    %get3A_0 = arith.constant 0 : index
    %get3A_1 = vector.load %arg3[%get3A, %get3A_0] : memref<256x128xf32, #tpu.memory_space<vmem>>, vector<256x128xf32>
    %get3A_2 = arith.constant 0 : index
    %get3A_3 = arith.constant 0 : index
    %get3A_4 = vector.load %arg4[%get3A_2, %get3A_3] : memref<1x128xf32, #tpu.memory_space<vmem>>, vector<1x128xf32>
    %get3A_5 = arith.constant 0 : index
    %get3A_6 = arith.constant 0 : index
    %get3A_7 = vector.load %arg1[%get3A_5, %get3A_6] : memref<1000x256xf32, #tpu.memory_space<vmem>>, vector<1000x256xf32>
    %dot_general3A = arith.constant dense<0.000000e+00> : vector<1000x128xf32>
    %dot_general3A_8 = tpu.matmul %get3A_7, %get3A_1, %dot_general3A {dimension_numbers = #tpu.dot_dimension_numbers<[1], [0], [0], [1], [0, 0, 1, 1], [], []>, transpose_lhs_hint = false} : vector<1000x256xf32>, vector<256x128xf32>, vector<1000x128xf32> -> vector<1000x128xf32>
    %add3A = vector.broadcast %get3A_4 : vector<1x128xf32> to vector<1000x128xf32>
    %add3A_9 = arith.addf %dot_general3A_8, %add3A : vector<1000x128xf32>
    %get3A_10 = arith.constant 0 : index
    %get3A_11 = arith.constant 0 : index
    %get3A_12 = vector.load %arg2[%get3A_10, %get3A_11] : memref<1000x256xf32, #tpu.memory_space<vmem>>, vector<1000x256xf32>
    %dot_general3A_13 = arith.constant dense<0.000000e+00> : vector<1000x128xf32>
    %dot_general3A_14 = tpu.matmul %get3A_12, %get3A_1, %dot_general3A_13 {dimension_numbers = #tpu.dot_dimension_numbers<[1], [0], [0], [1], [0, 0, 1, 1], [], []>, transpose_lhs_hint = false} : vector<1000x256xf32>, vector<256x128xf32>, vector<1000x128xf32> -> vector<1000x128xf32>
    %add3A_15 = vector.broadcast %get3A_4 : vector<1x128xf32> to vector<1000x128xf32>
    %add3A_16 = arith.addf %dot_general3A_14, %add3A_15 : vector<1000x128xf32>
    %bitcast_convert_type3A = tpu.bitcast %add3A_9 : vector<1000x128xf32> -> vector<1000x128xi32>
    %add3A_17 = arith.constant 32767 : i32
    %add3A_18 = vector.broadcast %add3A_17 : i32 to vector<1000x128xi32>
    %add3A_19 = arith.addi %bitcast_convert_type3A, %add3A_18 : vector<1000x128xi32>
    %shift_right_logical3A = arith.constant 16 : i32
    %shift_right_logical3A_20 = vector.broadcast %shift_right_logical3A : i32 to vector<1000x128xi32>
    %shift_right_logical3A_21 = arith.shrui %bitcast_convert_type3A, %shift_right_logical3A_20 : vector<1000x128xi32>
    %and3A = arith.constant 1 : i32
    %and3A_22 = vector.broadcast %and3A : i32 to vector<1000x128xi32>
    %and3A_23 = arith.andi %shift_right_logical3A_21, %and3A_22 : vector<1000x128xi32>
    %add3A_24 = arith.addi %add3A_19, %and3A_23 : vector<1000x128xi32>
    %shift_right_logical3A_25 = arith.constant 16 : i32
    %shift_right_logical3A_26 = vector.broadcast %shift_right_logical3A_25 : i32 to vector<1000x128xi32>
    %shift_right_logical3A_27 = arith.shrui %add3A_24, %shift_right_logical3A_26 : vector<1000x128xi32>
    %slice3A = vector.extract_strided_slice %shift_right_logical3A_27 {offsets = [0, 0], sizes = [1000, 64], strides = [1, 1]} : vector<1000x128xi32> to vector<1000x64xi32>
    %slice3A_28 = vector.extract_strided_slice %shift_right_logical3A_27 {offsets = [0, 64], sizes = [1000, 64], strides = [1, 1]} : vector<1000x128xi32> to vector<1000x64xi32>
    %shift_left3A = arith.constant 16 : i32
    %shift_left3A_29 = vector.broadcast %shift_left3A : i32 to vector<1000x64xi32>
    %shift_left3A_30 = arith.shli %slice3A_28, %shift_left3A_29 : vector<1000x64xi32>
    %or3A = arith.ori %slice3A, %shift_left3A_30 : vector<1000x64xi32>
    %bitcast_convert_type3A_31 = tpu.bitcast %or3A : vector<1000x64xi32> -> vector<1000x64xi32>
    %bitcast_convert_type3A_32 = tpu.bitcast %add3A_16 : vector<1000x128xf32> -> vector<1000x128xi32>
    %add3A_33 = arith.constant 32767 : i32
    %add3A_34 = vector.broadcast %add3A_33 : i32 to vector<1000x128xi32>
    %add3A_35 = arith.addi %bitcast_convert_type3A_32, %add3A_34 : vector<1000x128xi32>
    %shift_right_logical3A_36 = arith.constant 16 : i32
    %shift_right_logical3A_37 = vector.broadcast %shift_right_logical3A_36 : i32 to vector<1000x128xi32>
    %shift_right_logical3A_38 = arith.shrui %bitcast_convert_type3A_32, %shift_right_logical3A_37 : vector<1000x128xi32>
    %and3A_39 = arith.constant 1 : i32
    %and3A_40 = vector.broadcast %and3A_39 : i32 to vector<1000x128xi32>
    %and3A_41 = arith.andi %shift_right_logical3A_38, %and3A_40 : vector<1000x128xi32>
    %add3A_42 = arith.addi %add3A_35, %and3A_41 : vector<1000x128xi32>
    %shift_right_logical3A_43 = arith.constant 16 : i32
    %shift_right_logical3A_44 = vector.broadcast %shift_right_logical3A_43 : i32 to vector<1000x128xi32>
    %shift_right_logical3A_45 = arith.shrui %add3A_42, %shift_right_logical3A_44 : vector<1000x128xi32>
    %slice3A_46 = vector.extract_strided_slice %shift_right_logical3A_45 {offsets = [0, 0], sizes = [1000, 64], strides = [1, 1]} : vector<1000x128xi32> to vector<1000x64xi32>
    %slice3A_47 = vector.extract_strided_slice %shift_right_logical3A_45 {offsets = [0, 64], sizes = [1000, 64], strides = [1, 1]} : vector<1000x128xi32> to vector<1000x64xi32>
    %shift_left3A_48 = arith.constant 16 : i32
    %shift_left3A_49 = vector.broadcast %shift_left3A_48 : i32 to vector<1000x64xi32>
    %shift_left3A_50 = arith.shli %slice3A_47, %shift_left3A_49 : vector<1000x64xi32>
    %or3A_51 = arith.ori %slice3A_46, %shift_left3A_50 : vector<1000x64xi32>
    %bitcast_convert_type3A_52 = tpu.bitcast %or3A_51 : vector<1000x64xi32> -> vector<1000x64xi32>
    %concatenate3A = tpu.concatenate %bitcast_convert_type3A_31, %bitcast_convert_type3A_52 in 1 : vector<1000x64xi32>, vector<1000x64xi32> -> vector<1000x128xi32>
    %swap3A = arith.constant 0 : index
    %swap3A_53 = arith.constant 0 : index
    %swap3A_54 = vector.load %arg5[%swap3A, %swap3A_53] : memref<1000x128xi32, #tpu.memory_space<vmem>>, vector<1000x128xi32>
    tpu.vector_store %arg5[%swap3A, %swap3A_53], %concatenate3A {strides = array<i32>} : memref<1000x128xi32, #tpu.memory_space<vmem>>, vector<1000x128xi32>,
    return
  }
  func.func @transform_0(%arg0: i32) -> (i32, i32) {
    %c0_i32 = arith.constant 0 : i32
    %c0_i32_0 = arith.constant 0 : i32
    return %arg0, %c0_i32 : i32, i32
  }
  func.func @transform_1(%arg0: i32) -> (i32, i32) {
    %add3A = arith.constant 25 : i32
    %add3A_0 = arith.addi %arg0, %add3A : i32
    %c0_i32 = arith.constant 0 : i32
    %c0_i32_1 = arith.constant 0 : i32
    return %add3A_0, %c0_i32 : i32, i32
  }
  func.func @transform_2(%arg0: i32) -> (i32, i32) {
    %c0_i32 = arith.constant 0 : i32
    %c0_i32_0 = arith.constant 0 : i32
    %c0_i32_1 = arith.constant 0 : i32
    return %c0_i32, %c0_i32_0 : i32, i32
  }
  func.func @transform_3(%arg0: i32) -> (i32, i32) {
    %c0_i32 = arith.constant 0 : i32
    %c0_i32_0 = arith.constant 0 : i32
    %c0_i32_1 = arith.constant 0 : i32
    return %c0_i32, %c0_i32_0 : i32, i32
  }
  func.func @transform_4(%arg0: i32) -> (i32, i32) {
    %c0_i32 = arith.constant 0 : i32
    %c0_i32_0 = arith.constant 0 : i32
    return %arg0, %c0_i32 : i32, i32
  }
}

module attributes {stable_mosaic.version = 14 : i64} {
  func.func @_cast_body(%arg0: memref<1000x128xf32, #tpu.memory_space<vmem>>, %arg1: memref<500x128xi32, #tpu.memory_space<vmem>>) attributes {dimension_semantics = [], scalar_prefetch = 0 : i64, scratch_operands = 0 : i64, tpu.core_type = #tpu.core_type<tc>} {
    %get3A = arith.constant 0 : index
    %get3A_0 = arith.constant 0 : index
    %get3A_1 = vector.load %arg0[%get3A, %get3A_0] : memref<1000x128xf32, #tpu.memory_space<vmem>>, vector<1000x128xf32>
    %slice3A = vector.extract_strided_slice %get3A_1 {offsets = [0, 0], sizes = [500, 128], strides = [1, 1]} : vector<1000x128xf32> to vector<500x128xf32>
    %bitcast_convert_type3A = tpu.bitcast %slice3A : vector<500x128xf32> -> vector<500x128xi32>
    %add3A = arith.constant 32767 : i32
    %add3A_2 = vector.broadcast %add3A : i32 to vector<500x128xi32>
    %add3A_3 = arith.addi %bitcast_convert_type3A, %add3A_2 : vector<500x128xi32>
    %shift_right_logical3A = arith.constant 16 : i32
    %shift_right_logical3A_4 = vector.broadcast %shift_right_logical3A : i32 to vector<500x128xi32>
    %shift_right_logical3A_5 = arith.shrui %bitcast_convert_type3A, %shift_right_logical3A_4 : vector<500x128xi32>
    %and3A = arith.constant 1 : i32
    %and3A_6 = vector.broadcast %and3A : i32 to vector<500x128xi32>
    %and3A_7 = arith.andi %shift_right_logical3A_5, %and3A_6 : vector<500x128xi32>
    %add3A_8 = arith.addi %add3A_3, %and3A_7 : vector<500x128xi32>
    %shift_right_logical3A_9 = arith.constant 16 : i32
    %shift_right_logical3A_10 = vector.broadcast %shift_right_logical3A_9 : i32 to vector<500x128xi32>
    %shift_right_logical3A_11 = arith.shrui %add3A_8, %shift_right_logical3A_10 : vector<500x128xi32>
    %slice3A_12 = vector.extract_strided_slice %shift_right_logical3A_11 {offsets = [0, 0], sizes = [500, 64], strides = [1, 1]} : vector<500x128xi32> to vector<500x64xi32>
    %slice3A_13 = vector.extract_strided_slice %shift_right_logical3A_11 {offsets = [0, 64], sizes = [500, 64], strides = [1, 1]} : vector<500x128xi32> to vector<500x64xi32>
    %shift_left3A = arith.constant 16 : i32
    %shift_left3A_14 = vector.broadcast %shift_left3A : i32 to vector<500x64xi32>
    %shift_left3A_15 = arith.shli %slice3A_13, %shift_left3A_14 : vector<500x64xi32>
    %or3A = arith.ori %slice3A_12, %shift_left3A_15 : vector<500x64xi32>
    %bitcast_convert_type3A_16 = tpu.bitcast %or3A : vector<500x64xi32> -> vector<500x64xi32>
    %slice3A_17 = vector.extract_strided_slice %get3A_1 {offsets = [500, 0], sizes = [500, 128], strides = [1, 1]} : vector<1000x128xf32> to vector<500x128xf32>
    %bitcast_convert_type3A_18 = tpu.bitcast %slice3A_17 : vector<500x128xf32> -> vector<500x128xi32>
    %add3A_19 = arith.constant 32767 : i32
    %add3A_20 = vector.broadcast %add3A_19 : i32 to vector<500x128xi32>
    %add3A_21 = arith.addi %bitcast_convert_type3A_18, %add3A_20 : vector<500x128xi32>
    %shift_right_logical3A_22 = arith.constant 16 : i32
    %shift_right_logical3A_23 = vector.broadcast %shift_right_logical3A_22 : i32 to vector<500x128xi32>
    %shift_right_logical3A_24 = arith.shrui %bitcast_convert_type3A_18, %shift_right_logical3A_23 : vector<500x128xi32>
    %and3A_25 = arith.constant 1 : i32
    %and3A_26 = vector.broadcast %and3A_25 : i32 to vector<500x128xi32>
    %and3A_27 = arith.andi %shift_right_logical3A_24, %and3A_26 : vector<500x128xi32>
    %add3A_28 = arith.addi %add3A_21, %and3A_27 : vector<500x128xi32>
    %shift_right_logical3A_29 = arith.constant 16 : i32
    %shift_right_logical3A_30 = vector.broadcast %shift_right_logical3A_29 : i32 to vector<500x128xi32>
    %shift_right_logical3A_31 = arith.shrui %add3A_28, %shift_right_logical3A_30 : vector<500x128xi32>
    %slice3A_32 = vector.extract_strided_slice %shift_right_logical3A_31 {offsets = [0, 0], sizes = [500, 64], strides = [1, 1]} : vector<500x128xi32> to vector<500x64xi32>
    %slice3A_33 = vector.extract_strided_slice %shift_right_logical3A_31 {offsets = [0, 64], sizes = [500, 64], strides = [1, 1]} : vector<500x128xi32> to vector<500x64xi32>
    %shift_left3A_34 = arith.constant 16 : i32
    %shift_left3A_35 = vector.broadcast %shift_left3A_34 : i32 to vector<500x64xi32>
    %shift_left3A_36 = arith.shli %slice3A_33, %shift_left3A_35 : vector<500x64xi32>
    %or3A_37 = arith.ori %slice3A_32, %shift_left3A_36 : vector<500x64xi32>
    %bitcast_convert_type3A_38 = tpu.bitcast %or3A_37 : vector<500x64xi32> -> vector<500x64xi32>
    %concatenate3A = tpu.concatenate %bitcast_convert_type3A_16, %bitcast_convert_type3A_38 in 1 : vector<500x64xi32>, vector<500x64xi32> -> vector<500x128xi32>
    %swap3A = arith.constant 0 : index
    %swap3A_39 = arith.constant 0 : index
    %swap3A_40 = vector.load %arg1[%swap3A, %swap3A_39] : memref<500x128xi32, #tpu.memory_space<vmem>>, vector<500x128xi32>
    tpu.vector_store %arg1[%swap3A, %swap3A_39], %concatenate3A {strides = array<i32>} : memref<500x128xi32, #tpu.memory_space<vmem>>, vector<500x128xi32>,
    return
  }
}

module attributes {stable_mosaic.version = 14 : i64} {
  func.func @_combine_body(%arg0: i32, %arg1: memref<1024x128xi32, #tpu.memory_space<vmem>>, %arg2: memref<1024x128xi32, #tpu.memory_space<vmem>>, %arg3: memref<1024x128xi32, #tpu.memory_space<vmem>>, %arg4: memref<1024x128xi32, #tpu.memory_space<vmem>>, %arg5: memref<512x4xf32, #tpu.memory_space<vmem>>, %arg6: memref<1024x256xf32, #tpu.memory_space<vmem>>) attributes {dimension_semantics = [#tpu.dimension_semantics<arbitrary>], iteration_bounds = array<i64: 8>, scalar_prefetch = 0 : i64, scratch_operands = 0 : i64, tpu.core_type = #tpu.core_type<tc>, window_params = [{transform_indices = @transform_0, window_bounds = array<i64: 1024, 128>}, {transform_indices = @transform_1, window_bounds = array<i64: 1024, 128>}, {transform_indices = @transform_2, window_bounds = array<i64: 1024, 128>}, {transform_indices = @transform_3, window_bounds = array<i64: 1024, 128>}, {pipeline_mode = #tpu.pipeline_mode<synchronous>, transform_indices = @transform_4, window_bounds = array<i64: 512, 4>}, {transform_indices = @transform_5, window_bounds = array<i64: 1024, 256>}]} {
    %get3A = arith.constant 0 : index
    %get3A_0 = arith.constant 0 : index
    %get3A_1 = vector.load %arg1[%get3A, %get3A_0] : memref<1024x128xi32, #tpu.memory_space<vmem>>, vector<1024x128xi32>
    %bitcast_convert_type3A = tpu.bitcast %get3A_1 : vector<1024x128xi32> -> vector<1024x128xi32>
    %shift_left3A = arith.constant 16 : i32
    %shift_left3A_2 = vector.broadcast %shift_left3A : i32 to vector<1024x128xi32>
    %shift_left3A_3 = arith.shli %bitcast_convert_type3A, %shift_left3A_2 : vector<1024x128xi32>
    %bitcast_convert_type3A_4 = tpu.bitcast %shift_left3A_3 : vector<1024x128xi32> -> vector<1024x128xf32>
    %and3A = arith.constant -65536 : i32
    %and3A_5 = vector.broadcast %and3A : i32 to vector<1024x128xi32>
    %and3A_6 = arith.andi %bitcast_convert_type3A, %and3A_5 : vector<1024x128xi32>
    %bitcast_convert_type3A_7 = tpu.bitcast %and3A_6 : vector<1024x128xi32> -> vector<1024x128xf32>
    %slice3A = vector.extract_strided_slice %bitcast_convert_type3A_4 {offsets = [0, 0], sizes = [1024, 64], strides = [1, 1]} : vector<1024x128xf32> to vector<1024x64xf32>
    %slice3A_8 = vector.extract_strided_slice %bitcast_convert_type3A_7 {offsets = [0, 0], sizes = [1024, 64], strides = [1, 1]} : vector<1024x128xf32> to vector<1024x64xf32>
    %concatenate3A = tpu.concatenate %slice3A, %slice3A_8 in 1 : vector<1024x64xf32>, vector<1024x64xf32> -> vector<1024x128xf32>
    %slice3A_9 = vector.extract_strided_slice %bitcast_convert_type3A_4 {offsets = [0, 64], sizes = [1024, 64], strides = [1, 1]} : vector<1024x128xf32> to vector<1024x64xf32>
    %slice3A_10 = vector.extract_strided_slice %bitcast_convert_type3A_7 {offsets = [0, 64], sizes = [1024, 64], strides = [1, 1]} : vector<1024x128xf32> to vector<1024x64xf32>
    %concatenate3A_11 = tpu.concatenate %slice3A_9, %slice3A_10 in 1 : vector<1024x64xf32>, vector<1024x64xf32> -> vector<1024x128xf32>
    %get3A_12 = arith.constant 0 : index
    %get3A_13 = arith.constant 0 : index
    %get3A_14 = vector.load %arg2[%get3A_12, %get3A_13] : memref<1024x128xi32, #tpu.memory_space<vmem>>, vector<1024x128xi32>
    %bitcast_convert_type3A_15 = tpu.bitcast %get3A_14 : vector<1024x128xi32> -> vector<1024x128xi32>
    %shift_left3A_16 = arith.constant 16 : i32
    %shift_left3A_17 = vector.broadcast %shift_left3A_16 : i32 to vector<1024x128xi32>
    %shift_left3A_18 = arith.shli %bitcast_convert_type3A_15, %shift_left3A_17 : vector<1024x128xi32>
    %bitcast_convert_type3A_19 = tpu.bitcast %shift_left3A_18 : vector<1024x128xi32> -> vector<1024x128xf32>
    %and3A_20 = arith.constant -65536 : i32
    %and3A_21 = vector.broadcast %and3A_20 : i32 to vector<1024x128xi32>
    %and3A_22 = arith.andi %bitcast_convert_type3A_15, %and3A_21 : vector<1024x128xi32>
    %bitcast_convert_type3A_23 = tpu.bitcast %and3A_22 : vector<1024x128xi32> -> vector<1024x128xf32>
    %slice3A_24 = vector.extract_strided_slice %bitcast_convert_type3A_19 {offsets = [0, 0], sizes = [1024, 64], strides = [1, 1]} : vector<1024x128xf32> to vector<1024x64xf32>
    %slice3A_25 = vector.extract_strided_slice %bitcast_convert_type3A_23 {offsets = [0, 0], sizes = [1024, 64], strides = [1, 1]} : vector<1024x128xf32> to vector<1024x64xf32>
    %concatenate3A_26 = tpu.concatenate %slice3A_24, %slice3A_25 in 1 : vector<1024x64xf32>, vector<1024x64xf32> -> vector<1024x128xf32>
    %slice3A_27 = vector.extract_strided_slice %bitcast_convert_type3A_19 {offsets = [0, 64], sizes = [1024, 64], strides = [1, 1]} : vector<1024x128xf32> to vector<1024x64xf32>
    %slice3A_28 = vector.extract_strided_slice %bitcast_convert_type3A_23 {offsets = [0, 64], sizes = [1024, 64], strides = [1, 1]} : vector<1024x128xf32> to vector<1024x64xf32>
    %concatenate3A_29 = tpu.concatenate %slice3A_27, %slice3A_28 in 1 : vector<1024x64xf32>, vector<1024x64xf32> -> vector<1024x128xf32>
    %get3A_30 = arith.constant 0 : index
    %get3A_31 = arith.constant 0 : index
    %get3A_32 = vector.load %arg3[%get3A_30, %get3A_31] : memref<1024x128xi32, #tpu.memory_space<vmem>>, vector<1024x128xi32>
    %bitcast_convert_type3A_33 = tpu.bitcast %get3A_32 : vector<1024x128xi32> -> vector<1024x128xi32>
    %shift_left3A_34 = arith.constant 16 : i32
    %shift_left3A_35 = vector.broadcast %shift_left3A_34 : i32 to vector<1024x128xi32>
    %shift_left3A_36 = arith.shli %bitcast_convert_type3A_33, %shift_left3A_35 : vector<1024x128xi32>
    %bitcast_convert_type3A_37 = tpu.bitcast %shift_left3A_36 : vector<1024x128xi32> -> vector<1024x128xf32>
    %and3A_38 = arith.constant -65536 : i32
    %and3A_39 = vector.broadcast %and3A_38 : i32 to vector<1024x128xi32>
    %and3A_40 = arith.andi %bitcast_convert_type3A_33, %and3A_39 : vector<1024x128xi32>
    %bitcast_convert_type3A_41 = tpu.bitcast %and3A_40 : vector<1024x128xi32> -> vector<1024x128xf32>
    %slice3A_42 = vector.extract_strided_slice %bitcast_convert_type3A_37 {offsets = [0, 0], sizes = [1024, 64], strides = [1, 1]} : vector<1024x128xf32> to vector<1024x64xf32>
    %slice3A_43 = vector.extract_strided_slice %bitcast_convert_type3A_41 {offsets = [0, 0], sizes = [1024, 64], strides = [1, 1]} : vector<1024x128xf32> to vector<1024x64xf32>
    %concatenate3A_44 = tpu.concatenate %slice3A_42, %slice3A_43 in 1 : vector<1024x64xf32>, vector<1024x64xf32> -> vector<1024x128xf32>
    %slice3A_45 = vector.extract_strided_slice %bitcast_convert_type3A_37 {offsets = [0, 64], sizes = [1024, 64], strides = [1, 1]} : vector<1024x128xf32> to vector<1024x64xf32>
    %slice3A_46 = vector.extract_strided_slice %bitcast_convert_type3A_41 {offsets = [0, 64], sizes = [1024, 64], strides = [1, 1]} : vector<1024x128xf32> to vector<1024x64xf32>
    %concatenate3A_47 = tpu.concatenate %slice3A_45, %slice3A_46 in 1 : vector<1024x64xf32>, vector<1024x64xf32> -> vector<1024x128xf32>
    %get3A_48 = arith.constant 0 : index
    %get3A_49 = arith.constant 0 : index
    %get3A_50 = vector.load %arg4[%get3A_48, %get3A_49] : memref<1024x128xi32, #tpu.memory_space<vmem>>, vector<1024x128xi32>
    %bitcast_convert_type3A_51 = tpu.bitcast %get3A_50 : vector<1024x128xi32> -> vector<1024x128xi32>
    %shift_left3A_52 = arith.constant 16 : i32
    %shift_left3A_53 = vector.broadcast %shift_left3A_52 : i32 to vector<1024x128xi32>
    %shift_left3A_54 = arith.shli %bitcast_convert_type3A_51, %shift_left3A_53 : vector<1024x128xi32>
    %bitcast_convert_type3A_55 = tpu.bitcast %shift_left3A_54 : vector<1024x128xi32> -> vector<1024x128xf32>
    %and3A_56 = arith.constant -65536 : i32
    %and3A_57 = vector.broadcast %and3A_56 : i32 to vector<1024x128xi32>
    %and3A_58 = arith.andi %bitcast_convert_type3A_51, %and3A_57 : vector<1024x128xi32>
    %bitcast_convert_type3A_59 = tpu.bitcast %and3A_58 : vector<1024x128xi32> -> vector<1024x128xf32>
    %slice3A_60 = vector.extract_strided_slice %bitcast_convert_type3A_55 {offsets = [0, 0], sizes = [1024, 64], strides = [1, 1]} : vector<1024x128xf32> to vector<1024x64xf32>
    %slice3A_61 = vector.extract_strided_slice %bitcast_convert_type3A_59 {offsets = [0, 0], sizes = [1024, 64], strides = [1, 1]} : vector<1024x128xf32> to vector<1024x64xf32>
    %concatenate3A_62 = tpu.concatenate %slice3A_60, %slice3A_61 in 1 : vector<1024x64xf32>, vector<1024x64xf32> -> vector<1024x128xf32>
    %slice3A_63 = vector.extract_strided_slice %bitcast_convert_type3A_55 {offsets = [0, 64], sizes = [1024, 64], strides = [1, 1]} : vector<1024x128xf32> to vector<1024x64xf32>
    %slice3A_64 = vector.extract_strided_slice %bitcast_convert_type3A_59 {offsets = [0, 64], sizes = [1024, 64], strides = [1, 1]} : vector<1024x128xf32> to vector<1024x64xf32>
    %concatenate3A_65 = tpu.concatenate %slice3A_63, %slice3A_64 in 1 : vector<1024x64xf32>, vector<1024x64xf32> -> vector<1024x128xf32>
    %get3A_66 = arith.constant 0 : index
    %get3A_67 = arith.constant 0 : index
    %get3A_68 = vector.load %arg5[%get3A_66, %get3A_67] : memref<512x4xf32, #tpu.memory_space<vmem>>, vector<512x4xf32>
    %mul3A = arith.constant 1.000000e-01 : f32
    %mul3A_69 = vector.broadcast %mul3A : f32 to vector<1024x128xf32>
    %mul3A_70 = arith.mulf %concatenate3A_26, %mul3A_69 : vector<1024x128xf32>
    %mul3A_71 = arith.constant 1.000000e-01 : f32
    %mul3A_72 = vector.broadcast %mul3A_71 : f32 to vector<1024x128xf32>
    %mul3A_73 = arith.mulf %concatenate3A_44, %mul3A_72 : vector<1024x128xf32>
    %mul3A_74 = arith.constant 1.000000e-01 : f32
    %mul3A_75 = vector.broadcast %mul3A_74 : f32 to vector<1024x128xf32>
    %mul3A_76 = arith.mulf %concatenate3A_62, %mul3A_75 : vector<1024x128xf32>
    %concatenate3A_77 = tpu.concatenate %concatenate3A, %mul3A_70, %mul3A_73, %mul3A_76 in 1 : vector<1024x128xf32>, vector<1024x128xf32>, vector<1024x128xf32>, vector<1024x128xf32> -> vector<1024x512xf32>
    %dot_general3A = arith.constant dense<0.000000e+00> : vector<1024x4xf32>
    %dot_general3A_78 = tpu.matmul %concatenate3A_77, %get3A_68, %dot_general3A {dimension_numbers = #tpu.dot_dimension_numbers<[1], [0], [0], [1], [0, 0, 1, 1], [], []>, transpose_lhs_hint = false} : vector<1024x512xf32>, vector<512x4xf32>, vector<1024x4xf32> -> vector<1024x4xf32>
    %ge3A = arith.constant 0.000000e+00 : f32
    %ge3A_79 = vector.broadcast %ge3A : f32 to vector<1024x4xf32>
    %ge3A_80 = arith.cmpf oge, %dot_general3A_78, %ge3A_79 : vector<1024x4xf32>
    %mul3A_81 = arith.constant 2.000000e-01 : f32
    %mul3A_82 = vector.broadcast %mul3A_81 : f32 to vector<1024x4xf32>
    %mul3A_83 = arith.mulf %mul3A_82, %dot_general3A_78 : vector<1024x4xf32>
    %select_n3A = arith.select %ge3A_80, %dot_general3A_78, %mul3A_83 : vector<1024x4xi1>, vector<1024x4xf32>
    %reduce_max3A = arith.constant dense<0xFF800000> : vector<1024xf32>
    %reduce_max3A_84 = vector.multi_reduction <maximumf>, %select_n3A, %reduce_max3A [1] : vector<1024x4xf32> to vector<1024xf32>
    %broadcast_in_dim3A = vector.shape_cast %reduce_max3A_84 : vector<1024xf32> to vector<1024x1xf32>
    %sub3A = vector.broadcast %broadcast_in_dim3A : vector<1024x1xf32> to vector<1024x4xf32>
    %sub3A_85 = arith.subf %select_n3A, %sub3A : vector<1024x4xf32>
    %exp3A = math.exp %sub3A_85 : vector<1024x4xf32>
    %reduce_sum3A = arith.constant dense<0.000000e+00> : vector<1024xf32>
    %reduce_sum3A_86 = vector.multi_reduction <add>, %exp3A, %reduce_sum3A [1] : vector<1024x4xf32> to vector<1024xf32>
    %broadcast_in_dim3A_87 = vector.shape_cast %reduce_sum3A_86 : vector<1024xf32> to vector<1024x1xf32>
    %div3A = vector.broadcast %broadcast_in_dim3A_87 : vector<1024x1xf32> to vector<1024x4xf32>
    %div3A_88 = arith.divf %exp3A, %div3A : vector<1024x4xf32>
    %slice3A_89 = vector.extract_strided_slice %div3A_88 {offsets = [0, 0], sizes = [1024, 1], strides = [1, 1]} : vector<1024x4xf32> to vector<1024x1xf32>
    %mul3A_90 = vector.broadcast %slice3A_89 : vector<1024x1xf32> to vector<1024x128xf32>
    %mul3A_91 = arith.mulf %mul3A_90, %concatenate3A : vector<1024x128xf32>
    %slice3A_92 = vector.extract_strided_slice %div3A_88 {offsets = [0, 1], sizes = [1024, 1], strides = [1, 1]} : vector<1024x4xf32> to vector<1024x1xf32>
    %mul3A_93 = vector.broadcast %slice3A_92 : vector<1024x1xf32> to vector<1024x128xf32>
    %mul3A_94 = arith.mulf %mul3A_93, %mul3A_70 : vector<1024x128xf32>
    %add3A = arith.addf %mul3A_91, %mul3A_94 : vector<1024x128xf32>
    %slice3A_95 = vector.extract_strided_slice %div3A_88 {offsets = [0, 2], sizes = [1024, 1], strides = [1, 1]} : vector<1024x4xf32> to vector<1024x1xf32>
    %mul3A_96 = vector.broadcast %slice3A_95 : vector<1024x1xf32> to vector<1024x128xf32>
    %mul3A_97 = arith.mulf %mul3A_96, %mul3A_73 : vector<1024x128xf32>
    %add3A_98 = arith.addf %add3A, %mul3A_97 : vector<1024x128xf32>
    %slice3A_99 = vector.extract_strided_slice %div3A_88 {offsets = [0, 3], sizes = [1024, 1], strides = [1, 1]} : vector<1024x4xf32> to vector<1024x1xf32>
    %mul3A_100 = vector.broadcast %slice3A_99 : vector<1024x1xf32> to vector<1024x128xf32>
    %mul3A_101 = arith.mulf %mul3A_100, %mul3A_76 : vector<1024x128xf32>
    %add3A_102 = arith.addf %add3A_98, %mul3A_101 : vector<1024x128xf32>
    %mul3A_103 = arith.constant 1.000000e-01 : f32
    %mul3A_104 = vector.broadcast %mul3A_103 : f32 to vector<1024x128xf32>
    %mul3A_105 = arith.mulf %concatenate3A_29, %mul3A_104 : vector<1024x128xf32>
    %mul3A_106 = arith.constant 1.000000e-01 : f32
    %mul3A_107 = vector.broadcast %mul3A_106 : f32 to vector<1024x128xf32>
    %mul3A_108 = arith.mulf %concatenate3A_47, %mul3A_107 : vector<1024x128xf32>
    %mul3A_109 = arith.constant 1.000000e-01 : f32
    %mul3A_110 = vector.broadcast %mul3A_109 : f32 to vector<1024x128xf32>
    %mul3A_111 = arith.mulf %concatenate3A_65, %mul3A_110 : vector<1024x128xf32>
    %concatenate3A_112 = tpu.concatenate %concatenate3A_11, %mul3A_105, %mul3A_108, %mul3A_111 in 1 : vector<1024x128xf32>, vector<1024x128xf32>, vector<1024x128xf32>, vector<1024x128xf32> -> vector<1024x512xf32>
    %dot_general3A_113 = arith.constant dense<0.000000e+00> : vector<1024x4xf32>
    %dot_general3A_114 = tpu.matmul %concatenate3A_112, %get3A_68, %dot_general3A_113 {dimension_numbers = #tpu.dot_dimension_numbers<[1], [0], [0], [1], [0, 0, 1, 1], [], []>, transpose_lhs_hint = false} : vector<1024x512xf32>, vector<512x4xf32>, vector<1024x4xf32> -> vector<1024x4xf32>
    %ge3A_115 = arith.constant 0.000000e+00 : f32
    %ge3A_116 = vector.broadcast %ge3A_115 : f32 to vector<1024x4xf32>
    %ge3A_117 = arith.cmpf oge, %dot_general3A_114, %ge3A_116 : vector<1024x4xf32>
    %mul3A_118 = arith.constant 2.000000e-01 : f32
    %mul3A_119 = vector.broadcast %mul3A_118 : f32 to vector<1024x4xf32>
    %mul3A_120 = arith.mulf %mul3A_119, %dot_general3A_114 : vector<1024x4xf32>
    %select_n3A_121 = arith.select %ge3A_117, %dot_general3A_114, %mul3A_120 : vector<1024x4xi1>, vector<1024x4xf32>
    %reduce_max3A_122 = arith.constant dense<0xFF800000> : vector<1024xf32>
    %reduce_max3A_123 = vector.multi_reduction <maximumf>, %select_n3A_121, %reduce_max3A_122 [1] : vector<1024x4xf32> to vector<1024xf32>
    %broadcast_in_dim3A_124 = vector.shape_cast %reduce_max3A_123 : vector<1024xf32> to vector<1024x1xf32>
    %sub3A_125 = vector.broadcast %broadcast_in_dim3A_124 : vector<1024x1xf32> to vector<1024x4xf32>
    %sub3A_126 = arith.subf %select_n3A_121, %sub3A_125 : vector<1024x4xf32>
    %exp3A_127 = math.exp %sub3A_126 : vector<1024x4xf32>
    %reduce_sum3A_128 = arith.constant dense<0.000000e+00> : vector<1024xf32>
    %reduce_sum3A_129 = vector.multi_reduction <add>, %exp3A_127, %reduce_sum3A_128 [1] : vector<1024x4xf32> to vector<1024xf32>
    %broadcast_in_dim3A_130 = vector.shape_cast %reduce_sum3A_129 : vector<1024xf32> to vector<1024x1xf32>
    %div3A_131 = vector.broadcast %broadcast_in_dim3A_130 : vector<1024x1xf32> to vector<1024x4xf32>
    %div3A_132 = arith.divf %exp3A_127, %div3A_131 : vector<1024x4xf32>
    %slice3A_133 = vector.extract_strided_slice %div3A_132 {offsets = [0, 0], sizes = [1024, 1], strides = [1, 1]} : vector<1024x4xf32> to vector<1024x1xf32>
    %mul3A_134 = vector.broadcast %slice3A_133 : vector<1024x1xf32> to vector<1024x128xf32>
    %mul3A_135 = arith.mulf %mul3A_134, %concatenate3A_11 : vector<1024x128xf32>
    %slice3A_136 = vector.extract_strided_slice %div3A_132 {offsets = [0, 1], sizes = [1024, 1], strides = [1, 1]} : vector<1024x4xf32> to vector<1024x1xf32>
    %mul3A_137 = vector.broadcast %slice3A_136 : vector<1024x1xf32> to vector<1024x128xf32>
    %mul3A_138 = arith.mulf %mul3A_137, %mul3A_105 : vector<1024x128xf32>
    %add3A_139 = arith.addf %mul3A_135, %mul3A_138 : vector<1024x128xf32>
    %slice3A_140 = vector.extract_strided_slice %div3A_132 {offsets = [0, 2], sizes = [1024, 1], strides = [1, 1]} : vector<1024x4xf32> to vector<1024x1xf32>
    %mul3A_141 = vector.broadcast %slice3A_140 : vector<1024x1xf32> to vector<1024x128xf32>
    %mul3A_142 = arith.mulf %mul3A_141, %mul3A_108 : vector<1024x128xf32>
    %add3A_143 = arith.addf %add3A_139, %mul3A_142 : vector<1024x128xf32>
    %slice3A_144 = vector.extract_strided_slice %div3A_132 {offsets = [0, 3], sizes = [1024, 1], strides = [1, 1]} : vector<1024x4xf32> to vector<1024x1xf32>
    %mul3A_145 = vector.broadcast %slice3A_144 : vector<1024x1xf32> to vector<1024x128xf32>
    %mul3A_146 = arith.mulf %mul3A_145, %mul3A_111 : vector<1024x128xf32>
    %add3A_147 = arith.addf %add3A_143, %mul3A_146 : vector<1024x128xf32>
    %concatenate3A_148 = tpu.concatenate %add3A_102, %add3A_147 in 1 : vector<1024x128xf32>, vector<1024x128xf32> -> vector<1024x256xf32>
    %swap3A = arith.constant 0 : index
    %swap3A_149 = arith.constant 0 : index
    %swap3A_150 = vector.load %arg6[%swap3A, %swap3A_149] : memref<1024x256xf32, #tpu.memory_space<vmem>>, vector<1024x256xf32>
    tpu.vector_store %arg6[%swap3A, %swap3A_149], %concatenate3A_148 {strides = array<i32>} : memref<1024x256xf32, #tpu.memory_space<vmem>>, vector<1024x256xf32>,
    return
  }
  func.func @transform_0(%arg0: i32) -> (i32, i32) {
    %c0_i32 = arith.constant 0 : i32
    %c0_i32_0 = arith.constant 0 : i32
    return %arg0, %c0_i32 : i32, i32
  }
  func.func @transform_1(%arg0: i32) -> (i32, i32) {
    %c0_i32 = arith.constant 0 : i32
    %c0_i32_0 = arith.constant 0 : i32
    return %arg0, %c0_i32 : i32, i32
  }
  func.func @transform_2(%arg0: i32) -> (i32, i32) {
    %c0_i32 = arith.constant 0 : i32
    %c0_i32_0 = arith.constant 0 : i32
    return %arg0, %c0_i32 : i32, i32
  }
  func.func @transform_3(%arg0: i32) -> (i32, i32) {
    %c0_i32 = arith.constant 0 : i32
    %c0_i32_0 = arith.constant 0 : i32
    return %arg0, %c0_i32 : i32, i32
  }
  func.func @transform_4(%arg0: i32) -> (i32, i32) {
    %c0_i32 = arith.constant 0 : i32
    %c0_i32_0 = arith.constant 0 : i32
    %c0_i32_1 = arith.constant 0 : i32
    return %c0_i32, %c0_i32_0 : i32, i32
  }
  func.func @transform_5(%arg0: i32) -> (i32, i32) {
    %c0_i32 = arith.constant 0 : i32
    %c0_i32_0 = arith.constant 0 : i32
    return %arg0, %c0_i32 : i32, i32
  }
}

</mosaic_0001>

<sc_bundles>
// kernel: kernel.11.cloned.1.call-start
scs
__scs_entry_jumppad:
0x0: {  	(pc) =	sbr.rel $0x88, $3  }
0x1: {  	(tag) =	ssettag $0x0;
	lr =	simm.s32 $0x1  }
0x2: {  	[smem:$0x3F95] =	sst lr;
	_ =	strace $0xD0000000  }
0x3: {  	_ = 	snop  }
0x4: {  	_ = 	snop  }
0x5: {  	_ = 	snop  }
0x6: {  	_ = 	snop  }
0x7: {  	_ = 	snop  }
__scs_overlays_trampoline_lowered:
0x8: {  	[smem:$0x3FA4] =	sst s0  }
0x9: {  	[smem:$0x3FA5] =	sst s1  }
0xa: {  	[smem:$0x3FA6] =	sst s2  }
0xb: {  	[smem:$0x3FA7] =	sst s3  }
0xc: {  	[smem:$0x3FA8] =	sst s4  }
0xd: {  	[smem:$0x3FA9] =	sst s5  }
0xe: {  	[smem:$0x3FAA] =	sst s6  }
0xf: {  	[smem:$0x3FAB] =	sst s7  }
0x10: {  	[smem:$0x3FAC] =	sst s8  }
0x11: {  	[smem:$0x3FAD] =	sst s9;
	s0 =	simm.s32 @!p0 $0x0  }
0x12: {  	s1 =	sld [smem:$0x3F93];
	s0 =	simm.s32 @p0 $0x1  }
0x13: {  	[smem:$0x3FAE] =	sst s0;
	s0 =	simm.s32 @!p1 $0x0  }
0x14: {  	s2 =	sld [smem:$0x3F92];
	s0 =	simm.s32 @p1 $0x1  }
0x15: {  	[smem:$0x3FAF] =	sst s0;
	s0 =	simm.s32 @!p2 $0x0  }
0x16: {  	s3 =	sld [smem:$0x3FDB];
	s0 =	simm.s32 @p2 $0x1  }
0x17: {  	s4 =	simm.s32 $0x1BF5;
	[smem:$0x3FB1] =	sst s0  }
0x18: {  	s0 =	sld [smem:$0x3F94];
	_ =	swait.ge [sflag:s4], $0x0  }
0x19: {  	s7 =	sld [smem:$0x3F95]  }
0x1a: {  	s8 =	sadd.s32 $0xFFFFE003, lr  }
0x1b: {  	s9 =	sadd.s32 $0xFFFFFEF7, lr;
	s5 =	simm.s32 $0xFFFFFFFF;
	p2 =	slt.u32 s8, $0xFFFFF086  }
0x1c: {  	p1 =	slt.u32 s9, $0xF7A;
	s5 =	simm.s32 @!p2 $0x0  }
0x1d: {  	s5 =	simm.s32 @p1 $0x1;
	p0 =	seq.s32 s7, s2  }
0x1e: {  	s7 =	smul.u32 @!p0 $0xF7A, s2;
	p2 =	seq.s32 @!p0 s5, $0x0  }
0x1f: {  	s9 =	smul.u32 $0xF7A, s1;
	s8 =	simm.s32 @!p0 $0x1BF5;
	p2 =	por !p2, p0  }
0x20: {  	[sflag:s8] =	ssyncset.s32 @!p0 $0xFFFFF086;
	s6 =	sadd.s32 @!p0 s3, s7;
	s7 =	simm.s32 @!p0 $0x108  }
0x21: {  	s3 =	sadd.s32 s3, s9;
	s6 =	sadd.s32 @!p0 $0x88, s6;
	s7 =	simm.s32 @p2 $0x1082  }
0x22: {  	[simem:s7], [sflag:s8] =	dma.local @!p0 [hbm:s6], $0xF7A  }
0x23: {  	s9 =	sor.u32 $0xD0000000, s2;
	s6 =	simm.s32 $0x108;
	_ =	swait.ge @!p0 [sflag:s8], $0x0  }
0x24: {  	s3 =	sadd.s32 $0x88, s3;
	s6 =	simm.s32 @!p1 $0x1082;
	[sflag:s4] =	ssyncset.s32 $0xFFFFF086  }
0x25: {  	[simem:s6], [sflag:s4] =	dma.local [hbm:s3], $0xF7A  }
0x26: {  	[smem:$0x3F95] =	sst s1;
	(tag) =	ssettag s2;
	_ =	strace s9  }
0x27: {  	s1 =	sld [smem:$0x3FA5]  }
0x28: {  	s2 =	sld [smem:$0x3FA6]  }
0x29: {  	s4 =	sld [smem:$0x3FA8]  }
0x2a: {  	p0 =	seq.s32 s5, $0x0;
	s5 =	sld [smem:$0x3FA9]  }
0x2b: {  	s6 =	sld [smem:$0x3FAA]  }
0x2c: {  	s7 =	sld [smem:$0x3FAB]  }
0x2d: {  	s3 =	simm.s32 $0x108;
	s8 =	sld [smem:$0x3FAC]  }
0x2e: {  	s3 =	simm.s32 @!p0 $0x1082;
	s9 =	sld [smem:$0x3FAD]  }
0x2f: {  	lr =	sadd.s32 s0, s3;
	s0 =	sld [smem:$0x3FA4]  }
0x30: {  	s3 =	sld [smem:$0x3FA7]  }
0x31: {  	[smem:$0x3FB0] =	sst s10  }
0x32: {  	s10 =	sld [smem:$0x3FAE];
	_ =	sdelay $0x3  }
0x33: {  	p0 =	seq.s32 s10, $0x1;
	s10 =	sld [smem:$0x3FB0];
	_ =	sdelay $0x3  }
0x34: {  	[smem:$0x3FB0] =	sst s10  }
0x35: {  	s10 =	sld [smem:$0x3FAF];
	_ =	sdelay $0x3  }
0x36: {  	p1 =	seq.s32 s10, $0x1;
	s10 =	sld [smem:$0x3FB0];
	_ =	sdelay $0x3  }
0x37: {  	[smem:$0x3FB0] =	sst s10  }
0x38: {  	s10 =	sld [smem:$0x3FB1]  }
0x39: {  	_ = 	snop;
	(pc) =	sbr.ind lr, $3  }
0x3a: {  	_ = 	snop  }
0x3b: {  	_ = 	snop  }
0x3c: {  	p2 =	seq.s32 s10, $0x1;
	s10 =	sld [smem:$0x3FB0]  }
0x3d: {  	_ =	shalt  }
0x3e: {  	_ =	shalt  }
0x3f: {  	_ =	shalt  }
0x40: {  	_ =	shalt  }
0x41: {  	_ =	shalt  }
0x42: {  	_ =	shalt  }
0x43: {  	_ =	shalt  }
0x44: {  	_ =	shalt  }
0x45: {  	_ =	shalt  }
0x46: {  	_ =	shalt  }
0x47: {  	_ =	shalt  }
0x48: {  	_ =	shalt  }
0x49: {  	_ =	shalt  }
0x4a: {  	_ =	shalt  }
0x4b: {  	_ =	shalt  }
0x4c: {  	_ =	shalt  }
0x4d: {  	_ =	shalt  }
0x4e: {  	_ =	shalt  }
0x4f: {  	_ =	shalt  }
0x50: {  	_ =	shalt  }
0x51: {  	_ =	shalt  }
0x52: {  	_ =	shalt  }
0x53: {  	_ =	shalt  }
0x54: {  	_ =	shalt  }
0x55: {  	_ =	shalt  }
0x56: {  	_ =	shalt  }
0x57: {  	_ =	shalt  }
0x58: {  	_ =	shalt  }
0x59: {  	_ =	shalt  }
0x5a: {  	_ =	shalt  }
0x5b: {  	_ =	shalt  }
0x5c: {  	_ =	shalt  }
0x5d: {  	_ =	shalt  }
0x5e: {  	_ =	shalt  }
0x5f: {  	_ =	shalt  }
0x60: {  	_ =	shalt  }
0x61: {  	_ =	shalt  }
0x62: {  	_ =	shalt  }
0x63: {  	_ =	shalt  }
0x64: {  	_ =	shalt  }
0x65: {  	_ =	shalt  }
0x66: {  	_ =	shalt  }
0x67: {  	_ =	shalt  }
0x68: {  	_ =	shalt  }
0x69: {  	_ =	shalt  }
0x6a: {  	_ =	shalt  }
0x6b: {  	_ =	shalt  }
0x6c: {  	_ =	shalt  }
0x6d: {  	_ =	shalt  }
0x6e: {  	_ =	shalt  }
0x6f: {  	_ =	shalt  }
0x70: {  	_ =	shalt  }
0x71: {  	_ =	shalt  }
0x72: {  	_ =	shalt  }
0x73: {  	_ =	shalt  }
0x74: {  	_ =	shalt  }
0x75: {  	_ =	shalt  }
0x76: {  	_ =	shalt  }
0x77: {  	_ =	shalt  }
0x78: {  	_ =	shalt  }
0x79: {  	_ =	shalt  }
0x7a: {  	_ =	shalt  }
0x7b: {  	_ =	shalt  }
0x7c: {  	_ =	shalt  }
0x7d: {  	_ =	shalt  }
0x7e: {  	_ =	shalt  }
0x7f: {  	_ =	shalt  }
0x80: {  	_ =	shalt  }
0x81: {  	_ =	shalt  }
0x82: {  	_ =	shalt  }
0x83: {  	_ =	shalt  }
0x84: {  	_ =	shalt  }
0x85: {  	_ =	shalt  }
0x86: {  	_ =	shalt  }
0x87: {  	_ =	shalt  }
.Lfunc_end0:
.L_simem_size_0:
called_computation.1_lowered:
.L_overlay_start_0:
0x88: {  	s2 =	sld [smem:$0x3FD9]  }
0x89: {  	s3 =	sld [smem:$0x3FFE];
	_ =	sdelay $0x1  }
0x8a: {  	s1 =	srdreg.scid  }
0x8b: {  	s0 =	sand.u32 $0x1, s1  }
0x8c: {  	s16 =	sshll.u32 s0, $0xA;
	s2 =	sadd.s32 s3, s2  }
0x8d: {  	s2 =	sadd.s32 s2, s16  }
0x8e: {  	[smem:$0x3FBC] =	sst s2  }
0x8f: {  	_ = 	snop  }
0x90: {  	(tm) =	ssettm $0x1  }
0x91: {  	s17 =	sld [smem:$0x3FFB];
	_ =	sdelay $0x3  }
0x92: {  	_ =	strace s17  }
0x93: {  	s2 =	sld [smem:$0x3FFC];
	_ =	sdelay $0x3  }
0x94: {  	_ =	strace s2  }
0x95: {  	s2 =	sld [smem:$0x3FFD];
	_ =	sdelay $0x3  }
0x96: {  	_ =	strace s2  }
0x97: {  	_ =	strace $0x8FFFFFFF  }
0x98: {  	s18 =	sld [smem:$0x3FDB];
	_ =	sdelay $0x1  }
0x99: {  	s19 =	simm.s32 $_scs_section_size  }
0x9a: {  	s4 =	simm.s32 $_size__tile_overlayer_lowered;
	s5 =	simm.s32 $_tile_overlayer_lowered  }
0x9b: {  	s22 =	simm.s32 $0x1BFF;
	s21 =	sshll.u32 s5, $0x1;
	s2 =	sadd.s32 s19, s18  }
0x9c: {  	s6 =	simm.s32 $0x0;
	s20 =	sshll.u32 s4, $0x1;
	s4 =	sadd.s32 s21, s2  }
0x9d: {  	[timem:s6], [sflag:s22] =	dma.local [hbm:s4], s20  }
0x9e: {  	_ =	swait.ge [sflag:s22], s20  }
0x9f: {  	s3 =	ssub.s32 $0x0, s20;
	[sflag:s22] =	ssyncset.done $0x0  }
0xa0: {  	[sflag:s22] =	ssyncadd.s32 s3;
	_ =	sdelay $0x1  }
0xa1: {  	s23 =	simm.s32 $0x1B8B  }
0xa2: {  	_ =	swait.ge [sflag:s23], $0x1  }
0xa3: {  	[sflag:s23] =	ssyncset.done $0x0  }
0xa4: {  	s25 =	simm.s32 $0x1B8E;
	s24 =	sld [smem:$0x3FFE];
	[sflag:s23] =	ssyncadd.s32 $0xFFFFFFFF  }
0xa5: {  	s26 =	simm.s32 $execute0_lowered;
	[smem:$0x3FD2] =	sst s25  }
0xa6: {  	s4 =	sshll.u32 s26, $0x1;
	_ =	strace $0x80000046;
	[dreg:$0x1] =	wrdreg $0xFFFFFFFF  }
0xa7: {  	s28 =	simm.s32 $_size_execute0_lowered;
	s2 =	sadd.s32 s2, s4;
	[dreg:$0x0] =	wrdreg $0x0  }
0xa8: {  	s4 =	sshll.u32 s28, $0x1;
	[dreg:$0x2] =	wrdreg s2  }
0xa9: {  	[dreg:$0x3] =	wrdreg s4  }
0xaa: {  	[dreg:$0x4] =	wrdreg $0xC0  }
0xab: {  	_ =	task [dreg:s6], $0x5FFFF  }
0xac: {  	[dreg:$0x1] =	wrdreg $0xFFFFFFFF  }
0xad: {  	[dreg:$0x0] =	wrdreg $0x60  }
0xae: {  	[dreg:$0x2] =	wrdreg s24  }
0xaf: {  	[dreg:$0x3] =	wrdreg $0xA  }
0xb0: {  	_ =	task.clear_ibuf [dreg:s6], $0x4FFFF;
	_ =	strace $0x90000046  }
0xb1: {  	s29 =	simm.s32 $0xA;
	_ =	strace $0x80000048  }
0xb2: {  	_ =	swait.ge [sflag:s29], $0x1  }
0xb3: {  	[sflag:s29] =	ssyncadd.s32 $0xFFFFFFFF  }
0xb4: {  	_ =	strace $0x90000048  }
0xb5: {  	_ =	sfence  }
0xb6: {  	s30 =	sld [smem:$0x0];
	_ =	sdelay $0x2  }
0xb7: {  	s31 =	sshll.u32 s1, $0xD;
	s1 =	sshrl.u32 s1, $0x2  }
0xb8: {  	s3 =	sand.u32 $0x4000, s31;
	s1 =	sadd.s32 s1, s30  }
0xb9: {  	s0 =	sor.u32 s3, s0;
	s1 =	sshll.u32 s1, $0x11  }
0xba: {  	s0 =	sor.u32 s1, s0  }
0xbb: {  	s0 =	sadd.s32 $0x8F2B, s0  }
0xbc: {  	[sflag:s0] =	ssyncadd.remote.s32 $0x1  }
0xbd: {  	_ =	sfence.sel $0xFFFF  }
0xbe: {  	[dreg:$0x0] =	wrdreg $0xFFFFFFFF;
	(pc) =	sbr.abs _section_cstart, $3  }
0xbf: {  	[dreg:$0x1] =	wrdreg $0xFFFFFFFF  }
0xc0: {  	_ =	task.clear_ibuf [dreg:s6], $0x2FFFF;
	_ =	strace $0x9FFFFFFF  }
0xc1: {  	(tm) =	ssettm $0x7FFFFFFF  }
tec
execute0_lowered:
.L_overlay_start_1:
0x0: {  	(tag) =	ssettag $0x1  }
0x1: {  	s1 =	srdreg.scid  }
0x2: {  	s0 =	stileid.u32;
	s4 =	rddreg [dreg:$0x0];
	s2 =	simm.s32 $0x0  }
0x3: {  	s9 =	simm.s32 $0x1400;
	s10 =	simm.s32 $0x2800;
	s11 =	simm.s32 $0x3C00  }
0x4: {  	s12 =	simm.s32 $0x5000;
	s13 =	simm.s32 $0x1;
	s14 =	simm.s32 $0x6400  }
0x5: {  	s15 =	simm.s32 $0x3;
	s16 =	simm.s32 $0x2;
	s17 =	simm.s32 $0x6800  }
0x6: {  	s18 =	simm.s32 $0x4;
	s5 =	sand.u32 $0x1, s1;
	s1 =	rddreg [dreg:$0x1]  }
0x7: {  	s19 =	simm.s32 $0x0;
	s3 =	sshll.u32 s0, $0x1;
	[smem:$0x7FF] =	sst s2  }
0x8: {  	s6 =	sor.u32 s5, s3;
	_ =	strace $0x80000047;
	s5 =	ssub.s32 $0x2, s5  }
0x9: {  	s7 =	smul.u32 $0x280, s6;
	s6 =	sshll.u32 s6, $0xC;
	s8 =	sshrl.u32 s5, $0x1  }
0xa: {  	s3 =	sadd.s32 $0x8000, s4;
	s6 =	sadd.s32 s6, s4;
	s8 =	ssub.s32 s5, s8  }
0xb: {  	s7 =	sadd.s32 s7, s4;
	s5 =	sadd.s32 $0x69C00, s6;
	s6 =	smax.u32 s8, $0x1  }
0xc: {  	s8 =	simm.s32 $0x50;
	s4 =	sadd.s32 $0x3000, s7;
	s7 =	simm.s32 $0x5  }
.LBB2_1:
0xd: {  	[tilespmem:s2], [sflag:$0x5] =	stream.linear.gather [hbm4b:s4+s2], $0x1400, $0x38;
	[tilespmem:$0x6C00] =	vst v63  }
0xe: {  	_ =	swait.ge [sflag:s7], $0x1400  }
0xf: {  	[sflag:s7] =	ssyncset.done $0x0  }
0x10: {  	s20 =	simm.s32 $0x0;
	s21 =	simm.s32 $0x40;
	[sflag:s7] =	ssyncadd.s32 $0xFFFFEC00  }
.LBB2_2:
0x11: {  	p0 =	sne.s32 s21, $0x4FC0;
	v0 =	vld [tilespmem:s20+$0x0];
	_ =	sdelay $0x3  }
.Ltmp0:
0x12: {  	(pc) =	sbr.rel @p0 .LBB2_2-.Ltmp0, $4  }
0x13: {  	v1 =	vshll.u32 v0, $0x1  }
0x14: {  	vm0 =	vlt.s32 v0, $0x61A8;
	v0 =	vadd.s32 $0xFFFF3CB1, v1  }
0x15: {  	v0 =	vsel vm0, v1, v0  }
0x16: {  	[tilespmem:s20+$0x0] =	vst v0;
	s20 =	sshra.s32 s21, $0x2;
	s21 =	sadd.s32 $0x40, s21  }
0x17: {  	v0 =	vld [tilespmem:s20+$0x0];
	_ =	sdelay $0x4  }
0x18: {  	v1 =	vshll.u32 v0, $0x1  }
0x19: {  	vm0 =	vlt.s32 v0, $0x61A8;
	v63 =	vadd.s32 $0xFFFF3CB1, v1  }
0x1a: {  	v0 =	vsel vm0, v1, v63  }
0x1b: {  	[tilespmem:s20+$0x0] =	vst v0;
	s20 =	simm.s32 $0x0  }
0x1c: {  	[tilespmem:s9], [sflag:$0x1] =	stream.indirect.gather [hbm4b:s3+s8], $0x40, s20, s8, $0xb8;
	[tilespmem:$0x6C00] =	vst v63  }
0x1d: {  	_ = 	snop  }
0x1e: {  	[tilespmem:s10], [sflag:$0x1] =	stream.indirect.gather [hbm4b:s3+s8], $0x40, s8, s8, $0xb8;
	[tilespmem:$0x6C00] =	vst v63  }
.LBB2_4:
0x1f: {  	s21 =	sshll.u32 s20, $0x1;
	p0 =	seq.s32 s20, $0x0  }
0x20: {  	s22 =	simm.s32 @!p0 $0x4;
	s21 =	sor.u32 $0x1, s21  }
0x21: {  	_ =	swait.ge @!p0 [sflag:s22], $0x400;
	s23 =	smul.u32 $0x280, s21  }
0x22: {  	[sflag:s22] =	ssyncset.done @!p0 $0x0  }
0x23: {  	[sflag:s22] =	ssyncadd.s32 @!p0 $0xFFFFFC00;
	s31 =	sshra.s32 s23, $0x2  }
0x24: {  	[tilespmem:s11], [sflag:$0x2] =	stream.indirect.gather [hbm4b:s3+s8], $0x40, s31, s8, $0xb8;
	[tilespmem:$0x6C00] =	vst v63  }
0x25: {  	s22 =	sadd.s32 $0x50, s31  }
0x26: {  	[tilespmem:s12], [sflag:$0x2] =	stream.indirect.gather [hbm4b:s3+s8], $0x40, s22, s8, $0xb8;
	[tilespmem:$0x6C00] =	vst v63  }
0x27: {  	_ =	swait.ge [sflag:s13], $0x1400  }
0x28: {  	[sflag:s13] =	ssyncset.done $0x0  }
0x29: {  	[sflag:s13] =	ssyncadd.s32 $0xFFFFEC00  }
0x2a: {  	_ =	swait.ge [sflag:s13], $0x1400  }
0x2b: {  	[sflag:s13] =	ssyncset.done $0x0  }
0x2c: {  	s22 =	simm.s32 $0x1540;
	[sflag:s13] =	ssyncadd.s32 $0xFFFFEC00  }
0x2d: {  	v0 =	vld [tilespmem:s22+$0xFFFFFEC0]  }
0x2e: {  	v1 =	vld [tilespmem:s22+$0x80]  }
0x2f: {  	v2 =	vld [tilespmem:s22+$0x40]  }
0x30: {  	v3 =	vld [tilespmem:s22+$0x0]  }
0x31: {  	v4 =	vld [tilespmem:s22+$0xFFFFFFC0]  }
0x32: {  	v5 =	vld [tilespmem:s22+$0xFFFFFF80]  }
0x33: {  	v6 =	vld [tilespmem:s22+$0xFFFFFF40]  }
0x34: {  	v7 =	vld [tilespmem:s22+$0xFFFFFF00];
	_ =	sdelay $0x2  }
0x35: {  	v8 =	vld [tilespmem:s22+$0x100]  }
0x36: {  	v1 =	vadd.bf16 v1, v2;
	v2 =	vadd.bf16 v3, v4;
	v3 =	vld [tilespmem:s22+$0xC0]  }
0x37: {  	v53 =	vadd.bf16 v5, v6;
	v0 =	vadd.bf16 v7, v0;
	_ =	sdelay $0x1  }
0x38: {  	v0 =	vadd.bf16 v53, v0;
	v1 =	vadd.bf16 v1, v2;
	_ =	sdelay $0x1  }
0x39: {  	v0 =	vadd.bf16 v1, v0;
	v2 =	vadd.bf16 v8, v3;
	_ =	sdelay $0x1  }
0x3a: {  	v0 =	vadd.bf16 v2, v0  }
0x3b: {  	s23 =	simm.s32 $0x0  }
0x3c: {  	[tilespmem:s23+$0x6400] =	vst v0  }
0x3d: {  	v0 =	vld [tilespmem:s22+$0x90]  }
0x3e: {  	v1 =	vld [tilespmem:s22+$0xFFFFFF90]  }
0x3f: {  	v2 =	vld [tilespmem:s22+$0x10]  }
0x40: {  	v3 =	vld [tilespmem:s22+$0xFFFFFF50]  }
0x41: {  	v54 =	vld [tilespmem:s22+$0xFFFFFED0]  }
0x42: {  	v55 =	vld [tilespmem:s22+$0x50]  }
0x43: {  	v56 =	vld [tilespmem:s22+$0xFFFFFFD0]  }
0x44: {  	v57 =	vld [tilespmem:s22+$0xFFFFFF10];
	_ =	sdelay $0x2  }
0x45: {  	v58 =	vld [tilespmem:s22+$0x110]  }
0x46: {  	v1 =	vadd.bf16 v1, v3;
	v0 =	vadd.bf16 v0, v55;
	v3 =	vld [tilespmem:s22+$0xD0]  }
0x47: {  	v2 =	vadd.bf16 v2, v56;
	v4 =	vadd.bf16 v57, v54;
	_ =	sdelay $0x1  }
0x48: {  	v1 =	vadd.bf16 v1, v4;
	v0 =	vadd.bf16 v0, v2;
	_ =	sdelay $0x1  }
0x49: {  	v0 =	vadd.bf16 v0, v1;
	v2 =	vadd.bf16 v58, v3;
	_ =	sdelay $0x1  }
0x4a: {  	v0 =	vadd.bf16 v2, v0;
	_ =	sdelay $0x1  }
0x4b: {  	[tilespmem:s23+$0x6410] =	vst v0  }
0x4c: {  	v0 =	vld [tilespmem:s22+$0xA0]  }
0x4d: {  	v1 =	vld [tilespmem:s22+$0x60]  }
0x4e: {  	v2 =	vld [tilespmem:s22+$0xFFFFFF60]  }
0x4f: {  	v3 =	vld [tilespmem:s22+$0xFFFFFF20]  }
0x50: {  	v59 =	vld [tilespmem:s22+$0x20]  }
0x51: {  	v60 =	vld [tilespmem:s22+$0xFFFFFEE0]  }
0x52: {  	v61 =	vld [tilespmem:s22+$0xFFFFFFA0]  }
0x53: {  	v62 =	vld [tilespmem:s22+$0xFFFFFFE0];
	_ =	sdelay $0x2  }
0x54: {  	v63 =	vld [tilespmem:s22+$0x120]  }
0x55: {  	v0 =	vadd.bf16 v0, v1;
	v1 =	vadd.bf16 v3, v60;
	v3 =	vld [tilespmem:s22+$0xE0]  }
0x56: {  	v2 =	vadd.bf16 v61, v2;
	v4 =	vadd.bf16 v59, v62;
	_ =	sdelay $0x1  }
0x57: {  	v1 =	vadd.bf16 v2, v1;
	v0 =	vadd.bf16 v0, v4;
	_ =	sdelay $0x1  }
0x58: {  	v0 =	vadd.bf16 v0, v1;
	v2 =	vadd.bf16 v63, v3;
	_ =	sdelay $0x1  }
0x59: {  	s25 =	simm.s32 $0x100;
	s24 =	simm.s32 $0x1540;
	v0 =	vadd.bf16 v2, v0  }
.LBB2_5:
0x5a: {  	p0 =	sne.s32 s25, $0xF00  }
0x5b: {  	s22 =	sadd.s32 $0x280, s22;
	s26 =	smov.u32 s25;
	s25 =	sadd.s32 $0x100, s25  }
0x5c: {  	_ =	sdelay $0x3  }
0x5d: {  	[tilespmem:s23+$0x6420] =	vst v0  }
0x5e: {  	v0 =	vld [tilespmem:s24+$0xB0]  }
0x5f: {  	v1 =	vld [tilespmem:s24+$0xFFFFFFB0]  }
0x60: {  	v2 =	vld [tilespmem:s24+$0x30]  }
0x61: {  	v3 =	vld [tilespmem:s24+$0xFFFFFEF0]  }
0x62: {  	v4 =	vld [tilespmem:s24+$0x70]  }
0x63: {  	v5 =	vld [tilespmem:s24+$0xFFFFFF70]  }
0x64: {  	v6 =	vld [tilespmem:s24+$0xFFFFFFF0]  }
0x65: {  	v7 =	vld [tilespmem:s24+$0xFFFFFF30]  }
0x66: {  	v8 =	vld [tilespmem:s24+$0xF0]  }
0x67: {  	v9 =	vld [tilespmem:s24+$0x130];
	v0 =	vadd.bf16 v0, v4;
	s24 =	smov.u32 s22  }
0x68: {  	v1 =	vadd.bf16 v1, v5  }
0x69: {  	v2 =	vadd.bf16 v2, v6  }
0x6a: {  	v3 =	vadd.bf16 v7, v3  }
0x6b: {  	v0 =	vadd.bf16 v0, v2  }
0x6c: {  	v2 =	vadd.bf16 v9, v8;
	v1 =	vadd.bf16 v1, v3;
	_ =	sdelay $0x1  }
0x6d: {  	v0 =	vadd.bf16 v0, v1;
	_ =	sdelay $0x1  }
0x6e: {  	v0 =	vadd.bf16 v2, v0;
	_ =	sdelay $0x1  }
0x6f: {  	[tilespmem:s23+$0x6430] =	vst v0  }
0x70: {  	v0 =	vld [tilespmem:s22+$0xFFFFFEC0]  }
0x71: {  	v1 =	vld [tilespmem:s22+$0x80]  }
0x72: {  	v2 =	vld [tilespmem:s22+$0x40]  }
0x73: {  	v3 =	vld [tilespmem:s22+$0x0]  }
0x74: {  	v4 =	vld [tilespmem:s22+$0xFFFFFFC0]  }
0x75: {  	v5 =	vld [tilespmem:s22+$0xFFFFFF80]  }
0x76: {  	v6 =	vld [tilespmem:s22+$0xFFFFFF40]  }
0x77: {  	v7 =	vld [tilespmem:s22+$0xFFFFFF00];
	v1 =	vadd.bf16 v1, v2;
	_ =	sdelay $0x1  }
0x78: {  	v2 =	vadd.bf16 v3, v4  }
0x79: {  	v3 =	vld [tilespmem:s22+$0x100]  }
0x7a: {  	v4 =	vld [tilespmem:s22+$0xC0];
	v5 =	vadd.bf16 v5, v6  }
0x7b: {  	v0 =	vadd.bf16 v7, v0;
	_ =	sdelay $0x1  }
0x7c: {  	v1 =	vadd.bf16 v1, v2;
	v0 =	vadd.bf16 v5, v0;
	_ =	sdelay $0x1  }
0x7d: {  	v2 =	vadd.bf16 v3, v4;
	v0 =	vadd.bf16 v1, v0;
	_ =	sdelay $0x1  }
0x7e: {  	v0 =	vadd.bf16 v2, v0  }
0x7f: {  	s23 =	sshra.s32 s26, $0x2  }
0x80: {  	[tilespmem:s23+$0x6400] =	vst v0  }
0x81: {  	v0 =	vld [tilespmem:s22+$0x90]  }
0x82: {  	v1 =	vld [tilespmem:s22+$0xFFFFFF90]  }
0x83: {  	v2 =	vld [tilespmem:s22+$0x10]  }
0x84: {  	v3 =	vld [tilespmem:s22+$0xFFFFFF50]  }
0x85: {  	v4 =	vld [tilespmem:s22+$0xFFFFFED0]  }
0x86: {  	v5 =	vld [tilespmem:s22+$0x50]  }
0x87: {  	v6 =	vld [tilespmem:s22+$0xFFFFFFD0]  }
0x88: {  	v7 =	vld [tilespmem:s22+$0xFFFFFF10];
	_ =	sdelay $0x2  }
0x89: {  	v1 =	vadd.bf16 v1, v3;
	v8 =	vld [tilespmem:s22+$0x110];
	v0 =	vadd.bf16 v0, v5  }
0x8a: {  	v3 =	vld [tilespmem:s22+$0xD0];
	v2 =	vadd.bf16 v2, v6  }
0x8b: {  	v4 =	vadd.bf16 v7, v4;
	_ =	sdelay $0x1  }
0x8c: {  	v0 =	vadd.bf16 v0, v2;
	v1 =	vadd.bf16 v1, v4;
	_ =	sdelay $0x1  }
0x8d: {  	v2 =	vadd.bf16 v8, v3;
	v0 =	vadd.bf16 v0, v1;
	_ =	sdelay $0x1  }
0x8e: {  	v0 =	vadd.bf16 v2, v0;
	_ =	sdelay $0x1  }
0x8f: {  	[tilespmem:s23+$0x6410] =	vst v0  }
0x90: {  	v0 =	vld [tilespmem:s22+$0xA0]  }
0x91: {  	v1 =	vld [tilespmem:s22+$0x60]  }
0x92: {  	v2 =	vld [tilespmem:s22+$0xFFFFFF60]  }
0x93: {  	v3 =	vld [tilespmem:s22+$0xFFFFFF20]  }
0x94: {  	v4 =	vld [tilespmem:s22+$0x20]  }
0x95: {  	v5 =	vld [tilespmem:s22+$0xFFFFFEE0]  }
0x96: {  	v6 =	vld [tilespmem:s22+$0xFFFFFFA0];
	v0 =	vadd.bf16 v0, v1  }
0x97: {  	v1 =	vld [tilespmem:s22+$0xFFFFFFE0];
	_ =	sdelay $0x2  }
0x98: {  	v7 =	vld [tilespmem:s22+$0x120];
	v3 =	vadd.bf16 v3, v5  }
0x99: {  	v5 =	vld [tilespmem:s22+$0xE0];
	v2 =	vadd.bf16 v6, v2  }
0x9a: {  	v1 =	vadd.bf16 v4, v1  }
0x9b: {  	v2 =	vadd.bf16 v2, v3  }
.Ltmp1:
0x9c: {  	v0 =	vadd.bf16 v0, v1;
	(pc) =	sbr.rel @p0 .LBB2_5-.Ltmp1, $3  }
0x9d: {  	_ = 	snop  }
0x9e: {  	v1 =	vadd.bf16 v7, v5;
	v0 =	vadd.bf16 v0, v2;
	_ =	sdelay $0x1  }
0x9f: {  	v0 =	vadd.bf16 v1, v0  }
0xa0: {  	_ = 	snop  }
0xa1: {  	[tilespmem:s23+$0x6420] =	vst v0  }
0xa2: {  	v0 =	vld [tilespmem:s24+$0xB0]  }
0xa3: {  	v1 =	vld [tilespmem:s24+$0xFFFFFFB0]  }
0xa4: {  	v2 =	vld [tilespmem:s24+$0x30]  }
0xa5: {  	v3 =	vld [tilespmem:s24+$0xFFFFFEF0]  }
0xa6: {  	v4 =	vld [tilespmem:s24+$0x70]  }
0xa7: {  	v5 =	vld [tilespmem:s24+$0xFFFFFF70]  }
0xa8: {  	v6 =	vld [tilespmem:s24+$0xFFFFFFF0]  }
0xa9: {  	v7 =	vld [tilespmem:s24+$0xFFFFFF30];
	_ =	sdelay $0x2  }
0xaa: {  	v8 =	vld [tilespmem:s24+$0xF0]  }
0xab: {  	v9 =	vld [tilespmem:s24+$0x130];
	v0 =	vadd.bf16 v0, v4;
	v1 =	vadd.bf16 v1, v5  }
0xac: {  	v2 =	vadd.bf16 v2, v6;
	v3 =	vadd.bf16 v7, v3;
	_ =	sdelay $0x1  }
0xad: {  	v0 =	vadd.bf16 v0, v2;
	v1 =	vadd.bf16 v1, v3;
	_ =	sdelay $0x1  }
0xae: {  	v2 =	vadd.bf16 v9, v8;
	v0 =	vadd.bf16 v0, v1;
	_ =	sdelay $0x1  }
0xaf: {  	v0 =	vadd.bf16 v2, v0  }
0xb0: {  	s22 =	sshll.u32 s20, $0x8  }
0xb1: {  	p0 =	seq.s32 s20, $0xF;
	s22 =	sadd.s32 s22, s5;
	[tilespmem:s23+$0x6430] =	vst v0  }
0xb2: {  	[hbm4b:s22+s2] =	stream.linear.scatter [tilespmem:s14], [sflag:$0x3], $0x400, $0x38;
	[tilespmem:$0x6C00] =	vst v63  }
0xb3: {  	s22 =	smul.u32 @!p0 $0x500, s20  }
0xb4: {  	_ =	swait.ge [sflag:s15], $0x400  }
0xb5: {  	s25 =	simm.s32 @!p0 $0x1400;
	[sflag:s15] =	ssyncset.done $0x0;
	s22 =	sshra.s32 @!p0 s22, $0x2  }
0xb6: {  	s24 =	simm.s32 @!p0 $0x50;
	[sflag:s15] =	ssyncadd.s32 $0xFFFFFC00;
	s23 =	sadd.s32 @!p0 $0x140, s22  }
0xb7: {  	[tilespmem:s25], [sflag:$0x1] =	stream.indirect.gather @!p0 [hbm4b:s3+s24], $0x40, s23, s24, $0xb8;
	[tilespmem:$0x6C00] =	vst v63  }
0xb8: {  	s22 =	sadd.s32 @!p0 $0x190, s22;
	s23 =	simm.s32 @!p0 $0x2800  }
0xb9: {  	[tilespmem:s23], [sflag:$0x1] =	stream.indirect.gather @!p0 [hbm4b:s3+s24], $0x40, s22, s24, $0xb8;
	[tilespmem:$0x6C00] =	vst v63  }
0xba: {  	_ =	swait.ge [sflag:s16], $0x1400  }
0xbb: {  	[sflag:s16] =	ssyncset.done $0x0  }
0xbc: {  	[sflag:s16] =	ssyncadd.s32 $0xFFFFEC00  }
0xbd: {  	_ =	swait.ge [sflag:s16], $0x1400  }
0xbe: {  	[sflag:s16] =	ssyncset.done $0x0  }
0xbf: {  	s22 =	simm.s32 $0x3D40;
	[sflag:s16] =	ssyncadd.s32 $0xFFFFEC00  }
0xc0: {  	v0 =	vld [tilespmem:s22+$0xFFFFFEC0]  }
0xc1: {  	v1 =	vld [tilespmem:s22+$0x80]  }
0xc2: {  	v2 =	vld [tilespmem:s22+$0x40]  }
0xc3: {  	v3 =	vld [tilespmem:s22+$0x0]  }
0xc4: {  	v48 =	vld [tilespmem:s22+$0xFFFFFFC0]  }
0xc5: {  	v49 =	vld [tilespmem:s22+$0xFFFFFF80]  }
0xc6: {  	v50 =	vld [tilespmem:s22+$0xFFFFFF40]  }
0xc7: {  	v51 =	vld [tilespmem:s22+$0xFFFFFF00];
	_ =	sdelay $0x2  }
0xc8: {  	v52 =	vld [tilespmem:s22+$0x100]  }
0xc9: {  	v1 =	vadd.bf16 v1, v2;
	v2 =	vadd.bf16 v3, v48;
	v3 =	vld [tilespmem:s22+$0xC0]  }
0xca: {  	v53 =	vadd.bf16 v49, v50;
	v0 =	vadd.bf16 v51, v0;
	_ =	sdelay $0x1  }
0xcb: {  	v0 =	vadd.bf16 v53, v0;
	v1 =	vadd.bf16 v1, v2;
	_ =	sdelay $0x1  }
0xcc: {  	v0 =	vadd.bf16 v1, v0;
	v2 =	vadd.bf16 v52, v3;
	_ =	sdelay $0x1  }
0xcd: {  	v0 =	vadd.bf16 v2, v0  }
0xce: {  	s23 =	simm.s32 $0x0  }
0xcf: {  	[tilespmem:s23+$0x6800] =	vst v0  }
0xd0: {  	v0 =	vld [tilespmem:s22+$0x90]  }
0xd1: {  	v1 =	vld [tilespmem:s22+$0xFFFFFF90]  }
0xd2: {  	v2 =	vld [tilespmem:s22+$0x10]  }
0xd3: {  	v3 =	vld [tilespmem:s22+$0xFFFFFF50]  }
0xd4: {  	v54 =	vld [tilespmem:s22+$0xFFFFFED0]  }
0xd5: {  	v55 =	vld [tilespmem:s22+$0x50]  }
0xd6: {  	v56 =	vld [tilespmem:s22+$0xFFFFFFD0]  }
0xd7: {  	v57 =	vld [tilespmem:s22+$0xFFFFFF10];
	_ =	sdelay $0x2  }
0xd8: {  	v58 =	vld [tilespmem:s22+$0x110]  }
0xd9: {  	v1 =	vadd.bf16 v1, v3;
	v0 =	vadd.bf16 v0, v55;
	v3 =	vld [tilespmem:s22+$0xD0]  }
0xda: {  	v2 =	vadd.bf16 v2, v56;
	v4 =	vadd.bf16 v57, v54;
	_ =	sdelay $0x1  }
0xdb: {  	v1 =	vadd.bf16 v1, v4;
	v0 =	vadd.bf16 v0, v2;
	_ =	sdelay $0x1  }
0xdc: {  	v0 =	vadd.bf16 v0, v1;
	v2 =	vadd.bf16 v58, v3;
	_ =	sdelay $0x1  }
0xdd: {  	v0 =	vadd.bf16 v2, v0;
	_ =	sdelay $0x1  }
0xde: {  	[tilespmem:s23+$0x6810] =	vst v0  }
0xdf: {  	v0 =	vld [tilespmem:s22+$0xA0]  }
0xe0: {  	v1 =	vld [tilespmem:s22+$0x60]  }
0xe1: {  	v2 =	vld [tilespmem:s22+$0xFFFFFF60]  }
0xe2: {  	v3 =	vld [tilespmem:s22+$0xFFFFFF20]  }
0xe3: {  	v59 =	vld [tilespmem:s22+$0x20]  }
0xe4: {  	v60 =	vld [tilespmem:s22+$0xFFFFFEE0]  }
0xe5: {  	v61 =	vld [tilespmem:s22+$0xFFFFFFA0]  }
0xe6: {  	v62 =	vld [tilespmem:s22+$0xFFFFFFE0];
	_ =	sdelay $0x2  }
0xe7: {  	v63 =	vld [tilespmem:s22+$0x120]  }
0xe8: {  	v0 =	vadd.bf16 v0, v1;
	v1 =	vadd.bf16 v3, v60;
	v3 =	vld [tilespmem:s22+$0xE0]  }
0xe9: {  	v2 =	vadd.bf16 v61, v2;
	v4 =	vadd.bf16 v59, v62;
	_ =	sdelay $0x1  }
0xea: {  	v1 =	vadd.bf16 v2, v1;
	v0 =	vadd.bf16 v0, v4;
	_ =	sdelay $0x1  }
0xeb: {  	v0 =	vadd.bf16 v0, v1;
	v2 =	vadd.bf16 v63, v3;
	_ =	sdelay $0x1  }
0xec: {  	s25 =	simm.s32 $0x100;
	s24 =	simm.s32 $0x3D40;
	v0 =	vadd.bf16 v2, v0  }
.LBB2_7:
0xed: {  	p0 =	sne.s32 s25, $0xF00  }
0xee: {  	s22 =	sadd.s32 $0x280, s22;
	s26 =	smov.u32 s25;
	s25 =	sadd.s32 $0x100, s25  }
0xef: {  	_ =	sdelay $0x3  }
0xf0: {  	[tilespmem:s23+$0x6820] =	vst v0  }
0xf1: {  	v0 =	vld [tilespmem:s24+$0xB0]  }
0xf2: {  	v1 =	vld [tilespmem:s24+$0xFFFFFFB0]  }
0xf3: {  	v2 =	vld [tilespmem:s24+$0x30]  }
0xf4: {  	v3 =	vld [tilespmem:s24+$0xFFFFFEF0]  }
0xf5: {  	v4 =	vld [tilespmem:s24+$0x70]  }
0xf6: {  	v5 =	vld [tilespmem:s24+$0xFFFFFF70]  }
0xf7: {  	v6 =	vld [tilespmem:s24+$0xFFFFFFF0]  }
0xf8: {  	v7 =	vld [tilespmem:s24+$0xFFFFFF30]  }
0xf9: {  	v8 =	vld [tilespmem:s24+$0xF0]  }
0xfa: {  	v9 =	vld [tilespmem:s24+$0x130];
	v0 =	vadd.bf16 v0, v4;
	s24 =	smov.u32 s22  }
0xfb: {  	v1 =	vadd.bf16 v1, v5  }
0xfc: {  	v2 =	vadd.bf16 v2, v6  }
0xfd: {  	v3 =	vadd.bf16 v7, v3  }
0xfe: {  	v0 =	vadd.bf16 v0, v2  }
0xff: {  	v2 =	vadd.bf16 v9, v8;
	v1 =	vadd.bf16 v1, v3;
	_ =	sdelay $0x1  }
0x100: {  	v0 =	vadd.bf16 v0, v1;
	_ =	sdelay $0x1  }
0x101: {  	v0 =	vadd.bf16 v2, v0;
	_ =	sdelay $0x1  }
0x102: {  	[tilespmem:s23+$0x6830] =	vst v0  }
0x103: {  	v0 =	vld [tilespmem:s22+$0xFFFFFEC0]  }
0x104: {  	v1 =	vld [tilespmem:s22+$0x80]  }
0x105: {  	v2 =	vld [tilespmem:s22+$0x40]  }
0x106: {  	v3 =	vld [tilespmem:s22+$0x0]  }
0x107: {  	v4 =	vld [tilespmem:s22+$0xFFFFFFC0]  }
0x108: {  	v5 =	vld [tilespmem:s22+$0xFFFFFF80]  }
0x109: {  	v6 =	vld [tilespmem:s22+$0xFFFFFF40]  }
0x10a: {  	v7 =	vld [tilespmem:s22+$0xFFFFFF00];
	v1 =	vadd.bf16 v1, v2;
	_ =	sdelay $0x1  }
0x10b: {  	v2 =	vadd.bf16 v3, v4  }
0x10c: {  	v3 =	vld [tilespmem:s22+$0x100]  }
0x10d: {  	v4 =	vld [tilespmem:s22+$0xC0];
	v5 =	vadd.bf16 v5, v6  }
0x10e: {  	v0 =	vadd.bf16 v7, v0;
	_ =	sdelay $0x1  }
0x10f: {  	v1 =	vadd.bf16 v1, v2;
	v0 =	vadd.bf16 v5, v0;
	_ =	sdelay $0x1  }
0x110: {  	v2 =	vadd.bf16 v3, v4;
	v0 =	vadd.bf16 v1, v0;
	_ =	sdelay $0x1  }
0x111: {  	v0 =	vadd.bf16 v2, v0  }
0x112: {  	s23 =	sshra.s32 s26, $0x2  }
0x113: {  	[tilespmem:s23+$0x6800] =	vst v0  }
0x114: {  	v0 =	vld [tilespmem:s22+$0x90]  }
0x115: {  	v1 =	vld [tilespmem:s22+$0xFFFFFF90]  }
0x116: {  	v2 =	vld [tilespmem:s22+$0x10]  }
0x117: {  	v3 =	vld [tilespmem:s22+$0xFFFFFF50]  }
0x118: {  	v4 =	vld [tilespmem:s22+$0xFFFFFED0]  }
0x119: {  	v5 =	vld [tilespmem:s22+$0x50]  }
0x11a: {  	v6 =	vld [tilespmem:s22+$0xFFFFFFD0]  }
0x11b: {  	v7 =	vld [tilespmem:s22+$0xFFFFFF10];
	_ =	sdelay $0x2  }
0x11c: {  	v1 =	vadd.bf16 v1, v3;
	v8 =	vld [tilespmem:s22+$0x110];
	v0 =	vadd.bf16 v0, v5  }
0x11d: {  	v3 =	vld [tilespmem:s22+$0xD0];
	v2 =	vadd.bf16 v2, v6  }
0x11e: {  	v4 =	vadd.bf16 v7, v4;
	_ =	sdelay $0x1  }
0x11f: {  	v0 =	vadd.bf16 v0, v2;
	v1 =	vadd.bf16 v1, v4;
	_ =	sdelay $0x1  }
0x120: {  	v2 =	vadd.bf16 v8, v3;
	v0 =	vadd.bf16 v0, v1;
	_ =	sdelay $0x1  }
0x121: {  	v0 =	vadd.bf16 v2, v0;
	_ =	sdelay $0x1  }
0x122: {  	[tilespmem:s23+$0x6810] =	vst v0  }
0x123: {  	v0 =	vld [tilespmem:s22+$0xA0]  }
0x124: {  	v1 =	vld [tilespmem:s22+$0x60]  }
0x125: {  	v2 =	vld [tilespmem:s22+$0xFFFFFF60]  }
0x126: {  	v3 =	vld [tilespmem:s22+$0xFFFFFF20]  }
0x127: {  	v4 =	vld [tilespmem:s22+$0x20]  }
0x128: {  	v5 =	vld [tilespmem:s22+$0xFFFFFEE0]  }
0x129: {  	v6 =	vld [tilespmem:s22+$0xFFFFFFA0];
	v0 =	vadd.bf16 v0, v1  }
0x12a: {  	v1 =	vld [tilespmem:s22+$0xFFFFFFE0];
	_ =	sdelay $0x2  }
0x12b: {  	v7 =	vld [tilespmem:s22+$0x120];
	v3 =	vadd.bf16 v3, v5  }
0x12c: {  	v5 =	vld [tilespmem:s22+$0xE0];
	v2 =	vadd.bf16 v6, v2  }
0x12d: {  	v1 =	vadd.bf16 v4, v1  }
0x12e: {  	v2 =	vadd.bf16 v2, v3  }
.Ltmp2:
0x12f: {  	v0 =	vadd.bf16 v0, v1;
	(pc) =	sbr.rel @p0 .LBB2_7-.Ltmp2, $3  }
0x130: {  	_ = 	snop  }
0x131: {  	v1 =	vadd.bf16 v7, v5;
	v0 =	vadd.bf16 v0, v2;
	_ =	sdelay $0x1  }
0x132: {  	v0 =	vadd.bf16 v1, v0  }
0x133: {  	_ = 	snop  }
0x134: {  	[tilespmem:s23+$0x6820] =	vst v0  }
0x135: {  	v0 =	vld [tilespmem:s24+$0xB0]  }
0x136: {  	v1 =	vld [tilespmem:s24+$0xFFFFFFB0]  }
0x137: {  	v2 =	vld [tilespmem:s24+$0x30]  }
0x138: {  	v3 =	vld [tilespmem:s24+$0xFFFFFEF0]  }
0x139: {  	v4 =	vld [tilespmem:s24+$0x70]  }
0x13a: {  	v5 =	vld [tilespmem:s24+$0xFFFFFF70]  }
0x13b: {  	v6 =	vld [tilespmem:s24+$0xFFFFFFF0]  }
0x13c: {  	v7 =	vld [tilespmem:s24+$0xFFFFFF30];
	_ =	sdelay $0x2  }
0x13d: {  	v8 =	vld [tilespmem:s24+$0xF0]  }
0x13e: {  	v9 =	vld [tilespmem:s24+$0x130];
	v0 =	vadd.bf16 v0, v4;
	v1 =	vadd.bf16 v1, v5  }
0x13f: {  	v2 =	vadd.bf16 v2, v6;
	v3 =	vadd.bf16 v7, v3;
	_ =	sdelay $0x1  }
0x140: {  	v0 =	vadd.bf16 v0, v2;
	v1 =	vadd.bf16 v1, v3  }
0x141: {  	s20 =	sadd.s32 $0x1, s20  }
0x142: {  	p0 =	sne.s32 s20, $0x10;
	v63 =	vadd.bf16 v9, v8;
	v0 =	vadd.bf16 v0, v1  }
.Ltmp3:
0x143: {  	_ = 	snop;
	(pc) =	sbr.rel @p0 .LBB2_4-.Ltmp3, $4  }
0x144: {  	v0 =	vadd.bf16 v63, v0  }
0x145: {  	s21 =	sshll.u32 s21, $0x7  }
0x146: {  	s21 =	sadd.s32 s21, s5;
	[tilespmem:s23+$0x6830] =	vst v0  }
0x147: {  	[hbm4b:s21+s2] =	stream.linear.scatter [tilespmem:s17], [sflag:$0x4], $0x400, $0x38;
	[tilespmem:$0x6C00] =	vst v63  }
0x148: {  	s19 =	sadd.s32 $0x1, s19  }
0x149: {  	p0 =	sne.s32 s19, s6  }
.Ltmp4:
0x14a: {  	_ = 	snop;
	(pc) =	sbr.rel @p0 .LBB2_1-.Ltmp4, $4  }
0x14b: {  	_ = 	snop  }
0x14c: {  	_ =	swait.ge [sflag:s18], $0x400  }
0x14d: {  	[sflag:s18] =	ssyncset.done $0x0  }
0x14e: {  	[sflag:s18] =	ssyncadd.s32 $0xFFFFFC00  }
0x14f: {  	_ =	sfence.sel $0x180000  }
0x150: {  	[bflag:$0x0] =	sbarrier.arrive $0xFFFF  }
0x151: {  	p0 =	sne.s32 s0, $0x0;
	_ =	strace $0x90000047  }
0x152: {  	s0 =	sadd.s32 @!p0 $0x100000, s1;
	[bflag:$0x2] =	sbarrier.arrive $0xFFFF  }
0x153: {  	[sflag:s0] =	ssyncadd.tile.s32 @!p0 $0x1;
	_ =	shalt  }
.Lfunc_end2:
_tile_overlayer_lowered:
.L_overlay_start_2:
0x154: {  	(tag) =	ssettag $0x2  }
0x155: {  	s0 =	rddreg [dreg:$0x0];
	s2 =	stileid.u32  }
0x156: {  	s1 =	rddreg [dreg:$0x1];
	p0 =	sne.s32 s2, $0x0  }
0x157: {  	s3 =	rddreg [dreg:$0x2];
	[bflag:$0x3] =	sbarrier.arrive $0xFFFF;
	s2 =	simm.s32 @!p0 $0x1C05  }
0x158: {  	[timem:s3], [sflag:s2] =	dma.local @!p0 [hbm:s0], s1  }
0x159: {  	s0 =	simm.s32 @!p0 $0x5  }
0x15a: {  	_ =	swait.ge @!p0 [sflag:s0], s1  }
0x15b: {  	s1 =	ssub.s32 @!p0 $0x0, s1;
	[sflag:s0] =	ssyncset.done @!p0 $0x0  }
0x15c: {  	[sflag:s0] =	ssyncadd.s32 @!p0 s1  }
0x15d: {  	[bflag:$0x3] =	sbarrier.arrive $0xFFFF  }
0x15e: {  	_ =	shalt  }

// kernel: kernel.8.cloned.1.call-start
scs
__scs_entry_jumppad:
0x0: {  	(pc) =	sbr.rel $0x88, $3  }
0x1: {  	(tag) =	ssettag $0x0;
	lr =	simm.s32 $0x1  }
0x2: {  	[smem:$0x3F95] =	sst lr;
	_ =	strace $0xD0000000  }
0x3: {  	_ = 	snop  }
0x4: {  	_ = 	snop  }
0x5: {  	_ = 	snop  }
0x6: {  	_ = 	snop  }
0x7: {  	_ = 	snop  }
__scs_overlays_trampoline_lowered:
0x8: {  	[smem:$0x3FA4] =	sst s0  }
0x9: {  	[smem:$0x3FA5] =	sst s1  }
0xa: {  	[smem:$0x3FA6] =	sst s2  }
0xb: {  	[smem:$0x3FA7] =	sst s3  }
0xc: {  	[smem:$0x3FA8] =	sst s4  }
0xd: {  	[smem:$0x3FA9] =	sst s5  }
0xe: {  	[smem:$0x3FAA] =	sst s6  }
0xf: {  	[smem:$0x3FAB] =	sst s7  }
0x10: {  	[smem:$0x3FAC] =	sst s8  }
0x11: {  	[smem:$0x3FAD] =	sst s9;
	s0 =	simm.s32 @!p0 $0x0  }
0x12: {  	s1 =	sld [smem:$0x3F93];
	s0 =	simm.s32 @p0 $0x1  }
0x13: {  	[smem:$0x3FAE] =	sst s0;
	s0 =	simm.s32 @!p1 $0x0  }
0x14: {  	s2 =	sld [smem:$0x3F92];
	s0 =	simm.s32 @p1 $0x1  }
0x15: {  	[smem:$0x3FAF] =	sst s0;
	s0 =	simm.s32 @!p2 $0x0  }
0x16: {  	s3 =	sld [smem:$0x3FDB];
	s0 =	simm.s32 @p2 $0x1  }
0x17: {  	s4 =	simm.s32 $0x1BF5;
	[smem:$0x3FB1] =	sst s0  }
0x18: {  	s0 =	sld [smem:$0x3F94];
	_ =	swait.ge [sflag:s4], $0x0  }
0x19: {  	s7 =	sld [smem:$0x3F95]  }
0x1a: {  	s8 =	sadd.s32 $0xFFFFE003, lr  }
0x1b: {  	s9 =	sadd.s32 $0xFFFFFEF7, lr;
	s5 =	simm.s32 $0xFFFFFFFF;
	p2 =	slt.u32 s8, $0xFFFFF086  }
0x1c: {  	p1 =	slt.u32 s9, $0xF7A;
	s5 =	simm.s32 @!p2 $0x0  }
0x1d: {  	s5 =	simm.s32 @p1 $0x1;
	p0 =	seq.s32 s7, s2  }
0x1e: {  	s7 =	smul.u32 @!p0 $0xF7A, s2;
	p2 =	seq.s32 @!p0 s5, $0x0  }
0x1f: {  	s9 =	smul.u32 $0xF7A, s1;
	s8 =	simm.s32 @!p0 $0x1BF5;
	p2 =	por !p2, p0  }
0x20: {  	[sflag:s8] =	ssyncset.s32 @!p0 $0xFFFFF086;
	s6 =	sadd.s32 @!p0 s3, s7;
	s7 =	simm.s32 @!p0 $0x108  }
0x21: {  	s3 =	sadd.s32 s3, s9;
	s6 =	sadd.s32 @!p0 $0x88, s6;
	s7 =	simm.s32 @p2 $0x1082  }
0x22: {  	[simem:s7], [sflag:s8] =	dma.local @!p0 [hbm:s6], $0xF7A  }
0x23: {  	s9 =	sor.u32 $0xD0000000, s2;
	s6 =	simm.s32 $0x108;
	_ =	swait.ge @!p0 [sflag:s8], $0x0  }
0x24: {  	s3 =	sadd.s32 $0x88, s3;
	s6 =	simm.s32 @!p1 $0x1082;
	[sflag:s4] =	ssyncset.s32 $0xFFFFF086  }
0x25: {  	[simem:s6], [sflag:s4] =	dma.local [hbm:s3], $0xF7A  }
0x26: {  	[smem:$0x3F95] =	sst s1;
	(tag) =	ssettag s2;
	_ =	strace s9  }
0x27: {  	s1 =	sld [smem:$0x3FA5]  }
0x28: {  	s2 =	sld [smem:$0x3FA6]  }
0x29: {  	s4 =	sld [smem:$0x3FA8]  }
0x2a: {  	p0 =	seq.s32 s5, $0x0;
	s5 =	sld [smem:$0x3FA9]  }
0x2b: {  	s6 =	sld [smem:$0x3FAA]  }
0x2c: {  	s7 =	sld [smem:$0x3FAB]  }
0x2d: {  	s3 =	simm.s32 $0x108;
	s8 =	sld [smem:$0x3FAC]  }
0x2e: {  	s3 =	simm.s32 @!p0 $0x1082;
	s9 =	sld [smem:$0x3FAD]  }
0x2f: {  	lr =	sadd.s32 s0, s3;
	s0 =	sld [smem:$0x3FA4]  }
0x30: {  	s3 =	sld [smem:$0x3FA7]  }
0x31: {  	[smem:$0x3FB0] =	sst s10  }
0x32: {  	s10 =	sld [smem:$0x3FAE];
	_ =	sdelay $0x3  }
0x33: {  	p0 =	seq.s32 s10, $0x1;
	s10 =	sld [smem:$0x3FB0];
	_ =	sdelay $0x3  }
0x34: {  	[smem:$0x3FB0] =	sst s10  }
0x35: {  	s10 =	sld [smem:$0x3FAF];
	_ =	sdelay $0x3  }
0x36: {  	p1 =	seq.s32 s10, $0x1;
	s10 =	sld [smem:$0x3FB0];
	_ =	sdelay $0x3  }
0x37: {  	[smem:$0x3FB0] =	sst s10  }
0x38: {  	s10 =	sld [smem:$0x3FB1]  }
0x39: {  	_ = 	snop;
	(pc) =	sbr.ind lr, $3  }
0x3a: {  	_ = 	snop  }
0x3b: {  	_ = 	snop  }
0x3c: {  	p2 =	seq.s32 s10, $0x1;
	s10 =	sld [smem:$0x3FB0]  }
0x3d: {  	_ =	shalt  }
0x3e: {  	_ =	shalt  }
0x3f: {  	_ =	shalt  }
0x40: {  	_ =	shalt  }
0x41: {  	_ =	shalt  }
0x42: {  	_ =	shalt  }
0x43: {  	_ =	shalt  }
0x44: {  	_ =	shalt  }
0x45: {  	_ =	shalt  }
0x46: {  	_ =	shalt  }
0x47: {  	_ =	shalt  }
0x48: {  	_ =	shalt  }
0x49: {  	_ =	shalt  }
0x4a: {  	_ =	shalt  }
0x4b: {  	_ =	shalt  }
0x4c: {  	_ =	shalt  }
0x4d: {  	_ =	shalt  }
0x4e: {  	_ =	shalt  }
0x4f: {  	_ =	shalt  }
0x50: {  	_ =	shalt  }
0x51: {  	_ =	shalt  }
0x52: {  	_ =	shalt  }
0x53: {  	_ =	shalt  }
0x54: {  	_ =	shalt  }
0x55: {  	_ =	shalt  }
0x56: {  	_ =	shalt  }
0x57: {  	_ =	shalt  }
0x58: {  	_ =	shalt  }
0x59: {  	_ =	shalt  }
0x5a: {  	_ =	shalt  }
0x5b: {  	_ =	shalt  }
0x5c: {  	_ =	shalt  }
0x5d: {  	_ =	shalt  }
0x5e: {  	_ =	shalt  }
0x5f: {  	_ =	shalt  }
0x60: {  	_ =	shalt  }
0x61: {  	_ =	shalt  }
0x62: {  	_ =	shalt  }
0x63: {  	_ =	shalt  }
0x64: {  	_ =	shalt  }
0x65: {  	_ =	shalt  }
0x66: {  	_ =	shalt  }
0x67: {  	_ =	shalt  }
0x68: {  	_ =	shalt  }
0x69: {  	_ =	shalt  }
0x6a: {  	_ =	shalt  }
0x6b: {  	_ =	shalt  }
0x6c: {  	_ =	shalt  }
0x6d: {  	_ =	shalt  }
0x6e: {  	_ =	shalt  }
0x6f: {  	_ =	shalt  }
0x70: {  	_ =	shalt  }
0x71: {  	_ =	shalt  }
0x72: {  	_ =	shalt  }
0x73: {  	_ =	shalt  }
0x74: {  	_ =	shalt  }
0x75: {  	_ =	shalt  }
0x76: {  	_ =	shalt  }
0x77: {  	_ =	shalt  }
0x78: {  	_ =	shalt  }
0x79: {  	_ =	shalt  }
0x7a: {  	_ =	shalt  }
0x7b: {  	_ =	shalt  }
0x7c: {  	_ =	shalt  }
0x7d: {  	_ =	shalt  }
0x7e: {  	_ =	shalt  }
0x7f: {  	_ =	shalt  }
0x80: {  	_ =	shalt  }
0x81: {  	_ =	shalt  }
0x82: {  	_ =	shalt  }
0x83: {  	_ =	shalt  }
0x84: {  	_ =	shalt  }
0x85: {  	_ =	shalt  }
0x86: {  	_ =	shalt  }
0x87: {  	_ =	shalt  }
.Lfunc_end0:
.L_simem_size_0:
called_computation_lowered:
.L_overlay_start_0:
0x88: {  	s2 =	sld [smem:$0x3FD9]  }
0x89: {  	s3 =	sld [smem:$0x3FFE];
	_ =	sdelay $0x1  }
0x8a: {  	s1 =	srdreg.scid  }
0x8b: {  	s0 =	sand.u32 $0x1, s1  }
0x8c: {  	s17 =	sshll.u32 s0, $0xA;
	s2 =	sadd.s32 s3, s2  }
0x8d: {  	s2 =	sadd.s32 s2, s17  }
0x8e: {  	[smem:$0x3FBC] =	sst s2  }
0x8f: {  	_ = 	snop  }
0x90: {  	s18 =	sld [smem:$0x3FC9]  }
0x91: {  	s4 =	sld [smem:$0x3FD0];
	(tm) =	ssettm $0x1  }
0x92: {  	s19 =	sld [smem:$0x3FFB];
	_ =	sdelay $0x3  }
0x93: {  	_ =	strace s19  }
0x94: {  	s2 =	sld [smem:$0x3FFC];
	_ =	sdelay $0x3  }
0x95: {  	_ =	strace s2  }
0x96: {  	s2 =	sld [smem:$0x3FFD];
	_ =	sdelay $0x3  }
0x97: {  	_ =	strace s2  }
0x98: {  	_ =	strace $0x8FFFFFFF  }
0x99: {  	s20 =	sld [smem:$0x3FDB];
	_ =	sdelay $0x1  }
0x9a: {  	s5 =	simm.s32 $_scs_section_size  }
0x9b: {  	s6 =	simm.s32 $_size__tile_overlayer_lowered;
	s7 =	simm.s32 $_tile_overlayer_lowered  }
0x9c: {  	s8 =	simm.s32 $0x1BFF;
	s21 =	sshll.u32 s7, $0x1;
	s5 =	sadd.s32 s5, s20  }
0x9d: {  	s22 =	simm.s32 $0x0;
	s6 =	sshll.u32 s6, $0x1;
	s7 =	sadd.s32 s21, s5  }
0x9e: {  	[timem:s22], [sflag:s8] =	dma.local [hbm:s7], s6  }
0x9f: {  	_ =	swait.ge [sflag:s8], s6  }
0xa0: {  	s6 =	ssub.s32 $0x0, s6;
	[sflag:s8] =	ssyncset.done $0x0  }
0xa1: {  	[sflag:s8] =	ssyncadd.s32 s6;
	_ =	sdelay $0x1  }
0xa2: {  	s23 =	simm.s32 $0x1B8B  }
0xa3: {  	_ =	swait.ge [sflag:s23], $0x1  }
0xa4: {  	[sflag:s23] =	ssyncset.done $0x0  }
0xa5: {  	[sflag:s23] =	ssyncadd.s32 $0xFFFFFFFF  }
0xa6: {  	s6 =	sld [smem:$0x0]  }
0xa7: {  	s7 =	sand.u32 $0xFFFFFFFE, s1  }
0xa8: {  	p0 =	sne.s32 s1, s7  }
0xa9: {  	s7 =	sshll.u32 @p0 s7, $0xE  }
0xaa: {  	s7 =	sadd.s32 @p0 $0x11B8D, s7;
	s8 =	sshll.u32 @p0 s6, $0x11  }
0xab: {  	s7 =	sor.u32 @p0 s8, s7  }
0xac: {  	[sflag:s7] =	ssyncadd.remote.s32 @p0 $0x1;
	_ =	sdelay $0x1  }
0xad: {  	s7 =	simm.s32 @p0 $0x1B8D  }
0xae: {  	_ =	swait.eq @p0 [sflag:s7], $0x1  }
0xaf: {  	[sflag:s7] =	ssyncadd.s32 @p0 $0xFFFFFFFF  }
0xb0: {  	s8 =	sshll.u32 @!p0 s1, $0xE  }
0xb1: {  	s8 =	sor.u32 @!p0 $0x4000, s8;
	s7 =	simm.s32 @!p0 $0x1B8D  }
0xb2: {  	s6 =	sshll.u32 @!p0 s6, $0x11;
	s8 =	sadd.s32 @!p0 $0x11B8D, s8;
	_ =	swait.eq @!p0 [sflag:s7], $0x1  }
0xb3: {  	s6 =	sor.u32 @!p0 s6, s8;
	[sflag:s7] =	ssyncadd.s32 @!p0 $0xFFFFFFFF  }
0xb4: {  	s25 =	simm.s32 $0x1B8E;
	s24 =	sld [smem:$0x3FFE];
	[sflag:s6] =	ssyncadd.remote.s32 @!p0 $0x1  }
0xb5: {  	s26 =	simm.s32 $execute0_lowered;
	[smem:$0x3FD2] =	sst s25  }
0xb6: {  	s7 =	sshll.u32 s26, $0x1;
	_ =	strace $0x80000049;
	[dreg:$0x1] =	wrdreg $0xFFFFFFFF  }
0xb7: {  	s28 =	simm.s32 $_size_execute0_lowered;
	s5 =	sadd.s32 s5, s7;
	[dreg:$0x0] =	wrdreg $0x0  }
0xb8: {  	s7 =	sshll.u32 s28, $0x1;
	[dreg:$0x2] =	wrdreg s5  }
0xb9: {  	[dreg:$0x3] =	wrdreg s7  }
0xba: {  	[dreg:$0x4] =	wrdreg $0xC0  }
0xbb: {  	_ =	task [dreg:s22], $0x5FFFF  }
0xbc: {  	[dreg:$0x1] =	wrdreg $0xFFFFFFFF  }
0xbd: {  	[dreg:$0x0] =	wrdreg $0x60  }
0xbe: {  	[dreg:$0x2] =	wrdreg s24  }
0xbf: {  	[dreg:$0x3] =	wrdreg s18  }
0xc0: {  	[dreg:$0x4] =	wrdreg s4  }
0xc1: {  	[dreg:$0x5] =	wrdreg $0x9  }
0xc2: {  	_ =	task.clear_ibuf [dreg:s22], $0x6FFFF;
	_ =	strace $0x90000049  }
0xc3: {  	s29 =	simm.s32 $0x9;
	_ =	strace $0x8000004B  }
0xc4: {  	_ =	swait.ge [sflag:s29], $0x1  }
0xc5: {  	[sflag:s29] =	ssyncadd.s32 $0xFFFFFFFF  }
0xc6: {  	_ =	strace $0x9000004B  }
0xc7: {  	_ =	sfence  }
0xc8: {  	s30 =	sld [smem:$0x0];
	_ =	sdelay $0x2  }
0xc9: {  	s31 =	sshll.u32 s1, $0xD;
	s1 =	sshrl.u32 s1, $0x2  }
0xca: {  	s4 =	sand.u32 $0x4000, s31;
	s1 =	sadd.s32 s1, s30  }
0xcb: {  	s0 =	sor.u32 s4, s0;
	s1 =	sshll.u32 s1, $0x11  }
0xcc: {  	s0 =	sor.u32 s1, s0  }
0xcd: {  	s0 =	sadd.s32 $0x8F2B, s0  }
0xce: {  	[sflag:s0] =	ssyncadd.remote.s32 $0x1  }
0xcf: {  	_ =	sfence.sel $0xFFFF  }
0xd0: {  	[dreg:$0x0] =	wrdreg $0xFFFFFFFF;
	(pc) =	sbr.abs _section_cstart, $3  }
0xd1: {  	[dreg:$0x1] =	wrdreg $0xFFFFFFFF  }
0xd2: {  	_ =	task.clear_ibuf [dreg:s22], $0x2FFFF;
	_ =	strace $0x9FFFFFFF  }
0xd3: {  	(tm) =	ssettm $0x7FFFFFFF  }
tec
execute0_lowered:
.L_overlay_start_1:
0x0: {  	(tag) =	ssettag $0x1  }
0x1: {  	s0 =	rddreg [dreg:$0x0]  }
0x2: {  	s1 =	rddreg [dreg:$0x1]  }
0x3: {  	s3 =	srdreg.scid;
	s4 =	stileid.u32  }
0x4: {  	s2 =	rddreg [dreg:$0x2];
	s13 =	simm.s32 $0x1600;
	s16 =	simm.s32 $0x10  }
0x5: {  	s17 =	simm.s32 $0x2A00;
	s18 =	simm.s32 $0x50;
	s28 =	simm.s32 $0x9600  }
0x6: {  	s29 =	simm.s32 $0xAA00;
	s30 =	simm.s32 $0xBE00;
	s31 =	simm.s32 $0x1  }
0x7: {  	s19 =	simm.s32 $0x3;
	s20 =	simm.s32 $0x2;
	s21 =	simm.s32 $0xDA00  }
0x8: {  	s22 =	simm.s32 $0xDE00;
	s6 =	sand.u32 $0x1, s3;
	s4 =	sshll.u32 s4, $0x1  }
0x9: {  	s3 =	simm.s32 $0x0;
	s5 =	sadd.s32 $0x89C00, s0;
	s8 =	sor.u32 s6, s4  }
0xa: {  	[smem:$0x7FF] =	sst s3;
	s4 =	sadd.s32 $0x95C00, s0;
	s10 =	ssub.s32 $0x2, s6  }
0xb: {  	s6 =	sadd.s32 $0xF7800, s0;
	s7 =	smul.u32 $0x280, s8;
	s11 =	sshrl.u32 s10, $0x1  }
0xc: {  	_ =	strace $0x8000004A;
	s12 =	sshll.u32 s8, $0x6;
	s24 =	ssub.s32 s10, s11  }
0xd: {  	s1 =	sadd.s32 s1, s12;
	s11 =	sshll.u32 s8, $0xC;
	s10 =	simm.s32 $0x5  }
0xe: {  	s12 =	simm.s32 $0x200;
	s9 =	sadd.s32 s7, s0;
	s7 =	sadd.s32 $0x117800, s0  }
0xf: {  	[dreg:$0x4] =	wrdreg s1;
	s0 =	smax.u32 s24, $0x1;
	s1 =	simm.s32 $0xD200  }
0x10: {  	s24 =	simm.s32 $0x0;
	s25 =	sadd.s32 $0x8BC00, s9;
	[dreg:$0x7] =	wrdreg s0  }
0x11: {  	s26 =	sadd.s32 $0x90C00, s9;
	s0 =	simm.s32 $0xD600;
	[dreg:$0x5] =	wrdreg s25  }
0x12: {  	[dreg:$0x6] =	wrdreg s26;
	s25 =	simm.s32 $0x7E00;
	s26 =	simm.s32 $0x8200  }
.LBB2_1:
0x13: {  	s8 =	rddreg [dreg:$0x4]  }
0x14: {  	[tilespmem:s3], [sflag:$0x5] =	stream.linear.gather [hbm4b:s8+s3], $0x200, $0x38;
	[tilespmem:$0xE200] =	vst v63  }
0x15: {  	_ =	swait.ge [sflag:s10], $0x200  }
0x16: {  	[sflag:s10] =	ssyncset.done $0x0  }
0x17: {  	s9 =	simm.s32 $0x40;
	s8 =	simm.s32 $0x0;
	[sflag:s10] =	ssyncadd.s32 $0xFFFFFE00  }
.LBB2_2:
0x18: {  	p0 =	sne.s32 s9, $0x7C0;
	v0 =	vld [tilespmem:s8+$0x0];
	_ =	sdelay $0x3  }
.Ltmp0:
0x19: {  	(pc) =	sbr.rel @p0 .LBB2_2-.Ltmp0, $4  }
0x1a: {  	v1 =	vshll.u32 v0, $0x1  }
0x1b: {  	vm0 =	vlt.s32 v0, $0x61A8;
	v0 =	vadd.s32 $0xFFFF3CB1, v1  }
0x1c: {  	v0 =	vsel vm0, v1, v0  }
0x1d: {  	[tilespmem:s8+$0x0] =	vst v0;
	s8 =	sshra.s32 s9, $0x2;
	s9 =	sadd.s32 $0x40, s9  }
0x1e: {  	v0 =	vld [tilespmem:s8+$0x0];
	_ =	sdelay $0x4  }
0x1f: {  	v1 =	vshll.u32 v0, $0x1  }
0x20: {  	vm0 =	vlt.s32 v0, $0x61A8;
	v63 =	vadd.s32 $0xFFFF3CB1, v1  }
0x21: {  	v0 =	vsel vm0, v1, v63  }
0x22: {  	s23 =	simm.s32 $0x0;
	s9 =	rddreg [dreg:$0x5];
	[tilespmem:s8+$0x0] =	vst v0  }
0x23: {  	[tilespmem:s12], [sflag:$0x5] =	stream.linear.gather [hbm4b:s9+s23], $0x1400, $0x38;
	[tilespmem:$0xE200] =	vst v63  }
0x24: {  	_ =	swait.ge [sflag:s10], $0x1400  }
0x25: {  	[sflag:s10] =	ssyncset.done $0x0  }
0x26: {  	s8 =	simm.s32 $0x0;
	s9 =	simm.s32 $0x40;
	[sflag:s10] =	ssyncadd.s32 $0xFFFFEC00  }
.LBB2_4:
0x27: {  	p0 =	sne.s32 s9, $0x4FC0;
	v0 =	vld [tilespmem:s8+$0x200];
	_ =	sdelay $0x3  }
.Ltmp1:
0x28: {  	(pc) =	sbr.rel @p0 .LBB2_4-.Ltmp1, $4  }
0x29: {  	v1 =	vshll.u32 v0, $0x1  }
0x2a: {  	vm0 =	vlt.s32 v0, $0x1F4;
	v0 =	vadd.s32 $0xFFFFFC19, v1  }
0x2b: {  	v0 =	vsel vm0, v1, v0  }
0x2c: {  	[tilespmem:s8+$0x200] =	vst v0;
	s8 =	sshra.s32 s9, $0x2;
	s9 =	sadd.s32 $0x40, s9  }
0x2d: {  	v0 =	vld [tilespmem:s8+$0x200];
	_ =	sdelay $0x4  }
0x2e: {  	v1 =	vshll.u32 v0, $0x1  }
0x2f: {  	vm0 =	vlt.s32 v0, $0x1F4;
	v63 =	vadd.s32 $0xFFFFFC19, v1  }
0x30: {  	v0 =	vsel vm0, v1, v63  }
0x31: {  	s23 =	simm.s32 $0x0;
	s9 =	rddreg [dreg:$0x6];
	[tilespmem:s8+$0x200] =	vst v0  }
0x32: {  	[tilespmem:s13], [sflag:$0x5] =	stream.linear.gather [hbm4b:s9+s23], $0x1400, $0x38;
	[tilespmem:$0xE200] =	vst v63  }
0x33: {  	_ =	swait.ge [sflag:s10], $0x1400  }
0x34: {  	[sflag:s10] =	ssyncset.done $0x0  }
0x35: {  	s8 =	simm.s32 $0x0;
	s9 =	simm.s32 $0x40;
	[sflag:s10] =	ssyncadd.s32 $0xFFFFEC00  }
.LBB2_6:
0x36: {  	p0 =	sne.s32 s9, $0x4FC0;
	v0 =	vld [tilespmem:s8+$0x1600];
	_ =	sdelay $0x3  }
.Ltmp2:
0x37: {  	(pc) =	sbr.rel @p0 .LBB2_6-.Ltmp2, $4  }
0x38: {  	v1 =	vshll.u32 v0, $0x1  }
0x39: {  	vm0 =	vlt.s32 v0, $0x61A8;
	v0 =	vadd.s32 $0xFFFF3CB1, v1  }
0x3a: {  	v0 =	vsel vm0, v1, v0  }
0x3b: {  	[tilespmem:s8+$0x1600] =	vst v0;
	s8 =	sshra.s32 s9, $0x2;
	s9 =	sadd.s32 $0x40, s9  }
0x3c: {  	v0 =	vld [tilespmem:s8+$0x1600];
	_ =	sdelay $0x4  }
0x3d: {  	v1 =	vshll.u32 v0, $0x1  }
0x3e: {  	vm0 =	vlt.s32 v0, $0x61A8;
	v63 =	vadd.s32 $0xFFFF3CB1, v1  }
0x3f: {  	v0 =	vsel vm0, v1, v63  }
0x40: {  	s14 =	simm.s32 $0x0;
	[tilespmem:s8+$0x1600] =	vst v0  }
0x41: {  	[tilespmem:s17], [sflag:$0x1] =	stream.indirect.gather [hbm4b:s4+s16], $0x40, s14, s16, $0xb8;
	[tilespmem:$0xE200] =	vst v63  }
0x42: {  	s9 =	simm.s32 $0x2E00  }
0x43: {  	[tilespmem:s9], [sflag:$0x1] =	stream.indirect.gather [hbm4b:s5+s18], $0x40, s12, s18, $0xb8;
	[tilespmem:$0xE200] =	vst v63  }
0x44: {  	s10 =	simm.s32 $0x250;
	s9 =	simm.s32 $0x4200  }
0x45: {  	[tilespmem:s9], [sflag:$0x1] =	stream.indirect.gather [hbm4b:s5+s18], $0x40, s10, s18, $0xb8;
	[tilespmem:$0xE200] =	vst v63  }
0x46: {  	s12 =	simm.s32 $0x5600  }
0x47: {  	[tilespmem:s12], [sflag:$0x1] =	stream.indirect.gather [hbm4b:s4+s18], $0x40, s13, s18, $0xb8;
	[tilespmem:$0xE200] =	vst v63  }
0x48: {  	s15 =	simm.s32 $0x1650;
	s23 =	simm.s32 $0x6A00  }
0x49: {  	[tilespmem:s23], [sflag:$0x1] =	stream.indirect.gather [hbm4b:s4+s18], $0x40, s15, s18, $0xb8;
	[tilespmem:$0xE200] =	vst v63  }
.LBB2_8:
0x4a: {  	p0 =	seq.s32 s14, $0x0  }
0x4b: {  	s9 =	simm.s32 @!p0 $0x4  }
0x4c: {  	_ =	swait.ge @!p0 [sflag:s9], $0x400  }
0x4d: {  	[sflag:s9] =	ssyncset.done @!p0 $0x0  }
0x4e: {  	[sflag:s9] =	ssyncadd.s32 @!p0 $0xFFFFFC00  }
0x4f: {  	_ =	swait.ge @!p0 [sflag:s9], $0x400  }
0x50: {  	[sflag:s9] =	ssyncset.done @!p0 $0x0  }
0x51: {  	s8 =	sshll.u32 s14, $0x1;
	[sflag:s9] =	ssyncadd.s32 @!p0 $0xFFFFFC00  }
0x52: {  	s15 =	sor.u32 $0x1, s8;
	_ =	swait.ge @!p0 [sflag:s9], $0x400  }
0x53: {  	s10 =	sshll.u32 s15, $0x4;
	[sflag:s9] =	ssyncset.done @!p0 $0x0  }
0x54: {  	s13 =	sand.u32 $0x3FFFFFF0, s10;
	s10 =	smul.u32 $0xA0, s15;
	[sflag:s9] =	ssyncadd.s32 @!p0 $0xFFFFFC00  }
0x55: {  	[tilespmem:s25], [sflag:$0x2] =	stream.indirect.gather [hbm4b:s4+s16], $0x40, s13, s16, $0xb8;
	[tilespmem:$0xE200] =	vst v63  }
0x56: {  	s23 =	sadd.s32 $0x200, s10  }
0x57: {  	[tilespmem:s26], [sflag:$0x2] =	stream.indirect.gather [hbm4b:s5+s18], $0x40, s23, s18, $0xb8;
	[tilespmem:$0xE200] =	vst v63  }
0x58: {  	s12 =	sadd.s32 $0x250, s10  }
0x59: {  	[tilespmem:s28], [sflag:$0x2] =	stream.indirect.gather [hbm4b:s5+s18], $0x40, s12, s18, $0xb8;
	[tilespmem:$0xE200] =	vst v63  }
0x5a: {  	s13 =	sadd.s32 $0x1600, s10  }
0x5b: {  	[tilespmem:s29], [sflag:$0x2] =	stream.indirect.gather [hbm4b:s4+s18], $0x40, s13, s18, $0xb8;
	[tilespmem:$0xE200] =	vst v63  }
0x5c: {  	s23 =	sadd.s32 $0x1650, s10  }
0x5d: {  	[tilespmem:s30], [sflag:$0x2] =	stream.indirect.gather [hbm4b:s4+s18], $0x40, s23, s18, $0xb8;
	[tilespmem:$0xE200] =	vst v63  }
0x5e: {  	_ =	swait.ge [sflag:s31], $0x400  }
0x5f: {  	[sflag:s31] =	ssyncset.done $0x0  }
0x60: {  	[sflag:s31] =	ssyncadd.s32 $0xFFFFFC00  }
0x61: {  	_ =	swait.ge [sflag:s31], $0x1400  }
0x62: {  	[sflag:s31] =	ssyncset.done $0x0  }
0x63: {  	[sflag:s31] =	ssyncadd.s32 $0xFFFFEC00  }
0x64: {  	_ =	swait.ge [sflag:s31], $0x1400  }
0x65: {  	[sflag:s31] =	ssyncset.done $0x0  }
0x66: {  	[sflag:s31] =	ssyncadd.s32 $0xFFFFEC00  }
0x67: {  	_ =	swait.ge [sflag:s31], $0x1400  }
0x68: {  	[sflag:s31] =	ssyncset.done $0x0  }
0x69: {  	[sflag:s31] =	ssyncadd.s32 $0xFFFFEC00  }
0x6a: {  	_ =	swait.ge [sflag:s31], $0x1400  }
0x6b: {  	[sflag:s31] =	ssyncset.done $0x0  }
0x6c: {  	s9 =	simm.s32 $0x2F40;
	s10 =	simm.s32 $0x0;
	[sflag:s31] =	ssyncadd.s32 $0xFFFFEC00  }
.LBB2_9:
0x6d: {  	v0 =	vld [tilespmem:s9+$0xFFFFFEC0]  }
0x6e: {  	v1 =	vld [tilespmem:s9+$0xFFFFFF00]  }
0x6f: {  	v2 =	vld [tilespmem:s9+$0xFFFFFF40]  }
0x70: {  	v3 =	vld [tilespmem:s9+$0xFFFFFF80]  }
0x71: {  	v4 =	vld [tilespmem:s9+$0xFFFFFFC0]  }
0x72: {  	v5 =	vld [tilespmem:s9+$0x0]  }
0x73: {  	v6 =	vld [tilespmem:s9+$0x40]  }
0x74: {  	v7 =	vld [tilespmem:s9+$0x80];
	_ =	sdelay $0x2  }
0x75: {  	v8 =	vld [tilespmem:s9+$0xC0]  }
0x76: {  	v9 =	vld [tilespmem:s9+$0x100];
	v0 =	vadd.bf16 v1, v0;
	v17 =	vadd.bf16 v3, v2  }
0x77: {  	v18 =	vadd.bf16 v5, v4;
	v19 =	vadd.bf16 v7, v6;
	_ =	sdelay $0x1  }
0x78: {  	v0 =	vadd.bf16 v17, v0;
	v20 =	vadd.bf16 v19, v18;
	_ =	sdelay $0x1  }
0x79: {  	v21 =	vadd.bf16 v9, v8;
	v0 =	vadd.bf16 v20, v0;
	_ =	sdelay $0x1  }
0x7a: {  	v0 =	vadd.bf16 v21, v0  }
0x7b: {  	s12 =	sshra.s32 s10, $0x2  }
0x7c: {  	[tilespmem:s12+$0xD200] =	vst v0  }
0x7d: {  	v0 =	vld [tilespmem:s9+$0xFFFFFED0]  }
0x7e: {  	v22 =	vld [tilespmem:s9+$0xFFFFFF10]  }
0x7f: {  	v23 =	vld [tilespmem:s9+$0xFFFFFF50]  }
0x80: {  	v24 =	vld [tilespmem:s9+$0xFFFFFF90]  }
0x81: {  	v25 =	vld [tilespmem:s9+$0xFFFFFFD0]  }
0x82: {  	v26 =	vld [tilespmem:s9+$0x10]  }
0x83: {  	v27 =	vld [tilespmem:s9+$0x50]  }
0x84: {  	v28 =	vld [tilespmem:s9+$0x90];
	_ =	sdelay $0x2  }
0x85: {  	v29 =	vld [tilespmem:s9+$0xD0]  }
0x86: {  	v30 =	vld [tilespmem:s9+$0x110];
	v0 =	vadd.bf16 v22, v0;
	v31 =	vadd.bf16 v24, v23  }
0x87: {  	v32 =	vadd.bf16 v26, v25;
	v33 =	vadd.bf16 v28, v27;
	_ =	sdelay $0x1  }
0x88: {  	v0 =	vadd.bf16 v31, v0;
	v34 =	vadd.bf16 v33, v32;
	_ =	sdelay $0x1  }
0x89: {  	v35 =	vadd.bf16 v30, v29;
	v0 =	vadd.bf16 v34, v0;
	_ =	sdelay $0x1  }
0x8a: {  	v0 =	vadd.bf16 v35, v0;
	_ =	sdelay $0x1  }
0x8b: {  	[tilespmem:s12+$0xD210] =	vst v0  }
0x8c: {  	v0 =	vld [tilespmem:s9+$0xFFFFFEE0]  }
0x8d: {  	v36 =	vld [tilespmem:s9+$0xFFFFFF20]  }
0x8e: {  	v37 =	vld [tilespmem:s9+$0xFFFFFF60]  }
0x8f: {  	v38 =	vld [tilespmem:s9+$0xFFFFFFA0]  }
0x90: {  	v39 =	vld [tilespmem:s9+$0xFFFFFFE0]  }
0x91: {  	v40 =	vld [tilespmem:s9+$0x20]  }
0x92: {  	v41 =	vld [tilespmem:s9+$0x60]  }
0x93: {  	v42 =	vld [tilespmem:s9+$0xA0];
	_ =	sdelay $0x2  }
0x94: {  	v43 =	vld [tilespmem:s9+$0xE0]  }
0x95: {  	v44 =	vld [tilespmem:s9+$0x120];
	v0 =	vadd.bf16 v36, v0;
	v45 =	vadd.bf16 v38, v37  }
0x96: {  	v46 =	vadd.bf16 v40, v39;
	v47 =	vadd.bf16 v42, v41;
	_ =	sdelay $0x1  }
0x97: {  	v0 =	vadd.bf16 v45, v0;
	v48 =	vadd.bf16 v47, v46;
	_ =	sdelay $0x1  }
0x98: {  	v49 =	vadd.bf16 v44, v43;
	v0 =	vadd.bf16 v48, v0;
	_ =	sdelay $0x1  }
0x99: {  	v0 =	vadd.bf16 v49, v0;
	_ =	sdelay $0x1  }
0x9a: {  	[tilespmem:s12+$0xD220] =	vst v0  }
0x9b: {  	v0 =	vld [tilespmem:s9+$0xFFFFFEF0]  }
0x9c: {  	v50 =	vld [tilespmem:s9+$0xFFFFFF30]  }
0x9d: {  	v51 =	vld [tilespmem:s9+$0xFFFFFF70]  }
0x9e: {  	v52 =	vld [tilespmem:s9+$0xFFFFFFB0]  }
0x9f: {  	v53 =	vld [tilespmem:s9+$0xFFFFFFF0]  }
0xa0: {  	v54 =	vld [tilespmem:s9+$0x30]  }
0xa1: {  	v55 =	vld [tilespmem:s9+$0x70]  }
0xa2: {  	v56 =	vld [tilespmem:s9+$0xB0];
	_ =	sdelay $0x2  }
0xa3: {  	v57 =	vld [tilespmem:s9+$0xF0]  }
0xa4: {  	v58 =	vld [tilespmem:s9+$0x130];
	v0 =	vadd.bf16 v50, v0;
	v59 =	vadd.bf16 v52, v51  }
0xa5: {  	v60 =	vadd.bf16 v54, v53;
	v61 =	vadd.bf16 v56, v55;
	_ =	sdelay $0x1  }
0xa6: {  	v0 =	vadd.bf16 v59, v0;
	v62 =	vadd.bf16 v61, v60  }
0xa7: {  	p0 =	sne.s32 s10, $0xF00  }
.Ltmp3:
0xa8: {  	v63 =	vadd.bf16 v58, v57;
	v0 =	vadd.bf16 v62, v0;
	(pc) =	sbr.rel @p0 .LBB2_9-.Ltmp3, $3  }
0xa9: {  	_ = 	snop  }
0xaa: {  	v0 =	vadd.bf16 v63, v0;
	_ =	sdelay $0x1  }
0xab: {  	s10 =	sadd.s32 $0x100, s10;
	s9 =	sadd.s32 $0x280, s9;
	[tilespmem:s12+$0xD230] =	vst v0  }
0xac: {  	s9 =	simm.s32 $0x5740  }
0xad: {  	v0 =	vld [tilespmem:s9+$0xFFFFFEC0]  }
0xae: {  	v1 =	vld [tilespmem:s9+$0x80]  }
0xaf: {  	v2 =	vld [tilespmem:s9+$0x40]  }
0xb0: {  	v3 =	vld [tilespmem:s9+$0x0]  }
0xb1: {  	v4 =	vld [tilespmem:s9+$0xFFFFFFC0]  }
0xb2: {  	v5 =	vld [tilespmem:s9+$0xFFFFFF80]  }
0xb3: {  	v6 =	vld [tilespmem:s9+$0xFFFFFF40]  }
0xb4: {  	v7 =	vld [tilespmem:s9+$0xFFFFFF00];
	_ =	sdelay $0x2  }
0xb5: {  	v8 =	vld [tilespmem:s9+$0x100]  }
0xb6: {  	v1 =	vadd.bf16 v1, v2;
	v2 =	vadd.bf16 v3, v4;
	v3 =	vld [tilespmem:s9+$0xC0]  }
0xb7: {  	v53 =	vadd.bf16 v5, v6;
	v0 =	vadd.bf16 v7, v0;
	_ =	sdelay $0x1  }
0xb8: {  	v0 =	vadd.bf16 v53, v0;
	v1 =	vadd.bf16 v1, v2;
	_ =	sdelay $0x1  }
0xb9: {  	v0 =	vadd.bf16 v1, v0;
	v2 =	vadd.bf16 v8, v3;
	_ =	sdelay $0x1  }
0xba: {  	v0 =	vadd.bf16 v2, v0  }
0xbb: {  	s10 =	simm.s32 $0x0  }
0xbc: {  	[tilespmem:s10+$0xD600] =	vst v0  }
0xbd: {  	v0 =	vld [tilespmem:s9+$0x90]  }
0xbe: {  	v1 =	vld [tilespmem:s9+$0xFFFFFF90]  }
0xbf: {  	v2 =	vld [tilespmem:s9+$0x10]  }
0xc0: {  	v3 =	vld [tilespmem:s9+$0xFFFFFF50]  }
0xc1: {  	v54 =	vld [tilespmem:s9+$0xFFFFFED0]  }
0xc2: {  	v55 =	vld [tilespmem:s9+$0x50]  }
0xc3: {  	v56 =	vld [tilespmem:s9+$0xFFFFFFD0]  }
0xc4: {  	v57 =	vld [tilespmem:s9+$0xFFFFFF10];
	_ =	sdelay $0x2  }
0xc5: {  	v58 =	vld [tilespmem:s9+$0x110]  }
0xc6: {  	v1 =	vadd.bf16 v1, v3;
	v0 =	vadd.bf16 v0, v55;
	v3 =	vld [tilespmem:s9+$0xD0]  }
0xc7: {  	v2 =	vadd.bf16 v2, v56;
	v4 =	vadd.bf16 v57, v54;
	_ =	sdelay $0x1  }
0xc8: {  	v1 =	vadd.bf16 v1, v4;
	v0 =	vadd.bf16 v0, v2;
	_ =	sdelay $0x1  }
0xc9: {  	v0 =	vadd.bf16 v0, v1;
	v2 =	vadd.bf16 v58, v3;
	_ =	sdelay $0x1  }
0xca: {  	v0 =	vadd.bf16 v2, v0;
	_ =	sdelay $0x1  }
0xcb: {  	[tilespmem:s10+$0xD610] =	vst v0  }
0xcc: {  	v0 =	vld [tilespmem:s9+$0xA0]  }
0xcd: {  	v1 =	vld [tilespmem:s9+$0x60]  }
0xce: {  	v2 =	vld [tilespmem:s9+$0xFFFFFF60]  }
0xcf: {  	v3 =	vld [tilespmem:s9+$0xFFFFFF20]  }
0xd0: {  	v59 =	vld [tilespmem:s9+$0x20]  }
0xd1: {  	v60 =	vld [tilespmem:s9+$0xFFFFFEE0]  }
0xd2: {  	v61 =	vld [tilespmem:s9+$0xFFFFFFA0]  }
0xd3: {  	v62 =	vld [tilespmem:s9+$0xFFFFFFE0];
	_ =	sdelay $0x2  }
0xd4: {  	v63 =	vld [tilespmem:s9+$0x120]  }
0xd5: {  	v0 =	vadd.bf16 v0, v1;
	v1 =	vadd.bf16 v3, v60;
	v3 =	vld [tilespmem:s9+$0xE0]  }
0xd6: {  	v2 =	vadd.bf16 v61, v2;
	v4 =	vadd.bf16 v59, v62;
	_ =	sdelay $0x1  }
0xd7: {  	v1 =	vadd.bf16 v2, v1;
	v0 =	vadd.bf16 v0, v4;
	_ =	sdelay $0x1  }
0xd8: {  	v0 =	vadd.bf16 v0, v1;
	v2 =	vadd.bf16 v63, v3;
	_ =	sdelay $0x1  }
0xd9: {  	s13 =	simm.s32 $0x100;
	s12 =	simm.s32 $0x5740;
	v0 =	vadd.bf16 v2, v0  }
.LBB2_11:
0xda: {  	p0 =	sne.s32 s13, $0xF00  }
0xdb: {  	s9 =	sadd.s32 $0x280, s9;
	s23 =	smov.u32 s13;
	s13 =	sadd.s32 $0x100, s13  }
0xdc: {  	_ =	sdelay $0x3  }
0xdd: {  	[tilespmem:s10+$0xD620] =	vst v0  }
0xde: {  	v0 =	vld [tilespmem:s12+$0xB0]  }
0xdf: {  	v1 =	vld [tilespmem:s12+$0xFFFFFFB0]  }
0xe0: {  	v2 =	vld [tilespmem:s12+$0x30]  }
0xe1: {  	v3 =	vld [tilespmem:s12+$0xFFFFFEF0]  }
0xe2: {  	v4 =	vld [tilespmem:s12+$0x70]  }
0xe3: {  	v5 =	vld [tilespmem:s12+$0xFFFFFF70]  }
0xe4: {  	v6 =	vld [tilespmem:s12+$0xFFFFFFF0]  }
0xe5: {  	v7 =	vld [tilespmem:s12+$0xFFFFFF30]  }
0xe6: {  	v8 =	vld [tilespmem:s12+$0xF0]  }
0xe7: {  	v9 =	vld [tilespmem:s12+$0x130];
	v0 =	vadd.bf16 v0, v4;
	s12 =	smov.u32 s9  }
0xe8: {  	v1 =	vadd.bf16 v1, v5  }
0xe9: {  	v2 =	vadd.bf16 v2, v6  }
0xea: {  	v3 =	vadd.bf16 v7, v3  }
0xeb: {  	v0 =	vadd.bf16 v0, v2  }
0xec: {  	v2 =	vadd.bf16 v9, v8;
	v1 =	vadd.bf16 v1, v3;
	_ =	sdelay $0x1  }
0xed: {  	v0 =	vadd.bf16 v0, v1;
	_ =	sdelay $0x1  }
0xee: {  	v0 =	vadd.bf16 v2, v0;
	_ =	sdelay $0x1  }
0xef: {  	[tilespmem:s10+$0xD630] =	vst v0  }
0xf0: {  	v0 =	vld [tilespmem:s9+$0xFFFFFEC0]  }
0xf1: {  	v1 =	vld [tilespmem:s9+$0x80]  }
0xf2: {  	v2 =	vld [tilespmem:s9+$0x40]  }
0xf3: {  	v3 =	vld [tilespmem:s9+$0x0]  }
0xf4: {  	v4 =	vld [tilespmem:s9+$0xFFFFFFC0]  }
0xf5: {  	v5 =	vld [tilespmem:s9+$0xFFFFFF80]  }
0xf6: {  	v6 =	vld [tilespmem:s9+$0xFFFFFF40]  }
0xf7: {  	v7 =	vld [tilespmem:s9+$0xFFFFFF00];
	v1 =	vadd.bf16 v1, v2;
	_ =	sdelay $0x1  }
0xf8: {  	v2 =	vadd.bf16 v3, v4  }
0xf9: {  	v3 =	vld [tilespmem:s9+$0x100]  }
0xfa: {  	v4 =	vld [tilespmem:s9+$0xC0];
	v5 =	vadd.bf16 v5, v6  }
0xfb: {  	v0 =	vadd.bf16 v7, v0;
	_ =	sdelay $0x1  }
0xfc: {  	v1 =	vadd.bf16 v1, v2;
	v0 =	vadd.bf16 v5, v0;
	_ =	sdelay $0x1  }
0xfd: {  	v2 =	vadd.bf16 v3, v4;
	v0 =	vadd.bf16 v1, v0;
	_ =	sdelay $0x1  }
0xfe: {  	v0 =	vadd.bf16 v2, v0  }
0xff: {  	s10 =	sshra.s32 s23, $0x2  }
0x100: {  	[tilespmem:s10+$0xD600] =	vst v0  }
0x101: {  	v0 =	vld [tilespmem:s9+$0x90]  }
0x102: {  	v1 =	vld [tilespmem:s9+$0xFFFFFF90]  }
0x103: {  	v2 =	vld [tilespmem:s9+$0x10]  }
0x104: {  	v3 =	vld [tilespmem:s9+$0xFFFFFF50]  }
0x105: {  	v4 =	vld [tilespmem:s9+$0xFFFFFED0]  }
0x106: {  	v5 =	vld [tilespmem:s9+$0x50]  }
0x107: {  	v6 =	vld [tilespmem:s9+$0xFFFFFFD0]  }
0x108: {  	v7 =	vld [tilespmem:s9+$0xFFFFFF10];
	_ =	sdelay $0x2  }
0x109: {  	v1 =	vadd.bf16 v1, v3;
	v8 =	vld [tilespmem:s9+$0x110];
	v0 =	vadd.bf16 v0, v5  }
0x10a: {  	v3 =	vld [tilespmem:s9+$0xD0];
	v2 =	vadd.bf16 v2, v6  }
0x10b: {  	v4 =	vadd.bf16 v7, v4;
	_ =	sdelay $0x1  }
0x10c: {  	v0 =	vadd.bf16 v0, v2;
	v1 =	vadd.bf16 v1, v4;
	_ =	sdelay $0x1  }
0x10d: {  	v2 =	vadd.bf16 v8, v3;
	v0 =	vadd.bf16 v0, v1;
	_ =	sdelay $0x1  }
0x10e: {  	v0 =	vadd.bf16 v2, v0;
	_ =	sdelay $0x1  }
0x10f: {  	[tilespmem:s10+$0xD610] =	vst v0  }
0x110: {  	v0 =	vld [tilespmem:s9+$0xA0]  }
0x111: {  	v1 =	vld [tilespmem:s9+$0x60]  }
0x112: {  	v2 =	vld [tilespmem:s9+$0xFFFFFF60]  }
0x113: {  	v3 =	vld [tilespmem:s9+$0xFFFFFF20]  }
0x114: {  	v4 =	vld [tilespmem:s9+$0x20]  }
0x115: {  	v5 =	vld [tilespmem:s9+$0xFFFFFEE0]  }
0x116: {  	v6 =	vld [tilespmem:s9+$0xFFFFFFA0];
	v0 =	vadd.bf16 v0, v1  }
0x117: {  	v1 =	vld [tilespmem:s9+$0xFFFFFFE0];
	_ =	sdelay $0x2  }
0x118: {  	v7 =	vld [tilespmem:s9+$0x120];
	v3 =	vadd.bf16 v3, v5  }
0x119: {  	v5 =	vld [tilespmem:s9+$0xE0];
	v2 =	vadd.bf16 v6, v2  }
0x11a: {  	v1 =	vadd.bf16 v4, v1  }
0x11b: {  	v2 =	vadd.bf16 v2, v3  }
.Ltmp4:
0x11c: {  	v0 =	vadd.bf16 v0, v1;
	(pc) =	sbr.rel @p0 .LBB2_11-.Ltmp4, $3  }
0x11d: {  	_ = 	snop  }
0x11e: {  	v1 =	vadd.bf16 v7, v5;
	v0 =	vadd.bf16 v0, v2;
	_ =	sdelay $0x1  }
0x11f: {  	v0 =	vadd.bf16 v1, v0  }
0x120: {  	_ = 	snop  }
0x121: {  	[tilespmem:s10+$0xD620] =	vst v0  }
0x122: {  	v0 =	vld [tilespmem:s12+$0xB0]  }
0x123: {  	v1 =	vld [tilespmem:s12+$0xFFFFFFB0]  }
0x124: {  	v2 =	vld [tilespmem:s12+$0x30]  }
0x125: {  	v3 =	vld [tilespmem:s12+$0xFFFFFEF0]  }
0x126: {  	v4 =	vld [tilespmem:s12+$0x70]  }
0x127: {  	v5 =	vld [tilespmem:s12+$0xFFFFFF70]  }
0x128: {  	v6 =	vld [tilespmem:s12+$0xFFFFFFF0]  }
0x129: {  	v7 =	vld [tilespmem:s12+$0xFFFFFF30];
	_ =	sdelay $0x2  }
0x12a: {  	v8 =	vld [tilespmem:s12+$0xF0]  }
0x12b: {  	v9 =	vld [tilespmem:s12+$0x130];
	v0 =	vadd.bf16 v0, v4;
	v1 =	vadd.bf16 v1, v5  }
0x12c: {  	v2 =	vadd.bf16 v2, v6;
	v3 =	vadd.bf16 v7, v3;
	_ =	sdelay $0x1  }
0x12d: {  	v0 =	vadd.bf16 v0, v2;
	v1 =	vadd.bf16 v1, v3;
	_ =	sdelay $0x1  }
0x12e: {  	v63 =	vadd.bf16 v9, v8;
	v0 =	vadd.bf16 v0, v1;
	_ =	sdelay $0x1  }
0x12f: {  	s9 =	sshll.u32 s14, $0x8;
	v0 =	vadd.bf16 v63, v0  }
0x130: {  	s9 =	sadd.s32 s11, s9  }
0x131: {  	s13 =	sadd.s32 s2, s9;
	[tilespmem:s10+$0xD630] =	vst v0  }
0x132: {  	[hbm4b:s13+s3] =	stream.linear.scatter [tilespmem:s17], [sflag:$0x3], $0x400, $0x38;
	[tilespmem:$0xE200] =	vst v63  }
0x133: {  	s23 =	sadd.s32 s6, s9  }
0x134: {  	[hbm4b:s23+s3] =	stream.linear.scatter [tilespmem:s1], [sflag:$0x3], $0x400, $0x38;
	[tilespmem:$0xE200] =	vst v63  }
0x135: {  	s9 =	sadd.s32 s7, s9  }
0x136: {  	[hbm4b:s9+s3] =	stream.linear.scatter [tilespmem:s0], [sflag:$0x3], $0x400, $0x38;
	[tilespmem:$0xE200] =	vst v63  }
0x137: {  	_ =	swait.ge [sflag:s19], $0x400  }
0x138: {  	[sflag:s19] =	ssyncset.done $0x0  }
0x139: {  	[sflag:s19] =	ssyncadd.s32 $0xFFFFFC00  }
0x13a: {  	_ =	swait.ge [sflag:s19], $0x400  }
0x13b: {  	[sflag:s19] =	ssyncset.done $0x0  }
0x13c: {  	p0 =	seq.s32 s14, $0xF;
	[sflag:s19] =	ssyncadd.s32 $0xFFFFFC00  }
0x13d: {  	s8 =	sadd.s32 @!p0 $0x2, s8;
	s12 =	simm.s32 @!p0 $0x2A00;
	_ =	swait.ge [sflag:s19], $0x400  }
0x13e: {  	s10 =	simm.s32 @!p0 $0x10;
	s9 =	sshll.u32 @!p0 s8, $0x4;
	[sflag:s19] =	ssyncset.done $0x0  }
0x13f: {  	s8 =	smul.u32 @!p0 $0xA0, s8;
	s9 =	sand.u32 @!p0 $0x3FFFFFF0, s9;
	[sflag:s19] =	ssyncadd.s32 $0xFFFFFC00  }
0x140: {  	[tilespmem:s12], [sflag:$0x1] =	stream.indirect.gather @!p0 [hbm4b:s4+s10], $0x40, s9, s10, $0xb8;
	[tilespmem:$0xE200] =	vst v63  }
0x141: {  	s9 =	sadd.s32 @!p0 $0x200, s8;
	s10 =	simm.s32 @!p0 $0x50;
	s12 =	simm.s32 @!p0 $0x2E00  }
0x142: {  	[tilespmem:s12], [sflag:$0x1] =	stream.indirect.gather @!p0 [hbm4b:s5+s10], $0x40, s9, s10, $0xb8;
	[tilespmem:$0xE200] =	vst v63  }
0x143: {  	s9 =	sadd.s32 @!p0 $0x250, s8;
	s12 =	simm.s32 @!p0 $0x4200  }
0x144: {  	[tilespmem:s12], [sflag:$0x1] =	stream.indirect.gather @!p0 [hbm4b:s5+s10], $0x40, s9, s10, $0xb8;
	[tilespmem:$0xE200] =	vst v63  }
0x145: {  	s9 =	sadd.s32 @!p0 $0x1600, s8;
	s12 =	simm.s32 @!p0 $0x5600  }
0x146: {  	[tilespmem:s12], [sflag:$0x1] =	stream.indirect.gather @!p0 [hbm4b:s4+s10], $0x40, s9, s10, $0xb8;
	[tilespmem:$0xE200] =	vst v63  }
0x147: {  	s8 =	sadd.s32 @!p0 $0x1650, s8;
	s9 =	simm.s32 @!p0 $0x6A00  }
0x148: {  	[tilespmem:s9], [sflag:$0x1] =	stream.indirect.gather @!p0 [hbm4b:s4+s10], $0x40, s8, s10, $0xb8;
	[tilespmem:$0xE200] =	vst v63  }
0x149: {  	_ =	swait.ge [sflag:s20], $0x400  }
0x14a: {  	[sflag:s20] =	ssyncset.done $0x0  }
0x14b: {  	[sflag:s20] =	ssyncadd.s32 $0xFFFFFC00  }
0x14c: {  	_ =	swait.ge [sflag:s20], $0x1400  }
0x14d: {  	[sflag:s20] =	ssyncset.done $0x0  }
0x14e: {  	[sflag:s20] =	ssyncadd.s32 $0xFFFFEC00  }
0x14f: {  	_ =	swait.ge [sflag:s20], $0x1400  }
0x150: {  	[sflag:s20] =	ssyncset.done $0x0  }
0x151: {  	[sflag:s20] =	ssyncadd.s32 $0xFFFFEC00  }
0x152: {  	_ =	swait.ge [sflag:s20], $0x1400  }
0x153: {  	[sflag:s20] =	ssyncset.done $0x0  }
0x154: {  	[sflag:s20] =	ssyncadd.s32 $0xFFFFEC00  }
0x155: {  	_ =	swait.ge [sflag:s20], $0x1400  }
0x156: {  	[sflag:s20] =	ssyncset.done $0x0  }
0x157: {  	s8 =	simm.s32 $0x0;
	s9 =	simm.s32 $0x8340;
	[sflag:s20] =	ssyncadd.s32 $0xFFFFEC00  }
.LBB2_13:
0x158: {  	v0 =	vld [tilespmem:s9+$0xFFFFFEC0]  }
0x159: {  	v1 =	vld [tilespmem:s9+$0xFFFFFF00]  }
0x15a: {  	v2 =	vld [tilespmem:s9+$0xFFFFFF40]  }
0x15b: {  	v3 =	vld [tilespmem:s9+$0xFFFFFF80]  }
0x15c: {  	v4 =	vld [tilespmem:s9+$0xFFFFFFC0]  }
0x15d: {  	v5 =	vld [tilespmem:s9+$0x0]  }
0x15e: {  	v6 =	vld [tilespmem:s9+$0x40]  }
0x15f: {  	v7 =	vld [tilespmem:s9+$0x80];
	_ =	sdelay $0x2  }
0x160: {  	v8 =	vld [tilespmem:s9+$0xC0]  }
0x161: {  	v9 =	vld [tilespmem:s9+$0x100];
	v0 =	vadd.bf16 v1, v0;
	v17 =	vadd.bf16 v3, v2  }
0x162: {  	v18 =	vadd.bf16 v5, v4;
	v19 =	vadd.bf16 v7, v6;
	_ =	sdelay $0x1  }
0x163: {  	v0 =	vadd.bf16 v17, v0;
	v20 =	vadd.bf16 v19, v18;
	_ =	sdelay $0x1  }
0x164: {  	v21 =	vadd.bf16 v9, v8;
	v0 =	vadd.bf16 v20, v0;
	_ =	sdelay $0x1  }
0x165: {  	v0 =	vadd.bf16 v21, v0  }
0x166: {  	s10 =	sshra.s32 s8, $0x2  }
0x167: {  	[tilespmem:s10+$0xDA00] =	vst v0  }
0x168: {  	v0 =	vld [tilespmem:s9+$0xFFFFFED0]  }
0x169: {  	v22 =	vld [tilespmem:s9+$0xFFFFFF10]  }
0x16a: {  	v23 =	vld [tilespmem:s9+$0xFFFFFF50]  }
0x16b: {  	v24 =	vld [tilespmem:s9+$0xFFFFFF90]  }
0x16c: {  	v25 =	vld [tilespmem:s9+$0xFFFFFFD0]  }
0x16d: {  	v26 =	vld [tilespmem:s9+$0x10]  }
0x16e: {  	v27 =	vld [tilespmem:s9+$0x50]  }
0x16f: {  	v28 =	vld [tilespmem:s9+$0x90];
	_ =	sdelay $0x2  }
0x170: {  	v29 =	vld [tilespmem:s9+$0xD0]  }
0x171: {  	v30 =	vld [tilespmem:s9+$0x110];
	v0 =	vadd.bf16 v22, v0;
	v31 =	vadd.bf16 v24, v23  }
0x172: {  	v32 =	vadd.bf16 v26, v25;
	v33 =	vadd.bf16 v28, v27;
	_ =	sdelay $0x1  }
0x173: {  	v0 =	vadd.bf16 v31, v0;
	v34 =	vadd.bf16 v33, v32;
	_ =	sdelay $0x1  }
0x174: {  	v35 =	vadd.bf16 v30, v29;
	v0 =	vadd.bf16 v34, v0;
	_ =	sdelay $0x1  }
0x175: {  	v0 =	vadd.bf16 v35, v0;
	_ =	sdelay $0x1  }
0x176: {  	[tilespmem:s10+$0xDA10] =	vst v0  }
0x177: {  	v0 =	vld [tilespmem:s9+$0xFFFFFEE0]  }
0x178: {  	v36 =	vld [tilespmem:s9+$0xFFFFFF20]  }
0x179: {  	v37 =	vld [tilespmem:s9+$0xFFFFFF60]  }
0x17a: {  	v38 =	vld [tilespmem:s9+$0xFFFFFFA0]  }
0x17b: {  	v39 =	vld [tilespmem:s9+$0xFFFFFFE0]  }
0x17c: {  	v40 =	vld [tilespmem:s9+$0x20]  }
0x17d: {  	v41 =	vld [tilespmem:s9+$0x60]  }
0x17e: {  	v42 =	vld [tilespmem:s9+$0xA0];
	_ =	sdelay $0x2  }
0x17f: {  	v43 =	vld [tilespmem:s9+$0xE0]  }
0x180: {  	v44 =	vld [tilespmem:s9+$0x120];
	v0 =	vadd.bf16 v36, v0;
	v45 =	vadd.bf16 v38, v37  }
0x181: {  	v46 =	vadd.bf16 v40, v39;
	v47 =	vadd.bf16 v42, v41;
	_ =	sdelay $0x1  }
0x182: {  	v0 =	vadd.bf16 v45, v0;
	v48 =	vadd.bf16 v47, v46;
	_ =	sdelay $0x1  }
0x183: {  	v49 =	vadd.bf16 v44, v43;
	v0 =	vadd.bf16 v48, v0;
	_ =	sdelay $0x1  }
0x184: {  	v0 =	vadd.bf16 v49, v0;
	_ =	sdelay $0x1  }
0x185: {  	[tilespmem:s10+$0xDA20] =	vst v0  }
0x186: {  	v0 =	vld [tilespmem:s9+$0xFFFFFEF0]  }
0x187: {  	v50 =	vld [tilespmem:s9+$0xFFFFFF30]  }
0x188: {  	v51 =	vld [tilespmem:s9+$0xFFFFFF70]  }
0x189: {  	v52 =	vld [tilespmem:s9+$0xFFFFFFB0]  }
0x18a: {  	v53 =	vld [tilespmem:s9+$0xFFFFFFF0]  }
0x18b: {  	v54 =	vld [tilespmem:s9+$0x30]  }
0x18c: {  	v55 =	vld [tilespmem:s9+$0x70]  }
0x18d: {  	v56 =	vld [tilespmem:s9+$0xB0];
	_ =	sdelay $0x2  }
0x18e: {  	v57 =	vld [tilespmem:s9+$0xF0]  }
0x18f: {  	v58 =	vld [tilespmem:s9+$0x130];
	v0 =	vadd.bf16 v50, v0;
	v59 =	vadd.bf16 v52, v51  }
0x190: {  	v60 =	vadd.bf16 v54, v53;
	v61 =	vadd.bf16 v56, v55;
	_ =	sdelay $0x1  }
0x191: {  	v0 =	vadd.bf16 v59, v0;
	v62 =	vadd.bf16 v61, v60  }
0x192: {  	p0 =	sne.s32 s8, $0xF00  }
.Ltmp5:
0x193: {  	v63 =	vadd.bf16 v58, v57;
	v0 =	vadd.bf16 v62, v0;
	(pc) =	sbr.rel @p0 .LBB2_13-.Ltmp5, $3  }
0x194: {  	_ = 	snop  }
0x195: {  	v0 =	vadd.bf16 v63, v0;
	_ =	sdelay $0x1  }
0x196: {  	s8 =	sadd.s32 $0x100, s8;
	s9 =	sadd.s32 $0x280, s9;
	[tilespmem:s10+$0xDA30] =	vst v0  }
0x197: {  	s8 =	simm.s32 $0xAB40  }
0x198: {  	v0 =	vld [tilespmem:s8+$0xFFFFFEC0]  }
0x199: {  	v1 =	vld [tilespmem:s8+$0x80]  }
0x19a: {  	v2 =	vld [tilespmem:s8+$0x40]  }
0x19b: {  	v3 =	vld [tilespmem:s8+$0x0]  }
0x19c: {  	v4 =	vld [tilespmem:s8+$0xFFFFFFC0]  }
0x19d: {  	v5 =	vld [tilespmem:s8+$0xFFFFFF80]  }
0x19e: {  	v6 =	vld [tilespmem:s8+$0xFFFFFF40]  }
0x19f: {  	v7 =	vld [tilespmem:s8+$0xFFFFFF00];
	_ =	sdelay $0x2  }
0x1a0: {  	v8 =	vld [tilespmem:s8+$0x100]  }
0x1a1: {  	v1 =	vadd.bf16 v1, v2;
	v2 =	vadd.bf16 v3, v4;
	v3 =	vld [tilespmem:s8+$0xC0]  }
0x1a2: {  	v53 =	vadd.bf16 v5, v6;
	v0 =	vadd.bf16 v7, v0;
	_ =	sdelay $0x1  }
0x1a3: {  	v0 =	vadd.bf16 v53, v0;
	v1 =	vadd.bf16 v1, v2;
	_ =	sdelay $0x1  }
0x1a4: {  	v0 =	vadd.bf16 v1, v0;
	v2 =	vadd.bf16 v8, v3;
	_ =	sdelay $0x1  }
0x1a5: {  	v0 =	vadd.bf16 v2, v0  }
0x1a6: {  	s9 =	simm.s32 $0x0  }
0x1a7: {  	[tilespmem:s9+$0xDE00] =	vst v0  }
0x1a8: {  	v0 =	vld [tilespmem:s8+$0x90]  }
0x1a9: {  	v1 =	vld [tilespmem:s8+$0xFFFFFF90]  }
0x1aa: {  	v2 =	vld [tilespmem:s8+$0x10]  }
0x1ab: {  	v3 =	vld [tilespmem:s8+$0xFFFFFF50]  }
0x1ac: {  	v54 =	vld [tilespmem:s8+$0xFFFFFED0]  }
0x1ad: {  	v55 =	vld [tilespmem:s8+$0x50]  }
0x1ae: {  	v56 =	vld [tilespmem:s8+$0xFFFFFFD0]  }
0x1af: {  	v57 =	vld [tilespmem:s8+$0xFFFFFF10];
	_ =	sdelay $0x2  }
0x1b0: {  	v58 =	vld [tilespmem:s8+$0x110]  }
0x1b1: {  	v1 =	vadd.bf16 v1, v3;
	v0 =	vadd.bf16 v0, v55;
	v3 =	vld [tilespmem:s8+$0xD0]  }
0x1b2: {  	v2 =	vadd.bf16 v2, v56;
	v4 =	vadd.bf16 v57, v54;
	_ =	sdelay $0x1  }
0x1b3: {  	v1 =	vadd.bf16 v1, v4;
	v0 =	vadd.bf16 v0, v2;
	_ =	sdelay $0x1  }
0x1b4: {  	v0 =	vadd.bf16 v0, v1;
	v2 =	vadd.bf16 v58, v3;
	_ =	sdelay $0x1  }
0x1b5: {  	v0 =	vadd.bf16 v2, v0;
	_ =	sdelay $0x1  }
0x1b6: {  	[tilespmem:s9+$0xDE10] =	vst v0  }
0x1b7: {  	v0 =	vld [tilespmem:s8+$0xA0]  }
0x1b8: {  	v1 =	vld [tilespmem:s8+$0x60]  }
0x1b9: {  	v2 =	vld [tilespmem:s8+$0xFFFFFF60]  }
0x1ba: {  	v3 =	vld [tilespmem:s8+$0xFFFFFF20]  }
0x1bb: {  	v59 =	vld [tilespmem:s8+$0x20]  }
0x1bc: {  	v60 =	vld [tilespmem:s8+$0xFFFFFEE0]  }
0x1bd: {  	v61 =	vld [tilespmem:s8+$0xFFFFFFA0]  }
0x1be: {  	v62 =	vld [tilespmem:s8+$0xFFFFFFE0];
	_ =	sdelay $0x2  }
0x1bf: {  	v63 =	vld [tilespmem:s8+$0x120]  }
0x1c0: {  	v0 =	vadd.bf16 v0, v1;
	v1 =	vadd.bf16 v3, v60;
	v3 =	vld [tilespmem:s8+$0xE0]  }
0x1c1: {  	v2 =	vadd.bf16 v61, v2;
	v4 =	vadd.bf16 v59, v62;
	_ =	sdelay $0x1  }
0x1c2: {  	v1 =	vadd.bf16 v2, v1;
	v0 =	vadd.bf16 v0, v4;
	_ =	sdelay $0x1  }
0x1c3: {  	v0 =	vadd.bf16 v0, v1;
	v2 =	vadd.bf16 v63, v3;
	_ =	sdelay $0x1  }
0x1c4: {  	s12 =	simm.s32 $0x100;
	s10 =	simm.s32 $0xAB40;
	v0 =	vadd.bf16 v2, v0  }
.LBB2_15:
0x1c5: {  	p0 =	sne.s32 s12, $0xF00  }
0x1c6: {  	s8 =	sadd.s32 $0x280, s8;
	s13 =	smov.u32 s12;
	s12 =	sadd.s32 $0x100, s12  }
0x1c7: {  	_ =	sdelay $0x3  }
0x1c8: {  	[tilespmem:s9+$0xDE20] =	vst v0  }
0x1c9: {  	v0 =	vld [tilespmem:s10+$0xB0]  }
0x1ca: {  	v1 =	vld [tilespmem:s10+$0xFFFFFFB0]  }
0x1cb: {  	v2 =	vld [tilespmem:s10+$0x30]  }
0x1cc: {  	v3 =	vld [tilespmem:s10+$0xFFFFFEF0]  }
0x1cd: {  	v4 =	vld [tilespmem:s10+$0x70]  }
0x1ce: {  	v5 =	vld [tilespmem:s10+$0xFFFFFF70]  }
0x1cf: {  	v6 =	vld [tilespmem:s10+$0xFFFFFFF0]  }
0x1d0: {  	v7 =	vld [tilespmem:s10+$0xFFFFFF30]  }
0x1d1: {  	v8 =	vld [tilespmem:s10+$0xF0]  }
0x1d2: {  	v9 =	vld [tilespmem:s10+$0x130];
	v0 =	vadd.bf16 v0, v4;
	s10 =	smov.u32 s8  }
0x1d3: {  	v1 =	vadd.bf16 v1, v5  }
0x1d4: {  	v2 =	vadd.bf16 v2, v6  }
0x1d5: {  	v3 =	vadd.bf16 v7, v3  }
0x1d6: {  	v0 =	vadd.bf16 v0, v2  }
0x1d7: {  	v2 =	vadd.bf16 v9, v8;
	v1 =	vadd.bf16 v1, v3;
	_ =	sdelay $0x1  }
0x1d8: {  	v0 =	vadd.bf16 v0, v1;
	_ =	sdelay $0x1  }
0x1d9: {  	v0 =	vadd.bf16 v2, v0;
	_ =	sdelay $0x1  }
0x1da: {  	[tilespmem:s9+$0xDE30] =	vst v0  }
0x1db: {  	v0 =	vld [tilespmem:s8+$0xFFFFFEC0]  }
0x1dc: {  	v1 =	vld [tilespmem:s8+$0x80]  }
0x1dd: {  	v2 =	vld [tilespmem:s8+$0x40]  }
0x1de: {  	v3 =	vld [tilespmem:s8+$0x0]  }
0x1df: {  	v4 =	vld [tilespmem:s8+$0xFFFFFFC0]  }
0x1e0: {  	v5 =	vld [tilespmem:s8+$0xFFFFFF80]  }
0x1e1: {  	v6 =	vld [tilespmem:s8+$0xFFFFFF40]  }
0x1e2: {  	v7 =	vld [tilespmem:s8+$0xFFFFFF00];
	v1 =	vadd.bf16 v1, v2;
	_ =	sdelay $0x1  }
0x1e3: {  	v2 =	vadd.bf16 v3, v4  }
0x1e4: {  	v3 =	vld [tilespmem:s8+$0x100]  }
0x1e5: {  	v4 =	vld [tilespmem:s8+$0xC0];
	v5 =	vadd.bf16 v5, v6  }
0x1e6: {  	v0 =	vadd.bf16 v7, v0;
	_ =	sdelay $0x1  }
0x1e7: {  	v1 =	vadd.bf16 v1, v2;
	v0 =	vadd.bf16 v5, v0;
	_ =	sdelay $0x1  }
0x1e8: {  	v2 =	vadd.bf16 v3, v4;
	v0 =	vadd.bf16 v1, v0;
	_ =	sdelay $0x1  }
0x1e9: {  	v0 =	vadd.bf16 v2, v0  }
0x1ea: {  	s9 =	sshra.s32 s13, $0x2  }
0x1eb: {  	[tilespmem:s9+$0xDE00] =	vst v0  }
0x1ec: {  	v0 =	vld [tilespmem:s8+$0x90]  }
0x1ed: {  	v1 =	vld [tilespmem:s8+$0xFFFFFF90]  }
0x1ee: {  	v2 =	vld [tilespmem:s8+$0x10]  }
0x1ef: {  	v3 =	vld [tilespmem:s8+$0xFFFFFF50]  }
0x1f0: {  	v4 =	vld [tilespmem:s8+$0xFFFFFED0]  }
0x1f1: {  	v5 =	vld [tilespmem:s8+$0x50]  }
0x1f2: {  	v6 =	vld [tilespmem:s8+$0xFFFFFFD0]  }
0x1f3: {  	v7 =	vld [tilespmem:s8+$0xFFFFFF10];
	_ =	sdelay $0x2  }
0x1f4: {  	v1 =	vadd.bf16 v1, v3;
	v8 =	vld [tilespmem:s8+$0x110];
	v0 =	vadd.bf16 v0, v5  }
0x1f5: {  	v3 =	vld [tilespmem:s8+$0xD0];
	v2 =	vadd.bf16 v2, v6  }
0x1f6: {  	v4 =	vadd.bf16 v7, v4;
	_ =	sdelay $0x1  }
0x1f7: {  	v0 =	vadd.bf16 v0, v2;
	v1 =	vadd.bf16 v1, v4;
	_ =	sdelay $0x1  }
0x1f8: {  	v2 =	vadd.bf16 v8, v3;
	v0 =	vadd.bf16 v0, v1;
	_ =	sdelay $0x1  }
0x1f9: {  	v0 =	vadd.bf16 v2, v0;
	_ =	sdelay $0x1  }
0x1fa: {  	[tilespmem:s9+$0xDE10] =	vst v0  }
0x1fb: {  	v0 =	vld [tilespmem:s8+$0xA0]  }
0x1fc: {  	v1 =	vld [tilespmem:s8+$0x60]  }
0x1fd: {  	v2 =	vld [tilespmem:s8+$0xFFFFFF60]  }
0x1fe: {  	v3 =	vld [tilespmem:s8+$0xFFFFFF20]  }
0x1ff: {  	v4 =	vld [tilespmem:s8+$0x20]  }
0x200: {  	v5 =	vld [tilespmem:s8+$0xFFFFFEE0]  }
0x201: {  	v6 =	vld [tilespmem:s8+$0xFFFFFFA0];
	v0 =	vadd.bf16 v0, v1  }
0x202: {  	v1 =	vld [tilespmem:s8+$0xFFFFFFE0];
	_ =	sdelay $0x2  }
0x203: {  	v7 =	vld [tilespmem:s8+$0x120];
	v3 =	vadd.bf16 v3, v5  }
0x204: {  	v5 =	vld [tilespmem:s8+$0xE0];
	v2 =	vadd.bf16 v6, v2  }
0x205: {  	v1 =	vadd.bf16 v4, v1  }
0x206: {  	v2 =	vadd.bf16 v2, v3  }
.Ltmp6:
0x207: {  	v0 =	vadd.bf16 v0, v1;
	(pc) =	sbr.rel @p0 .LBB2_15-.Ltmp6, $3  }
0x208: {  	_ = 	snop  }
0x209: {  	v1 =	vadd.bf16 v7, v5;
	v0 =	vadd.bf16 v0, v2;
	_ =	sdelay $0x1  }
0x20a: {  	v0 =	vadd.bf16 v1, v0  }
0x20b: {  	_ = 	snop  }
0x20c: {  	[tilespmem:s9+$0xDE20] =	vst v0  }
0x20d: {  	v0 =	vld [tilespmem:s10+$0xB0]  }
0x20e: {  	v1 =	vld [tilespmem:s10+$0xFFFFFFB0]  }
0x20f: {  	v2 =	vld [tilespmem:s10+$0x30]  }
0x210: {  	v3 =	vld [tilespmem:s10+$0xFFFFFEF0]  }
0x211: {  	v4 =	vld [tilespmem:s10+$0x70]  }
0x212: {  	v5 =	vld [tilespmem:s10+$0xFFFFFF70]  }
0x213: {  	v6 =	vld [tilespmem:s10+$0xFFFFFFF0]  }
0x214: {  	v7 =	vld [tilespmem:s10+$0xFFFFFF30];
	_ =	sdelay $0x2  }
0x215: {  	v8 =	vld [tilespmem:s10+$0xF0]  }
0x216: {  	v9 =	vld [tilespmem:s10+$0x130];
	v0 =	vadd.bf16 v0, v4;
	v1 =	vadd.bf16 v1, v5  }
0x217: {  	v2 =	vadd.bf16 v2, v6;
	v3 =	vadd.bf16 v7, v3;
	_ =	sdelay $0x1  }
0x218: {  	v0 =	vadd.bf16 v0, v2;
	v1 =	vadd.bf16 v1, v3;
	_ =	sdelay $0x1  }
0x219: {  	v63 =	vadd.bf16 v9, v8;
	v0 =	vadd.bf16 v0, v1;
	_ =	sdelay $0x1  }
0x21a: {  	s8 =	sshll.u32 s15, $0x7;
	v0 =	vadd.bf16 v63, v0  }
0x21b: {  	s14 =	sadd.s32 $0x1, s14;
	s8 =	sadd.s32 s11, s8  }
0x21c: {  	p0 =	sne.s32 s14, $0x10;
	s15 =	sadd.s32 s2, s8;
	[tilespmem:s9+$0xDE30] =	vst v0  }
0x21d: {  	[hbm4b:s15+s3] =	stream.linear.scatter [tilespmem:s25], [sflag:$0x4], $0x400, $0x38;
	[tilespmem:$0xE200] =	vst v63  }
.Ltmp7:
0x21e: {  	_ = 	snop;
	(pc) =	sbr.rel @p0 .LBB2_8-.Ltmp7, $4  }
0x21f: {  	s23 =	sadd.s32 s6, s8  }
0x220: {  	[hbm4b:s23+s3] =	stream.linear.scatter [tilespmem:s21], [sflag:$0x4], $0x400, $0x38;
	[tilespmem:$0xE200] =	vst v63  }
0x221: {  	s8 =	sadd.s32 s7, s8  }
0x222: {  	[hbm4b:s8+s3] =	stream.linear.scatter [tilespmem:s22], [sflag:$0x4], $0x400, $0x38;
	[tilespmem:$0xE200] =	vst v63  }
0x223: {  	s9 =	simm.s32 $0x4  }
0x224: {  	_ =	swait.ge [sflag:s9], $0x400  }
0x225: {  	[sflag:s9] =	ssyncset.done $0x0  }
0x226: {  	[sflag:s9] =	ssyncadd.s32 $0xFFFFFC00  }
0x227: {  	_ =	swait.ge [sflag:s9], $0x400  }
0x228: {  	[sflag:s9] =	ssyncset.done $0x0  }
0x229: {  	[sflag:s9] =	ssyncadd.s32 $0xFFFFFC00  }
0x22a: {  	_ =	swait.ge [sflag:s9], $0x400  }
0x22b: {  	s24 =	sadd.s32 $0x1, s24;
	s8 =	rddreg [dreg:$0x7]  }
0x22c: {  	p0 =	sne.s32 s24, s8  }
.Ltmp8:
0x22d: {  	_ = 	snop;
	(pc) =	sbr.rel @p0 .LBB2_1-.Ltmp8, $3  }
0x22e: {  	_ =	sdelay $0x1  }
0x22f: {  	s10 =	simm.s32 $0x5;
	[sflag:s9] =	ssyncset.done $0x0  }
0x230: {  	s12 =	simm.s32 $0x200;
	s13 =	simm.s32 $0x1600;
	[sflag:s9] =	ssyncadd.s32 $0xFFFFFC00  }
0x231: {  	_ =	sfence.sel $0x180000  }
0x232: {  	[bflag:$0x0] =	sbarrier.arrive $0xFFFF  }
0x233: {  	_ =	strace $0x9000004A  }
0x234: {  	s0 =	stileid.u32;
	[bflag:$0x2] =	sbarrier.arrive $0xFFFF  }
0x235: {  	p0 =	sne.s32 s0, $0x0;
	s0 =	rddreg [dreg:$0x3]  }
0x236: {  	s0 =	sadd.s32 @!p0 $0x100000, s0  }
0x237: {  	[sflag:s0] =	ssyncadd.tile.s32 @!p0 $0x1;
	_ =	shalt  }
.Lfunc_end2:
_tile_overlayer_lowered:
.L_overlay_start_2:
0x238: {  	(tag) =	ssettag $0x2  }
0x239: {  	s0 =	rddreg [dreg:$0x0];
	s2 =	stileid.u32  }
0x23a: {  	s1 =	rddreg [dreg:$0x1];
	p0 =	sne.s32 s2, $0x0  }
0x23b: {  	s3 =	rddreg [dreg:$0x2];
	[bflag:$0x3] =	sbarrier.arrive $0xFFFF;
	s2 =	simm.s32 @!p0 $0x1C05  }
0x23c: {  	[timem:s3], [sflag:s2] =	dma.local @!p0 [hbm:s0], s1  }
0x23d: {  	s0 =	simm.s32 @!p0 $0x5  }
0x23e: {  	_ =	swait.ge @!p0 [sflag:s0], s1  }
0x23f: {  	s1 =	ssub.s32 @!p0 $0x0, s1;
	[sflag:s0] =	ssyncset.done @!p0 $0x0  }
0x240: {  	[sflag:s0] =	ssyncadd.s32 @!p0 s1  }
0x241: {  	[bflag:$0x3] =	sbarrier.arrive $0xFFFF  }
0x242: {  	_ =	shalt  }

</sc_bundles>
